<compile_context>
chip_gen: v7x
topology: tpu7x:2x2x1
jax: 0.10.2.dev20260603
libtpu: 0.0.44.dev20260713+nightly
codegen_flags: <defaults>
</compile_context>

<pallas_src>
import functools

import jax
import jax.numpy as jnp
from jax import lax
from jax.experimental import pallas as pl
from jax.experimental.pallas import tpu as pltpu
from jax.experimental.pallas import tpu_sc as plsc

N_PAD = 102400
ROWS = N_PAD // 128
CH = 4000
NC, NS = 2, 16
NW = NC * NS
CPT = 50


def _prep_body(lbls_ref, train_ref, null_ref, val_ref, af_ref):
    a = train_ref[...] * (1.0 - null_ref[...])
    val_ref[...] = lbls_ref[...] * a
    af_ref[...] = a


def _fin_body(lbls_ref, train_ref, null_ref,
              s1a_ref, s1b_ref, c1a_ref, c1b_ref,
              s2a_ref, s2b_ref, c2a_ref, c2b_ref,
              out_ref, mask_ref):
    lbls = lbls_ref[...]
    train = train_ref[...] > 0.0
    b = train & (null_ref[...] > 0.0)

    def mean_or_lbls(s, c):
        has = b & (c > 0.0)
        return jnp.where(has, s / jnp.maximum(c, 1.0), lbls)

    l1 = mean_or_lbls(s1a_ref[...] + s1b_ref[...], c1a_ref[...] + c1b_ref[...])
    l2 = mean_or_lbls(s2a_ref[...] + s2b_ref[...], c2a_ref[...] + c2b_ref[...])
    fin = (jnp.abs(l1) != jnp.inf) & (jnp.abs(l2) != jnp.inf) & train
    out_ref[...] = jnp.where(fin, (l1 + l2) * 0.5, lbls)
    mask_ref[...] = fin.astype(jnp.int32)


def _sc_body(val_t, af_t, src1, dst1, src2, dst2, zeros,
             out1, out2,
             val_s, af_s,
             acc_s1, acc_c1, acc_s2, acc_c2,
             src_buf, dst_buf, vrows, arows, zbuf,
             sem_l, sem_g, sem_s0, sem_s1, sem_s2):
    cid = lax.axis_index("c")
    sid = lax.axis_index("s")
    wid = sid * NC + cid

    per_tile_nodes = N_PAD // NS
    zslice = pl.ds(sid * per_tile_nodes, per_tile_nodes)

    pltpu.sync_copy(val_t.at[zslice], zbuf)
    pltpu.sync_copy(zbuf, val_s.at[zslice])
    pltpu.sync_copy(af_t.at[zslice], zbuf)
    pltpu.sync_copy(zbuf, af_s.at[zslice])
    pltpu.sync_copy(zeros, zbuf)
    for acc in (acc_s1, acc_c1, acc_s2, acc_c2):
        pltpu.sync_copy(zbuf, acc.at[zslice])
    plsc.subcore_barrier()

    ssems = (sem_s0, sem_s1, sem_s2)

    def run_graph(srcg, dstg, acc_s, acc_c):
        base = wid * CPT
        last = srcg.shape[0] - 1

        def fire_loads(c, s):
            cc = jnp.minimum(base + c, last)
            pltpu.async_copy(srcg.at[cc], src_buf.at[s], sem_l)
            pltpu.async_copy(dstg.at[cc], dst_buf.at[s], sem_l)

        def drain_loads(c, s):
            cc = jnp.minimum(base + c, last)
            pltpu.make_async_copy(srcg.at[cc], src_buf.at[s], sem_l).wait()
            pltpu.make_async_copy(dstg.at[cc], dst_buf.at[s], sem_l).wait()

        def fire_scatters(s):
            pltpu.async_copy(vrows.at[s], acc_s.at[dst_buf.at[s]], ssems[s],
                             add=True)
            pltpu.async_copy(arows.at[s], acc_c.at[dst_buf.at[s]], ssems[s],
                             add=True)

        def drain_scatters(s):
            pltpu.make_async_copy(vrows.at[s], acc_s.at[dst_buf.at[s]],
                                  ssems[s]).wait()
            pltpu.make_async_copy(arows.at[s], acc_c.at[dst_buf.at[s]],
                                  ssems[s]).wait()

        def step(i, k, first_block):
            s = k
            nxt = (k + 1) % 3
            drain_loads(i, s)
            if not (first_block and k < 2):
                drain_scatters(nxt)
            fire_loads(i + 1, nxt)
            g1 = pltpu.async_copy(val_s.at[src_buf.at[s]], vrows.at[s], sem_g)
            g2 = pltpu.async_copy(af_s.at[src_buf.at[s]], arows.at[s], sem_g)
            g1.wait()
            g2.wait()
            fire_scatters(s)

        fire_loads(0, 0)
        for k in range(3):
            step(k, k, True)

        def blk(i3, carry):
            for k in range(3):
                step(3 * i3 + k, k, False)
            return carry

        lax.fori_loop(1, 16, blk, 0)
        step(48, 0, False)
        step(49, 1, False)
        drain_scatters(0)
        drain_scatters(1)
        drain_loads(CPT, 2)

    run_graph(src1, dst1, acc_s1, acc_c1)
    run_graph(src2, dst2, acc_s2, acc_c2)
    plsc.subcore_barrier()

    for k, acc in enumerate((acc_s1, acc_c1)):
        pltpu.sync_copy(acc.at[zslice], zbuf)
        pltpu.sync_copy(zbuf, out1.at[cid, k, zslice])
    for k, acc in enumerate((acc_s2, acc_c2)):
        pltpu.sync_copy(acc.at[zslice], zbuf)
        pltpu.sync_copy(zbuf, out2.at[cid, k, zslice])


_SC_KERNEL_CACHE = []


def _get_sc_kernel():
    if _SC_KERNEL_CACHE:
        return _SC_KERNEL_CACHE[0]
    k = functools.partial(
        pl.kernel,
        out_type=(jax.ShapeDtypeStruct((NC, 2, N_PAD), jnp.float32),
                  jax.ShapeDtypeStruct((NC, 2, N_PAD), jnp.float32)),
        mesh=plsc.VectorSubcoreMesh(core_axis_name="c", subcore_axis_name="s",
                                    num_cores=NC, num_subcores=NS),
        scratch_types=[
            pltpu.VMEM_SHARED((N_PAD,), jnp.float32),
            pltpu.VMEM_SHARED((N_PAD,), jnp.float32),
            pltpu.VMEM_SHARED((N_PAD,), jnp.float32),
            pltpu.VMEM_SHARED((N_PAD,), jnp.float32),
            pltpu.VMEM_SHARED((N_PAD,), jnp.float32),
            pltpu.VMEM_SHARED((N_PAD,), jnp.float32),
            pltpu.VMEM((3, CH), jnp.int32),
            pltpu.VMEM((3, CH), jnp.int32),
            pltpu.VMEM((3, CH), jnp.float32),
            pltpu.VMEM((3, CH), jnp.float32),
            pltpu.VMEM((N_PAD // NS,), jnp.float32),
            pltpu.SemaphoreType.DMA,
            pltpu.SemaphoreType.DMA,
            pltpu.SemaphoreType.DMA,
            pltpu.SemaphoreType.DMA,
            pltpu.SemaphoreType.DMA,
        ],
        compiler_params=pltpu.CompilerParams(use_tc_tiling_on_sc=False),
    )(_sc_body)
    _SC_KERNEL_CACHE.append(k)
    return k


def _pad2(x):
    n = x.shape[0]
    return jnp.pad(x, (0, N_PAD - n)).reshape(ROWS, 128)


def kernel(lbls, no_lbl_idx, knn_sc, knn_fc, train_idx):
    n = lbls.shape[0]
    e = knn_sc.shape[1]

    lbls2 = _pad2(lbls.astype(jnp.float32))
    train2 = _pad2(train_idx.astype(jnp.float32))
    null2 = _pad2(no_lbl_idx.astype(jnp.float32))

    val2, af2 = pl.pallas_call(
        _prep_body,
        out_shape=(jax.ShapeDtypeStruct((ROWS, 128), jnp.float32),
                   jax.ShapeDtypeStruct((ROWS, 128), jnp.float32)),
    )(lbls2, train2, null2)
    val_t = val2.reshape(-1)
    af_t = af2.reshape(-1)

    def chunked(x):
        return x.reshape(e // CH, CH)

    src1 = chunked(knn_sc[0])
    dst1 = chunked(knn_sc[1])
    src2 = chunked(knn_fc[0])
    dst2 = chunked(knn_fc[1])
    zeros = jnp.zeros((N_PAD // NS,), jnp.float32)

    p1, p2 = _get_sc_kernel()(val_t, af_t, src1, dst1, src2, dst2, zeros)

    def planes(p):
        return (p[0, 0].reshape(ROWS, 128), p[1, 0].reshape(ROWS, 128),
                p[0, 1].reshape(ROWS, 128), p[1, 1].reshape(ROWS, 128))

    s1a, s1b, c1a, c1b = planes(p1)
    s2a, s2b, c2a, c2b = planes(p2)

    out2d, mask2d = pl.pallas_call(
        _fin_body,
        out_shape=(jax.ShapeDtypeStruct((ROWS, 128), jnp.float32),
                   jax.ShapeDtypeStruct((ROWS, 128), jnp.int32)),
    )(lbls2, train2, null2, s1a, s1b, c1a, c1b, s2a, s2b, c2a, c2b)

    out = out2d.reshape(-1)[:n]
    mask = mask2d.reshape(-1)[:n].astype(bool)
    return (out, mask)

# --- scband reference (transcript-rebuilt; emitter-appended) ---
"""Pipeline reference for scband-label-prop-17239998726602 (READ-ONLY COPY).

The authoritative reference and input builder live on the scoring server;
editing this copy changes nothing except your own understanding.
"""

import jax, jax.numpy as jnp
import numpy as np

N = 100000
E = 6400000


def setup_inputs(seed: int = 0) -> dict:
    key = jax.random.key(seed)
    k1, k2, k3, k4, k5 = jax.random.split(key, 5)
    lbls = jax.random.normal(k1, (N,), dtype=jnp.float32)
    no_lbl_idx = jax.random.randint(k2, (N,), 0, 2, dtype=jnp.int32) == 1
    knn_sc = jax.random.randint(k3, (2, E), 0, N, dtype=jnp.int32)
    knn_fc = jax.random.randint(k4, (2, E), 0, N, dtype=jnp.int32)
    train_idx = jax.random.randint(k5, (N,), 0, 2, dtype=jnp.int32) == 1
    return {
        'lbls': lbls,
        'no_lbl_idx': no_lbl_idx,
        'knn_sc': knn_sc,
        'knn_fc': knn_fc,
        'train_idx': train_idx,
    }


def _fusion_mean(lbls, edge_index, null_mask, train_mask):
    # node_subgraph(g, train_idx, relabel_nodes=False): keep edges with both endpoints in train set
    # out_subgraph(g, labeled): keep edges whose source is labeled (~null)
    # in_edges(v=null nodes): keep edges whose destination is unlabeled (null)
    src = edge_index[0]
    dst = edge_index[1]
    valid = train_mask[src] & train_mask[dst] & (~null_mask[src]) & null_mask[dst]
    w = valid.astype(lbls.dtype)
    msg = jnp.take(lbls, src, axis=0) * w
    sums = jax.ops.segment_sum(msg, dst, num_segments=N)
    cnt = jax.ops.segment_sum(w, dst, num_segments=N)
    has_in = cnt > 0  # idx = unique(target_n): only dst nodes that received edges get overwritten
    mean = sums / jnp.maximum(cnt, 1.0)
    return jnp.where(has_in, mean, lbls)


def reference(lbls, no_lbl_idx, knn_sc, knn_fc, train_idx):
    lbls1 = _fusion_mean(lbls, knn_sc, no_lbl_idx, train_idx)
    lbls2 = _fusion_mean(lbls, knn_fc, no_lbl_idx, train_idx)
    mask = (~jnp.isinf(lbls1)) & (~jnp.isinf(lbls2)) & train_idx
    out = jnp.where(mask, (lbls1 + lbls2) / 2.0, lbls)
    return (out, mask)

if __name__ == "__main__":
    import jax
    _d = setup_inputs()
    print(jax.jit(kernel)(*tuple(_d.values())))

</pallas_src>

<mosaic_0001>
#map = affine_map<(d0, d1) -> (0)>
#map1 = affine_map<(d0, d1) -> (0, 0)>
#map2 = affine_map<(d0, d1) -> (0, 0, 0)>
module attributes {stable_mosaic.version = 14 : i64} {
  func.func @_sc_body(%arg0: i32, %arg1: i32, %arg2: memref<102400xf32, #tpu.memory_space<hbm>>, %arg3: memref<102400xf32, #tpu.memory_space<hbm>>, %arg4: memref<1600x4000xi32, #tpu.memory_space<hbm>>, %arg5: memref<1600x4000xi32, #tpu.memory_space<hbm>>, %arg6: memref<1600x4000xi32, #tpu.memory_space<hbm>>, %arg7: memref<1600x4000xi32, #tpu.memory_space<hbm>>, %arg8: memref<6400xf32, #tpu.memory_space<hbm>>, %arg9: memref<2x2x102400xf32, #tpu.memory_space<hbm>>, %arg10: memref<2x2x102400xf32, #tpu.memory_space<hbm>>, %arg11: memref<102400xf32, #tpu.memory_space<vmem_shared>>, %arg12: memref<102400xf32, #tpu.memory_space<vmem_shared>>, %arg13: memref<102400xf32, #tpu.memory_space<vmem_shared>>, %arg14: memref<102400xf32, #tpu.memory_space<vmem_shared>>, %arg15: memref<102400xf32, #tpu.memory_space<vmem_shared>>, %arg16: memref<102400xf32, #tpu.memory_space<vmem_shared>>, %arg17: memref<3x4000xi32, #tpu.memory_space<vmem>>, %arg18: memref<3x4000xi32, #tpu.memory_space<vmem>>, %arg19: memref<3x4000xf32, #tpu.memory_space<vmem>>, %arg20: memref<3x4000xf32, #tpu.memory_space<vmem>>, %arg21: memref<6400xf32, #tpu.memory_space<vmem>>, %arg22: memref<!tpu.dma_semaphore, #tpu.memory_space<semaphore_mem>>, %arg23: memref<!tpu.dma_semaphore, #tpu.memory_space<semaphore_mem>>, %arg24: memref<!tpu.dma_semaphore, #tpu.memory_space<semaphore_mem>>, %arg25: memref<!tpu.dma_semaphore, #tpu.memory_space<semaphore_mem>>, %arg26: memref<!tpu.dma_semaphore, #tpu.memory_space<semaphore_mem>>) attributes {dimension_semantics = [#tpu.dimension_semantics<core_parallel>, #tpu.dimension_semantics<subcore_parallel>], iteration_bounds = array<i64: 2, 16>, scalar_prefetch = 0 : i64, scratch_operands = 16 : i64, tpu.core_type = #tpu.core_type<sc_vector_subcore>, window_params = [{transform_indices = #map}, {transform_indices = #map}, {transform_indices = #map1}, {transform_indices = #map1}, {transform_indices = #map1}, {transform_indices = #map1}, {transform_indices = #map}, {transform_indices = #map2}, {transform_indices = #map2}]} {
    %mul3A = arith.constant 2 : i32
    %mul3A_0 = arith.muli %arg1, %mul3A : i32
    %add3A = arith.addi %mul3A_0, %arg0 : i32
    %mul3A_1 = arith.constant 6400 : i32
    %mul3A_2 = arith.muli %arg1, %mul3A_1 : i32
    "tpu.region"() ({
      %run_scoped3A_1539 = tpu.sem_alloc : memref<!tpu.dma_semaphore, #tpu.memory_space<semaphore_mem>>
      %dma_start3A_1540 = tpu.memref_slice %arg2[%mul3A_2] : memref<102400xf32, #tpu.memory_space<hbm>> -> memref<6400xf32, #tpu.memory_space<hbm>>
      %dma_start3A_1541 = tpu.memref_slice %arg2[%mul3A_2] : memref<102400xf32, #tpu.memory_space<hbm>> -> memref<6400xf32, #tpu.memory_space<hbm>>
      tpu.enqueue_dma source(%dma_start3A_1541 : memref<6400xf32, #tpu.memory_space<hbm>>) target(%arg21 : memref<6400xf32, #tpu.memory_space<vmem>>) target_semaphore(%run_scoped3A_1539 : memref<!tpu.dma_semaphore, #tpu.memory_space<semaphore_mem>>)
      %dma_wait3A_1542 = tpu.memref_slice %arg2[%mul3A_2] : memref<102400xf32, #tpu.memory_space<hbm>> -> memref<6400xf32, #tpu.memory_space<hbm>>
      %dma_wait3A_1543 = tpu.memref_slice %arg2[%mul3A_2] : memref<102400xf32, #tpu.memory_space<hbm>> -> memref<6400xf32, #tpu.memory_space<hbm>>
      tpu.wait_dma2 semaphore(%run_scoped3A_1539 : memref<!tpu.dma_semaphore, #tpu.memory_space<semaphore_mem>>) src(%dma_wait3A_1543 : memref<6400xf32, #tpu.memory_space<hbm>>) dst(%arg21 : memref<6400xf32, #tpu.memory_space<vmem>>)
      tpu.yield
    }) : () -> ()
    "tpu.region"() ({
      %run_scoped3A_1539 = tpu.sem_alloc : memref<!tpu.dma_semaphore, #tpu.memory_space<semaphore_mem>>
      %dma_start3A_1540 = tpu.memref_slice %arg11[%mul3A_2] : memref<102400xf32, #tpu.memory_space<vmem_shared>> -> memref<6400xf32, #tpu.memory_space<vmem_shared>>
      %dma_start3A_1541 = tpu.memref_slice %arg11[%mul3A_2] : memref<102400xf32, #tpu.memory_space<vmem_shared>> -> memref<6400xf32, #tpu.memory_space<vmem_shared>>
      tpu.enqueue_dma source(%arg21 : memref<6400xf32, #tpu.memory_space<vmem>>) target(%dma_start3A_1541 : memref<6400xf32, #tpu.memory_space<vmem_shared>>) target_semaphore(%run_scoped3A_1539 : memref<!tpu.dma_semaphore, #tpu.memory_space<semaphore_mem>>)
      %dma_wait3A_1542 = tpu.memref_slice %arg11[%mul3A_2] : memref<102400xf32, #tpu.memory_space<vmem_shared>> -> memref<6400xf32, #tpu.memory_space<vmem_shared>>
      %dma_wait3A_1543 = tpu.memref_slice %arg11[%mul3A_2] : memref<102400xf32, #tpu.memory_space<vmem_shared>> -> memref<6400xf32, #tpu.memory_space<vmem_shared>>
      tpu.wait_dma2 semaphore(%run_scoped3A_1539 : memref<!tpu.dma_semaphore, #tpu.memory_space<semaphore_mem>>) src(%arg21 : memref<6400xf32, #tpu.memory_space<vmem>>) dst(%dma_wait3A_1543 : memref<6400xf32, #tpu.memory_space<vmem_shared>>)
      tpu.yield
    }) : () -> ()
    "tpu.region"() ({
      %run_scoped3A_1539 = tpu.sem_alloc : memref<!tpu.dma_semaphore, #tpu.memory_space<semaphore_mem>>
      %dma_start3A_1540 = tpu.memref_slice %arg3[%mul3A_2] : memref<102400xf32, #tpu.memory_space<hbm>> -> memref<6400xf32, #tpu.memory_space<hbm>>
      %dma_start3A_1541 = tpu.memref_slice %arg3[%mul3A_2] : memref<102400xf32, #tpu.memory_space<hbm>> -> memref<6400xf32, #tpu.memory_space<hbm>>
      tpu.enqueue_dma source(%dma_start3A_1541 : memref<6400xf32, #tpu.memory_space<hbm>>) target(%arg21 : memref<6400xf32, #tpu.memory_space<vmem>>) target_semaphore(%run_scoped3A_1539 : memref<!tpu.dma_semaphore, #tpu.memory_space<semaphore_mem>>)
      %dma_wait3A_1542 = tpu.memref_slice %arg3[%mul3A_2] : memref<102400xf32, #tpu.memory_space<hbm>> -> memref<6400xf32, #tpu.memory_space<hbm>>
      %dma_wait3A_1543 = tpu.memref_slice %arg3[%mul3A_2] : memref<102400xf32, #tpu.memory_space<hbm>> -> memref<6400xf32, #tpu.memory_space<hbm>>
      tpu.wait_dma2 semaphore(%run_scoped3A_1539 : memref<!tpu.dma_semaphore, #tpu.memory_space<semaphore_mem>>) src(%dma_wait3A_1543 : memref<6400xf32, #tpu.memory_space<hbm>>) dst(%arg21 : memref<6400xf32, #tpu.memory_space<vmem>>)
      tpu.yield
    }) : () -> ()
    "tpu.region"() ({
      %run_scoped3A_1539 = tpu.sem_alloc : memref<!tpu.dma_semaphore, #tpu.memory_space<semaphore_mem>>
      %dma_start3A_1540 = tpu.memref_slice %arg12[%mul3A_2] : memref<102400xf32, #tpu.memory_space<vmem_shared>> -> memref<6400xf32, #tpu.memory_space<vmem_shared>>
      %dma_start3A_1541 = tpu.memref_slice %arg12[%mul3A_2] : memref<102400xf32, #tpu.memory_space<vmem_shared>> -> memref<6400xf32, #tpu.memory_space<vmem_shared>>
      tpu.enqueue_dma source(%arg21 : memref<6400xf32, #tpu.memory_space<vmem>>) target(%dma_start3A_1541 : memref<6400xf32, #tpu.memory_space<vmem_shared>>) target_semaphore(%run_scoped3A_1539 : memref<!tpu.dma_semaphore, #tpu.memory_space<semaphore_mem>>)
      %dma_wait3A_1542 = tpu.memref_slice %arg12[%mul3A_2] : memref<102400xf32, #tpu.memory_space<vmem_shared>> -> memref<6400xf32, #tpu.memory_space<vmem_shared>>
      %dma_wait3A_1543 = tpu.memref_slice %arg12[%mul3A_2] : memref<102400xf32, #tpu.memory_space<vmem_shared>> -> memref<6400xf32, #tpu.memory_space<vmem_shared>>
      tpu.wait_dma2 semaphore(%run_scoped3A_1539 : memref<!tpu.dma_semaphore, #tpu.memory_space<semaphore_mem>>) src(%arg21 : memref<6400xf32, #tpu.memory_space<vmem>>) dst(%dma_wait3A_1543 : memref<6400xf32, #tpu.memory_space<vmem_shared>>)
      tpu.yield
    }) : () -> ()
    "tpu.region"() ({
      %run_scoped3A_1539 = tpu.sem_alloc : memref<!tpu.dma_semaphore, #tpu.memory_space<semaphore_mem>>
      tpu.enqueue_dma source(%arg8 : memref<6400xf32, #tpu.memory_space<hbm>>) target(%arg21 : memref<6400xf32, #tpu.memory_space<vmem>>) target_semaphore(%run_scoped3A_1539 : memref<!tpu.dma_semaphore, #tpu.memory_space<semaphore_mem>>)
      tpu.wait_dma2 semaphore(%run_scoped3A_1539 : memref<!tpu.dma_semaphore, #tpu.memory_space<semaphore_mem>>) src(%arg8 : memref<6400xf32, #tpu.memory_space<hbm>>) dst(%arg21 : memref<6400xf32, #tpu.memory_space<vmem>>)
      tpu.yield
    }) : () -> ()
    "tpu.region"() ({
      %run_scoped3A_1539 = tpu.sem_alloc : memref<!tpu.dma_semaphore, #tpu.memory_space<semaphore_mem>>
      %dma_start3A_1540 = tpu.memref_slice %arg13[%mul3A_2] : memref<102400xf32, #tpu.memory_space<vmem_shared>> -> memref<6400xf32, #tpu.memory_space<vmem_shared>>
      %dma_start3A_1541 = tpu.memref_slice %arg13[%mul3A_2] : memref<102400xf32, #tpu.memory_space<vmem_shared>> -> memref<6400xf32, #tpu.memory_space<vmem_shared>>
      tpu.enqueue_dma source(%arg21 : memref<6400xf32, #tpu.memory_space<vmem>>) target(%dma_start3A_1541 : memref<6400xf32, #tpu.memory_space<vmem_shared>>) target_semaphore(%run_scoped3A_1539 : memref<!tpu.dma_semaphore, #tpu.memory_space<semaphore_mem>>)
      %dma_wait3A_1542 = tpu.memref_slice %arg13[%mul3A_2] : memref<102400xf32, #tpu.memory_space<vmem_shared>> -> memref<6400xf32, #tpu.memory_space<vmem_shared>>
      %dma_wait3A_1543 = tpu.memref_slice %arg13[%mul3A_2] : memref<102400xf32, #tpu.memory_space<vmem_shared>> -> memref<6400xf32, #tpu.memory_space<vmem_shared>>
      tpu.wait_dma2 semaphore(%run_scoped3A_1539 : memref<!tpu.dma_semaphore, #tpu.memory_space<semaphore_mem>>) src(%arg21 : memref<6400xf32, #tpu.memory_space<vmem>>) dst(%dma_wait3A_1543 : memref<6400xf32, #tpu.memory_space<vmem_shared>>)
      tpu.yield
    }) : () -> ()
    "tpu.region"() ({
      %run_scoped3A_1539 = tpu.sem_alloc : memref<!tpu.dma_semaphore, #tpu.memory_space<semaphore_mem>>
      %dma_start3A_1540 = tpu.memref_slice %arg14[%mul3A_2] : memref<102400xf32, #tpu.memory_space<vmem_shared>> -> memref<6400xf32, #tpu.memory_space<vmem_shared>>
      %dma_start3A_1541 = tpu.memref_slice %arg14[%mul3A_2] : memref<102400xf32, #tpu.memory_space<vmem_shared>> -> memref<6400xf32, #tpu.memory_space<vmem_shared>>
      tpu.enqueue_dma source(%arg21 : memref<6400xf32, #tpu.memory_space<vmem>>) target(%dma_start3A_1541 : memref<6400xf32, #tpu.memory_space<vmem_shared>>) target_semaphore(%run_scoped3A_1539 : memref<!tpu.dma_semaphore, #tpu.memory_space<semaphore_mem>>)
      %dma_wait3A_1542 = tpu.memref_slice %arg14[%mul3A_2] : memref<102400xf32, #tpu.memory_space<vmem_shared>> -> memref<6400xf32, #tpu.memory_space<vmem_shared>>
      %dma_wait3A_1543 = tpu.memref_slice %arg14[%mul3A_2] : memref<102400xf32, #tpu.memory_space<vmem_shared>> -> memref<6400xf32, #tpu.memory_space<vmem_shared>>
      tpu.wait_dma2 semaphore(%run_scoped3A_1539 : memref<!tpu.dma_semaphore, #tpu.memory_space<semaphore_mem>>) src(%arg21 : memref<6400xf32, #tpu.memory_space<vmem>>) dst(%dma_wait3A_1543 : memref<6400xf32, #tpu.memory_space<vmem_shared>>)
      tpu.yield
    }) : () -> ()
    "tpu.region"() ({
      %run_scoped3A_1539 = tpu.sem_alloc : memref<!tpu.dma_semaphore, #tpu.memory_space<semaphore_mem>>
      %dma_start3A_1540 = tpu.memref_slice %arg15[%mul3A_2] : memref<102400xf32, #tpu.memory_space<vmem_shared>> -> memref<6400xf32, #tpu.memory_space<vmem_shared>>
      %dma_start3A_1541 = tpu.memref_slice %arg15[%mul3A_2] : memref<102400xf32, #tpu.memory_space<vmem_shared>> -> memref<6400xf32, #tpu.memory_space<vmem_shared>>
      tpu.enqueue_dma source(%arg21 : memref<6400xf32, #tpu.memory_space<vmem>>) target(%dma_start3A_1541 : memref<6400xf32, #tpu.memory_space<vmem_shared>>) target_semaphore(%run_scoped3A_1539 : memref<!tpu.dma_semaphore, #tpu.memory_space<semaphore_mem>>)
      %dma_wait3A_1542 = tpu.memref_slice %arg15[%mul3A_2] : memref<102400xf32, #tpu.memory_space<vmem_shared>> -> memref<6400xf32, #tpu.memory_space<vmem_shared>>
      %dma_wait3A_1543 = tpu.memref_slice %arg15[%mul3A_2] : memref<102400xf32, #tpu.memory_space<vmem_shared>> -> memref<6400xf32, #tpu.memory_space<vmem_shared>>
      tpu.wait_dma2 semaphore(%run_scoped3A_1539 : memref<!tpu.dma_semaphore, #tpu.memory_space<semaphore_mem>>) src(%arg21 : memref<6400xf32, #tpu.memory_space<vmem>>) dst(%dma_wait3A_1543 : memref<6400xf32, #tpu.memory_space<vmem_shared>>)
      tpu.yield
    }) : () -> ()
    "tpu.region"() ({
      %run_scoped3A_1539 = tpu.sem_alloc : memref<!tpu.dma_semaphore, #tpu.memory_space<semaphore_mem>>
      %dma_start3A_1540 = tpu.memref_slice %arg16[%mul3A_2] : memref<102400xf32, #tpu.memory_space<vmem_shared>> -> memref<6400xf32, #tpu.memory_space<vmem_shared>>
      %dma_start3A_1541 = tpu.memref_slice %arg16[%mul3A_2] : memref<102400xf32, #tpu.memory_space<vmem_shared>> -> memref<6400xf32, #tpu.memory_space<vmem_shared>>
      tpu.enqueue_dma source(%arg21 : memref<6400xf32, #tpu.memory_space<vmem>>) target(%dma_start3A_1541 : memref<6400xf32, #tpu.memory_space<vmem_shared>>) target_semaphore(%run_scoped3A_1539 : memref<!tpu.dma_semaphore, #tpu.memory_space<semaphore_mem>>)
      %dma_wait3A_1542 = tpu.memref_slice %arg16[%mul3A_2] : memref<102400xf32, #tpu.memory_space<vmem_shared>> -> memref<6400xf32, #tpu.memory_space<vmem_shared>>
      %dma_wait3A_1543 = tpu.memref_slice %arg16[%mul3A_2] : memref<102400xf32, #tpu.memory_space<vmem_shared>> -> memref<6400xf32, #tpu.memory_space<vmem_shared>>
      tpu.wait_dma2 semaphore(%run_scoped3A_1539 : memref<!tpu.dma_semaphore, #tpu.memory_space<semaphore_mem>>) src(%arg21 : memref<6400xf32, #tpu.memory_space<vmem>>) dst(%dma_wait3A_1543 : memref<6400xf32, #tpu.memory_space<vmem_shared>>)
      tpu.yield
    }) : () -> ()
    %barrier3A = arith.constant 0 : index
    tpu.barrier barrier_id(%barrier3A)
    %mul3A_3 = arith.constant 50 : i32
    %mul3A_4 = arith.muli %add3A, %mul3A_3 : i32
    %add3A_5 = arith.constant 0 : i32
    %add3A_6 = arith.addi %mul3A_4, %add3A_5 : i32
    %min3A = arith.constant 1599 : i32
    %min3A_7 = arith.minsi %add3A_6, %min3A : i32
    %dma_start3A = arith.constant 0 : i32
    %dma_start3A_8 = arith.constant 0 : i32
    %dma_start3A_9 = tpu.memref_slice %arg17[%dma_start3A, %dma_start3A_8] : memref<3x4000xi32, #tpu.memory_space<vmem>> -> memref<1x4000xi32, #tpu.memory_space<vmem>>
    %dma_start3A_10 = tpu.memref_squeeze %dma_start3A_9 : memref<1x4000xi32, #tpu.memory_space<vmem>> -> memref<4000xi32, #tpu.memory_space<vmem>>
    %dma_start3A_11 = arith.constant 0 : i32
    %dma_start3A_12 = tpu.memref_slice %arg4[%min3A_7, %dma_start3A_11] : memref<1600x4000xi32, #tpu.memory_space<hbm>> -> memref<1x4000xi32, #tpu.memory_space<hbm>>
    %dma_start3A_13 = tpu.memref_squeeze %dma_start3A_12 : memref<1x4000xi32, #tpu.memory_space<hbm>> -> memref<4000xi32, #tpu.memory_space<hbm>>
    %dma_start3A_14 = arith.constant 0 : i32
    %dma_start3A_15 = tpu.memref_slice %arg17[%dma_start3A, %dma_start3A_14] : memref<3x4000xi32, #tpu.memory_space<vmem>> -> memref<1x4000xi32, #tpu.memory_space<vmem>>
    %dma_start3A_16 = tpu.memref_squeeze %dma_start3A_15 : memref<1x4000xi32, #tpu.memory_space<vmem>> -> memref<4000xi32, #tpu.memory_space<vmem>>
    %dma_start3A_17 = arith.constant 0 : i32
    %dma_start3A_18 = tpu.memref_slice %arg4[%min3A_7, %dma_start3A_17] : memref<1600x4000xi32, #tpu.memory_space<hbm>> -> memref<1x4000xi32, #tpu.memory_space<hbm>>
    %dma_start3A_19 = tpu.memref_squeeze %dma_start3A_18 : memref<1x4000xi32, #tpu.memory_space<hbm>> -> memref<4000xi32, #tpu.memory_space<hbm>>
    tpu.enqueue_dma source(%dma_start3A_19 : memref<4000xi32, #tpu.memory_space<hbm>>) target(%dma_start3A_16 : memref<4000xi32, #tpu.memory_space<vmem>>) target_semaphore(%arg22 : memref<!tpu.dma_semaphore, #tpu.memory_space<semaphore_mem>>)
    %dma_start3A_20 = arith.constant 0 : i32
    %dma_start3A_21 = arith.constant 0 : i32
    %dma_start3A_22 = tpu.memref_slice %arg18[%dma_start3A_20, %dma_start3A_21] : memref<3x4000xi32, #tpu.memory_space<vmem>> -> memref<1x4000xi32, #tpu.memory_space<vmem>>
    %dma_start3A_23 = tpu.memref_squeeze %dma_start3A_22 : memref<1x4000xi32, #tpu.memory_space<vmem>> -> memref<4000xi32, #tpu.memory_space<vmem>>
    %dma_start3A_24 = arith.constant 0 : i32
    %dma_start3A_25 = tpu.memref_slice %arg5[%min3A_7, %dma_start3A_24] : memref<1600x4000xi32, #tpu.memory_space<hbm>> -> memref<1x4000xi32, #tpu.memory_space<hbm>>
    %dma_start3A_26 = tpu.memref_squeeze %dma_start3A_25 : memref<1x4000xi32, #tpu.memory_space<hbm>> -> memref<4000xi32, #tpu.memory_space<hbm>>
    %dma_start3A_27 = arith.constant 0 : i32
    %dma_start3A_28 = tpu.memref_slice %arg18[%dma_start3A_20, %dma_start3A_27] : memref<3x4000xi32, #tpu.memory_space<vmem>> -> memref<1x4000xi32, #tpu.memory_space<vmem>>
    %dma_start3A_29 = tpu.memref_squeeze %dma_start3A_28 : memref<1x4000xi32, #tpu.memory_space<vmem>> -> memref<4000xi32, #tpu.memory_space<vmem>>
    %dma_start3A_30 = arith.constant 0 : i32
    %dma_start3A_31 = tpu.memref_slice %arg5[%min3A_7, %dma_start3A_30] : memref<1600x4000xi32, #tpu.memory_space<hbm>> -> memref<1x4000xi32, #tpu.memory_space<hbm>>
    %dma_start3A_32 = tpu.memref_squeeze %dma_start3A_31 : memref<1x4000xi32, #tpu.memory_space<hbm>> -> memref<4000xi32, #tpu.memory_space<hbm>>
    tpu.enqueue_dma source(%dma_start3A_32 : memref<4000xi32, #tpu.memory_space<hbm>>) target(%dma_start3A_29 : memref<4000xi32, #tpu.memory_space<vmem>>) target_semaphore(%arg22 : memref<!tpu.dma_semaphore, #tpu.memory_space<semaphore_mem>>)
    %add3A_33 = arith.constant 0 : i32
    %add3A_34 = arith.addi %mul3A_4, %add3A_33 : i32
    %min3A_35 = arith.constant 1599 : i32
    %min3A_36 = arith.minsi %add3A_34, %min3A_35 : i32
    %dma_wait3A = arith.constant 0 : i32
    %dma_wait3A_37 = arith.constant 0 : i32
    %dma_wait3A_38 = tpu.memref_slice %arg17[%dma_wait3A, %dma_wait3A_37] : memref<3x4000xi32, #tpu.memory_space<vmem>> -> memref<1x4000xi32, #tpu.memory_space<vmem>>
    %dma_wait3A_39 = tpu.memref_squeeze %dma_wait3A_38 : memref<1x4000xi32, #tpu.memory_space<vmem>> -> memref<4000xi32, #tpu.memory_space<vmem>>
    %dma_wait3A_40 = arith.constant 0 : i32
    %dma_wait3A_41 = tpu.memref_slice %arg4[%min3A_36, %dma_wait3A_40] : memref<1600x4000xi32, #tpu.memory_space<hbm>> -> memref<1x4000xi32, #tpu.memory_space<hbm>>
    %dma_wait3A_42 = tpu.memref_squeeze %dma_wait3A_41 : memref<1x4000xi32, #tpu.memory_space<hbm>> -> memref<4000xi32, #tpu.memory_space<hbm>>
    %dma_wait3A_43 = arith.constant 0 : i32
    %dma_wait3A_44 = tpu.memref_slice %arg17[%dma_wait3A, %dma_wait3A_43] : memref<3x4000xi32, #tpu.memory_space<vmem>> -> memref<1x4000xi32, #tpu.memory_space<vmem>>
    %dma_wait3A_45 = tpu.memref_squeeze %dma_wait3A_44 : memref<1x4000xi32, #tpu.memory_space<vmem>> -> memref<4000xi32, #tpu.memory_space<vmem>>
    %dma_wait3A_46 = arith.constant 0 : i32
    %dma_wait3A_47 = tpu.memref_slice %arg4[%min3A_36, %dma_wait3A_46] : memref<1600x4000xi32, #tpu.memory_space<hbm>> -> memref<1x4000xi32, #tpu.memory_space<hbm>>
    %dma_wait3A_48 = tpu.memref_squeeze %dma_wait3A_47 : memref<1x4000xi32, #tpu.memory_space<hbm>> -> memref<4000xi32, #tpu.memory_space<hbm>>
    tpu.wait_dma2 semaphore(%arg22 : memref<!tpu.dma_semaphore, #tpu.memory_space<semaphore_mem>>) src(%dma_wait3A_48 : memref<4000xi32, #tpu.memory_space<hbm>>) dst(%dma_wait3A_45 : memref<4000xi32, #tpu.memory_space<vmem>>)
    %dma_wait3A_49 = arith.constant 0 : i32
    %dma_wait3A_50 = arith.constant 0 : i32
    %dma_wait3A_51 = tpu.memref_slice %arg18[%dma_wait3A_49, %dma_wait3A_50] : memref<3x4000xi32, #tpu.memory_space<vmem>> -> memref<1x4000xi32, #tpu.memory_space<vmem>>
    %dma_wait3A_52 = tpu.memref_squeeze %dma_wait3A_51 : memref<1x4000xi32, #tpu.memory_space<vmem>> -> memref<4000xi32, #tpu.memory_space<vmem>>
    %dma_wait3A_53 = arith.constant 0 : i32
    %dma_wait3A_54 = tpu.memref_slice %arg5[%min3A_36, %dma_wait3A_53] : memref<1600x4000xi32, #tpu.memory_space<hbm>> -> memref<1x4000xi32, #tpu.memory_space<hbm>>
    %dma_wait3A_55 = tpu.memref_squeeze %dma_wait3A_54 : memref<1x4000xi32, #tpu.memory_space<hbm>> -> memref<4000xi32, #tpu.memory_space<hbm>>
    %dma_wait3A_56 = arith.constant 0 : i32
    %dma_wait3A_57 = tpu.memref_slice %arg18[%dma_wait3A_49, %dma_wait3A_56] : memref<3x4000xi32, #tpu.memory_space<vmem>> -> memref<1x4000xi32, #tpu.memory_space<vmem>>
    %dma_wait3A_58 = tpu.memref_squeeze %dma_wait3A_57 : memref<1x4000xi32, #tpu.memory_space<vmem>> -> memref<4000xi32, #tpu.memory_space<vmem>>
    %dma_wait3A_59 = arith.constant 0 : i32
    %dma_wait3A_60 = tpu.memref_slice %arg5[%min3A_36, %dma_wait3A_59] : memref<1600x4000xi32, #tpu.memory_space<hbm>> -> memref<1x4000xi32, #tpu.memory_space<hbm>>
    %dma_wait3A_61 = tpu.memref_squeeze %dma_wait3A_60 : memref<1x4000xi32, #tpu.memory_space<hbm>> -> memref<4000xi32, #tpu.memory_space<hbm>>
    tpu.wait_dma2 semaphore(%arg22 : memref<!tpu.dma_semaphore, #tpu.memory_space<semaphore_mem>>) src(%dma_wait3A_61 : memref<4000xi32, #tpu.memory_space<hbm>>) dst(%dma_wait3A_58 : memref<4000xi32, #tpu.memory_space<vmem>>)
    %add3A_62 = arith.constant 1 : i32
    %add3A_63 = arith.addi %mul3A_4, %add3A_62 : i32
    %min3A_64 = arith.constant 1599 : i32
    %min3A_65 = arith.minsi %add3A_63, %min3A_64 : i32
    %dma_start3A_66 = arith.constant 1 : i32
    %dma_start3A_67 = arith.constant 0 : i32
    %dma_start3A_68 = tpu.memref_slice %arg17[%dma_start3A_66, %dma_start3A_67] : memref<3x4000xi32, #tpu.memory_space<vmem>> -> memref<1x4000xi32, #tpu.memory_space<vmem>>
    %dma_start3A_69 = tpu.memref_squeeze %dma_start3A_68 : memref<1x4000xi32, #tpu.memory_space<vmem>> -> memref<4000xi32, #tpu.memory_space<vmem>>
    %dma_start3A_70 = arith.constant 0 : i32
    %dma_start3A_71 = tpu.memref_slice %arg4[%min3A_65, %dma_start3A_70] : memref<1600x4000xi32, #tpu.memory_space<hbm>> -> memref<1x4000xi32, #tpu.memory_space<hbm>>
    %dma_start3A_72 = tpu.memref_squeeze %dma_start3A_71 : memref<1x4000xi32, #tpu.memory_space<hbm>> -> memref<4000xi32, #tpu.memory_space<hbm>>
    %dma_start3A_73 = arith.constant 0 : i32
    %dma_start3A_74 = tpu.memref_slice %arg17[%dma_start3A_66, %dma_start3A_73] : memref<3x4000xi32, #tpu.memory_space<vmem>> -> memref<1x4000xi32, #tpu.memory_space<vmem>>
    %dma_start3A_75 = tpu.memref_squeeze %dma_start3A_74 : memref<1x4000xi32, #tpu.memory_space<vmem>> -> memref<4000xi32, #tpu.memory_space<vmem>>
    %dma_start3A_76 = arith.constant 0 : i32
    %dma_start3A_77 = tpu.memref_slice %arg4[%min3A_65, %dma_start3A_76] : memref<1600x4000xi32, #tpu.memory_space<hbm>> -> memref<1x4000xi32, #tpu.memory_space<hbm>>
    %dma_start3A_78 = tpu.memref_squeeze %dma_start3A_77 : memref<1x4000xi32, #tpu.memory_space<hbm>> -> memref<4000xi32, #tpu.memory_space<hbm>>
    tpu.enqueue_dma source(%dma_start3A_78 : memref<4000xi32, #tpu.memory_space<hbm>>) target(%dma_start3A_75 : memref<4000xi32, #tpu.memory_space<vmem>>) target_semaphore(%arg22 : memref<!tpu.dma_semaphore, #tpu.memory_space<semaphore_mem>>)
    %dma_start3A_79 = arith.constant 1 : i32
    %dma_start3A_80 = arith.constant 0 : i32
    %dma_start3A_81 = tpu.memref_slice %arg18[%dma_start3A_79, %dma_start3A_80] : memref<3x4000xi32, #tpu.memory_space<vmem>> -> memref<1x4000xi32, #tpu.memory_space<vmem>>
    %dma_start3A_82 = tpu.memref_squeeze %dma_start3A_81 : memref<1x4000xi32, #tpu.memory_space<vmem>> -> memref<4000xi32, #tpu.memory_space<vmem>>
    %dma_start3A_83 = arith.constant 0 : i32
    %dma_start3A_84 = tpu.memref_slice %arg5[%min3A_65, %dma_start3A_83] : memref<1600x4000xi32, #tpu.memory_space<hbm>> -> memref<1x4000xi32, #tpu.memory_space<hbm>>
    %dma_start3A_85 = tpu.memref_squeeze %dma_start3A_84 : memref<1x4000xi32, #tpu.memory_space<hbm>> -> memref<4000xi32, #tpu.memory_space<hbm>>
    %dma_start3A_86 = arith.constant 0 : i32
    %dma_start3A_87 = tpu.memref_slice %arg18[%dma_start3A_79, %dma_start3A_86] : memref<3x4000xi32, #tpu.memory_space<vmem>> -> memref<1x4000xi32, #tpu.memory_space<vmem>>
    %dma_start3A_88 = tpu.memref_squeeze %dma_start3A_87 : memref<1x4000xi32, #tpu.memory_space<vmem>> -> memref<4000xi32, #tpu.memory_space<vmem>>
    %dma_start3A_89 = arith.constant 0 : i32
    %dma_start3A_90 = tpu.memref_slice %arg5[%min3A_65, %dma_start3A_89] : memref<1600x4000xi32, #tpu.memory_space<hbm>> -> memref<1x4000xi32, #tpu.memory_space<hbm>>
    %dma_start3A_91 = tpu.memref_squeeze %dma_start3A_90 : memref<1x4000xi32, #tpu.memory_space<hbm>> -> memref<4000xi32, #tpu.memory_space<hbm>>
    tpu.enqueue_dma source(%dma_start3A_91 : memref<4000xi32, #tpu.memory_space<hbm>>) target(%dma_start3A_88 : memref<4000xi32, #tpu.memory_space<vmem>>) target_semaphore(%arg22 : memref<!tpu.dma_semaphore, #tpu.memory_space<semaphore_mem>>)
    %dma_start3A_92 = arith.constant 0 : i32
    %dma_start3A_93 = arith.constant 0 : i32
    %dma_start3A_94 = arith.constant 0 : i32
    %dma_start3A_95 = tpu.memref_slice %arg19[%dma_start3A_93, %dma_start3A_94] : memref<3x4000xf32, #tpu.memory_space<vmem>> -> memref<1x4000xf32, #tpu.memory_space<vmem>>
    %dma_start3A_96 = tpu.memref_squeeze %dma_start3A_95 : memref<1x4000xf32, #tpu.memory_space<vmem>> -> memref<4000xf32, #tpu.memory_space<vmem>>
    %dma_start3A_97 = arith.constant 0 : i32
    %dma_start3A_98 = tpu.memref_slice %arg17[%dma_start3A_92, %dma_start3A_97] : memref<3x4000xi32, #tpu.memory_space<vmem>> -> memref<1x4000xi32, #tpu.memory_space<vmem>>
    %dma_start3A_99 = tpu.memref_squeeze %dma_start3A_98 : memref<1x4000xi32, #tpu.memory_space<vmem>> -> memref<4000xi32, #tpu.memory_space<vmem>>
    %dma_start3A_100 = arith.constant 0 : i32
    %dma_start3A_101 = tpu.memref_slice %arg11[%dma_start3A_100] : memref<102400xf32, #tpu.memory_space<vmem_shared>> -> memref<102400xf32, #tpu.memory_space<vmem_shared>>
    tpu.enqueue_indirect_dma source(%dma_start3A_101 : memref<102400xf32, #tpu.memory_space<vmem_shared>>) target(%dma_start3A_96 : memref<4000xf32, #tpu.memory_space<vmem>>) offsets(%dma_start3A_99 : memref<4000xi32, #tpu.memory_space<vmem>>) semaphore(%arg23 : memref<!tpu.dma_semaphore, #tpu.memory_space<semaphore_mem>>)
    %dma_start3A_102 = arith.constant 0 : i32
    %dma_start3A_103 = arith.constant 0 : i32
    %dma_start3A_104 = arith.constant 0 : i32
    %dma_start3A_105 = tpu.memref_slice %arg20[%dma_start3A_103, %dma_start3A_104] : memref<3x4000xf32, #tpu.memory_space<vmem>> -> memref<1x4000xf32, #tpu.memory_space<vmem>>
    %dma_start3A_106 = tpu.memref_squeeze %dma_start3A_105 : memref<1x4000xf32, #tpu.memory_space<vmem>> -> memref<4000xf32, #tpu.memory_space<vmem>>
    %dma_start3A_107 = arith.constant 0 : i32
    %dma_start3A_108 = tpu.memref_slice %arg17[%dma_start3A_102, %dma_start3A_107] : memref<3x4000xi32, #tpu.memory_space<vmem>> -> memref<1x4000xi32, #tpu.memory_space<vmem>>
    %dma_start3A_109 = tpu.memref_squeeze %dma_start3A_108 : memref<1x4000xi32, #tpu.memory_space<vmem>> -> memref<4000xi32, #tpu.memory_space<vmem>>
    %dma_start3A_110 = arith.constant 0 : i32
    %dma_start3A_111 = tpu.memref_slice %arg12[%dma_start3A_110] : memref<102400xf32, #tpu.memory_space<vmem_shared>> -> memref<102400xf32, #tpu.memory_space<vmem_shared>>
    tpu.enqueue_indirect_dma source(%dma_start3A_111 : memref<102400xf32, #tpu.memory_space<vmem_shared>>) target(%dma_start3A_106 : memref<4000xf32, #tpu.memory_space<vmem>>) offsets(%dma_start3A_109 : memref<4000xi32, #tpu.memory_space<vmem>>) semaphore(%arg23 : memref<!tpu.dma_semaphore, #tpu.memory_space<semaphore_mem>>)
    %dma_wait3A_112 = arith.constant 0 : i32
    %dma_wait3A_113 = arith.constant 0 : i32
    %dma_wait3A_114 = arith.constant 0 : i32
    %dma_wait3A_115 = tpu.memref_slice %arg19[%dma_wait3A_113, %dma_wait3A_114] : memref<3x4000xf32, #tpu.memory_space<vmem>> -> memref<1x4000xf32, #tpu.memory_space<vmem>>
    %dma_wait3A_116 = tpu.memref_squeeze %dma_wait3A_115 : memref<1x4000xf32, #tpu.memory_space<vmem>> -> memref<4000xf32, #tpu.memory_space<vmem>>
    %dma_wait3A_117 = arith.constant 0 : i32
    %dma_wait3A_118 = tpu.memref_slice %arg17[%dma_wait3A_112, %dma_wait3A_117] : memref<3x4000xi32, #tpu.memory_space<vmem>> -> memref<1x4000xi32, #tpu.memory_space<vmem>>
    %dma_wait3A_119 = tpu.memref_squeeze %dma_wait3A_118 : memref<1x4000xi32, #tpu.memory_space<vmem>> -> memref<4000xi32, #tpu.memory_space<vmem>>
    %dma_wait3A_120 = arith.constant 0 : i32
    %dma_wait3A_121 = tpu.memref_slice %arg11[%dma_wait3A_120] : memref<102400xf32, #tpu.memory_space<vmem_shared>> -> memref<102400xf32, #tpu.memory_space<vmem_shared>>
    tpu.wait_indirect_dma semaphore(%arg23 : memref<!tpu.dma_semaphore, #tpu.memory_space<semaphore_mem>>) src(%dma_wait3A_121 : memref<102400xf32, #tpu.memory_space<vmem_shared>>) dst(%dma_wait3A_116 : memref<4000xf32, #tpu.memory_space<vmem>>)
    %dma_wait3A_122 = arith.constant 0 : i32
    %dma_wait3A_123 = arith.constant 0 : i32
    %dma_wait3A_124 = arith.constant 0 : i32
    %dma_wait3A_125 = tpu.memref_slice %arg20[%dma_wait3A_123, %dma_wait3A_124] : memref<3x4000xf32, #tpu.memory_space<vmem>> -> memref<1x4000xf32, #tpu.memory_space<vmem>>
    %dma_wait3A_126 = tpu.memref_squeeze %dma_wait3A_125 : memref<1x4000xf32, #tpu.memory_space<vmem>> -> memref<4000xf32, #tpu.memory_space<vmem>>
    %dma_wait3A_127 = arith.constant 0 : i32
    %dma_wait3A_128 = tpu.memref_slice %arg17[%dma_wait3A_122, %dma_wait3A_127] : memref<3x4000xi32, #tpu.memory_space<vmem>> -> memref<1x4000xi32, #tpu.memory_space<vmem>>
    %dma_wait3A_129 = tpu.memref_squeeze %dma_wait3A_128 : memref<1x4000xi32, #tpu.memory_space<vmem>> -> memref<4000xi32, #tpu.memory_space<vmem>>
    %dma_wait3A_130 = arith.constant 0 : i32
    %dma_wait3A_131 = tpu.memref_slice %arg12[%dma_wait3A_130] : memref<102400xf32, #tpu.memory_space<vmem_shared>> -> memref<102400xf32, #tpu.memory_space<vmem_shared>>
    tpu.wait_indirect_dma semaphore(%arg23 : memref<!tpu.dma_semaphore, #tpu.memory_space<semaphore_mem>>) src(%dma_wait3A_131 : memref<102400xf32, #tpu.memory_space<vmem_shared>>) dst(%dma_wait3A_126 : memref<4000xf32, #tpu.memory_space<vmem>>)
    %dma_start3A_132 = arith.constant 0 : i32
    %dma_start3A_133 = arith.constant 0 : i32
    %dma_start3A_134 = arith.constant 0 : i32
    %dma_start3A_135 = tpu.memref_slice %arg19[%dma_start3A_132, %dma_start3A_134] : memref<3x4000xf32, #tpu.memory_space<vmem>> -> memref<1x4000xf32, #tpu.memory_space<vmem>>
    %dma_start3A_136 = tpu.memref_squeeze %dma_start3A_135 : memref<1x4000xf32, #tpu.memory_space<vmem>> -> memref<4000xf32, #tpu.memory_space<vmem>>
    %dma_start3A_137 = arith.constant 0 : i32
    %dma_start3A_138 = tpu.memref_slice %arg18[%dma_start3A_133, %dma_start3A_137] : memref<3x4000xi32, #tpu.memory_space<vmem>> -> memref<1x4000xi32, #tpu.memory_space<vmem>>
    %dma_start3A_139 = tpu.memref_squeeze %dma_start3A_138 : memref<1x4000xi32, #tpu.memory_space<vmem>> -> memref<4000xi32, #tpu.memory_space<vmem>>
    %dma_start3A_140 = arith.constant 0 : i32
    %dma_start3A_141 = tpu.memref_slice %arg13[%dma_start3A_140] : memref<102400xf32, #tpu.memory_space<vmem_shared>> -> memref<102400xf32, #tpu.memory_space<vmem_shared>>
    tpu.enqueue_indirect_dma source(%dma_start3A_136 : memref<4000xf32, #tpu.memory_space<vmem>>) target(%dma_start3A_141 : memref<102400xf32, #tpu.memory_space<vmem_shared>>) offsets(%dma_start3A_139 : memref<4000xi32, #tpu.memory_space<vmem>>) semaphore(%arg24 : memref<!tpu.dma_semaphore, #tpu.memory_space<semaphore_mem>>) {add = true}
    %dma_start3A_142 = arith.constant 0 : i32
    %dma_start3A_143 = arith.constant 0 : i32
    %dma_start3A_144 = arith.constant 0 : i32
    %dma_start3A_145 = tpu.memref_slice %arg20[%dma_start3A_142, %dma_start3A_144] : memref<3x4000xf32, #tpu.memory_space<vmem>> -> memref<1x4000xf32, #tpu.memory_space<vmem>>
    %dma_start3A_146 = tpu.memref_squeeze %dma_start3A_145 : memref<1x4000xf32, #tpu.memory_space<vmem>> -> memref<4000xf32, #tpu.memory_space<vmem>>
    %dma_start3A_147 = arith.constant 0 : i32
    %dma_start3A_148 = tpu.memref_slice %arg18[%dma_start3A_143, %dma_start3A_147] : memref<3x4000xi32, #tpu.memory_space<vmem>> -> memref<1x4000xi32, #tpu.memory_space<vmem>>
    %dma_start3A_149 = tpu.memref_squeeze %dma_start3A_148 : memref<1x4000xi32, #tpu.memory_space<vmem>> -> memref<4000xi32, #tpu.memory_space<vmem>>
    %dma_start3A_150 = arith.constant 0 : i32
    %dma_start3A_151 = tpu.memref_slice %arg14[%dma_start3A_150] : memref<102400xf32, #tpu.memory_space<vmem_shared>> -> memref<102400xf32, #tpu.memory_space<vmem_shared>>
    tpu.enqueue_indirect_dma source(%dma_start3A_146 : memref<4000xf32, #tpu.memory_space<vmem>>) target(%dma_start3A_151 : memref<102400xf32, #tpu.memory_space<vmem_shared>>) offsets(%dma_start3A_149 : memref<4000xi32, #tpu.memory_space<vmem>>) semaphore(%arg24 : memref<!tpu.dma_semaphore, #tpu.memory_space<semaphore_mem>>) {add = true}
    %add3A_152 = arith.constant 1 : i32
    %add3A_153 = arith.addi %mul3A_4, %add3A_152 : i32
    %min3A_154 = arith.constant 1599 : i32
    %min3A_155 = arith.minsi %add3A_153, %min3A_154 : i32
    %dma_wait3A_156 = arith.constant 1 : i32
    %dma_wait3A_157 = arith.constant 0 : i32
    %dma_wait3A_158 = tpu.memref_slice %arg17[%dma_wait3A_156, %dma_wait3A_157] : memref<3x4000xi32, #tpu.memory_space<vmem>> -> memref<1x4000xi32, #tpu.memory_space<vmem>>
    %dma_wait3A_159 = tpu.memref_squeeze %dma_wait3A_158 : memref<1x4000xi32, #tpu.memory_space<vmem>> -> memref<4000xi32, #tpu.memory_space<vmem>>
    %dma_wait3A_160 = arith.constant 0 : i32
    %dma_wait3A_161 = tpu.memref_slice %arg4[%min3A_155, %dma_wait3A_160] : memref<1600x4000xi32, #tpu.memory_space<hbm>> -> memref<1x4000xi32, #tpu.memory_space<hbm>>
    %dma_wait3A_162 = tpu.memref_squeeze %dma_wait3A_161 : memref<1x4000xi32, #tpu.memory_space<hbm>> -> memref<4000xi32, #tpu.memory_space<hbm>>
    %dma_wait3A_163 = arith.constant 0 : i32
    %dma_wait3A_164 = tpu.memref_slice %arg17[%dma_wait3A_156, %dma_wait3A_163] : memref<3x4000xi32, #tpu.memory_space<vmem>> -> memref<1x4000xi32, #tpu.memory_space<vmem>>
    %dma_wait3A_165 = tpu.memref_squeeze %dma_wait3A_164 : memref<1x4000xi32, #tpu.memory_space<vmem>> -> memref<4000xi32, #tpu.memory_space<vmem>>
    %dma_wait3A_166 = arith.constant 0 : i32
    %dma_wait3A_167 = tpu.memref_slice %arg4[%min3A_155, %dma_wait3A_166] : memref<1600x4000xi32, #tpu.memory_space<hbm>> -> memref<1x4000xi32, #tpu.memory_space<hbm>>
    %dma_wait3A_168 = tpu.memref_squeeze %dma_wait3A_167 : memref<1x4000xi32, #tpu.memory_space<hbm>> -> memref<4000xi32, #tpu.memory_space<hbm>>
    tpu.wait_dma2 semaphore(%arg22 : memref<!tpu.dma_semaphore, #tpu.memory_space<semaphore_mem>>) src(%dma_wait3A_168 : memref<4000xi32, #tpu.memory_space<hbm>>) dst(%dma_wait3A_165 : memref<4000xi32, #tpu.memory_space<vmem>>)
    %dma_wait3A_169 = arith.constant 1 : i32
    %dma_wait3A_170 = arith.constant 0 : i32
    %dma_wait3A_171 = tpu.memref_slice %arg18[%dma_wait3A_169, %dma_wait3A_170] : memref<3x4000xi32, #tpu.memory_space<vmem>> -> memref<1x4000xi32, #tpu.memory_space<vmem>>
    %dma_wait3A_172 = tpu.memref_squeeze %dma_wait3A_171 : memref<1x4000xi32, #tpu.memory_space<vmem>> -> memref<4000xi32, #tpu.memory_space<vmem>>
    %dma_wait3A_173 = arith.constant 0 : i32
    %dma_wait3A_174 = tpu.memref_slice %arg5[%min3A_155, %dma_wait3A_173] : memref<1600x4000xi32, #tpu.memory_space<hbm>> -> memref<1x4000xi32, #tpu.memory_space<hbm>>
    %dma_wait3A_175 = tpu.memref_squeeze %dma_wait3A_174 : memref<1x4000xi32, #tpu.memory_space<hbm>> -> memref<4000xi32, #tpu.memory_space<hbm>>
    %dma_wait3A_176 = arith.constant 0 : i32
    %dma_wait3A_177 = tpu.memref_slice %arg18[%dma_wait3A_169, %dma_wait3A_176] : memref<3x4000xi32, #tpu.memory_space<vmem>> -> memref<1x4000xi32, #tpu.memory_space<vmem>>
    %dma_wait3A_178 = tpu.memref_squeeze %dma_wait3A_177 : memref<1x4000xi32, #tpu.memory_space<vmem>> -> memref<4000xi32, #tpu.memory_space<vmem>>
    %dma_wait3A_179 = arith.constant 0 : i32
    %dma_wait3A_180 = tpu.memref_slice %arg5[%min3A_155, %dma_wait3A_179] : memref<1600x4000xi32, #tpu.memory_space<hbm>> -> memref<1x4000xi32, #tpu.memory_space<hbm>>
    %dma_wait3A_181 = tpu.memref_squeeze %dma_wait3A_180 : memref<1x4000xi32, #tpu.memory_space<hbm>> -> memref<4000xi32, #tpu.memory_space<hbm>>
    tpu.wait_dma2 semaphore(%arg22 : memref<!tpu.dma_semaphore, #tpu.memory_space<semaphore_mem>>) src(%dma_wait3A_181 : memref<4000xi32, #tpu.memory_space<hbm>>) dst(%dma_wait3A_178 : memref<4000xi32, #tpu.memory_space<vmem>>)
    %add3A_182 = arith.constant 2 : i32
    %add3A_183 = arith.addi %mul3A_4, %add3A_182 : i32
    %min3A_184 = arith.constant 1599 : i32
    %min3A_185 = arith.minsi %add3A_183, %min3A_184 : i32
    %dma_start3A_186 = arith.constant 2 : i32
    %dma_start3A_187 = arith.constant 0 : i32
    %dma_start3A_188 = tpu.memref_slice %arg17[%dma_start3A_186, %dma_start3A_187] : memref<3x4000xi32, #tpu.memory_space<vmem>> -> memref<1x4000xi32, #tpu.memory_space<vmem>>
    %dma_start3A_189 = tpu.memref_squeeze %dma_start3A_188 : memref<1x4000xi32, #tpu.memory_space<vmem>> -> memref<4000xi32, #tpu.memory_space<vmem>>
    %dma_start3A_190 = arith.constant 0 : i32
    %dma_start3A_191 = tpu.memref_slice %arg4[%min3A_185, %dma_start3A_190] : memref<1600x4000xi32, #tpu.memory_space<hbm>> -> memref<1x4000xi32, #tpu.memory_space<hbm>>
    %dma_start3A_192 = tpu.memref_squeeze %dma_start3A_191 : memref<1x4000xi32, #tpu.memory_space<hbm>> -> memref<4000xi32, #tpu.memory_space<hbm>>
    %dma_start3A_193 = arith.constant 0 : i32
    %dma_start3A_194 = tpu.memref_slice %arg17[%dma_start3A_186, %dma_start3A_193] : memref<3x4000xi32, #tpu.memory_space<vmem>> -> memref<1x4000xi32, #tpu.memory_space<vmem>>
    %dma_start3A_195 = tpu.memref_squeeze %dma_start3A_194 : memref<1x4000xi32, #tpu.memory_space<vmem>> -> memref<4000xi32, #tpu.memory_space<vmem>>
    %dma_start3A_196 = arith.constant 0 : i32
    %dma_start3A_197 = tpu.memref_slice %arg4[%min3A_185, %dma_start3A_196] : memref<1600x4000xi32, #tpu.memory_space<hbm>> -> memref<1x4000xi32, #tpu.memory_space<hbm>>
    %dma_start3A_198 = tpu.memref_squeeze %dma_start3A_197 : memref<1x4000xi32, #tpu.memory_space<hbm>> -> memref<4000xi32, #tpu.memory_space<hbm>>
    tpu.enqueue_dma source(%dma_start3A_198 : memref<4000xi32, #tpu.memory_space<hbm>>) target(%dma_start3A_195 : memref<4000xi32, #tpu.memory_space<vmem>>) target_semaphore(%arg22 : memref<!tpu.dma_semaphore, #tpu.memory_space<semaphore_mem>>)
    %dma_start3A_199 = arith.constant 2 : i32
    %dma_start3A_200 = arith.constant 0 : i32
    %dma_start3A_201 = tpu.memref_slice %arg18[%dma_start3A_199, %dma_start3A_200] : memref<3x4000xi32, #tpu.memory_space<vmem>> -> memref<1x4000xi32, #tpu.memory_space<vmem>>
    %dma_start3A_202 = tpu.memref_squeeze %dma_start3A_201 : memref<1x4000xi32, #tpu.memory_space<vmem>> -> memref<4000xi32, #tpu.memory_space<vmem>>
    %dma_start3A_203 = arith.constant 0 : i32
    %dma_start3A_204 = tpu.memref_slice %arg5[%min3A_185, %dma_start3A_203] : memref<1600x4000xi32, #tpu.memory_space<hbm>> -> memref<1x4000xi32, #tpu.memory_space<hbm>>
    %dma_start3A_205 = tpu.memref_squeeze %dma_start3A_204 : memref<1x4000xi32, #tpu.memory_space<hbm>> -> memref<4000xi32, #tpu.memory_space<hbm>>
    %dma_start3A_206 = arith.constant 0 : i32
    %dma_start3A_207 = tpu.memref_slice %arg18[%dma_start3A_199, %dma_start3A_206] : memref<3x4000xi32, #tpu.memory_space<vmem>> -> memref<1x4000xi32, #tpu.memory_space<vmem>>
    %dma_start3A_208 = tpu.memref_squeeze %dma_start3A_207 : memref<1x4000xi32, #tpu.memory_space<vmem>> -> memref<4000xi32, #tpu.memory_space<vmem>>
    %dma_start3A_209 = arith.constant 0 : i32
    %dma_start3A_210 = tpu.memref_slice %arg5[%min3A_185, %dma_start3A_209] : memref<1600x4000xi32, #tpu.memory_space<hbm>> -> memref<1x4000xi32, #tpu.memory_space<hbm>>
    %dma_start3A_211 = tpu.memref_squeeze %dma_start3A_210 : memref<1x4000xi32, #tpu.memory_space<hbm>> -> memref<4000xi32, #tpu.memory_space<hbm>>
    tpu.enqueue_dma source(%dma_start3A_211 : memref<4000xi32, #tpu.memory_space<hbm>>) target(%dma_start3A_208 : memref<4000xi32, #tpu.memory_space<vmem>>) target_semaphore(%arg22 : memref<!tpu.dma_semaphore, #tpu.memory_space<semaphore_mem>>)
    %dma_start3A_212 = arith.constant 1 : i32
    %dma_start3A_213 = arith.constant 1 : i32
    %dma_start3A_214 = arith.constant 0 : i32
    %dma_start3A_215 = tpu.memref_slice %arg19[%dma_start3A_213, %dma_start3A_214] : memref<3x4000xf32, #tpu.memory_space<vmem>> -> memref<1x4000xf32, #tpu.memory_space<vmem>>
    %dma_start3A_216 = tpu.memref_squeeze %dma_start3A_215 : memref<1x4000xf32, #tpu.memory_space<vmem>> -> memref<4000xf32, #tpu.memory_space<vmem>>
    %dma_start3A_217 = arith.constant 0 : i32
    %dma_start3A_218 = tpu.memref_slice %arg17[%dma_start3A_212, %dma_start3A_217] : memref<3x4000xi32, #tpu.memory_space<vmem>> -> memref<1x4000xi32, #tpu.memory_space<vmem>>
    %dma_start3A_219 = tpu.memref_squeeze %dma_start3A_218 : memref<1x4000xi32, #tpu.memory_space<vmem>> -> memref<4000xi32, #tpu.memory_space<vmem>>
    %dma_start3A_220 = arith.constant 0 : i32
    %dma_start3A_221 = tpu.memref_slice %arg11[%dma_start3A_220] : memref<102400xf32, #tpu.memory_space<vmem_shared>> -> memref<102400xf32, #tpu.memory_space<vmem_shared>>
    tpu.enqueue_indirect_dma source(%dma_start3A_221 : memref<102400xf32, #tpu.memory_space<vmem_shared>>) target(%dma_start3A_216 : memref<4000xf32, #tpu.memory_space<vmem>>) offsets(%dma_start3A_219 : memref<4000xi32, #tpu.memory_space<vmem>>) semaphore(%arg23 : memref<!tpu.dma_semaphore, #tpu.memory_space<semaphore_mem>>)
    %dma_start3A_222 = arith.constant 1 : i32
    %dma_start3A_223 = arith.constant 1 : i32
    %dma_start3A_224 = arith.constant 0 : i32
    %dma_start3A_225 = tpu.memref_slice %arg20[%dma_start3A_223, %dma_start3A_224] : memref<3x4000xf32, #tpu.memory_space<vmem>> -> memref<1x4000xf32, #tpu.memory_space<vmem>>
    %dma_start3A_226 = tpu.memref_squeeze %dma_start3A_225 : memref<1x4000xf32, #tpu.memory_space<vmem>> -> memref<4000xf32, #tpu.memory_space<vmem>>
    %dma_start3A_227 = arith.constant 0 : i32
    %dma_start3A_228 = tpu.memref_slice %arg17[%dma_start3A_222, %dma_start3A_227] : memref<3x4000xi32, #tpu.memory_space<vmem>> -> memref<1x4000xi32, #tpu.memory_space<vmem>>
    %dma_start3A_229 = tpu.memref_squeeze %dma_start3A_228 : memref<1x4000xi32, #tpu.memory_space<vmem>> -> memref<4000xi32, #tpu.memory_space<vmem>>
    %dma_start3A_230 = arith.constant 0 : i32
    %dma_start3A_231 = tpu.memref_slice %arg12[%dma_start3A_230] : memref<102400xf32, #tpu.memory_space<vmem_shared>> -> memref<102400xf32, #tpu.memory_space<vmem_shared>>
    tpu.enqueue_indirect_dma source(%dma_start3A_231 : memref<102400xf32, #tpu.memory_space<vmem_shared>>) target(%dma_start3A_226 : memref<4000xf32, #tpu.memory_space<vmem>>) offsets(%dma_start3A_229 : memref<4000xi32, #tpu.memory_space<vmem>>) semaphore(%arg23 : memref<!tpu.dma_semaphore, #tpu.memory_space<semaphore_mem>>)
    %dma_wait3A_232 = arith.constant 1 : i32
    %dma_wait3A_233 = arith.constant 1 : i32
    %dma_wait3A_234 = arith.constant 0 : i32
    %dma_wait3A_235 = tpu.memref_slice %arg19[%dma_wait3A_233, %dma_wait3A_234] : memref<3x4000xf32, #tpu.memory_space<vmem>> -> memref<1x4000xf32, #tpu.memory_space<vmem>>
    %dma_wait3A_236 = tpu.memref_squeeze %dma_wait3A_235 : memref<1x4000xf32, #tpu.memory_space<vmem>> -> memref<4000xf32, #tpu.memory_space<vmem>>
    %dma_wait3A_237 = arith.constant 0 : i32
    %dma_wait3A_238 = tpu.memref_slice %arg17[%dma_wait3A_232, %dma_wait3A_237] : memref<3x4000xi32, #tpu.memory_space<vmem>> -> memref<1x4000xi32, #tpu.memory_space<vmem>>
    %dma_wait3A_239 = tpu.memref_squeeze %dma_wait3A_238 : memref<1x4000xi32, #tpu.memory_space<vmem>> -> memref<4000xi32, #tpu.memory_space<vmem>>
    %dma_wait3A_240 = arith.constant 0 : i32
    %dma_wait3A_241 = tpu.memref_slice %arg11[%dma_wait3A_240] : memref<102400xf32, #tpu.memory_space<vmem_shared>> -> memref<102400xf32, #tpu.memory_space<vmem_shared>>
    tpu.wait_indirect_dma semaphore(%arg23 : memref<!tpu.dma_semaphore, #tpu.memory_space<semaphore_mem>>) src(%dma_wait3A_241 : memref<102400xf32, #tpu.memory_space<vmem_shared>>) dst(%dma_wait3A_236 : memref<4000xf32, #tpu.memory_space<vmem>>)
    %dma_wait3A_242 = arith.constant 1 : i32
    %dma_wait3A_243 = arith.constant 1 : i32
    %dma_wait3A_244 = arith.constant 0 : i32
    %dma_wait3A_245 = tpu.memref_slice %arg20[%dma_wait3A_243, %dma_wait3A_244] : memref<3x4000xf32, #tpu.memory_space<vmem>> -> memref<1x4000xf32, #tpu.memory_space<vmem>>
    %dma_wait3A_246 = tpu.memref_squeeze %dma_wait3A_245 : memref<1x4000xf32, #tpu.memory_space<vmem>> -> memref<4000xf32, #tpu.memory_space<vmem>>
    %dma_wait3A_247 = arith.constant 0 : i32
    %dma_wait3A_248 = tpu.memref_slice %arg17[%dma_wait3A_242, %dma_wait3A_247] : memref<3x4000xi32, #tpu.memory_space<vmem>> -> memref<1x4000xi32, #tpu.memory_space<vmem>>
    %dma_wait3A_249 = tpu.memref_squeeze %dma_wait3A_248 : memref<1x4000xi32, #tpu.memory_space<vmem>> -> memref<4000xi32, #tpu.memory_space<vmem>>
    %dma_wait3A_250 = arith.constant 0 : i32
    %dma_wait3A_251 = tpu.memref_slice %arg12[%dma_wait3A_250] : memref<102400xf32, #tpu.memory_space<vmem_shared>> -> memref<102400xf32, #tpu.memory_space<vmem_shared>>
    tpu.wait_indirect_dma semaphore(%arg23 : memref<!tpu.dma_semaphore, #tpu.memory_space<semaphore_mem>>) src(%dma_wait3A_251 : memref<102400xf32, #tpu.memory_space<vmem_shared>>) dst(%dma_wait3A_246 : memref<4000xf32, #tpu.memory_space<vmem>>)
    %dma_start3A_252 = arith.constant 1 : i32
    %dma_start3A_253 = arith.constant 1 : i32
    %dma_start3A_254 = arith.constant 0 : i32
    %dma_start3A_255 = tpu.memref_slice %arg19[%dma_start3A_252, %dma_start3A_254] : memref<3x4000xf32, #tpu.memory_space<vmem>> -> memref<1x4000xf32, #tpu.memory_space<vmem>>
    %dma_start3A_256 = tpu.memref_squeeze %dma_start3A_255 : memref<1x4000xf32, #tpu.memory_space<vmem>> -> memref<4000xf32, #tpu.memory_space<vmem>>
    %dma_start3A_257 = arith.constant 0 : i32
    %dma_start3A_258 = tpu.memref_slice %arg18[%dma_start3A_253, %dma_start3A_257] : memref<3x4000xi32, #tpu.memory_space<vmem>> -> memref<1x4000xi32, #tpu.memory_space<vmem>>
    %dma_start3A_259 = tpu.memref_squeeze %dma_start3A_258 : memref<1x4000xi32, #tpu.memory_space<vmem>> -> memref<4000xi32, #tpu.memory_space<vmem>>
    %dma_start3A_260 = arith.constant 0 : i32
    %dma_start3A_261 = tpu.memref_slice %arg13[%dma_start3A_260] : memref<102400xf32, #tpu.memory_space<vmem_shared>> -> memref<102400xf32, #tpu.memory_space<vmem_shared>>
    tpu.enqueue_indirect_dma source(%dma_start3A_256 : memref<4000xf32, #tpu.memory_space<vmem>>) target(%dma_start3A_261 : memref<102400xf32, #tpu.memory_space<vmem_shared>>) offsets(%dma_start3A_259 : memref<4000xi32, #tpu.memory_space<vmem>>) semaphore(%arg25 : memref<!tpu.dma_semaphore, #tpu.memory_space<semaphore_mem>>) {add = true}
    %dma_start3A_262 = arith.constant 1 : i32
    %dma_start3A_263 = arith.constant 1 : i32
    %dma_start3A_264 = arith.constant 0 : i32
    %dma_start3A_265 = tpu.memref_slice %arg20[%dma_start3A_262, %dma_start3A_264] : memref<3x4000xf32, #tpu.memory_space<vmem>> -> memref<1x4000xf32, #tpu.memory_space<vmem>>
    %dma_start3A_266 = tpu.memref_squeeze %dma_start3A_265 : memref<1x4000xf32, #tpu.memory_space<vmem>> -> memref<4000xf32, #tpu.memory_space<vmem>>
    %dma_start3A_267 = arith.constant 0 : i32
    %dma_start3A_268 = tpu.memref_slice %arg18[%dma_start3A_263, %dma_start3A_267] : memref<3x4000xi32, #tpu.memory_space<vmem>> -> memref<1x4000xi32, #tpu.memory_space<vmem>>
    %dma_start3A_269 = tpu.memref_squeeze %dma_start3A_268 : memref<1x4000xi32, #tpu.memory_space<vmem>> -> memref<4000xi32, #tpu.memory_space<vmem>>
    %dma_start3A_270 = arith.constant 0 : i32
    %dma_start3A_271 = tpu.memref_slice %arg14[%dma_start3A_270] : memref<102400xf32, #tpu.memory_space<vmem_shared>> -> memref<102400xf32, #tpu.memory_space<vmem_shared>>
    tpu.enqueue_indirect_dma source(%dma_start3A_266 : memref<4000xf32, #tpu.memory_space<vmem>>) target(%dma_start3A_271 : memref<102400xf32, #tpu.memory_space<vmem_shared>>) offsets(%dma_start3A_269 : memref<4000xi32, #tpu.memory_space<vmem>>) semaphore(%arg25 : memref<!tpu.dma_semaphore, #tpu.memory_space<semaphore_mem>>) {add = true}
    %add3A_272 = arith.constant 2 : i32
    %add3A_273 = arith.addi %mul3A_4, %add3A_272 : i32
    %min3A_274 = arith.constant 1599 : i32
    %min3A_275 = arith.minsi %add3A_273, %min3A_274 : i32
    %dma_wait3A_276 = arith.constant 2 : i32
    %dma_wait3A_277 = arith.constant 0 : i32
    %dma_wait3A_278 = tpu.memref_slice %arg17[%dma_wait3A_276, %dma_wait3A_277] : memref<3x4000xi32, #tpu.memory_space<vmem>> -> memref<1x4000xi32, #tpu.memory_space<vmem>>
    %dma_wait3A_279 = tpu.memref_squeeze %dma_wait3A_278 : memref<1x4000xi32, #tpu.memory_space<vmem>> -> memref<4000xi32, #tpu.memory_space<vmem>>
    %dma_wait3A_280 = arith.constant 0 : i32
    %dma_wait3A_281 = tpu.memref_slice %arg4[%min3A_275, %dma_wait3A_280] : memref<1600x4000xi32, #tpu.memory_space<hbm>> -> memref<1x4000xi32, #tpu.memory_space<hbm>>
    %dma_wait3A_282 = tpu.memref_squeeze %dma_wait3A_281 : memref<1x4000xi32, #tpu.memory_space<hbm>> -> memref<4000xi32, #tpu.memory_space<hbm>>
    %dma_wait3A_283 = arith.constant 0 : i32
    %dma_wait3A_284 = tpu.memref_slice %arg17[%dma_wait3A_276, %dma_wait3A_283] : memref<3x4000xi32, #tpu.memory_space<vmem>> -> memref<1x4000xi32, #tpu.memory_space<vmem>>
    %dma_wait3A_285 = tpu.memref_squeeze %dma_wait3A_284 : memref<1x4000xi32, #tpu.memory_space<vmem>> -> memref<4000xi32, #tpu.memory_space<vmem>>
    %dma_wait3A_286 = arith.constant 0 : i32
    %dma_wait3A_287 = tpu.memref_slice %arg4[%min3A_275, %dma_wait3A_286] : memref<1600x4000xi32, #tpu.memory_space<hbm>> -> memref<1x4000xi32, #tpu.memory_space<hbm>>
    %dma_wait3A_288 = tpu.memref_squeeze %dma_wait3A_287 : memref<1x4000xi32, #tpu.memory_space<hbm>> -> memref<4000xi32, #tpu.memory_space<hbm>>
    tpu.wait_dma2 semaphore(%arg22 : memref<!tpu.dma_semaphore, #tpu.memory_space<semaphore_mem>>) src(%dma_wait3A_288 : memref<4000xi32, #tpu.memory_space<hbm>>) dst(%dma_wait3A_285 : memref<4000xi32, #tpu.memory_space<vmem>>)
    %dma_wait3A_289 = arith.constant 2 : i32
    %dma_wait3A_290 = arith.constant 0 : i32
    %dma_wait3A_291 = tpu.memref_slice %arg18[%dma_wait3A_289, %dma_wait3A_290] : memref<3x4000xi32, #tpu.memory_space<vmem>> -> memref<1x4000xi32, #tpu.memory_space<vmem>>
    %dma_wait3A_292 = tpu.memref_squeeze %dma_wait3A_291 : memref<1x4000xi32, #tpu.memory_space<vmem>> -> memref<4000xi32, #tpu.memory_space<vmem>>
    %dma_wait3A_293 = arith.constant 0 : i32
    %dma_wait3A_294 = tpu.memref_slice %arg5[%min3A_275, %dma_wait3A_293] : memref<1600x4000xi32, #tpu.memory_space<hbm>> -> memref<1x4000xi32, #tpu.memory_space<hbm>>
    %dma_wait3A_295 = tpu.memref_squeeze %dma_wait3A_294 : memref<1x4000xi32, #tpu.memory_space<hbm>> -> memref<4000xi32, #tpu.memory_space<hbm>>
    %dma_wait3A_296 = arith.constant 0 : i32
    %dma_wait3A_297 = tpu.memref_slice %arg18[%dma_wait3A_289, %dma_wait3A_296] : memref<3x4000xi32, #tpu.memory_space<vmem>> -> memref<1x4000xi32, #tpu.memory_space<vmem>>
    %dma_wait3A_298 = tpu.memref_squeeze %dma_wait3A_297 : memref<1x4000xi32, #tpu.memory_space<vmem>> -> memref<4000xi32, #tpu.memory_space<vmem>>
    %dma_wait3A_299 = arith.constant 0 : i32
    %dma_wait3A_300 = tpu.memref_slice %arg5[%min3A_275, %dma_wait3A_299] : memref<1600x4000xi32, #tpu.memory_space<hbm>> -> memref<1x4000xi32, #tpu.memory_space<hbm>>
    %dma_wait3A_301 = tpu.memref_squeeze %dma_wait3A_300 : memref<1x4000xi32, #tpu.memory_space<hbm>> -> memref<4000xi32, #tpu.memory_space<hbm>>
    tpu.wait_dma2 semaphore(%arg22 : memref<!tpu.dma_semaphore, #tpu.memory_space<semaphore_mem>>) src(%dma_wait3A_301 : memref<4000xi32, #tpu.memory_space<hbm>>) dst(%dma_wait3A_298 : memref<4000xi32, #tpu.memory_space<vmem>>)
    %dma_wait3A_302 = arith.constant 0 : i32
    %dma_wait3A_303 = arith.constant 0 : i32
    %dma_wait3A_304 = arith.constant 0 : i32
    %dma_wait3A_305 = tpu.memref_slice %arg19[%dma_wait3A_302, %dma_wait3A_304] : memref<3x4000xf32, #tpu.memory_space<vmem>> -> memref<1x4000xf32, #tpu.memory_space<vmem>>
    %dma_wait3A_306 = tpu.memref_squeeze %dma_wait3A_305 : memref<1x4000xf32, #tpu.memory_space<vmem>> -> memref<4000xf32, #tpu.memory_space<vmem>>
    %dma_wait3A_307 = arith.constant 0 : i32
    %dma_wait3A_308 = tpu.memref_slice %arg18[%dma_wait3A_303, %dma_wait3A_307] : memref<3x4000xi32, #tpu.memory_space<vmem>> -> memref<1x4000xi32, #tpu.memory_space<vmem>>
    %dma_wait3A_309 = tpu.memref_squeeze %dma_wait3A_308 : memref<1x4000xi32, #tpu.memory_space<vmem>> -> memref<4000xi32, #tpu.memory_space<vmem>>
    %dma_wait3A_310 = arith.constant 0 : i32
    %dma_wait3A_311 = tpu.memref_slice %arg13[%dma_wait3A_310] : memref<102400xf32, #tpu.memory_space<vmem_shared>> -> memref<102400xf32, #tpu.memory_space<vmem_shared>>
    tpu.wait_indirect_dma semaphore(%arg24 : memref<!tpu.dma_semaphore, #tpu.memory_space<semaphore_mem>>) src(%dma_wait3A_306 : memref<4000xf32, #tpu.memory_space<vmem>>) dst(%dma_wait3A_311 : memref<102400xf32, #tpu.memory_space<vmem_shared>>)
    %dma_wait3A_312 = arith.constant 0 : i32
    %dma_wait3A_313 = arith.constant 0 : i32
    %dma_wait3A_314 = arith.constant 0 : i32
    %dma_wait3A_315 = tpu.memref_slice %arg20[%dma_wait3A_312, %dma_wait3A_314] : memref<3x4000xf32, #tpu.memory_space<vmem>> -> memref<1x4000xf32, #tpu.memory_space<vmem>>
    %dma_wait3A_316 = tpu.memref_squeeze %dma_wait3A_315 : memref<1x4000xf32, #tpu.memory_space<vmem>> -> memref<4000xf32, #tpu.memory_space<vmem>>
    %dma_wait3A_317 = arith.constant 0 : i32
    %dma_wait3A_318 = tpu.memref_slice %arg18[%dma_wait3A_313, %dma_wait3A_317] : memref<3x4000xi32, #tpu.memory_space<vmem>> -> memref<1x4000xi32, #tpu.memory_space<vmem>>
    %dma_wait3A_319 = tpu.memref_squeeze %dma_wait3A_318 : memref<1x4000xi32, #tpu.memory_space<vmem>> -> memref<4000xi32, #tpu.memory_space<vmem>>
    %dma_wait3A_320 = arith.constant 0 : i32
    %dma_wait3A_321 = tpu.memref_slice %arg14[%dma_wait3A_320] : memref<102400xf32, #tpu.memory_space<vmem_shared>> -> memref<102400xf32, #tpu.memory_space<vmem_shared>>
    tpu.wait_indirect_dma semaphore(%arg24 : memref<!tpu.dma_semaphore, #tpu.memory_space<semaphore_mem>>) src(%dma_wait3A_316 : memref<4000xf32, #tpu.memory_space<vmem>>) dst(%dma_wait3A_321 : memref<102400xf32, #tpu.memory_space<vmem_shared>>)
    %add3A_322 = arith.constant 3 : i32
    %add3A_323 = arith.addi %mul3A_4, %add3A_322 : i32
    %min3A_324 = arith.constant 1599 : i32
    %min3A_325 = arith.minsi %add3A_323, %min3A_324 : i32
    %dma_start3A_326 = arith.constant 0 : i32
    %dma_start3A_327 = arith.constant 0 : i32
    %dma_start3A_328 = tpu.memref_slice %arg17[%dma_start3A_326, %dma_start3A_327] : memref<3x4000xi32, #tpu.memory_space<vmem>> -> memref<1x4000xi32, #tpu.memory_space<vmem>>
    %dma_start3A_329 = tpu.memref_squeeze %dma_start3A_328 : memref<1x4000xi32, #tpu.memory_space<vmem>> -> memref<4000xi32, #tpu.memory_space<vmem>>
    %dma_start3A_330 = arith.constant 0 : i32
    %dma_start3A_331 = tpu.memref_slice %arg4[%min3A_325, %dma_start3A_330] : memref<1600x4000xi32, #tpu.memory_space<hbm>> -> memref<1x4000xi32, #tpu.memory_space<hbm>>
    %dma_start3A_332 = tpu.memref_squeeze %dma_start3A_331 : memref<1x4000xi32, #tpu.memory_space<hbm>> -> memref<4000xi32, #tpu.memory_space<hbm>>
    %dma_start3A_333 = arith.constant 0 : i32
    %dma_start3A_334 = tpu.memref_slice %arg17[%dma_start3A_326, %dma_start3A_333] : memref<3x4000xi32, #tpu.memory_space<vmem>> -> memref<1x4000xi32, #tpu.memory_space<vmem>>
    %dma_start3A_335 = tpu.memref_squeeze %dma_start3A_334 : memref<1x4000xi32, #tpu.memory_space<vmem>> -> memref<4000xi32, #tpu.memory_space<vmem>>
    %dma_start3A_336 = arith.constant 0 : i32
    %dma_start3A_337 = tpu.memref_slice %arg4[%min3A_325, %dma_start3A_336] : memref<1600x4000xi32, #tpu.memory_space<hbm>> -> memref<1x4000xi32, #tpu.memory_space<hbm>>
    %dma_start3A_338 = tpu.memref_squeeze %dma_start3A_337 : memref<1x4000xi32, #tpu.memory_space<hbm>> -> memref<4000xi32, #tpu.memory_space<hbm>>
    tpu.enqueue_dma source(%dma_start3A_338 : memref<4000xi32, #tpu.memory_space<hbm>>) target(%dma_start3A_335 : memref<4000xi32, #tpu.memory_space<vmem>>) target_semaphore(%arg22 : memref<!tpu.dma_semaphore, #tpu.memory_space<semaphore_mem>>)
    %dma_start3A_339 = arith.constant 0 : i32
    %dma_start3A_340 = arith.constant 0 : i32
    %dma_start3A_341 = tpu.memref_slice %arg18[%dma_start3A_339, %dma_start3A_340] : memref<3x4000xi32, #tpu.memory_space<vmem>> -> memref<1x4000xi32, #tpu.memory_space<vmem>>
    %dma_start3A_342 = tpu.memref_squeeze %dma_start3A_341 : memref<1x4000xi32, #tpu.memory_space<vmem>> -> memref<4000xi32, #tpu.memory_space<vmem>>
    %dma_start3A_343 = arith.constant 0 : i32
    %dma_start3A_344 = tpu.memref_slice %arg5[%min3A_325, %dma_start3A_343] : memref<1600x4000xi32, #tpu.memory_space<hbm>> -> memref<1x4000xi32, #tpu.memory_space<hbm>>
    %dma_start3A_345 = tpu.memref_squeeze %dma_start3A_344 : memref<1x4000xi32, #tpu.memory_space<hbm>> -> memref<4000xi32, #tpu.memory_space<hbm>>
    %dma_start3A_346 = arith.constant 0 : i32
    %dma_start3A_347 = tpu.memref_slice %arg18[%dma_start3A_339, %dma_start3A_346] : memref<3x4000xi32, #tpu.memory_space<vmem>> -> memref<1x4000xi32, #tpu.memory_space<vmem>>
    %dma_start3A_348 = tpu.memref_squeeze %dma_start3A_347 : memref<1x4000xi32, #tpu.memory_space<vmem>> -> memref<4000xi32, #tpu.memory_space<vmem>>
    %dma_start3A_349 = arith.constant 0 : i32
    %dma_start3A_350 = tpu.memref_slice %arg5[%min3A_325, %dma_start3A_349] : memref<1600x4000xi32, #tpu.memory_space<hbm>> -> memref<1x4000xi32, #tpu.memory_space<hbm>>
    %dma_start3A_351 = tpu.memref_squeeze %dma_start3A_350 : memref<1x4000xi32, #tpu.memory_space<hbm>> -> memref<4000xi32, #tpu.memory_space<hbm>>
    tpu.enqueue_dma source(%dma_start3A_351 : memref<4000xi32, #tpu.memory_space<hbm>>) target(%dma_start3A_348 : memref<4000xi32, #tpu.memory_space<vmem>>) target_semaphore(%arg22 : memref<!tpu.dma_semaphore, #tpu.memory_space<semaphore_mem>>)
    %dma_start3A_352 = arith.constant 2 : i32
    %dma_start3A_353 = arith.constant 2 : i32
    %dma_start3A_354 = arith.constant 0 : i32
    %dma_start3A_355 = tpu.memref_slice %arg19[%dma_start3A_353, %dma_start3A_354] : memref<3x4000xf32, #tpu.memory_space<vmem>> -> memref<1x4000xf32, #tpu.memory_space<vmem>>
    %dma_start3A_356 = tpu.memref_squeeze %dma_start3A_355 : memref<1x4000xf32, #tpu.memory_space<vmem>> -> memref<4000xf32, #tpu.memory_space<vmem>>
    %dma_start3A_357 = arith.constant 0 : i32
    %dma_start3A_358 = tpu.memref_slice %arg17[%dma_start3A_352, %dma_start3A_357] : memref<3x4000xi32, #tpu.memory_space<vmem>> -> memref<1x4000xi32, #tpu.memory_space<vmem>>
    %dma_start3A_359 = tpu.memref_squeeze %dma_start3A_358 : memref<1x4000xi32, #tpu.memory_space<vmem>> -> memref<4000xi32, #tpu.memory_space<vmem>>
    %dma_start3A_360 = arith.constant 0 : i32
    %dma_start3A_361 = tpu.memref_slice %arg11[%dma_start3A_360] : memref<102400xf32, #tpu.memory_space<vmem_shared>> -> memref<102400xf32, #tpu.memory_space<vmem_shared>>
    tpu.enqueue_indirect_dma source(%dma_start3A_361 : memref<102400xf32, #tpu.memory_space<vmem_shared>>) target(%dma_start3A_356 : memref<4000xf32, #tpu.memory_space<vmem>>) offsets(%dma_start3A_359 : memref<4000xi32, #tpu.memory_space<vmem>>) semaphore(%arg23 : memref<!tpu.dma_semaphore, #tpu.memory_space<semaphore_mem>>)
    %dma_start3A_362 = arith.constant 2 : i32
    %dma_start3A_363 = arith.constant 2 : i32
    %dma_start3A_364 = arith.constant 0 : i32
    %dma_start3A_365 = tpu.memref_slice %arg20[%dma_start3A_363, %dma_start3A_364] : memref<3x4000xf32, #tpu.memory_space<vmem>> -> memref<1x4000xf32, #tpu.memory_space<vmem>>
    %dma_start3A_366 = tpu.memref_squeeze %dma_start3A_365 : memref<1x4000xf32, #tpu.memory_space<vmem>> -> memref<4000xf32, #tpu.memory_space<vmem>>
    %dma_start3A_367 = arith.constant 0 : i32
    %dma_start3A_368 = tpu.memref_slice %arg17[%dma_start3A_362, %dma_start3A_367] : memref<3x4000xi32, #tpu.memory_space<vmem>> -> memref<1x4000xi32, #tpu.memory_space<vmem>>
    %dma_start3A_369 = tpu.memref_squeeze %dma_start3A_368 : memref<1x4000xi32, #tpu.memory_space<vmem>> -> memref<4000xi32, #tpu.memory_space<vmem>>
    %dma_start3A_370 = arith.constant 0 : i32
    %dma_start3A_371 = tpu.memref_slice %arg12[%dma_start3A_370] : memref<102400xf32, #tpu.memory_space<vmem_shared>> -> memref<102400xf32, #tpu.memory_space<vmem_shared>>
    tpu.enqueue_indirect_dma source(%dma_start3A_371 : memref<102400xf32, #tpu.memory_space<vmem_shared>>) target(%dma_start3A_366 : memref<4000xf32, #tpu.memory_space<vmem>>) offsets(%dma_start3A_369 : memref<4000xi32, #tpu.memory_space<vmem>>) semaphore(%arg23 : memref<!tpu.dma_semaphore, #tpu.memory_space<semaphore_mem>>)
    %dma_wait3A_372 = arith.constant 2 : i32
    %dma_wait3A_373 = arith.constant 2 : i32
    %dma_wait3A_374 = arith.constant 0 : i32
    %dma_wait3A_375 = tpu.memref_slice %arg19[%dma_wait3A_373, %dma_wait3A_374] : memref<3x4000xf32, #tpu.memory_space<vmem>> -> memref<1x4000xf32, #tpu.memory_space<vmem>>
    %dma_wait3A_376 = tpu.memref_squeeze %dma_wait3A_375 : memref<1x4000xf32, #tpu.memory_space<vmem>> -> memref<4000xf32, #tpu.memory_space<vmem>>
    %dma_wait3A_377 = arith.constant 0 : i32
    %dma_wait3A_378 = tpu.memref_slice %arg17[%dma_wait3A_372, %dma_wait3A_377] : memref<3x4000xi32, #tpu.memory_space<vmem>> -> memref<1x4000xi32, #tpu.memory_space<vmem>>
    %dma_wait3A_379 = tpu.memref_squeeze %dma_wait3A_378 : memref<1x4000xi32, #tpu.memory_space<vmem>> -> memref<4000xi32, #tpu.memory_space<vmem>>
    %dma_wait3A_380 = arith.constant 0 : i32
    %dma_wait3A_381 = tpu.memref_slice %arg11[%dma_wait3A_380] : memref<102400xf32, #tpu.memory_space<vmem_shared>> -> memref<102400xf32, #tpu.memory_space<vmem_shared>>
    tpu.wait_indirect_dma semaphore(%arg23 : memref<!tpu.dma_semaphore, #tpu.memory_space<semaphore_mem>>) src(%dma_wait3A_381 : memref<102400xf32, #tpu.memory_space<vmem_shared>>) dst(%dma_wait3A_376 : memref<4000xf32, #tpu.memory_space<vmem>>)
    %dma_wait3A_382 = arith.constant 2 : i32
    %dma_wait3A_383 = arith.constant 2 : i32
    %dma_wait3A_384 = arith.constant 0 : i32
    %dma_wait3A_385 = tpu.memref_slice %arg20[%dma_wait3A_383, %dma_wait3A_384] : memref<3x4000xf32, #tpu.memory_space<vmem>> -> memref<1x4000xf32, #tpu.memory_space<vmem>>
    %dma_wait3A_386 = tpu.memref_squeeze %dma_wait3A_385 : memref<1x4000xf32, #tpu.memory_space<vmem>> -> memref<4000xf32, #tpu.memory_space<vmem>>
    %dma_wait3A_387 = arith.constant 0 : i32
    %dma_wait3A_388 = tpu.memref_slice %arg17[%dma_wait3A_382, %dma_wait3A_387] : memref<3x4000xi32, #tpu.memory_space<vmem>> -> memref<1x4000xi32, #tpu.memory_space<vmem>>
    %dma_wait3A_389 = tpu.memref_squeeze %dma_wait3A_388 : memref<1x4000xi32, #tpu.memory_space<vmem>> -> memref<4000xi32, #tpu.memory_space<vmem>>
    %dma_wait3A_390 = arith.constant 0 : i32
    %dma_wait3A_391 = tpu.memref_slice %arg12[%dma_wait3A_390] : memref<102400xf32, #tpu.memory_space<vmem_shared>> -> memref<102400xf32, #tpu.memory_space<vmem_shared>>
    tpu.wait_indirect_dma semaphore(%arg23 : memref<!tpu.dma_semaphore, #tpu.memory_space<semaphore_mem>>) src(%dma_wait3A_391 : memref<102400xf32, #tpu.memory_space<vmem_shared>>) dst(%dma_wait3A_386 : memref<4000xf32, #tpu.memory_space<vmem>>)
    %dma_start3A_392 = arith.constant 2 : i32
    %dma_start3A_393 = arith.constant 2 : i32
    %dma_start3A_394 = arith.constant 0 : i32
    %dma_start3A_395 = tpu.memref_slice %arg19[%dma_start3A_392, %dma_start3A_394] : memref<3x4000xf32, #tpu.memory_space<vmem>> -> memref<1x4000xf32, #tpu.memory_space<vmem>>
    %dma_start3A_396 = tpu.memref_squeeze %dma_start3A_395 : memref<1x4000xf32, #tpu.memory_space<vmem>> -> memref<4000xf32, #tpu.memory_space<vmem>>
    %dma_start3A_397 = arith.constant 0 : i32
    %dma_start3A_398 = tpu.memref_slice %arg18[%dma_start3A_393, %dma_start3A_397] : memref<3x4000xi32, #tpu.memory_space<vmem>> -> memref<1x4000xi32, #tpu.memory_space<vmem>>
    %dma_start3A_399 = tpu.memref_squeeze %dma_start3A_398 : memref<1x4000xi32, #tpu.memory_space<vmem>> -> memref<4000xi32, #tpu.memory_space<vmem>>
    %dma_start3A_400 = arith.constant 0 : i32
    %dma_start3A_401 = tpu.memref_slice %arg13[%dma_start3A_400] : memref<102400xf32, #tpu.memory_space<vmem_shared>> -> memref<102400xf32, #tpu.memory_space<vmem_shared>>
    tpu.enqueue_indirect_dma source(%dma_start3A_396 : memref<4000xf32, #tpu.memory_space<vmem>>) target(%dma_start3A_401 : memref<102400xf32, #tpu.memory_space<vmem_shared>>) offsets(%dma_start3A_399 : memref<4000xi32, #tpu.memory_space<vmem>>) semaphore(%arg26 : memref<!tpu.dma_semaphore, #tpu.memory_space<semaphore_mem>>) {add = true}
    %dma_start3A_402 = arith.constant 2 : i32
    %dma_start3A_403 = arith.constant 2 : i32
    %dma_start3A_404 = arith.constant 0 : i32
    %dma_start3A_405 = tpu.memref_slice %arg20[%dma_start3A_402, %dma_start3A_404] : memref<3x4000xf32, #tpu.memory_space<vmem>> -> memref<1x4000xf32, #tpu.memory_space<vmem>>
    %dma_start3A_406 = tpu.memref_squeeze %dma_start3A_405 : memref<1x4000xf32, #tpu.memory_space<vmem>> -> memref<4000xf32, #tpu.memory_space<vmem>>
    %dma_start3A_407 = arith.constant 0 : i32
    %dma_start3A_408 = tpu.memref_slice %arg18[%dma_start3A_403, %dma_start3A_407] : memref<3x4000xi32, #tpu.memory_space<vmem>> -> memref<1x4000xi32, #tpu.memory_space<vmem>>
    %dma_start3A_409 = tpu.memref_squeeze %dma_start3A_408 : memref<1x4000xi32, #tpu.memory_space<vmem>> -> memref<4000xi32, #tpu.memory_space<vmem>>
    %dma_start3A_410 = arith.constant 0 : i32
    %dma_start3A_411 = tpu.memref_slice %arg14[%dma_start3A_410] : memref<102400xf32, #tpu.memory_space<vmem_shared>> -> memref<102400xf32, #tpu.memory_space<vmem_shared>>
    tpu.enqueue_indirect_dma source(%dma_start3A_406 : memref<4000xf32, #tpu.memory_space<vmem>>) target(%dma_start3A_411 : memref<102400xf32, #tpu.memory_space<vmem_shared>>) offsets(%dma_start3A_409 : memref<4000xi32, #tpu.memory_space<vmem>>) semaphore(%arg26 : memref<!tpu.dma_semaphore, #tpu.memory_space<semaphore_mem>>) {add = true}
    %scan3A = arith.constant 0 : i32
    %scan3A_412 = arith.constant 1 : i32
    %scan3A_413 = arith.constant 15 : i32
    %scan3A_414 = arith.addi %scan3A_412, %scan3A_413 : i32
    %scan3A_415 = arith.constant 1 : i32
    scf.for %scan3A_1539 = %scan3A_412 to %scan3A_414 step %scan3A_415  : i32 {
      %mul3A_1540 = arith.constant 3 : i32
      %mul3A_1541 = arith.muli %mul3A_1540, %scan3A_1539 : i32
      %add3A_1542 = arith.constant 0 : i32
      %add3A_1543 = arith.addi %mul3A_1541, %add3A_1542 : i32
      %add3A_1544 = arith.addi %mul3A_4, %add3A_1543 : i32
      %min3A_1545 = arith.constant 1599 : i32
      %min3A_1546 = arith.minsi %add3A_1544, %min3A_1545 : i32
      %dma_wait3A_1547 = arith.constant 0 : i32
      %dma_wait3A_1548 = arith.constant 0 : i32
      %dma_wait3A_1549 = tpu.memref_slice %arg17[%dma_wait3A_1547, %dma_wait3A_1548] : memref<3x4000xi32, #tpu.memory_space<vmem>> -> memref<1x4000xi32, #tpu.memory_space<vmem>>
      %dma_wait3A_1550 = tpu.memref_squeeze %dma_wait3A_1549 : memref<1x4000xi32, #tpu.memory_space<vmem>> -> memref<4000xi32, #tpu.memory_space<vmem>>
      %dma_wait3A_1551 = arith.constant 0 : i32
      %dma_wait3A_1552 = tpu.memref_slice %arg4[%min3A_1546, %dma_wait3A_1551] : memref<1600x4000xi32, #tpu.memory_space<hbm>> -> memref<1x4000xi32, #tpu.memory_space<hbm>>
      %dma_wait3A_1553 = tpu.memref_squeeze %dma_wait3A_1552 : memref<1x4000xi32, #tpu.memory_space<hbm>> -> memref<4000xi32, #tpu.memory_space<hbm>>
      %dma_wait3A_1554 = arith.constant 0 : i32
      %dma_wait3A_1555 = tpu.memref_slice %arg17[%dma_wait3A_1547, %dma_wait3A_1554] : memref<3x4000xi32, #tpu.memory_space<vmem>> -> memref<1x4000xi32, #tpu.memory_space<vmem>>
      %dma_wait3A_1556 = tpu.memref_squeeze %dma_wait3A_1555 : memref<1x4000xi32, #tpu.memory_space<vmem>> -> memref<4000xi32, #tpu.memory_space<vmem>>
      %dma_wait3A_1557 = arith.constant 0 : i32
      %dma_wait3A_1558 = tpu.memref_slice %arg4[%min3A_1546, %dma_wait3A_1557] : memref<1600x4000xi32, #tpu.memory_space<hbm>> -> memref<1x4000xi32, #tpu.memory_space<hbm>>
      %dma_wait3A_1559 = tpu.memref_squeeze %dma_wait3A_1558 : memref<1x4000xi32, #tpu.memory_space<hbm>> -> memref<4000xi32, #tpu.memory_space<hbm>>
      tpu.wait_dma2 semaphore(%arg22 : memref<!tpu.dma_semaphore, #tpu.memory_space<semaphore_mem>>) src(%dma_wait3A_1559 : memref<4000xi32, #tpu.memory_space<hbm>>) dst(%dma_wait3A_1556 : memref<4000xi32, #tpu.memory_space<vmem>>)
      %dma_wait3A_1560 = arith.constant 0 : i32
      %dma_wait3A_1561 = arith.constant 0 : i32
      %dma_wait3A_1562 = tpu.memref_slice %arg18[%dma_wait3A_1560, %dma_wait3A_1561] : memref<3x4000xi32, #tpu.memory_space<vmem>> -> memref<1x4000xi32, #tpu.memory_space<vmem>>
      %dma_wait3A_1563 = tpu.memref_squeeze %dma_wait3A_1562 : memref<1x4000xi32, #tpu.memory_space<vmem>> -> memref<4000xi32, #tpu.memory_space<vmem>>
      %dma_wait3A_1564 = arith.constant 0 : i32
      %dma_wait3A_1565 = tpu.memref_slice %arg5[%min3A_1546, %dma_wait3A_1564] : memref<1600x4000xi32, #tpu.memory_space<hbm>> -> memref<1x4000xi32, #tpu.memory_space<hbm>>
      %dma_wait3A_1566 = tpu.memref_squeeze %dma_wait3A_1565 : memref<1x4000xi32, #tpu.memory_space<hbm>> -> memref<4000xi32, #tpu.memory_space<hbm>>
      %dma_wait3A_1567 = arith.constant 0 : i32
      %dma_wait3A_1568 = tpu.memref_slice %arg18[%dma_wait3A_1560, %dma_wait3A_1567] : memref<3x4000xi32, #tpu.memory_space<vmem>> -> memref<1x4000xi32, #tpu.memory_space<vmem>>
      %dma_wait3A_1569 = tpu.memref_squeeze %dma_wait3A_1568 : memref<1x4000xi32, #tpu.memory_space<vmem>> -> memref<4000xi32, #tpu.memory_space<vmem>>
      %dma_wait3A_1570 = arith.constant 0 : i32
      %dma_wait3A_1571 = tpu.memref_slice %arg5[%min3A_1546, %dma_wait3A_1570] : memref<1600x4000xi32, #tpu.memory_space<hbm>> -> memref<1x4000xi32, #tpu.memory_space<hbm>>
      %dma_wait3A_1572 = tpu.memref_squeeze %dma_wait3A_1571 : memref<1x4000xi32, #tpu.memory_space<hbm>> -> memref<4000xi32, #tpu.memory_space<hbm>>
      tpu.wait_dma2 semaphore(%arg22 : memref<!tpu.dma_semaphore, #tpu.memory_space<semaphore_mem>>) src(%dma_wait3A_1572 : memref<4000xi32, #tpu.memory_space<hbm>>) dst(%dma_wait3A_1569 : memref<4000xi32, #tpu.memory_space<vmem>>)
      %dma_wait3A_1573 = arith.constant 1 : i32
      %dma_wait3A_1574 = arith.constant 1 : i32
      %dma_wait3A_1575 = arith.constant 0 : i32
      %dma_wait3A_1576 = tpu.memref_slice %arg19[%dma_wait3A_1573, %dma_wait3A_1575] : memref<3x4000xf32, #tpu.memory_space<vmem>> -> memref<1x4000xf32, #tpu.memory_space<vmem>>
      %dma_wait3A_1577 = tpu.memref_squeeze %dma_wait3A_1576 : memref<1x4000xf32, #tpu.memory_space<vmem>> -> memref<4000xf32, #tpu.memory_space<vmem>>
      %dma_wait3A_1578 = arith.constant 0 : i32
      %dma_wait3A_1579 = tpu.memref_slice %arg18[%dma_wait3A_1574, %dma_wait3A_1578] : memref<3x4000xi32, #tpu.memory_space<vmem>> -> memref<1x4000xi32, #tpu.memory_space<vmem>>
      %dma_wait3A_1580 = tpu.memref_squeeze %dma_wait3A_1579 : memref<1x4000xi32, #tpu.memory_space<vmem>> -> memref<4000xi32, #tpu.memory_space<vmem>>
      %dma_wait3A_1581 = arith.constant 0 : i32
      %dma_wait3A_1582 = tpu.memref_slice %arg13[%dma_wait3A_1581] : memref<102400xf32, #tpu.memory_space<vmem_shared>> -> memref<102400xf32, #tpu.memory_space<vmem_shared>>
      tpu.wait_indirect_dma semaphore(%arg25 : memref<!tpu.dma_semaphore, #tpu.memory_space<semaphore_mem>>) src(%dma_wait3A_1577 : memref<4000xf32, #tpu.memory_space<vmem>>) dst(%dma_wait3A_1582 : memref<102400xf32, #tpu.memory_space<vmem_shared>>)
      %dma_wait3A_1583 = arith.constant 1 : i32
      %dma_wait3A_1584 = arith.constant 1 : i32
      %dma_wait3A_1585 = arith.constant 0 : i32
      %dma_wait3A_1586 = tpu.memref_slice %arg20[%dma_wait3A_1583, %dma_wait3A_1585] : memref<3x4000xf32, #tpu.memory_space<vmem>> -> memref<1x4000xf32, #tpu.memory_space<vmem>>
      %dma_wait3A_1587 = tpu.memref_squeeze %dma_wait3A_1586 : memref<1x4000xf32, #tpu.memory_space<vmem>> -> memref<4000xf32, #tpu.memory_space<vmem>>
      %dma_wait3A_1588 = arith.constant 0 : i32
      %dma_wait3A_1589 = tpu.memref_slice %arg18[%dma_wait3A_1584, %dma_wait3A_1588] : memref<3x4000xi32, #tpu.memory_space<vmem>> -> memref<1x4000xi32, #tpu.memory_space<vmem>>
      %dma_wait3A_1590 = tpu.memref_squeeze %dma_wait3A_1589 : memref<1x4000xi32, #tpu.memory_space<vmem>> -> memref<4000xi32, #tpu.memory_space<vmem>>
      %dma_wait3A_1591 = arith.constant 0 : i32
      %dma_wait3A_1592 = tpu.memref_slice %arg14[%dma_wait3A_1591] : memref<102400xf32, #tpu.memory_space<vmem_shared>> -> memref<102400xf32, #tpu.memory_space<vmem_shared>>
      tpu.wait_indirect_dma semaphore(%arg25 : memref<!tpu.dma_semaphore, #tpu.memory_space<semaphore_mem>>) src(%dma_wait3A_1587 : memref<4000xf32, #tpu.memory_space<vmem>>) dst(%dma_wait3A_1592 : memref<102400xf32, #tpu.memory_space<vmem_shared>>)
      %add3A_1593 = arith.constant 1 : i32
      %add3A_1594 = arith.addi %add3A_1543, %add3A_1593 : i32
      %add3A_1595 = arith.addi %mul3A_4, %add3A_1594 : i32
      %min3A_1596 = arith.constant 1599 : i32
      %min3A_1597 = arith.minsi %add3A_1595, %min3A_1596 : i32
      %dma_start3A_1598 = arith.constant 1 : i32
      %dma_start3A_1599 = arith.constant 0 : i32
      %dma_start3A_1600 = tpu.memref_slice %arg17[%dma_start3A_1598, %dma_start3A_1599] : memref<3x4000xi32, #tpu.memory_space<vmem>> -> memref<1x4000xi32, #tpu.memory_space<vmem>>
      %dma_start3A_1601 = tpu.memref_squeeze %dma_start3A_1600 : memref<1x4000xi32, #tpu.memory_space<vmem>> -> memref<4000xi32, #tpu.memory_space<vmem>>
      %dma_start3A_1602 = arith.constant 0 : i32
      %dma_start3A_1603 = tpu.memref_slice %arg4[%min3A_1597, %dma_start3A_1602] : memref<1600x4000xi32, #tpu.memory_space<hbm>> -> memref<1x4000xi32, #tpu.memory_space<hbm>>
      %dma_start3A_1604 = tpu.memref_squeeze %dma_start3A_1603 : memref<1x4000xi32, #tpu.memory_space<hbm>> -> memref<4000xi32, #tpu.memory_space<hbm>>
      %dma_start3A_1605 = arith.constant 0 : i32
      %dma_start3A_1606 = tpu.memref_slice %arg17[%dma_start3A_1598, %dma_start3A_1605] : memref<3x4000xi32, #tpu.memory_space<vmem>> -> memref<1x4000xi32, #tpu.memory_space<vmem>>
      %dma_start3A_1607 = tpu.memref_squeeze %dma_start3A_1606 : memref<1x4000xi32, #tpu.memory_space<vmem>> -> memref<4000xi32, #tpu.memory_space<vmem>>
      %dma_start3A_1608 = arith.constant 0 : i32
      %dma_start3A_1609 = tpu.memref_slice %arg4[%min3A_1597, %dma_start3A_1608] : memref<1600x4000xi32, #tpu.memory_space<hbm>> -> memref<1x4000xi32, #tpu.memory_space<hbm>>
      %dma_start3A_1610 = tpu.memref_squeeze %dma_start3A_1609 : memref<1x4000xi32, #tpu.memory_space<hbm>> -> memref<4000xi32, #tpu.memory_space<hbm>>
      tpu.enqueue_dma source(%dma_start3A_1610 : memref<4000xi32, #tpu.memory_space<hbm>>) target(%dma_start3A_1607 : memref<4000xi32, #tpu.memory_space<vmem>>) target_semaphore(%arg22 : memref<!tpu.dma_semaphore, #tpu.memory_space<semaphore_mem>>)
      %dma_start3A_1611 = arith.constant 1 : i32
      %dma_start3A_1612 = arith.constant 0 : i32
      %dma_start3A_1613 = tpu.memref_slice %arg18[%dma_start3A_1611, %dma_start3A_1612] : memref<3x4000xi32, #tpu.memory_space<vmem>> -> memref<1x4000xi32, #tpu.memory_space<vmem>>
      %dma_start3A_1614 = tpu.memref_squeeze %dma_start3A_1613 : memref<1x4000xi32, #tpu.memory_space<vmem>> -> memref<4000xi32, #tpu.memory_space<vmem>>
      %dma_start3A_1615 = arith.constant 0 : i32
      %dma_start3A_1616 = tpu.memref_slice %arg5[%min3A_1597, %dma_start3A_1615] : memref<1600x4000xi32, #tpu.memory_space<hbm>> -> memref<1x4000xi32, #tpu.memory_space<hbm>>
      %dma_start3A_1617 = tpu.memref_squeeze %dma_start3A_1616 : memref<1x4000xi32, #tpu.memory_space<hbm>> -> memref<4000xi32, #tpu.memory_space<hbm>>
      %dma_start3A_1618 = arith.constant 0 : i32
      %dma_start3A_1619 = tpu.memref_slice %arg18[%dma_start3A_1611, %dma_start3A_1618] : memref<3x4000xi32, #tpu.memory_space<vmem>> -> memref<1x4000xi32, #tpu.memory_space<vmem>>
      %dma_start3A_1620 = tpu.memref_squeeze %dma_start3A_1619 : memref<1x4000xi32, #tpu.memory_space<vmem>> -> memref<4000xi32, #tpu.memory_space<vmem>>
      %dma_start3A_1621 = arith.constant 0 : i32
      %dma_start3A_1622 = tpu.memref_slice %arg5[%min3A_1597, %dma_start3A_1621] : memref<1600x4000xi32, #tpu.memory_space<hbm>> -> memref<1x4000xi32, #tpu.memory_space<hbm>>
      %dma_start3A_1623 = tpu.memref_squeeze %dma_start3A_1622 : memref<1x4000xi32, #tpu.memory_space<hbm>> -> memref<4000xi32, #tpu.memory_space<hbm>>
      tpu.enqueue_dma source(%dma_start3A_1623 : memref<4000xi32, #tpu.memory_space<hbm>>) target(%dma_start3A_1620 : memref<4000xi32, #tpu.memory_space<vmem>>) target_semaphore(%arg22 : memref<!tpu.dma_semaphore, #tpu.memory_space<semaphore_mem>>)
      %dma_start3A_1624 = arith.constant 0 : i32
      %dma_start3A_1625 = arith.constant 0 : i32
      %dma_start3A_1626 = arith.constant 0 : i32
      %dma_start3A_1627 = tpu.memref_slice %arg19[%dma_start3A_1625, %dma_start3A_1626] : memref<3x4000xf32, #tpu.memory_space<vmem>> -> memref<1x4000xf32, #tpu.memory_space<vmem>>
      %dma_start3A_1628 = tpu.memref_squeeze %dma_start3A_1627 : memref<1x4000xf32, #tpu.memory_space<vmem>> -> memref<4000xf32, #tpu.memory_space<vmem>>
      %dma_start3A_1629 = arith.constant 0 : i32
      %dma_start3A_1630 = tpu.memref_slice %arg17[%dma_start3A_1624, %dma_start3A_1629] : memref<3x4000xi32, #tpu.memory_space<vmem>> -> memref<1x4000xi32, #tpu.memory_space<vmem>>
      %dma_start3A_1631 = tpu.memref_squeeze %dma_start3A_1630 : memref<1x4000xi32, #tpu.memory_space<vmem>> -> memref<4000xi32, #tpu.memory_space<vmem>>
      %dma_start3A_1632 = arith.constant 0 : i32
      %dma_start3A_1633 = tpu.memref_slice %arg11[%dma_start3A_1632] : memref<102400xf32, #tpu.memory_space<vmem_shared>> -> memref<102400xf32, #tpu.memory_space<vmem_shared>>
      tpu.enqueue_indirect_dma source(%dma_start3A_1633 : memref<102400xf32, #tpu.memory_space<vmem_shared>>) target(%dma_start3A_1628 : memref<4000xf32, #tpu.memory_space<vmem>>) offsets(%dma_start3A_1631 : memref<4000xi32, #tpu.memory_space<vmem>>) semaphore(%arg23 : memref<!tpu.dma_semaphore, #tpu.memory_space<semaphore_mem>>)
      %dma_start3A_1634 = arith.constant 0 : i32
      %dma_start3A_1635 = arith.constant 0 : i32
      %dma_start3A_1636 = arith.constant 0 : i32
      %dma_start3A_1637 = tpu.memref_slice %arg20[%dma_start3A_1635, %dma_start3A_1636] : memref<3x4000xf32, #tpu.memory_space<vmem>> -> memref<1x4000xf32, #tpu.memory_space<vmem>>
      %dma_start3A_1638 = tpu.memref_squeeze %dma_start3A_1637 : memref<1x4000xf32, #tpu.memory_space<vmem>> -> memref<4000xf32, #tpu.memory_space<vmem>>
      %dma_start3A_1639 = arith.constant 0 : i32
      %dma_start3A_1640 = tpu.memref_slice %arg17[%dma_start3A_1634, %dma_start3A_1639] : memref<3x4000xi32, #tpu.memory_space<vmem>> -> memref<1x4000xi32, #tpu.memory_space<vmem>>
      %dma_start3A_1641 = tpu.memref_squeeze %dma_start3A_1640 : memref<1x4000xi32, #tpu.memory_space<vmem>> -> memref<4000xi32, #tpu.memory_space<vmem>>
      %dma_start3A_1642 = arith.constant 0 : i32
      %dma_start3A_1643 = tpu.memref_slice %arg12[%dma_start3A_1642] : memref<102400xf32, #tpu.memory_space<vmem_shared>> -> memref<102400xf32, #tpu.memory_space<vmem_shared>>
      tpu.enqueue_indirect_dma source(%dma_start3A_1643 : memref<102400xf32, #tpu.memory_space<vmem_shared>>) target(%dma_start3A_1638 : memref<4000xf32, #tpu.memory_space<vmem>>) offsets(%dma_start3A_1641 : memref<4000xi32, #tpu.memory_space<vmem>>) semaphore(%arg23 : memref<!tpu.dma_semaphore, #tpu.memory_space<semaphore_mem>>)
      %dma_wait3A_1644 = arith.constant 0 : i32
      %dma_wait3A_1645 = arith.constant 0 : i32
      %dma_wait3A_1646 = arith.constant 0 : i32
      %dma_wait3A_1647 = tpu.memref_slice %arg19[%dma_wait3A_1645, %dma_wait3A_1646] : memref<3x4000xf32, #tpu.memory_space<vmem>> -> memref<1x4000xf32, #tpu.memory_space<vmem>>
      %dma_wait3A_1648 = tpu.memref_squeeze %dma_wait3A_1647 : memref<1x4000xf32, #tpu.memory_space<vmem>> -> memref<4000xf32, #tpu.memory_space<vmem>>
      %dma_wait3A_1649 = arith.constant 0 : i32
      %dma_wait3A_1650 = tpu.memref_slice %arg17[%dma_wait3A_1644, %dma_wait3A_1649] : memref<3x4000xi32, #tpu.memory_space<vmem>> -> memref<1x4000xi32, #tpu.memory_space<vmem>>
      %dma_wait3A_1651 = tpu.memref_squeeze %dma_wait3A_1650 : memref<1x4000xi32, #tpu.memory_space<vmem>> -> memref<4000xi32, #tpu.memory_space<vmem>>
      %dma_wait3A_1652 = arith.constant 0 : i32
      %dma_wait3A_1653 = tpu.memref_slice %arg11[%dma_wait3A_1652] : memref<102400xf32, #tpu.memory_space<vmem_shared>> -> memref<102400xf32, #tpu.memory_space<vmem_shared>>
      tpu.wait_indirect_dma semaphore(%arg23 : memref<!tpu.dma_semaphore, #tpu.memory_space<semaphore_mem>>) src(%dma_wait3A_1653 : memref<102400xf32, #tpu.memory_space<vmem_shared>>) dst(%dma_wait3A_1648 : memref<4000xf32, #tpu.memory_space<vmem>>)
      %dma_wait3A_1654 = arith.constant 0 : i32
      %dma_wait3A_1655 = arith.constant 0 : i32
      %dma_wait3A_1656 = arith.constant 0 : i32
      %dma_wait3A_1657 = tpu.memref_slice %arg20[%dma_wait3A_1655, %dma_wait3A_1656] : memref<3x4000xf32, #tpu.memory_space<vmem>> -> memref<1x4000xf32, #tpu.memory_space<vmem>>
      %dma_wait3A_1658 = tpu.memref_squeeze %dma_wait3A_1657 : memref<1x4000xf32, #tpu.memory_space<vmem>> -> memref<4000xf32, #tpu.memory_space<vmem>>
      %dma_wait3A_1659 = arith.constant 0 : i32
      %dma_wait3A_1660 = tpu.memref_slice %arg17[%dma_wait3A_1654, %dma_wait3A_1659] : memref<3x4000xi32, #tpu.memory_space<vmem>> -> memref<1x4000xi32, #tpu.memory_space<vmem>>
      %dma_wait3A_1661 = tpu.memref_squeeze %dma_wait3A_1660 : memref<1x4000xi32, #tpu.memory_space<vmem>> -> memref<4000xi32, #tpu.memory_space<vmem>>
      %dma_wait3A_1662 = arith.constant 0 : i32
      %dma_wait3A_1663 = tpu.memref_slice %arg12[%dma_wait3A_1662] : memref<102400xf32, #tpu.memory_space<vmem_shared>> -> memref<102400xf32, #tpu.memory_space<vmem_shared>>
      tpu.wait_indirect_dma semaphore(%arg23 : memref<!tpu.dma_semaphore, #tpu.memory_space<semaphore_mem>>) src(%dma_wait3A_1663 : memref<102400xf32, #tpu.memory_space<vmem_shared>>) dst(%dma_wait3A_1658 : memref<4000xf32, #tpu.memory_space<vmem>>)
      %dma_start3A_1664 = arith.constant 0 : i32
      %dma_start3A_1665 = arith.constant 0 : i32
      %dma_start3A_1666 = arith.constant 0 : i32
      %dma_start3A_1667 = tpu.memref_slice %arg19[%dma_start3A_1664, %dma_start3A_1666] : memref<3x4000xf32, #tpu.memory_space<vmem>> -> memref<1x4000xf32, #tpu.memory_space<vmem>>
      %dma_start3A_1668 = tpu.memref_squeeze %dma_start3A_1667 : memref<1x4000xf32, #tpu.memory_space<vmem>> -> memref<4000xf32, #tpu.memory_space<vmem>>
      %dma_start3A_1669 = arith.constant 0 : i32
      %dma_start3A_1670 = tpu.memref_slice %arg18[%dma_start3A_1665, %dma_start3A_1669] : memref<3x4000xi32, #tpu.memory_space<vmem>> -> memref<1x4000xi32, #tpu.memory_space<vmem>>
      %dma_start3A_1671 = tpu.memref_squeeze %dma_start3A_1670 : memref<1x4000xi32, #tpu.memory_space<vmem>> -> memref<4000xi32, #tpu.memory_space<vmem>>
      %dma_start3A_1672 = arith.constant 0 : i32
      %dma_start3A_1673 = tpu.memref_slice %arg13[%dma_start3A_1672] : memref<102400xf32, #tpu.memory_space<vmem_shared>> -> memref<102400xf32, #tpu.memory_space<vmem_shared>>
      tpu.enqueue_indirect_dma source(%dma_start3A_1668 : memref<4000xf32, #tpu.memory_space<vmem>>) target(%dma_start3A_1673 : memref<102400xf32, #tpu.memory_space<vmem_shared>>) offsets(%dma_start3A_1671 : memref<4000xi32, #tpu.memory_space<vmem>>) semaphore(%arg24 : memref<!tpu.dma_semaphore, #tpu.memory_space<semaphore_mem>>) {add = true}
      %dma_start3A_1674 = arith.constant 0 : i32
      %dma_start3A_1675 = arith.constant 0 : i32
      %dma_start3A_1676 = arith.constant 0 : i32
      %dma_start3A_1677 = tpu.memref_slice %arg20[%dma_start3A_1674, %dma_start3A_1676] : memref<3x4000xf32, #tpu.memory_space<vmem>> -> memref<1x4000xf32, #tpu.memory_space<vmem>>
      %dma_start3A_1678 = tpu.memref_squeeze %dma_start3A_1677 : memref<1x4000xf32, #tpu.memory_space<vmem>> -> memref<4000xf32, #tpu.memory_space<vmem>>
      %dma_start3A_1679 = arith.constant 0 : i32
      %dma_start3A_1680 = tpu.memref_slice %arg18[%dma_start3A_1675, %dma_start3A_1679] : memref<3x4000xi32, #tpu.memory_space<vmem>> -> memref<1x4000xi32, #tpu.memory_space<vmem>>
      %dma_start3A_1681 = tpu.memref_squeeze %dma_start3A_1680 : memref<1x4000xi32, #tpu.memory_space<vmem>> -> memref<4000xi32, #tpu.memory_space<vmem>>
      %dma_start3A_1682 = arith.constant 0 : i32
      %dma_start3A_1683 = tpu.memref_slice %arg14[%dma_start3A_1682] : memref<102400xf32, #tpu.memory_space<vmem_shared>> -> memref<102400xf32, #tpu.memory_space<vmem_shared>>
      tpu.enqueue_indirect_dma source(%dma_start3A_1678 : memref<4000xf32, #tpu.memory_space<vmem>>) target(%dma_start3A_1683 : memref<102400xf32, #tpu.memory_space<vmem_shared>>) offsets(%dma_start3A_1681 : memref<4000xi32, #tpu.memory_space<vmem>>) semaphore(%arg24 : memref<!tpu.dma_semaphore, #tpu.memory_space<semaphore_mem>>) {add = true}
      %mul3A_1684 = arith.constant 3 : i32
      %mul3A_1685 = arith.muli %mul3A_1684, %scan3A_1539 : i32
      %add3A_1686 = arith.constant 1 : i32
      %add3A_1687 = arith.addi %mul3A_1685, %add3A_1686 : i32
      %add3A_1688 = arith.addi %mul3A_4, %add3A_1687 : i32
      %min3A_1689 = arith.constant 1599 : i32
      %min3A_1690 = arith.minsi %add3A_1688, %min3A_1689 : i32
      %dma_wait3A_1691 = arith.constant 1 : i32
      %dma_wait3A_1692 = arith.constant 0 : i32
      %dma_wait3A_1693 = tpu.memref_slice %arg17[%dma_wait3A_1691, %dma_wait3A_1692] : memref<3x4000xi32, #tpu.memory_space<vmem>> -> memref<1x4000xi32, #tpu.memory_space<vmem>>
      %dma_wait3A_1694 = tpu.memref_squeeze %dma_wait3A_1693 : memref<1x4000xi32, #tpu.memory_space<vmem>> -> memref<4000xi32, #tpu.memory_space<vmem>>
      %dma_wait3A_1695 = arith.constant 0 : i32
      %dma_wait3A_1696 = tpu.memref_slice %arg4[%min3A_1690, %dma_wait3A_1695] : memref<1600x4000xi32, #tpu.memory_space<hbm>> -> memref<1x4000xi32, #tpu.memory_space<hbm>>
      %dma_wait3A_1697 = tpu.memref_squeeze %dma_wait3A_1696 : memref<1x4000xi32, #tpu.memory_space<hbm>> -> memref<4000xi32, #tpu.memory_space<hbm>>
      %dma_wait3A_1698 = arith.constant 0 : i32
      %dma_wait3A_1699 = tpu.memref_slice %arg17[%dma_wait3A_1691, %dma_wait3A_1698] : memref<3x4000xi32, #tpu.memory_space<vmem>> -> memref<1x4000xi32, #tpu.memory_space<vmem>>
      %dma_wait3A_1700 = tpu.memref_squeeze %dma_wait3A_1699 : memref<1x4000xi32, #tpu.memory_space<vmem>> -> memref<4000xi32, #tpu.memory_space<vmem>>
      %dma_wait3A_1701 = arith.constant 0 : i32
      %dma_wait3A_1702 = tpu.memref_slice %arg4[%min3A_1690, %dma_wait3A_1701] : memref<1600x4000xi32, #tpu.memory_space<hbm>> -> memref<1x4000xi32, #tpu.memory_space<hbm>>
      %dma_wait3A_1703 = tpu.memref_squeeze %dma_wait3A_1702 : memref<1x4000xi32, #tpu.memory_space<hbm>> -> memref<4000xi32, #tpu.memory_space<hbm>>
      tpu.wait_dma2 semaphore(%arg22 : memref<!tpu.dma_semaphore, #tpu.memory_space<semaphore_mem>>) src(%dma_wait3A_1703 : memref<4000xi32, #tpu.memory_space<hbm>>) dst(%dma_wait3A_1700 : memref<4000xi32, #tpu.memory_space<vmem>>)
      %dma_wait3A_1704 = arith.constant 1 : i32
      %dma_wait3A_1705 = arith.constant 0 : i32
      %dma_wait3A_1706 = tpu.memref_slice %arg18[%dma_wait3A_1704, %dma_wait3A_1705] : memref<3x4000xi32, #tpu.memory_space<vmem>> -> memref<1x4000xi32, #tpu.memory_space<vmem>>
      %dma_wait3A_1707 = tpu.memref_squeeze %dma_wait3A_1706 : memref<1x4000xi32, #tpu.memory_space<vmem>> -> memref<4000xi32, #tpu.memory_space<vmem>>
      %dma_wait3A_1708 = arith.constant 0 : i32
      %dma_wait3A_1709 = tpu.memref_slice %arg5[%min3A_1690, %dma_wait3A_1708] : memref<1600x4000xi32, #tpu.memory_space<hbm>> -> memref<1x4000xi32, #tpu.memory_space<hbm>>
      %dma_wait3A_1710 = tpu.memref_squeeze %dma_wait3A_1709 : memref<1x4000xi32, #tpu.memory_space<hbm>> -> memref<4000xi32, #tpu.memory_space<hbm>>
      %dma_wait3A_1711 = arith.constant 0 : i32
      %dma_wait3A_1712 = tpu.memref_slice %arg18[%dma_wait3A_1704, %dma_wait3A_1711] : memref<3x4000xi32, #tpu.memory_space<vmem>> -> memref<1x4000xi32, #tpu.memory_space<vmem>>
      %dma_wait3A_1713 = tpu.memref_squeeze %dma_wait3A_1712 : memref<1x4000xi32, #tpu.memory_space<vmem>> -> memref<4000xi32, #tpu.memory_space<vmem>>
      %dma_wait3A_1714 = arith.constant 0 : i32
      %dma_wait3A_1715 = tpu.memref_slice %arg5[%min3A_1690, %dma_wait3A_1714] : memref<1600x4000xi32, #tpu.memory_space<hbm>> -> memref<1x4000xi32, #tpu.memory_space<hbm>>
      %dma_wait3A_1716 = tpu.memref_squeeze %dma_wait3A_1715 : memref<1x4000xi32, #tpu.memory_space<hbm>> -> memref<4000xi32, #tpu.memory_space<hbm>>
      tpu.wait_dma2 semaphore(%arg22 : memref<!tpu.dma_semaphore, #tpu.memory_space<semaphore_mem>>) src(%dma_wait3A_1716 : memref<4000xi32, #tpu.memory_space<hbm>>) dst(%dma_wait3A_1713 : memref<4000xi32, #tpu.memory_space<vmem>>)
      %dma_wait3A_1717 = arith.constant 2 : i32
      %dma_wait3A_1718 = arith.constant 2 : i32
      %dma_wait3A_1719 = arith.constant 0 : i32
      %dma_wait3A_1720 = tpu.memref_slice %arg19[%dma_wait3A_1717, %dma_wait3A_1719] : memref<3x4000xf32, #tpu.memory_space<vmem>> -> memref<1x4000xf32, #tpu.memory_space<vmem>>
      %dma_wait3A_1721 = tpu.memref_squeeze %dma_wait3A_1720 : memref<1x4000xf32, #tpu.memory_space<vmem>> -> memref<4000xf32, #tpu.memory_space<vmem>>
      %dma_wait3A_1722 = arith.constant 0 : i32
      %dma_wait3A_1723 = tpu.memref_slice %arg18[%dma_wait3A_1718, %dma_wait3A_1722] : memref<3x4000xi32, #tpu.memory_space<vmem>> -> memref<1x4000xi32, #tpu.memory_space<vmem>>
      %dma_wait3A_1724 = tpu.memref_squeeze %dma_wait3A_1723 : memref<1x4000xi32, #tpu.memory_space<vmem>> -> memref<4000xi32, #tpu.memory_space<vmem>>
      %dma_wait3A_1725 = arith.constant 0 : i32
      %dma_wait3A_1726 = tpu.memref_slice %arg13[%dma_wait3A_1725] : memref<102400xf32, #tpu.memory_space<vmem_shared>> -> memref<102400xf32, #tpu.memory_space<vmem_shared>>
      tpu.wait_indirect_dma semaphore(%arg26 : memref<!tpu.dma_semaphore, #tpu.memory_space<semaphore_mem>>) src(%dma_wait3A_1721 : memref<4000xf32, #tpu.memory_space<vmem>>) dst(%dma_wait3A_1726 : memref<102400xf32, #tpu.memory_space<vmem_shared>>)
      %dma_wait3A_1727 = arith.constant 2 : i32
      %dma_wait3A_1728 = arith.constant 2 : i32
      %dma_wait3A_1729 = arith.constant 0 : i32
      %dma_wait3A_1730 = tpu.memref_slice %arg20[%dma_wait3A_1727, %dma_wait3A_1729] : memref<3x4000xf32, #tpu.memory_space<vmem>> -> memref<1x4000xf32, #tpu.memory_space<vmem>>
      %dma_wait3A_1731 = tpu.memref_squeeze %dma_wait3A_1730 : memref<1x4000xf32, #tpu.memory_space<vmem>> -> memref<4000xf32, #tpu.memory_space<vmem>>
      %dma_wait3A_1732 = arith.constant 0 : i32
      %dma_wait3A_1733 = tpu.memref_slice %arg18[%dma_wait3A_1728, %dma_wait3A_1732] : memref<3x4000xi32, #tpu.memory_space<vmem>> -> memref<1x4000xi32, #tpu.memory_space<vmem>>
      %dma_wait3A_1734 = tpu.memref_squeeze %dma_wait3A_1733 : memref<1x4000xi32, #tpu.memory_space<vmem>> -> memref<4000xi32, #tpu.memory_space<vmem>>
      %dma_wait3A_1735 = arith.constant 0 : i32
      %dma_wait3A_1736 = tpu.memref_slice %arg14[%dma_wait3A_1735] : memref<102400xf32, #tpu.memory_space<vmem_shared>> -> memref<102400xf32, #tpu.memory_space<vmem_shared>>
      tpu.wait_indirect_dma semaphore(%arg26 : memref<!tpu.dma_semaphore, #tpu.memory_space<semaphore_mem>>) src(%dma_wait3A_1731 : memref<4000xf32, #tpu.memory_space<vmem>>) dst(%dma_wait3A_1736 : memref<102400xf32, #tpu.memory_space<vmem_shared>>)
      %add3A_1737 = arith.constant 1 : i32
      %add3A_1738 = arith.addi %add3A_1687, %add3A_1737 : i32
      %add3A_1739 = arith.addi %mul3A_4, %add3A_1738 : i32
      %min3A_1740 = arith.constant 1599 : i32
      %min3A_1741 = arith.minsi %add3A_1739, %min3A_1740 : i32
      %dma_start3A_1742 = arith.constant 2 : i32
      %dma_start3A_1743 = arith.constant 0 : i32
      %dma_start3A_1744 = tpu.memref_slice %arg17[%dma_start3A_1742, %dma_start3A_1743] : memref<3x4000xi32, #tpu.memory_space<vmem>> -> memref<1x4000xi32, #tpu.memory_space<vmem>>
      %dma_start3A_1745 = tpu.memref_squeeze %dma_start3A_1744 : memref<1x4000xi32, #tpu.memory_space<vmem>> -> memref<4000xi32, #tpu.memory_space<vmem>>
      %dma_start3A_1746 = arith.constant 0 : i32
      %dma_start3A_1747 = tpu.memref_slice %arg4[%min3A_1741, %dma_start3A_1746] : memref<1600x4000xi32, #tpu.memory_space<hbm>> -> memref<1x4000xi32, #tpu.memory_space<hbm>>
      %dma_start3A_1748 = tpu.memref_squeeze %dma_start3A_1747 : memref<1x4000xi32, #tpu.memory_space<hbm>> -> memref<4000xi32, #tpu.memory_space<hbm>>
      %dma_start3A_1749 = arith.constant 0 : i32
      %dma_start3A_1750 = tpu.memref_slice %arg17[%dma_start3A_1742, %dma_start3A_1749] : memref<3x4000xi32, #tpu.memory_space<vmem>> -> memref<1x4000xi32, #tpu.memory_space<vmem>>
      %dma_start3A_1751 = tpu.memref_squeeze %dma_start3A_1750 : memref<1x4000xi32, #tpu.memory_space<vmem>> -> memref<4000xi32, #tpu.memory_space<vmem>>
      %dma_start3A_1752 = arith.constant 0 : i32
      %dma_start3A_1753 = tpu.memref_slice %arg4[%min3A_1741, %dma_start3A_1752] : memref<1600x4000xi32, #tpu.memory_space<hbm>> -> memref<1x4000xi32, #tpu.memory_space<hbm>>
      %dma_start3A_1754 = tpu.memref_squeeze %dma_start3A_1753 : memref<1x4000xi32, #tpu.memory_space<hbm>> -> memref<4000xi32, #tpu.memory_space<hbm>>
      tpu.enqueue_dma source(%dma_start3A_1754 : memref<4000xi32, #tpu.memory_space<hbm>>) target(%dma_start3A_1751 : memref<4000xi32, #tpu.memory_space<vmem>>) target_semaphore(%arg22 : memref<!tpu.dma_semaphore, #tpu.memory_space<semaphore_mem>>)
      %dma_start3A_1755 = arith.constant 2 : i32
      %dma_start3A_1756 = arith.constant 0 : i32
      %dma_start3A_1757 = tpu.memref_slice %arg18[%dma_start3A_1755, %dma_start3A_1756] : memref<3x4000xi32, #tpu.memory_space<vmem>> -> memref<1x4000xi32, #tpu.memory_space<vmem>>
      %dma_start3A_1758 = tpu.memref_squeeze %dma_start3A_1757 : memref<1x4000xi32, #tpu.memory_space<vmem>> -> memref<4000xi32, #tpu.memory_space<vmem>>
      %dma_start3A_1759 = arith.constant 0 : i32
      %dma_start3A_1760 = tpu.memref_slice %arg5[%min3A_1741, %dma_start3A_1759] : memref<1600x4000xi32, #tpu.memory_space<hbm>> -> memref<1x4000xi32, #tpu.memory_space<hbm>>
      %dma_start3A_1761 = tpu.memref_squeeze %dma_start3A_1760 : memref<1x4000xi32, #tpu.memory_space<hbm>> -> memref<4000xi32, #tpu.memory_space<hbm>>
      %dma_start3A_1762 = arith.constant 0 : i32
      %dma_start3A_1763 = tpu.memref_slice %arg18[%dma_start3A_1755, %dma_start3A_1762] : memref<3x4000xi32, #tpu.memory_space<vmem>> -> memref<1x4000xi32, #tpu.memory_space<vmem>>
      %dma_start3A_1764 = tpu.memref_squeeze %dma_start3A_1763 : memref<1x4000xi32, #tpu.memory_space<vmem>> -> memref<4000xi32, #tpu.memory_space<vmem>>
      %dma_start3A_1765 = arith.constant 0 : i32
      %dma_start3A_1766 = tpu.memref_slice %arg5[%min3A_1741, %dma_start3A_1765] : memref<1600x4000xi32, #tpu.memory_space<hbm>> -> memref<1x4000xi32, #tpu.memory_space<hbm>>
      %dma_start3A_1767 = tpu.memref_squeeze %dma_start3A_1766 : memref<1x4000xi32, #tpu.memory_space<hbm>> -> memref<4000xi32, #tpu.memory_space<hbm>>
      tpu.enqueue_dma source(%dma_start3A_1767 : memref<4000xi32, #tpu.memory_space<hbm>>) target(%dma_start3A_1764 : memref<4000xi32, #tpu.memory_space<vmem>>) target_semaphore(%arg22 : memref<!tpu.dma_semaphore, #tpu.memory_space<semaphore_mem>>)
      %dma_start3A_1768 = arith.constant 1 : i32
      %dma_start3A_1769 = arith.constant 1 : i32
      %dma_start3A_1770 = arith.constant 0 : i32
      %dma_start3A_1771 = tpu.memref_slice %arg19[%dma_start3A_1769, %dma_start3A_1770] : memref<3x4000xf32, #tpu.memory_space<vmem>> -> memref<1x4000xf32, #tpu.memory_space<vmem>>
      %dma_start3A_1772 = tpu.memref_squeeze %dma_start3A_1771 : memref<1x4000xf32, #tpu.memory_space<vmem>> -> memref<4000xf32, #tpu.memory_space<vmem>>
      %dma_start3A_1773 = arith.constant 0 : i32
      %dma_start3A_1774 = tpu.memref_slice %arg17[%dma_start3A_1768, %dma_start3A_1773] : memref<3x4000xi32, #tpu.memory_space<vmem>> -> memref<1x4000xi32, #tpu.memory_space<vmem>>
      %dma_start3A_1775 = tpu.memref_squeeze %dma_start3A_1774 : memref<1x4000xi32, #tpu.memory_space<vmem>> -> memref<4000xi32, #tpu.memory_space<vmem>>
      %dma_start3A_1776 = arith.constant 0 : i32
      %dma_start3A_1777 = tpu.memref_slice %arg11[%dma_start3A_1776] : memref<102400xf32, #tpu.memory_space<vmem_shared>> -> memref<102400xf32, #tpu.memory_space<vmem_shared>>
      tpu.enqueue_indirect_dma source(%dma_start3A_1777 : memref<102400xf32, #tpu.memory_space<vmem_shared>>) target(%dma_start3A_1772 : memref<4000xf32, #tpu.memory_space<vmem>>) offsets(%dma_start3A_1775 : memref<4000xi32, #tpu.memory_space<vmem>>) semaphore(%arg23 : memref<!tpu.dma_semaphore, #tpu.memory_space<semaphore_mem>>)
      %dma_start3A_1778 = arith.constant 1 : i32
      %dma_start3A_1779 = arith.constant 1 : i32
      %dma_start3A_1780 = arith.constant 0 : i32
      %dma_start3A_1781 = tpu.memref_slice %arg20[%dma_start3A_1779, %dma_start3A_1780] : memref<3x4000xf32, #tpu.memory_space<vmem>> -> memref<1x4000xf32, #tpu.memory_space<vmem>>
      %dma_start3A_1782 = tpu.memref_squeeze %dma_start3A_1781 : memref<1x4000xf32, #tpu.memory_space<vmem>> -> memref<4000xf32, #tpu.memory_space<vmem>>
      %dma_start3A_1783 = arith.constant 0 : i32
      %dma_start3A_1784 = tpu.memref_slice %arg17[%dma_start3A_1778, %dma_start3A_1783] : memref<3x4000xi32, #tpu.memory_space<vmem>> -> memref<1x4000xi32, #tpu.memory_space<vmem>>
      %dma_start3A_1785 = tpu.memref_squeeze %dma_start3A_1784 : memref<1x4000xi32, #tpu.memory_space<vmem>> -> memref<4000xi32, #tpu.memory_space<vmem>>
      %dma_start3A_1786 = arith.constant 0 : i32
      %dma_start3A_1787 = tpu.memref_slice %arg12[%dma_start3A_1786] : memref<102400xf32, #tpu.memory_space<vmem_shared>> -> memref<102400xf32, #tpu.memory_space<vmem_shared>>
      tpu.enqueue_indirect_dma source(%dma_start3A_1787 : memref<102400xf32, #tpu.memory_space<vmem_shared>>) target(%dma_start3A_1782 : memref<4000xf32, #tpu.memory_space<vmem>>) offsets(%dma_start3A_1785 : memref<4000xi32, #tpu.memory_space<vmem>>) semaphore(%arg23 : memref<!tpu.dma_semaphore, #tpu.memory_space<semaphore_mem>>)
      %dma_wait3A_1788 = arith.constant 1 : i32
      %dma_wait3A_1789 = arith.constant 1 : i32
      %dma_wait3A_1790 = arith.constant 0 : i32
      %dma_wait3A_1791 = tpu.memref_slice %arg19[%dma_wait3A_1789, %dma_wait3A_1790] : memref<3x4000xf32, #tpu.memory_space<vmem>> -> memref<1x4000xf32, #tpu.memory_space<vmem>>
      %dma_wait3A_1792 = tpu.memref_squeeze %dma_wait3A_1791 : memref<1x4000xf32, #tpu.memory_space<vmem>> -> memref<4000xf32, #tpu.memory_space<vmem>>
      %dma_wait3A_1793 = arith.constant 0 : i32
      %dma_wait3A_1794 = tpu.memref_slice %arg17[%dma_wait3A_1788, %dma_wait3A_1793] : memref<3x4000xi32, #tpu.memory_space<vmem>> -> memref<1x4000xi32, #tpu.memory_space<vmem>>
      %dma_wait3A_1795 = tpu.memref_squeeze %dma_wait3A_1794 : memref<1x4000xi32, #tpu.memory_space<vmem>> -> memref<4000xi32, #tpu.memory_space<vmem>>
      %dma_wait3A_1796 = arith.constant 0 : i32
      %dma_wait3A_1797 = tpu.memref_slice %arg11[%dma_wait3A_1796] : memref<102400xf32, #tpu.memory_space<vmem_shared>> -> memref<102400xf32, #tpu.memory_space<vmem_shared>>
      tpu.wait_indirect_dma semaphore(%arg23 : memref<!tpu.dma_semaphore, #tpu.memory_space<semaphore_mem>>) src(%dma_wait3A_1797 : memref<102400xf32, #tpu.memory_space<vmem_shared>>) dst(%dma_wait3A_1792 : memref<4000xf32, #tpu.memory_space<vmem>>)
      %dma_wait3A_1798 = arith.constant 1 : i32
      %dma_wait3A_1799 = arith.constant 1 : i32
      %dma_wait3A_1800 = arith.constant 0 : i32
      %dma_wait3A_1801 = tpu.memref_slice %arg20[%dma_wait3A_1799, %dma_wait3A_1800] : memref<3x4000xf32, #tpu.memory_space<vmem>> -> memref<1x4000xf32, #tpu.memory_space<vmem>>
      %dma_wait3A_1802 = tpu.memref_squeeze %dma_wait3A_1801 : memref<1x4000xf32, #tpu.memory_space<vmem>> -> memref<4000xf32, #tpu.memory_space<vmem>>
      %dma_wait3A_1803 = arith.constant 0 : i32
      %dma_wait3A_1804 = tpu.memref_slice %arg17[%dma_wait3A_1798, %dma_wait3A_1803] : memref<3x4000xi32, #tpu.memory_space<vmem>> -> memref<1x4000xi32, #tpu.memory_space<vmem>>
      %dma_wait3A_1805 = tpu.memref_squeeze %dma_wait3A_1804 : memref<1x4000xi32, #tpu.memory_space<vmem>> -> memref<4000xi32, #tpu.memory_space<vmem>>
      %dma_wait3A_1806 = arith.constant 0 : i32
      %dma_wait3A_1807 = tpu.memref_slice %arg12[%dma_wait3A_1806] : memref<102400xf32, #tpu.memory_space<vmem_shared>> -> memref<102400xf32, #tpu.memory_space<vmem_shared>>
      tpu.wait_indirect_dma semaphore(%arg23 : memref<!tpu.dma_semaphore, #tpu.memory_space<semaphore_mem>>) src(%dma_wait3A_1807 : memref<102400xf32, #tpu.memory_space<vmem_shared>>) dst(%dma_wait3A_1802 : memref<4000xf32, #tpu.memory_space<vmem>>)
      %dma_start3A_1808 = arith.constant 1 : i32
      %dma_start3A_1809 = arith.constant 1 : i32
      %dma_start3A_1810 = arith.constant 0 : i32
      %dma_start3A_1811 = tpu.memref_slice %arg19[%dma_start3A_1808, %dma_start3A_1810] : memref<3x4000xf32, #tpu.memory_space<vmem>> -> memref<1x4000xf32, #tpu.memory_space<vmem>>
      %dma_start3A_1812 = tpu.memref_squeeze %dma_start3A_1811 : memref<1x4000xf32, #tpu.memory_space<vmem>> -> memref<4000xf32, #tpu.memory_space<vmem>>
      %dma_start3A_1813 = arith.constant 0 : i32
      %dma_start3A_1814 = tpu.memref_slice %arg18[%dma_start3A_1809, %dma_start3A_1813] : memref<3x4000xi32, #tpu.memory_space<vmem>> -> memref<1x4000xi32, #tpu.memory_space<vmem>>
      %dma_start3A_1815 = tpu.memref_squeeze %dma_start3A_1814 : memref<1x4000xi32, #tpu.memory_space<vmem>> -> memref<4000xi32, #tpu.memory_space<vmem>>
      %dma_start3A_1816 = arith.constant 0 : i32
      %dma_start3A_1817 = tpu.memref_slice %arg13[%dma_start3A_1816] : memref<102400xf32, #tpu.memory_space<vmem_shared>> -> memref<102400xf32, #tpu.memory_space<vmem_shared>>
      tpu.enqueue_indirect_dma source(%dma_start3A_1812 : memref<4000xf32, #tpu.memory_space<vmem>>) target(%dma_start3A_1817 : memref<102400xf32, #tpu.memory_space<vmem_shared>>) offsets(%dma_start3A_1815 : memref<4000xi32, #tpu.memory_space<vmem>>) semaphore(%arg25 : memref<!tpu.dma_semaphore, #tpu.memory_space<semaphore_mem>>) {add = true}
      %dma_start3A_1818 = arith.constant 1 : i32
      %dma_start3A_1819 = arith.constant 1 : i32
      %dma_start3A_1820 = arith.constant 0 : i32
      %dma_start3A_1821 = tpu.memref_slice %arg20[%dma_start3A_1818, %dma_start3A_1820] : memref<3x4000xf32, #tpu.memory_space<vmem>> -> memref<1x4000xf32, #tpu.memory_space<vmem>>
      %dma_start3A_1822 = tpu.memref_squeeze %dma_start3A_1821 : memref<1x4000xf32, #tpu.memory_space<vmem>> -> memref<4000xf32, #tpu.memory_space<vmem>>
      %dma_start3A_1823 = arith.constant 0 : i32
      %dma_start3A_1824 = tpu.memref_slice %arg18[%dma_start3A_1819, %dma_start3A_1823] : memref<3x4000xi32, #tpu.memory_space<vmem>> -> memref<1x4000xi32, #tpu.memory_space<vmem>>
      %dma_start3A_1825 = tpu.memref_squeeze %dma_start3A_1824 : memref<1x4000xi32, #tpu.memory_space<vmem>> -> memref<4000xi32, #tpu.memory_space<vmem>>
      %dma_start3A_1826 = arith.constant 0 : i32
      %dma_start3A_1827 = tpu.memref_slice %arg14[%dma_start3A_1826] : memref<102400xf32, #tpu.memory_space<vmem_shared>> -> memref<102400xf32, #tpu.memory_space<vmem_shared>>
      tpu.enqueue_indirect_dma source(%dma_start3A_1822 : memref<4000xf32, #tpu.memory_space<vmem>>) target(%dma_start3A_1827 : memref<102400xf32, #tpu.memory_space<vmem_shared>>) offsets(%dma_start3A_1825 : memref<4000xi32, #tpu.memory_space<vmem>>) semaphore(%arg25 : memref<!tpu.dma_semaphore, #tpu.memory_space<semaphore_mem>>) {add = true}
      %mul3A_1828 = arith.constant 3 : i32
      %mul3A_1829 = arith.muli %mul3A_1828, %scan3A_1539 : i32
      %add3A_1830 = arith.constant 2 : i32
      %add3A_1831 = arith.addi %mul3A_1829, %add3A_1830 : i32
      %add3A_1832 = arith.addi %mul3A_4, %add3A_1831 : i32
      %min3A_1833 = arith.constant 1599 : i32
      %min3A_1834 = arith.minsi %add3A_1832, %min3A_1833 : i32
      %dma_wait3A_1835 = arith.constant 2 : i32
      %dma_wait3A_1836 = arith.constant 0 : i32
      %dma_wait3A_1837 = tpu.memref_slice %arg17[%dma_wait3A_1835, %dma_wait3A_1836] : memref<3x4000xi32, #tpu.memory_space<vmem>> -> memref<1x4000xi32, #tpu.memory_space<vmem>>
      %dma_wait3A_1838 = tpu.memref_squeeze %dma_wait3A_1837 : memref<1x4000xi32, #tpu.memory_space<vmem>> -> memref<4000xi32, #tpu.memory_space<vmem>>
      %dma_wait3A_1839 = arith.constant 0 : i32
      %dma_wait3A_1840 = tpu.memref_slice %arg4[%min3A_1834, %dma_wait3A_1839] : memref<1600x4000xi32, #tpu.memory_space<hbm>> -> memref<1x4000xi32, #tpu.memory_space<hbm>>
      %dma_wait3A_1841 = tpu.memref_squeeze %dma_wait3A_1840 : memref<1x4000xi32, #tpu.memory_space<hbm>> -> memref<4000xi32, #tpu.memory_space<hbm>>
      %dma_wait3A_1842 = arith.constant 0 : i32
      %dma_wait3A_1843 = tpu.memref_slice %arg17[%dma_wait3A_1835, %dma_wait3A_1842] : memref<3x4000xi32, #tpu.memory_space<vmem>> -> memref<1x4000xi32, #tpu.memory_space<vmem>>
      %dma_wait3A_1844 = tpu.memref_squeeze %dma_wait3A_1843 : memref<1x4000xi32, #tpu.memory_space<vmem>> -> memref<4000xi32, #tpu.memory_space<vmem>>
      %dma_wait3A_1845 = arith.constant 0 : i32
      %dma_wait3A_1846 = tpu.memref_slice %arg4[%min3A_1834, %dma_wait3A_1845] : memref<1600x4000xi32, #tpu.memory_space<hbm>> -> memref<1x4000xi32, #tpu.memory_space<hbm>>
      %dma_wait3A_1847 = tpu.memref_squeeze %dma_wait3A_1846 : memref<1x4000xi32, #tpu.memory_space<hbm>> -> memref<4000xi32, #tpu.memory_space<hbm>>
      tpu.wait_dma2 semaphore(%arg22 : memref<!tpu.dma_semaphore, #tpu.memory_space<semaphore_mem>>) src(%dma_wait3A_1847 : memref<4000xi32, #tpu.memory_space<hbm>>) dst(%dma_wait3A_1844 : memref<4000xi32, #tpu.memory_space<vmem>>)
      %dma_wait3A_1848 = arith.constant 2 : i32
      %dma_wait3A_1849 = arith.constant 0 : i32
      %dma_wait3A_1850 = tpu.memref_slice %arg18[%dma_wait3A_1848, %dma_wait3A_1849] : memref<3x4000xi32, #tpu.memory_space<vmem>> -> memref<1x4000xi32, #tpu.memory_space<vmem>>
      %dma_wait3A_1851 = tpu.memref_squeeze %dma_wait3A_1850 : memref<1x4000xi32, #tpu.memory_space<vmem>> -> memref<4000xi32, #tpu.memory_space<vmem>>
      %dma_wait3A_1852 = arith.constant 0 : i32
      %dma_wait3A_1853 = tpu.memref_slice %arg5[%min3A_1834, %dma_wait3A_1852] : memref<1600x4000xi32, #tpu.memory_space<hbm>> -> memref<1x4000xi32, #tpu.memory_space<hbm>>
      %dma_wait3A_1854 = tpu.memref_squeeze %dma_wait3A_1853 : memref<1x4000xi32, #tpu.memory_space<hbm>> -> memref<4000xi32, #tpu.memory_space<hbm>>
      %dma_wait3A_1855 = arith.constant 0 : i32
      %dma_wait3A_1856 = tpu.memref_slice %arg18[%dma_wait3A_1848, %dma_wait3A_1855] : memref<3x4000xi32, #tpu.memory_space<vmem>> -> memref<1x4000xi32, #tpu.memory_space<vmem>>
      %dma_wait3A_1857 = tpu.memref_squeeze %dma_wait3A_1856 : memref<1x4000xi32, #tpu.memory_space<vmem>> -> memref<4000xi32, #tpu.memory_space<vmem>>
      %dma_wait3A_1858 = arith.constant 0 : i32
      %dma_wait3A_1859 = tpu.memref_slice %arg5[%min3A_1834, %dma_wait3A_1858] : memref<1600x4000xi32, #tpu.memory_space<hbm>> -> memref<1x4000xi32, #tpu.memory_space<hbm>>
      %dma_wait3A_1860 = tpu.memref_squeeze %dma_wait3A_1859 : memref<1x4000xi32, #tpu.memory_space<hbm>> -> memref<4000xi32, #tpu.memory_space<hbm>>
      tpu.wait_dma2 semaphore(%arg22 : memref<!tpu.dma_semaphore, #tpu.memory_space<semaphore_mem>>) src(%dma_wait3A_1860 : memref<4000xi32, #tpu.memory_space<hbm>>) dst(%dma_wait3A_1857 : memref<4000xi32, #tpu.memory_space<vmem>>)
      %dma_wait3A_1861 = arith.constant 0 : i32
      %dma_wait3A_1862 = arith.constant 0 : i32
      %dma_wait3A_1863 = arith.constant 0 : i32
      %dma_wait3A_1864 = tpu.memref_slice %arg19[%dma_wait3A_1861, %dma_wait3A_1863] : memref<3x4000xf32, #tpu.memory_space<vmem>> -> memref<1x4000xf32, #tpu.memory_space<vmem>>
      %dma_wait3A_1865 = tpu.memref_squeeze %dma_wait3A_1864 : memref<1x4000xf32, #tpu.memory_space<vmem>> -> memref<4000xf32, #tpu.memory_space<vmem>>
      %dma_wait3A_1866 = arith.constant 0 : i32
      %dma_wait3A_1867 = tpu.memref_slice %arg18[%dma_wait3A_1862, %dma_wait3A_1866] : memref<3x4000xi32, #tpu.memory_space<vmem>> -> memref<1x4000xi32, #tpu.memory_space<vmem>>
      %dma_wait3A_1868 = tpu.memref_squeeze %dma_wait3A_1867 : memref<1x4000xi32, #tpu.memory_space<vmem>> -> memref<4000xi32, #tpu.memory_space<vmem>>
      %dma_wait3A_1869 = arith.constant 0 : i32
      %dma_wait3A_1870 = tpu.memref_slice %arg13[%dma_wait3A_1869] : memref<102400xf32, #tpu.memory_space<vmem_shared>> -> memref<102400xf32, #tpu.memory_space<vmem_shared>>
      tpu.wait_indirect_dma semaphore(%arg24 : memref<!tpu.dma_semaphore, #tpu.memory_space<semaphore_mem>>) src(%dma_wait3A_1865 : memref<4000xf32, #tpu.memory_space<vmem>>) dst(%dma_wait3A_1870 : memref<102400xf32, #tpu.memory_space<vmem_shared>>)
      %dma_wait3A_1871 = arith.constant 0 : i32
      %dma_wait3A_1872 = arith.constant 0 : i32
      %dma_wait3A_1873 = arith.constant 0 : i32
      %dma_wait3A_1874 = tpu.memref_slice %arg20[%dma_wait3A_1871, %dma_wait3A_1873] : memref<3x4000xf32, #tpu.memory_space<vmem>> -> memref<1x4000xf32, #tpu.memory_space<vmem>>
      %dma_wait3A_1875 = tpu.memref_squeeze %dma_wait3A_1874 : memref<1x4000xf32, #tpu.memory_space<vmem>> -> memref<4000xf32, #tpu.memory_space<vmem>>
      %dma_wait3A_1876 = arith.constant 0 : i32
      %dma_wait3A_1877 = tpu.memref_slice %arg18[%dma_wait3A_1872, %dma_wait3A_1876] : memref<3x4000xi32, #tpu.memory_space<vmem>> -> memref<1x4000xi32, #tpu.memory_space<vmem>>
      %dma_wait3A_1878 = tpu.memref_squeeze %dma_wait3A_1877 : memref<1x4000xi32, #tpu.memory_space<vmem>> -> memref<4000xi32, #tpu.memory_space<vmem>>
      %dma_wait3A_1879 = arith.constant 0 : i32
      %dma_wait3A_1880 = tpu.memref_slice %arg14[%dma_wait3A_1879] : memref<102400xf32, #tpu.memory_space<vmem_shared>> -> memref<102400xf32, #tpu.memory_space<vmem_shared>>
      tpu.wait_indirect_dma semaphore(%arg24 : memref<!tpu.dma_semaphore, #tpu.memory_space<semaphore_mem>>) src(%dma_wait3A_1875 : memref<4000xf32, #tpu.memory_space<vmem>>) dst(%dma_wait3A_1880 : memref<102400xf32, #tpu.memory_space<vmem_shared>>)
      %add3A_1881 = arith.constant 1 : i32
      %add3A_1882 = arith.addi %add3A_1831, %add3A_1881 : i32
      %add3A_1883 = arith.addi %mul3A_4, %add3A_1882 : i32
      %min3A_1884 = arith.constant 1599 : i32
      %min3A_1885 = arith.minsi %add3A_1883, %min3A_1884 : i32
      %dma_start3A_1886 = arith.constant 0 : i32
      %dma_start3A_1887 = arith.constant 0 : i32
      %dma_start3A_1888 = tpu.memref_slice %arg17[%dma_start3A_1886, %dma_start3A_1887] : memref<3x4000xi32, #tpu.memory_space<vmem>> -> memref<1x4000xi32, #tpu.memory_space<vmem>>
      %dma_start3A_1889 = tpu.memref_squeeze %dma_start3A_1888 : memref<1x4000xi32, #tpu.memory_space<vmem>> -> memref<4000xi32, #tpu.memory_space<vmem>>
      %dma_start3A_1890 = arith.constant 0 : i32
      %dma_start3A_1891 = tpu.memref_slice %arg4[%min3A_1885, %dma_start3A_1890] : memref<1600x4000xi32, #tpu.memory_space<hbm>> -> memref<1x4000xi32, #tpu.memory_space<hbm>>
      %dma_start3A_1892 = tpu.memref_squeeze %dma_start3A_1891 : memref<1x4000xi32, #tpu.memory_space<hbm>> -> memref<4000xi32, #tpu.memory_space<hbm>>
      %dma_start3A_1893 = arith.constant 0 : i32
      %dma_start3A_1894 = tpu.memref_slice %arg17[%dma_start3A_1886, %dma_start3A_1893] : memref<3x4000xi32, #tpu.memory_space<vmem>> -> memref<1x4000xi32, #tpu.memory_space<vmem>>
      %dma_start3A_1895 = tpu.memref_squeeze %dma_start3A_1894 : memref<1x4000xi32, #tpu.memory_space<vmem>> -> memref<4000xi32, #tpu.memory_space<vmem>>
      %dma_start3A_1896 = arith.constant 0 : i32
      %dma_start3A_1897 = tpu.memref_slice %arg4[%min3A_1885, %dma_start3A_1896] : memref<1600x4000xi32, #tpu.memory_space<hbm>> -> memref<1x4000xi32, #tpu.memory_space<hbm>>
      %dma_start3A_1898 = tpu.memref_squeeze %dma_start3A_1897 : memref<1x4000xi32, #tpu.memory_space<hbm>> -> memref<4000xi32, #tpu.memory_space<hbm>>
      tpu.enqueue_dma source(%dma_start3A_1898 : memref<4000xi32, #tpu.memory_space<hbm>>) target(%dma_start3A_1895 : memref<4000xi32, #tpu.memory_space<vmem>>) target_semaphore(%arg22 : memref<!tpu.dma_semaphore, #tpu.memory_space<semaphore_mem>>)
      %dma_start3A_1899 = arith.constant 0 : i32
      %dma_start3A_1900 = arith.constant 0 : i32
      %dma_start3A_1901 = tpu.memref_slice %arg18[%dma_start3A_1899, %dma_start3A_1900] : memref<3x4000xi32, #tpu.memory_space<vmem>> -> memref<1x4000xi32, #tpu.memory_space<vmem>>
      %dma_start3A_1902 = tpu.memref_squeeze %dma_start3A_1901 : memref<1x4000xi32, #tpu.memory_space<vmem>> -> memref<4000xi32, #tpu.memory_space<vmem>>
      %dma_start3A_1903 = arith.constant 0 : i32
      %dma_start3A_1904 = tpu.memref_slice %arg5[%min3A_1885, %dma_start3A_1903] : memref<1600x4000xi32, #tpu.memory_space<hbm>> -> memref<1x4000xi32, #tpu.memory_space<hbm>>
      %dma_start3A_1905 = tpu.memref_squeeze %dma_start3A_1904 : memref<1x4000xi32, #tpu.memory_space<hbm>> -> memref<4000xi32, #tpu.memory_space<hbm>>
      %dma_start3A_1906 = arith.constant 0 : i32
      %dma_start3A_1907 = tpu.memref_slice %arg18[%dma_start3A_1899, %dma_start3A_1906] : memref<3x4000xi32, #tpu.memory_space<vmem>> -> memref<1x4000xi32, #tpu.memory_space<vmem>>
      %dma_start3A_1908 = tpu.memref_squeeze %dma_start3A_1907 : memref<1x4000xi32, #tpu.memory_space<vmem>> -> memref<4000xi32, #tpu.memory_space<vmem>>
      %dma_start3A_1909 = arith.constant 0 : i32
      %dma_start3A_1910 = tpu.memref_slice %arg5[%min3A_1885, %dma_start3A_1909] : memref<1600x4000xi32, #tpu.memory_space<hbm>> -> memref<1x4000xi32, #tpu.memory_space<hbm>>
      %dma_start3A_1911 = tpu.memref_squeeze %dma_start3A_1910 : memref<1x4000xi32, #tpu.memory_space<hbm>> -> memref<4000xi32, #tpu.memory_space<hbm>>
      tpu.enqueue_dma source(%dma_start3A_1911 : memref<4000xi32, #tpu.memory_space<hbm>>) target(%dma_start3A_1908 : memref<4000xi32, #tpu.memory_space<vmem>>) target_semaphore(%arg22 : memref<!tpu.dma_semaphore, #tpu.memory_space<semaphore_mem>>)
      %dma_start3A_1912 = arith.constant 2 : i32
      %dma_start3A_1913 = arith.constant 2 : i32
      %dma_start3A_1914 = arith.constant 0 : i32
      %dma_start3A_1915 = tpu.memref_slice %arg19[%dma_start3A_1913, %dma_start3A_1914] : memref<3x4000xf32, #tpu.memory_space<vmem>> -> memref<1x4000xf32, #tpu.memory_space<vmem>>
      %dma_start3A_1916 = tpu.memref_squeeze %dma_start3A_1915 : memref<1x4000xf32, #tpu.memory_space<vmem>> -> memref<4000xf32, #tpu.memory_space<vmem>>
      %dma_start3A_1917 = arith.constant 0 : i32
      %dma_start3A_1918 = tpu.memref_slice %arg17[%dma_start3A_1912, %dma_start3A_1917] : memref<3x4000xi32, #tpu.memory_space<vmem>> -> memref<1x4000xi32, #tpu.memory_space<vmem>>
      %dma_start3A_1919 = tpu.memref_squeeze %dma_start3A_1918 : memref<1x4000xi32, #tpu.memory_space<vmem>> -> memref<4000xi32, #tpu.memory_space<vmem>>
      %dma_start3A_1920 = arith.constant 0 : i32
      %dma_start3A_1921 = tpu.memref_slice %arg11[%dma_start3A_1920] : memref<102400xf32, #tpu.memory_space<vmem_shared>> -> memref<102400xf32, #tpu.memory_space<vmem_shared>>
      tpu.enqueue_indirect_dma source(%dma_start3A_1921 : memref<102400xf32, #tpu.memory_space<vmem_shared>>) target(%dma_start3A_1916 : memref<4000xf32, #tpu.memory_space<vmem>>) offsets(%dma_start3A_1919 : memref<4000xi32, #tpu.memory_space<vmem>>) semaphore(%arg23 : memref<!tpu.dma_semaphore, #tpu.memory_space<semaphore_mem>>)
      %dma_start3A_1922 = arith.constant 2 : i32
      %dma_start3A_1923 = arith.constant 2 : i32
      %dma_start3A_1924 = arith.constant 0 : i32
      %dma_start3A_1925 = tpu.memref_slice %arg20[%dma_start3A_1923, %dma_start3A_1924] : memref<3x4000xf32, #tpu.memory_space<vmem>> -> memref<1x4000xf32, #tpu.memory_space<vmem>>
      %dma_start3A_1926 = tpu.memref_squeeze %dma_start3A_1925 : memref<1x4000xf32, #tpu.memory_space<vmem>> -> memref<4000xf32, #tpu.memory_space<vmem>>
      %dma_start3A_1927 = arith.constant 0 : i32
      %dma_start3A_1928 = tpu.memref_slice %arg17[%dma_start3A_1922, %dma_start3A_1927] : memref<3x4000xi32, #tpu.memory_space<vmem>> -> memref<1x4000xi32, #tpu.memory_space<vmem>>
      %dma_start3A_1929 = tpu.memref_squeeze %dma_start3A_1928 : memref<1x4000xi32, #tpu.memory_space<vmem>> -> memref<4000xi32, #tpu.memory_space<vmem>>
      %dma_start3A_1930 = arith.constant 0 : i32
      %dma_start3A_1931 = tpu.memref_slice %arg12[%dma_start3A_1930] : memref<102400xf32, #tpu.memory_space<vmem_shared>> -> memref<102400xf32, #tpu.memory_space<vmem_shared>>
      tpu.enqueue_indirect_dma source(%dma_start3A_1931 : memref<102400xf32, #tpu.memory_space<vmem_shared>>) target(%dma_start3A_1926 : memref<4000xf32, #tpu.memory_space<vmem>>) offsets(%dma_start3A_1929 : memref<4000xi32, #tpu.memory_space<vmem>>) semaphore(%arg23 : memref<!tpu.dma_semaphore, #tpu.memory_space<semaphore_mem>>)
      %dma_wait3A_1932 = arith.constant 2 : i32
      %dma_wait3A_1933 = arith.constant 2 : i32
      %dma_wait3A_1934 = arith.constant 0 : i32
      %dma_wait3A_1935 = tpu.memref_slice %arg19[%dma_wait3A_1933, %dma_wait3A_1934] : memref<3x4000xf32, #tpu.memory_space<vmem>> -> memref<1x4000xf32, #tpu.memory_space<vmem>>
      %dma_wait3A_1936 = tpu.memref_squeeze %dma_wait3A_1935 : memref<1x4000xf32, #tpu.memory_space<vmem>> -> memref<4000xf32, #tpu.memory_space<vmem>>
      %dma_wait3A_1937 = arith.constant 0 : i32
      %dma_wait3A_1938 = tpu.memref_slice %arg17[%dma_wait3A_1932, %dma_wait3A_1937] : memref<3x4000xi32, #tpu.memory_space<vmem>> -> memref<1x4000xi32, #tpu.memory_space<vmem>>
      %dma_wait3A_1939 = tpu.memref_squeeze %dma_wait3A_1938 : memref<1x4000xi32, #tpu.memory_space<vmem>> -> memref<4000xi32, #tpu.memory_space<vmem>>
      %dma_wait3A_1940 = arith.constant 0 : i32
      %dma_wait3A_1941 = tpu.memref_slice %arg11[%dma_wait3A_1940] : memref<102400xf32, #tpu.memory_space<vmem_shared>> -> memref<102400xf32, #tpu.memory_space<vmem_shared>>
      tpu.wait_indirect_dma semaphore(%arg23 : memref<!tpu.dma_semaphore, #tpu.memory_space<semaphore_mem>>) src(%dma_wait3A_1941 : memref<102400xf32, #tpu.memory_space<vmem_shared>>) dst(%dma_wait3A_1936 : memref<4000xf32, #tpu.memory_space<vmem>>)
      %dma_wait3A_1942 = arith.constant 2 : i32
      %dma_wait3A_1943 = arith.constant 2 : i32
      %dma_wait3A_1944 = arith.constant 0 : i32
      %dma_wait3A_1945 = tpu.memref_slice %arg20[%dma_wait3A_1943, %dma_wait3A_1944] : memref<3x4000xf32, #tpu.memory_space<vmem>> -> memref<1x4000xf32, #tpu.memory_space<vmem>>
      %dma_wait3A_1946 = tpu.memref_squeeze %dma_wait3A_1945 : memref<1x4000xf32, #tpu.memory_space<vmem>> -> memref<4000xf32, #tpu.memory_space<vmem>>
      %dma_wait3A_1947 = arith.constant 0 : i32
      %dma_wait3A_1948 = tpu.memref_slice %arg17[%dma_wait3A_1942, %dma_wait3A_1947] : memref<3x4000xi32, #tpu.memory_space<vmem>> -> memref<1x4000xi32, #tpu.memory_space<vmem>>
      %dma_wait3A_1949 = tpu.memref_squeeze %dma_wait3A_1948 : memref<1x4000xi32, #tpu.memory_space<vmem>> -> memref<4000xi32, #tpu.memory_space<vmem>>
      %dma_wait3A_1950 = arith.constant 0 : i32
      %dma_wait3A_1951 = tpu.memref_slice %arg12[%dma_wait3A_1950] : memref<102400xf32, #tpu.memory_space<vmem_shared>> -> memref<102400xf32, #tpu.memory_space<vmem_shared>>
      tpu.wait_indirect_dma semaphore(%arg23 : memref<!tpu.dma_semaphore, #tpu.memory_space<semaphore_mem>>) src(%dma_wait3A_1951 : memref<102400xf32, #tpu.memory_space<vmem_shared>>) dst(%dma_wait3A_1946 : memref<4000xf32, #tpu.memory_space<vmem>>)
      %dma_start3A_1952 = arith.constant 2 : i32
      %dma_start3A_1953 = arith.constant 2 : i32
      %dma_start3A_1954 = arith.constant 0 : i32
      %dma_start3A_1955 = tpu.memref_slice %arg19[%dma_start3A_1952, %dma_start3A_1954] : memref<3x4000xf32, #tpu.memory_space<vmem>> -> memref<1x4000xf32, #tpu.memory_space<vmem>>
      %dma_start3A_1956 = tpu.memref_squeeze %dma_start3A_1955 : memref<1x4000xf32, #tpu.memory_space<vmem>> -> memref<4000xf32, #tpu.memory_space<vmem>>
      %dma_start3A_1957 = arith.constant 0 : i32
      %dma_start3A_1958 = tpu.memref_slice %arg18[%dma_start3A_1953, %dma_start3A_1957] : memref<3x4000xi32, #tpu.memory_space<vmem>> -> memref<1x4000xi32, #tpu.memory_space<vmem>>
      %dma_start3A_1959 = tpu.memref_squeeze %dma_start3A_1958 : memref<1x4000xi32, #tpu.memory_space<vmem>> -> memref<4000xi32, #tpu.memory_space<vmem>>
      %dma_start3A_1960 = arith.constant 0 : i32
      %dma_start3A_1961 = tpu.memref_slice %arg13[%dma_start3A_1960] : memref<102400xf32, #tpu.memory_space<vmem_shared>> -> memref<102400xf32, #tpu.memory_space<vmem_shared>>
      tpu.enqueue_indirect_dma source(%dma_start3A_1956 : memref<4000xf32, #tpu.memory_space<vmem>>) target(%dma_start3A_1961 : memref<102400xf32, #tpu.memory_space<vmem_shared>>) offsets(%dma_start3A_1959 : memref<4000xi32, #tpu.memory_space<vmem>>) semaphore(%arg26 : memref<!tpu.dma_semaphore, #tpu.memory_space<semaphore_mem>>) {add = true}
      %dma_start3A_1962 = arith.constant 2 : i32
      %dma_start3A_1963 = arith.constant 2 : i32
      %dma_start3A_1964 = arith.constant 0 : i32
      %dma_start3A_1965 = tpu.memref_slice %arg20[%dma_start3A_1962, %dma_start3A_1964] : memref<3x4000xf32, #tpu.memory_space<vmem>> -> memref<1x4000xf32, #tpu.memory_space<vmem>>
      %dma_start3A_1966 = tpu.memref_squeeze %dma_start3A_1965 : memref<1x4000xf32, #tpu.memory_space<vmem>> -> memref<4000xf32, #tpu.memory_space<vmem>>
      %dma_start3A_1967 = arith.constant 0 : i32
      %dma_start3A_1968 = tpu.memref_slice %arg18[%dma_start3A_1963, %dma_start3A_1967] : memref<3x4000xi32, #tpu.memory_space<vmem>> -> memref<1x4000xi32, #tpu.memory_space<vmem>>
      %dma_start3A_1969 = tpu.memref_squeeze %dma_start3A_1968 : memref<1x4000xi32, #tpu.memory_space<vmem>> -> memref<4000xi32, #tpu.memory_space<vmem>>
      %dma_start3A_1970 = arith.constant 0 : i32
      %dma_start3A_1971 = tpu.memref_slice %arg14[%dma_start3A_1970] : memref<102400xf32, #tpu.memory_space<vmem_shared>> -> memref<102400xf32, #tpu.memory_space<vmem_shared>>
      tpu.enqueue_indirect_dma source(%dma_start3A_1966 : memref<4000xf32, #tpu.memory_space<vmem>>) target(%dma_start3A_1971 : memref<102400xf32, #tpu.memory_space<vmem_shared>>) offsets(%dma_start3A_1969 : memref<4000xi32, #tpu.memory_space<vmem>>) semaphore(%arg26 : memref<!tpu.dma_semaphore, #tpu.memory_space<semaphore_mem>>) {add = true}
    }
    %scan3A_416 = arith.constant 15 : i32
    %add3A_417 = arith.constant 48 : i32
    %add3A_418 = arith.addi %mul3A_4, %add3A_417 : i32
    %min3A_419 = arith.constant 1599 : i32
    %min3A_420 = arith.minsi %add3A_418, %min3A_419 : i32
    %dma_wait3A_421 = arith.constant 0 : i32
    %dma_wait3A_422 = arith.constant 0 : i32
    %dma_wait3A_423 = tpu.memref_slice %arg17[%dma_wait3A_421, %dma_wait3A_422] : memref<3x4000xi32, #tpu.memory_space<vmem>> -> memref<1x4000xi32, #tpu.memory_space<vmem>>
    %dma_wait3A_424 = tpu.memref_squeeze %dma_wait3A_423 : memref<1x4000xi32, #tpu.memory_space<vmem>> -> memref<4000xi32, #tpu.memory_space<vmem>>
    %dma_wait3A_425 = arith.constant 0 : i32
    %dma_wait3A_426 = tpu.memref_slice %arg4[%min3A_420, %dma_wait3A_425] : memref<1600x4000xi32, #tpu.memory_space<hbm>> -> memref<1x4000xi32, #tpu.memory_space<hbm>>
    %dma_wait3A_427 = tpu.memref_squeeze %dma_wait3A_426 : memref<1x4000xi32, #tpu.memory_space<hbm>> -> memref<4000xi32, #tpu.memory_space<hbm>>
    %dma_wait3A_428 = arith.constant 0 : i32
    %dma_wait3A_429 = tpu.memref_slice %arg17[%dma_wait3A_421, %dma_wait3A_428] : memref<3x4000xi32, #tpu.memory_space<vmem>> -> memref<1x4000xi32, #tpu.memory_space<vmem>>
    %dma_wait3A_430 = tpu.memref_squeeze %dma_wait3A_429 : memref<1x4000xi32, #tpu.memory_space<vmem>> -> memref<4000xi32, #tpu.memory_space<vmem>>
    %dma_wait3A_431 = arith.constant 0 : i32
    %dma_wait3A_432 = tpu.memref_slice %arg4[%min3A_420, %dma_wait3A_431] : memref<1600x4000xi32, #tpu.memory_space<hbm>> -> memref<1x4000xi32, #tpu.memory_space<hbm>>
    %dma_wait3A_433 = tpu.memref_squeeze %dma_wait3A_432 : memref<1x4000xi32, #tpu.memory_space<hbm>> -> memref<4000xi32, #tpu.memory_space<hbm>>
    tpu.wait_dma2 semaphore(%arg22 : memref<!tpu.dma_semaphore, #tpu.memory_space<semaphore_mem>>) src(%dma_wait3A_433 : memref<4000xi32, #tpu.memory_space<hbm>>) dst(%dma_wait3A_430 : memref<4000xi32, #tpu.memory_space<vmem>>)
    %dma_wait3A_434 = arith.constant 0 : i32
    %dma_wait3A_435 = arith.constant 0 : i32
    %dma_wait3A_436 = tpu.memref_slice %arg18[%dma_wait3A_434, %dma_wait3A_435] : memref<3x4000xi32, #tpu.memory_space<vmem>> -> memref<1x4000xi32, #tpu.memory_space<vmem>>
    %dma_wait3A_437 = tpu.memref_squeeze %dma_wait3A_436 : memref<1x4000xi32, #tpu.memory_space<vmem>> -> memref<4000xi32, #tpu.memory_space<vmem>>
    %dma_wait3A_438 = arith.constant 0 : i32
    %dma_wait3A_439 = tpu.memref_slice %arg5[%min3A_420, %dma_wait3A_438] : memref<1600x4000xi32, #tpu.memory_space<hbm>> -> memref<1x4000xi32, #tpu.memory_space<hbm>>
    %dma_wait3A_440 = tpu.memref_squeeze %dma_wait3A_439 : memref<1x4000xi32, #tpu.memory_space<hbm>> -> memref<4000xi32, #tpu.memory_space<hbm>>
    %dma_wait3A_441 = arith.constant 0 : i32
    %dma_wait3A_442 = tpu.memref_slice %arg18[%dma_wait3A_434, %dma_wait3A_441] : memref<3x4000xi32, #tpu.memory_space<vmem>> -> memref<1x4000xi32, #tpu.memory_space<vmem>>
    %dma_wait3A_443 = tpu.memref_squeeze %dma_wait3A_442 : memref<1x4000xi32, #tpu.memory_space<vmem>> -> memref<4000xi32, #tpu.memory_space<vmem>>
    %dma_wait3A_444 = arith.constant 0 : i32
    %dma_wait3A_445 = tpu.memref_slice %arg5[%min3A_420, %dma_wait3A_444] : memref<1600x4000xi32, #tpu.memory_space<hbm>> -> memref<1x4000xi32, #tpu.memory_space<hbm>>
    %dma_wait3A_446 = tpu.memref_squeeze %dma_wait3A_445 : memref<1x4000xi32, #tpu.memory_space<hbm>> -> memref<4000xi32, #tpu.memory_space<hbm>>
    tpu.wait_dma2 semaphore(%arg22 : memref<!tpu.dma_semaphore, #tpu.memory_space<semaphore_mem>>) src(%dma_wait3A_446 : memref<4000xi32, #tpu.memory_space<hbm>>) dst(%dma_wait3A_443 : memref<4000xi32, #tpu.memory_space<vmem>>)
    %dma_wait3A_447 = arith.constant 1 : i32
    %dma_wait3A_448 = arith.constant 1 : i32
    %dma_wait3A_449 = arith.constant 0 : i32
    %dma_wait3A_450 = tpu.memref_slice %arg19[%dma_wait3A_447, %dma_wait3A_449] : memref<3x4000xf32, #tpu.memory_space<vmem>> -> memref<1x4000xf32, #tpu.memory_space<vmem>>
    %dma_wait3A_451 = tpu.memref_squeeze %dma_wait3A_450 : memref<1x4000xf32, #tpu.memory_space<vmem>> -> memref<4000xf32, #tpu.memory_space<vmem>>
    %dma_wait3A_452 = arith.constant 0 : i32
    %dma_wait3A_453 = tpu.memref_slice %arg18[%dma_wait3A_448, %dma_wait3A_452] : memref<3x4000xi32, #tpu.memory_space<vmem>> -> memref<1x4000xi32, #tpu.memory_space<vmem>>
    %dma_wait3A_454 = tpu.memref_squeeze %dma_wait3A_453 : memref<1x4000xi32, #tpu.memory_space<vmem>> -> memref<4000xi32, #tpu.memory_space<vmem>>
    %dma_wait3A_455 = arith.constant 0 : i32
    %dma_wait3A_456 = tpu.memref_slice %arg13[%dma_wait3A_455] : memref<102400xf32, #tpu.memory_space<vmem_shared>> -> memref<102400xf32, #tpu.memory_space<vmem_shared>>
    tpu.wait_indirect_dma semaphore(%arg25 : memref<!tpu.dma_semaphore, #tpu.memory_space<semaphore_mem>>) src(%dma_wait3A_451 : memref<4000xf32, #tpu.memory_space<vmem>>) dst(%dma_wait3A_456 : memref<102400xf32, #tpu.memory_space<vmem_shared>>)
    %dma_wait3A_457 = arith.constant 1 : i32
    %dma_wait3A_458 = arith.constant 1 : i32
    %dma_wait3A_459 = arith.constant 0 : i32
    %dma_wait3A_460 = tpu.memref_slice %arg20[%dma_wait3A_457, %dma_wait3A_459] : memref<3x4000xf32, #tpu.memory_space<vmem>> -> memref<1x4000xf32, #tpu.memory_space<vmem>>
    %dma_wait3A_461 = tpu.memref_squeeze %dma_wait3A_460 : memref<1x4000xf32, #tpu.memory_space<vmem>> -> memref<4000xf32, #tpu.memory_space<vmem>>
    %dma_wait3A_462 = arith.constant 0 : i32
    %dma_wait3A_463 = tpu.memref_slice %arg18[%dma_wait3A_458, %dma_wait3A_462] : memref<3x4000xi32, #tpu.memory_space<vmem>> -> memref<1x4000xi32, #tpu.memory_space<vmem>>
    %dma_wait3A_464 = tpu.memref_squeeze %dma_wait3A_463 : memref<1x4000xi32, #tpu.memory_space<vmem>> -> memref<4000xi32, #tpu.memory_space<vmem>>
    %dma_wait3A_465 = arith.constant 0 : i32
    %dma_wait3A_466 = tpu.memref_slice %arg14[%dma_wait3A_465] : memref<102400xf32, #tpu.memory_space<vmem_shared>> -> memref<102400xf32, #tpu.memory_space<vmem_shared>>
    tpu.wait_indirect_dma semaphore(%arg25 : memref<!tpu.dma_semaphore, #tpu.memory_space<semaphore_mem>>) src(%dma_wait3A_461 : memref<4000xf32, #tpu.memory_space<vmem>>) dst(%dma_wait3A_466 : memref<102400xf32, #tpu.memory_space<vmem_shared>>)
    %add3A_467 = arith.constant 49 : i32
    %add3A_468 = arith.addi %mul3A_4, %add3A_467 : i32
    %min3A_469 = arith.constant 1599 : i32
    %min3A_470 = arith.minsi %add3A_468, %min3A_469 : i32
    %dma_start3A_471 = arith.constant 1 : i32
    %dma_start3A_472 = arith.constant 0 : i32
    %dma_start3A_473 = tpu.memref_slice %arg17[%dma_start3A_471, %dma_start3A_472] : memref<3x4000xi32, #tpu.memory_space<vmem>> -> memref<1x4000xi32, #tpu.memory_space<vmem>>
    %dma_start3A_474 = tpu.memref_squeeze %dma_start3A_473 : memref<1x4000xi32, #tpu.memory_space<vmem>> -> memref<4000xi32, #tpu.memory_space<vmem>>
    %dma_start3A_475 = arith.constant 0 : i32
    %dma_start3A_476 = tpu.memref_slice %arg4[%min3A_470, %dma_start3A_475] : memref<1600x4000xi32, #tpu.memory_space<hbm>> -> memref<1x4000xi32, #tpu.memory_space<hbm>>
    %dma_start3A_477 = tpu.memref_squeeze %dma_start3A_476 : memref<1x4000xi32, #tpu.memory_space<hbm>> -> memref<4000xi32, #tpu.memory_space<hbm>>
    %dma_start3A_478 = arith.constant 0 : i32
    %dma_start3A_479 = tpu.memref_slice %arg17[%dma_start3A_471, %dma_start3A_478] : memref<3x4000xi32, #tpu.memory_space<vmem>> -> memref<1x4000xi32, #tpu.memory_space<vmem>>
    %dma_start3A_480 = tpu.memref_squeeze %dma_start3A_479 : memref<1x4000xi32, #tpu.memory_space<vmem>> -> memref<4000xi32, #tpu.memory_space<vmem>>
    %dma_start3A_481 = arith.constant 0 : i32
    %dma_start3A_482 = tpu.memref_slice %arg4[%min3A_470, %dma_start3A_481] : memref<1600x4000xi32, #tpu.memory_space<hbm>> -> memref<1x4000xi32, #tpu.memory_space<hbm>>
    %dma_start3A_483 = tpu.memref_squeeze %dma_start3A_482 : memref<1x4000xi32, #tpu.memory_space<hbm>> -> memref<4000xi32, #tpu.memory_space<hbm>>
    tpu.enqueue_dma source(%dma_start3A_483 : memref<4000xi32, #tpu.memory_space<hbm>>) target(%dma_start3A_480 : memref<4000xi32, #tpu.memory_space<vmem>>) target_semaphore(%arg22 : memref<!tpu.dma_semaphore, #tpu.memory_space<semaphore_mem>>)
    %dma_start3A_484 = arith.constant 1 : i32
    %dma_start3A_485 = arith.constant 0 : i32
    %dma_start3A_486 = tpu.memref_slice %arg18[%dma_start3A_484, %dma_start3A_485] : memref<3x4000xi32, #tpu.memory_space<vmem>> -> memref<1x4000xi32, #tpu.memory_space<vmem>>
    %dma_start3A_487 = tpu.memref_squeeze %dma_start3A_486 : memref<1x4000xi32, #tpu.memory_space<vmem>> -> memref<4000xi32, #tpu.memory_space<vmem>>
    %dma_start3A_488 = arith.constant 0 : i32
    %dma_start3A_489 = tpu.memref_slice %arg5[%min3A_470, %dma_start3A_488] : memref<1600x4000xi32, #tpu.memory_space<hbm>> -> memref<1x4000xi32, #tpu.memory_space<hbm>>
    %dma_start3A_490 = tpu.memref_squeeze %dma_start3A_489 : memref<1x4000xi32, #tpu.memory_space<hbm>> -> memref<4000xi32, #tpu.memory_space<hbm>>
    %dma_start3A_491 = arith.constant 0 : i32
    %dma_start3A_492 = tpu.memref_slice %arg18[%dma_start3A_484, %dma_start3A_491] : memref<3x4000xi32, #tpu.memory_space<vmem>> -> memref<1x4000xi32, #tpu.memory_space<vmem>>
    %dma_start3A_493 = tpu.memref_squeeze %dma_start3A_492 : memref<1x4000xi32, #tpu.memory_space<vmem>> -> memref<4000xi32, #tpu.memory_space<vmem>>
    %dma_start3A_494 = arith.constant 0 : i32
    %dma_start3A_495 = tpu.memref_slice %arg5[%min3A_470, %dma_start3A_494] : memref<1600x4000xi32, #tpu.memory_space<hbm>> -> memref<1x4000xi32, #tpu.memory_space<hbm>>
    %dma_start3A_496 = tpu.memref_squeeze %dma_start3A_495 : memref<1x4000xi32, #tpu.memory_space<hbm>> -> memref<4000xi32, #tpu.memory_space<hbm>>
    tpu.enqueue_dma source(%dma_start3A_496 : memref<4000xi32, #tpu.memory_space<hbm>>) target(%dma_start3A_493 : memref<4000xi32, #tpu.memory_space<vmem>>) target_semaphore(%arg22 : memref<!tpu.dma_semaphore, #tpu.memory_space<semaphore_mem>>)
    %dma_start3A_497 = arith.constant 0 : i32
    %dma_start3A_498 = arith.constant 0 : i32
    %dma_start3A_499 = arith.constant 0 : i32
    %dma_start3A_500 = tpu.memref_slice %arg19[%dma_start3A_498, %dma_start3A_499] : memref<3x4000xf32, #tpu.memory_space<vmem>> -> memref<1x4000xf32, #tpu.memory_space<vmem>>
    %dma_start3A_501 = tpu.memref_squeeze %dma_start3A_500 : memref<1x4000xf32, #tpu.memory_space<vmem>> -> memref<4000xf32, #tpu.memory_space<vmem>>
    %dma_start3A_502 = arith.constant 0 : i32
    %dma_start3A_503 = tpu.memref_slice %arg17[%dma_start3A_497, %dma_start3A_502] : memref<3x4000xi32, #tpu.memory_space<vmem>> -> memref<1x4000xi32, #tpu.memory_space<vmem>>
    %dma_start3A_504 = tpu.memref_squeeze %dma_start3A_503 : memref<1x4000xi32, #tpu.memory_space<vmem>> -> memref<4000xi32, #tpu.memory_space<vmem>>
    %dma_start3A_505 = arith.constant 0 : i32
    %dma_start3A_506 = tpu.memref_slice %arg11[%dma_start3A_505] : memref<102400xf32, #tpu.memory_space<vmem_shared>> -> memref<102400xf32, #tpu.memory_space<vmem_shared>>
    tpu.enqueue_indirect_dma source(%dma_start3A_506 : memref<102400xf32, #tpu.memory_space<vmem_shared>>) target(%dma_start3A_501 : memref<4000xf32, #tpu.memory_space<vmem>>) offsets(%dma_start3A_504 : memref<4000xi32, #tpu.memory_space<vmem>>) semaphore(%arg23 : memref<!tpu.dma_semaphore, #tpu.memory_space<semaphore_mem>>)
    %dma_start3A_507 = arith.constant 0 : i32
    %dma_start3A_508 = arith.constant 0 : i32
    %dma_start3A_509 = arith.constant 0 : i32
    %dma_start3A_510 = tpu.memref_slice %arg20[%dma_start3A_508, %dma_start3A_509] : memref<3x4000xf32, #tpu.memory_space<vmem>> -> memref<1x4000xf32, #tpu.memory_space<vmem>>
    %dma_start3A_511 = tpu.memref_squeeze %dma_start3A_510 : memref<1x4000xf32, #tpu.memory_space<vmem>> -> memref<4000xf32, #tpu.memory_space<vmem>>
    %dma_start3A_512 = arith.constant 0 : i32
    %dma_start3A_513 = tpu.memref_slice %arg17[%dma_start3A_507, %dma_start3A_512] : memref<3x4000xi32, #tpu.memory_space<vmem>> -> memref<1x4000xi32, #tpu.memory_space<vmem>>
    %dma_start3A_514 = tpu.memref_squeeze %dma_start3A_513 : memref<1x4000xi32, #tpu.memory_space<vmem>> -> memref<4000xi32, #tpu.memory_space<vmem>>
    %dma_start3A_515 = arith.constant 0 : i32
    %dma_start3A_516 = tpu.memref_slice %arg12[%dma_start3A_515] : memref<102400xf32, #tpu.memory_space<vmem_shared>> -> memref<102400xf32, #tpu.memory_space<vmem_shared>>
    tpu.enqueue_indirect_dma source(%dma_start3A_516 : memref<102400xf32, #tpu.memory_space<vmem_shared>>) target(%dma_start3A_511 : memref<4000xf32, #tpu.memory_space<vmem>>) offsets(%dma_start3A_514 : memref<4000xi32, #tpu.memory_space<vmem>>) semaphore(%arg23 : memref<!tpu.dma_semaphore, #tpu.memory_space<semaphore_mem>>)
    %dma_wait3A_517 = arith.constant 0 : i32
    %dma_wait3A_518 = arith.constant 0 : i32
    %dma_wait3A_519 = arith.constant 0 : i32
    %dma_wait3A_520 = tpu.memref_slice %arg19[%dma_wait3A_518, %dma_wait3A_519] : memref<3x4000xf32, #tpu.memory_space<vmem>> -> memref<1x4000xf32, #tpu.memory_space<vmem>>
    %dma_wait3A_521 = tpu.memref_squeeze %dma_wait3A_520 : memref<1x4000xf32, #tpu.memory_space<vmem>> -> memref<4000xf32, #tpu.memory_space<vmem>>
    %dma_wait3A_522 = arith.constant 0 : i32
    %dma_wait3A_523 = tpu.memref_slice %arg17[%dma_wait3A_517, %dma_wait3A_522] : memref<3x4000xi32, #tpu.memory_space<vmem>> -> memref<1x4000xi32, #tpu.memory_space<vmem>>
    %dma_wait3A_524 = tpu.memref_squeeze %dma_wait3A_523 : memref<1x4000xi32, #tpu.memory_space<vmem>> -> memref<4000xi32, #tpu.memory_space<vmem>>
    %dma_wait3A_525 = arith.constant 0 : i32
    %dma_wait3A_526 = tpu.memref_slice %arg11[%dma_wait3A_525] : memref<102400xf32, #tpu.memory_space<vmem_shared>> -> memref<102400xf32, #tpu.memory_space<vmem_shared>>
    tpu.wait_indirect_dma semaphore(%arg23 : memref<!tpu.dma_semaphore, #tpu.memory_space<semaphore_mem>>) src(%dma_wait3A_526 : memref<102400xf32, #tpu.memory_space<vmem_shared>>) dst(%dma_wait3A_521 : memref<4000xf32, #tpu.memory_space<vmem>>)
    %dma_wait3A_527 = arith.constant 0 : i32
    %dma_wait3A_528 = arith.constant 0 : i32
    %dma_wait3A_529 = arith.constant 0 : i32
    %dma_wait3A_530 = tpu.memref_slice %arg20[%dma_wait3A_528, %dma_wait3A_529] : memref<3x4000xf32, #tpu.memory_space<vmem>> -> memref<1x4000xf32, #tpu.memory_space<vmem>>
    %dma_wait3A_531 = tpu.memref_squeeze %dma_wait3A_530 : memref<1x4000xf32, #tpu.memory_space<vmem>> -> memref<4000xf32, #tpu.memory_space<vmem>>
    %dma_wait3A_532 = arith.constant 0 : i32
    %dma_wait3A_533 = tpu.memref_slice %arg17[%dma_wait3A_527, %dma_wait3A_532] : memref<3x4000xi32, #tpu.memory_space<vmem>> -> memref<1x4000xi32, #tpu.memory_space<vmem>>
    %dma_wait3A_534 = tpu.memref_squeeze %dma_wait3A_533 : memref<1x4000xi32, #tpu.memory_space<vmem>> -> memref<4000xi32, #tpu.memory_space<vmem>>
    %dma_wait3A_535 = arith.constant 0 : i32
    %dma_wait3A_536 = tpu.memref_slice %arg12[%dma_wait3A_535] : memref<102400xf32, #tpu.memory_space<vmem_shared>> -> memref<102400xf32, #tpu.memory_space<vmem_shared>>
    tpu.wait_indirect_dma semaphore(%arg23 : memref<!tpu.dma_semaphore, #tpu.memory_space<semaphore_mem>>) src(%dma_wait3A_536 : memref<102400xf32, #tpu.memory_space<vmem_shared>>) dst(%dma_wait3A_531 : memref<4000xf32, #tpu.memory_space<vmem>>)
    %dma_start3A_537 = arith.constant 0 : i32
    %dma_start3A_538 = arith.constant 0 : i32
    %dma_start3A_539 = arith.constant 0 : i32
    %dma_start3A_540 = tpu.memref_slice %arg19[%dma_start3A_537, %dma_start3A_539] : memref<3x4000xf32, #tpu.memory_space<vmem>> -> memref<1x4000xf32, #tpu.memory_space<vmem>>
    %dma_start3A_541 = tpu.memref_squeeze %dma_start3A_540 : memref<1x4000xf32, #tpu.memory_space<vmem>> -> memref<4000xf32, #tpu.memory_space<vmem>>
    %dma_start3A_542 = arith.constant 0 : i32
    %dma_start3A_543 = tpu.memref_slice %arg18[%dma_start3A_538, %dma_start3A_542] : memref<3x4000xi32, #tpu.memory_space<vmem>> -> memref<1x4000xi32, #tpu.memory_space<vmem>>
    %dma_start3A_544 = tpu.memref_squeeze %dma_start3A_543 : memref<1x4000xi32, #tpu.memory_space<vmem>> -> memref<4000xi32, #tpu.memory_space<vmem>>
    %dma_start3A_545 = arith.constant 0 : i32
    %dma_start3A_546 = tpu.memref_slice %arg13[%dma_start3A_545] : memref<102400xf32, #tpu.memory_space<vmem_shared>> -> memref<102400xf32, #tpu.memory_space<vmem_shared>>
    tpu.enqueue_indirect_dma source(%dma_start3A_541 : memref<4000xf32, #tpu.memory_space<vmem>>) target(%dma_start3A_546 : memref<102400xf32, #tpu.memory_space<vmem_shared>>) offsets(%dma_start3A_544 : memref<4000xi32, #tpu.memory_space<vmem>>) semaphore(%arg24 : memref<!tpu.dma_semaphore, #tpu.memory_space<semaphore_mem>>) {add = true}
    %dma_start3A_547 = arith.constant 0 : i32
    %dma_start3A_548 = arith.constant 0 : i32
    %dma_start3A_549 = arith.constant 0 : i32
    %dma_start3A_550 = tpu.memref_slice %arg20[%dma_start3A_547, %dma_start3A_549] : memref<3x4000xf32, #tpu.memory_space<vmem>> -> memref<1x4000xf32, #tpu.memory_space<vmem>>
    %dma_start3A_551 = tpu.memref_squeeze %dma_start3A_550 : memref<1x4000xf32, #tpu.memory_space<vmem>> -> memref<4000xf32, #tpu.memory_space<vmem>>
    %dma_start3A_552 = arith.constant 0 : i32
    %dma_start3A_553 = tpu.memref_slice %arg18[%dma_start3A_548, %dma_start3A_552] : memref<3x4000xi32, #tpu.memory_space<vmem>> -> memref<1x4000xi32, #tpu.memory_space<vmem>>
    %dma_start3A_554 = tpu.memref_squeeze %dma_start3A_553 : memref<1x4000xi32, #tpu.memory_space<vmem>> -> memref<4000xi32, #tpu.memory_space<vmem>>
    %dma_start3A_555 = arith.constant 0 : i32
    %dma_start3A_556 = tpu.memref_slice %arg14[%dma_start3A_555] : memref<102400xf32, #tpu.memory_space<vmem_shared>> -> memref<102400xf32, #tpu.memory_space<vmem_shared>>
    tpu.enqueue_indirect_dma source(%dma_start3A_551 : memref<4000xf32, #tpu.memory_space<vmem>>) target(%dma_start3A_556 : memref<102400xf32, #tpu.memory_space<vmem_shared>>) offsets(%dma_start3A_554 : memref<4000xi32, #tpu.memory_space<vmem>>) semaphore(%arg24 : memref<!tpu.dma_semaphore, #tpu.memory_space<semaphore_mem>>) {add = true}
    %add3A_557 = arith.constant 49 : i32
    %add3A_558 = arith.addi %mul3A_4, %add3A_557 : i32
    %min3A_559 = arith.constant 1599 : i32
    %min3A_560 = arith.minsi %add3A_558, %min3A_559 : i32
    %dma_wait3A_561 = arith.constant 1 : i32
    %dma_wait3A_562 = arith.constant 0 : i32
    %dma_wait3A_563 = tpu.memref_slice %arg17[%dma_wait3A_561, %dma_wait3A_562] : memref<3x4000xi32, #tpu.memory_space<vmem>> -> memref<1x4000xi32, #tpu.memory_space<vmem>>
    %dma_wait3A_564 = tpu.memref_squeeze %dma_wait3A_563 : memref<1x4000xi32, #tpu.memory_space<vmem>> -> memref<4000xi32, #tpu.memory_space<vmem>>
    %dma_wait3A_565 = arith.constant 0 : i32
    %dma_wait3A_566 = tpu.memref_slice %arg4[%min3A_560, %dma_wait3A_565] : memref<1600x4000xi32, #tpu.memory_space<hbm>> -> memref<1x4000xi32, #tpu.memory_space<hbm>>
    %dma_wait3A_567 = tpu.memref_squeeze %dma_wait3A_566 : memref<1x4000xi32, #tpu.memory_space<hbm>> -> memref<4000xi32, #tpu.memory_space<hbm>>
    %dma_wait3A_568 = arith.constant 0 : i32
    %dma_wait3A_569 = tpu.memref_slice %arg17[%dma_wait3A_561, %dma_wait3A_568] : memref<3x4000xi32, #tpu.memory_space<vmem>> -> memref<1x4000xi32, #tpu.memory_space<vmem>>
    %dma_wait3A_570 = tpu.memref_squeeze %dma_wait3A_569 : memref<1x4000xi32, #tpu.memory_space<vmem>> -> memref<4000xi32, #tpu.memory_space<vmem>>
    %dma_wait3A_571 = arith.constant 0 : i32
    %dma_wait3A_572 = tpu.memref_slice %arg4[%min3A_560, %dma_wait3A_571] : memref<1600x4000xi32, #tpu.memory_space<hbm>> -> memref<1x4000xi32, #tpu.memory_space<hbm>>
    %dma_wait3A_573 = tpu.memref_squeeze %dma_wait3A_572 : memref<1x4000xi32, #tpu.memory_space<hbm>> -> memref<4000xi32, #tpu.memory_space<hbm>>
    tpu.wait_dma2 semaphore(%arg22 : memref<!tpu.dma_semaphore, #tpu.memory_space<semaphore_mem>>) src(%dma_wait3A_573 : memref<4000xi32, #tpu.memory_space<hbm>>) dst(%dma_wait3A_570 : memref<4000xi32, #tpu.memory_space<vmem>>)
    %dma_wait3A_574 = arith.constant 1 : i32
    %dma_wait3A_575 = arith.constant 0 : i32
    %dma_wait3A_576 = tpu.memref_slice %arg18[%dma_wait3A_574, %dma_wait3A_575] : memref<3x4000xi32, #tpu.memory_space<vmem>> -> memref<1x4000xi32, #tpu.memory_space<vmem>>
    %dma_wait3A_577 = tpu.memref_squeeze %dma_wait3A_576 : memref<1x4000xi32, #tpu.memory_space<vmem>> -> memref<4000xi32, #tpu.memory_space<vmem>>
    %dma_wait3A_578 = arith.constant 0 : i32
    %dma_wait3A_579 = tpu.memref_slice %arg5[%min3A_560, %dma_wait3A_578] : memref<1600x4000xi32, #tpu.memory_space<hbm>> -> memref<1x4000xi32, #tpu.memory_space<hbm>>
    %dma_wait3A_580 = tpu.memref_squeeze %dma_wait3A_579 : memref<1x4000xi32, #tpu.memory_space<hbm>> -> memref<4000xi32, #tpu.memory_space<hbm>>
    %dma_wait3A_581 = arith.constant 0 : i32
    %dma_wait3A_582 = tpu.memref_slice %arg18[%dma_wait3A_574, %dma_wait3A_581] : memref<3x4000xi32, #tpu.memory_space<vmem>> -> memref<1x4000xi32, #tpu.memory_space<vmem>>
    %dma_wait3A_583 = tpu.memref_squeeze %dma_wait3A_582 : memref<1x4000xi32, #tpu.memory_space<vmem>> -> memref<4000xi32, #tpu.memory_space<vmem>>
    %dma_wait3A_584 = arith.constant 0 : i32
    %dma_wait3A_585 = tpu.memref_slice %arg5[%min3A_560, %dma_wait3A_584] : memref<1600x4000xi32, #tpu.memory_space<hbm>> -> memref<1x4000xi32, #tpu.memory_space<hbm>>
    %dma_wait3A_586 = tpu.memref_squeeze %dma_wait3A_585 : memref<1x4000xi32, #tpu.memory_space<hbm>> -> memref<4000xi32, #tpu.memory_space<hbm>>
    tpu.wait_dma2 semaphore(%arg22 : memref<!tpu.dma_semaphore, #tpu.memory_space<semaphore_mem>>) src(%dma_wait3A_586 : memref<4000xi32, #tpu.memory_space<hbm>>) dst(%dma_wait3A_583 : memref<4000xi32, #tpu.memory_space<vmem>>)
    %dma_wait3A_587 = arith.constant 2 : i32
    %dma_wait3A_588 = arith.constant 2 : i32
    %dma_wait3A_589 = arith.constant 0 : i32
    %dma_wait3A_590 = tpu.memref_slice %arg19[%dma_wait3A_587, %dma_wait3A_589] : memref<3x4000xf32, #tpu.memory_space<vmem>> -> memref<1x4000xf32, #tpu.memory_space<vmem>>
    %dma_wait3A_591 = tpu.memref_squeeze %dma_wait3A_590 : memref<1x4000xf32, #tpu.memory_space<vmem>> -> memref<4000xf32, #tpu.memory_space<vmem>>
    %dma_wait3A_592 = arith.constant 0 : i32
    %dma_wait3A_593 = tpu.memref_slice %arg18[%dma_wait3A_588, %dma_wait3A_592] : memref<3x4000xi32, #tpu.memory_space<vmem>> -> memref<1x4000xi32, #tpu.memory_space<vmem>>
    %dma_wait3A_594 = tpu.memref_squeeze %dma_wait3A_593 : memref<1x4000xi32, #tpu.memory_space<vmem>> -> memref<4000xi32, #tpu.memory_space<vmem>>
    %dma_wait3A_595 = arith.constant 0 : i32
    %dma_wait3A_596 = tpu.memref_slice %arg13[%dma_wait3A_595] : memref<102400xf32, #tpu.memory_space<vmem_shared>> -> memref<102400xf32, #tpu.memory_space<vmem_shared>>
    tpu.wait_indirect_dma semaphore(%arg26 : memref<!tpu.dma_semaphore, #tpu.memory_space<semaphore_mem>>) src(%dma_wait3A_591 : memref<4000xf32, #tpu.memory_space<vmem>>) dst(%dma_wait3A_596 : memref<102400xf32, #tpu.memory_space<vmem_shared>>)
    %dma_wait3A_597 = arith.constant 2 : i32
    %dma_wait3A_598 = arith.constant 2 : i32
    %dma_wait3A_599 = arith.constant 0 : i32
    %dma_wait3A_600 = tpu.memref_slice %arg20[%dma_wait3A_597, %dma_wait3A_599] : memref<3x4000xf32, #tpu.memory_space<vmem>> -> memref<1x4000xf32, #tpu.memory_space<vmem>>
    %dma_wait3A_601 = tpu.memref_squeeze %dma_wait3A_600 : memref<1x4000xf32, #tpu.memory_space<vmem>> -> memref<4000xf32, #tpu.memory_space<vmem>>
    %dma_wait3A_602 = arith.constant 0 : i32
    %dma_wait3A_603 = tpu.memref_slice %arg18[%dma_wait3A_598, %dma_wait3A_602] : memref<3x4000xi32, #tpu.memory_space<vmem>> -> memref<1x4000xi32, #tpu.memory_space<vmem>>
    %dma_wait3A_604 = tpu.memref_squeeze %dma_wait3A_603 : memref<1x4000xi32, #tpu.memory_space<vmem>> -> memref<4000xi32, #tpu.memory_space<vmem>>
    %dma_wait3A_605 = arith.constant 0 : i32
    %dma_wait3A_606 = tpu.memref_slice %arg14[%dma_wait3A_605] : memref<102400xf32, #tpu.memory_space<vmem_shared>> -> memref<102400xf32, #tpu.memory_space<vmem_shared>>
    tpu.wait_indirect_dma semaphore(%arg26 : memref<!tpu.dma_semaphore, #tpu.memory_space<semaphore_mem>>) src(%dma_wait3A_601 : memref<4000xf32, #tpu.memory_space<vmem>>) dst(%dma_wait3A_606 : memref<102400xf32, #tpu.memory_space<vmem_shared>>)
    %add3A_607 = arith.constant 50 : i32
    %add3A_608 = arith.addi %mul3A_4, %add3A_607 : i32
    %min3A_609 = arith.constant 1599 : i32
    %min3A_610 = arith.minsi %add3A_608, %min3A_609 : i32
    %dma_start3A_611 = arith.constant 2 : i32
    %dma_start3A_612 = arith.constant 0 : i32
    %dma_start3A_613 = tpu.memref_slice %arg17[%dma_start3A_611, %dma_start3A_612] : memref<3x4000xi32, #tpu.memory_space<vmem>> -> memref<1x4000xi32, #tpu.memory_space<vmem>>
    %dma_start3A_614 = tpu.memref_squeeze %dma_start3A_613 : memref<1x4000xi32, #tpu.memory_space<vmem>> -> memref<4000xi32, #tpu.memory_space<vmem>>
    %dma_start3A_615 = arith.constant 0 : i32
    %dma_start3A_616 = tpu.memref_slice %arg4[%min3A_610, %dma_start3A_615] : memref<1600x4000xi32, #tpu.memory_space<hbm>> -> memref<1x4000xi32, #tpu.memory_space<hbm>>
    %dma_start3A_617 = tpu.memref_squeeze %dma_start3A_616 : memref<1x4000xi32, #tpu.memory_space<hbm>> -> memref<4000xi32, #tpu.memory_space<hbm>>
    %dma_start3A_618 = arith.constant 0 : i32
    %dma_start3A_619 = tpu.memref_slice %arg17[%dma_start3A_611, %dma_start3A_618] : memref<3x4000xi32, #tpu.memory_space<vmem>> -> memref<1x4000xi32, #tpu.memory_space<vmem>>
    %dma_start3A_620 = tpu.memref_squeeze %dma_start3A_619 : memref<1x4000xi32, #tpu.memory_space<vmem>> -> memref<4000xi32, #tpu.memory_space<vmem>>
    %dma_start3A_621 = arith.constant 0 : i32
    %dma_start3A_622 = tpu.memref_slice %arg4[%min3A_610, %dma_start3A_621] : memref<1600x4000xi32, #tpu.memory_space<hbm>> -> memref<1x4000xi32, #tpu.memory_space<hbm>>
    %dma_start3A_623 = tpu.memref_squeeze %dma_start3A_622 : memref<1x4000xi32, #tpu.memory_space<hbm>> -> memref<4000xi32, #tpu.memory_space<hbm>>
    tpu.enqueue_dma source(%dma_start3A_623 : memref<4000xi32, #tpu.memory_space<hbm>>) target(%dma_start3A_620 : memref<4000xi32, #tpu.memory_space<vmem>>) target_semaphore(%arg22 : memref<!tpu.dma_semaphore, #tpu.memory_space<semaphore_mem>>)
    %dma_start3A_624 = arith.constant 2 : i32
    %dma_start3A_625 = arith.constant 0 : i32
    %dma_start3A_626 = tpu.memref_slice %arg18[%dma_start3A_624, %dma_start3A_625] : memref<3x4000xi32, #tpu.memory_space<vmem>> -> memref<1x4000xi32, #tpu.memory_space<vmem>>
    %dma_start3A_627 = tpu.memref_squeeze %dma_start3A_626 : memref<1x4000xi32, #tpu.memory_space<vmem>> -> memref<4000xi32, #tpu.memory_space<vmem>>
    %dma_start3A_628 = arith.constant 0 : i32
    %dma_start3A_629 = tpu.memref_slice %arg5[%min3A_610, %dma_start3A_628] : memref<1600x4000xi32, #tpu.memory_space<hbm>> -> memref<1x4000xi32, #tpu.memory_space<hbm>>
    %dma_start3A_630 = tpu.memref_squeeze %dma_start3A_629 : memref<1x4000xi32, #tpu.memory_space<hbm>> -> memref<4000xi32, #tpu.memory_space<hbm>>
    %dma_start3A_631 = arith.constant 0 : i32
    %dma_start3A_632 = tpu.memref_slice %arg18[%dma_start3A_624, %dma_start3A_631] : memref<3x4000xi32, #tpu.memory_space<vmem>> -> memref<1x4000xi32, #tpu.memory_space<vmem>>
    %dma_start3A_633 = tpu.memref_squeeze %dma_start3A_632 : memref<1x4000xi32, #tpu.memory_space<vmem>> -> memref<4000xi32, #tpu.memory_space<vmem>>
    %dma_start3A_634 = arith.constant 0 : i32
    %dma_start3A_635 = tpu.memref_slice %arg5[%min3A_610, %dma_start3A_634] : memref<1600x4000xi32, #tpu.memory_space<hbm>> -> memref<1x4000xi32, #tpu.memory_space<hbm>>
    %dma_start3A_636 = tpu.memref_squeeze %dma_start3A_635 : memref<1x4000xi32, #tpu.memory_space<hbm>> -> memref<4000xi32, #tpu.memory_space<hbm>>
    tpu.enqueue_dma source(%dma_start3A_636 : memref<4000xi32, #tpu.memory_space<hbm>>) target(%dma_start3A_633 : memref<4000xi32, #tpu.memory_space<vmem>>) target_semaphore(%arg22 : memref<!tpu.dma_semaphore, #tpu.memory_space<semaphore_mem>>)
    %dma_start3A_637 = arith.constant 1 : i32
    %dma_start3A_638 = arith.constant 1 : i32
    %dma_start3A_639 = arith.constant 0 : i32
    %dma_start3A_640 = tpu.memref_slice %arg19[%dma_start3A_638, %dma_start3A_639] : memref<3x4000xf32, #tpu.memory_space<vmem>> -> memref<1x4000xf32, #tpu.memory_space<vmem>>
    %dma_start3A_641 = tpu.memref_squeeze %dma_start3A_640 : memref<1x4000xf32, #tpu.memory_space<vmem>> -> memref<4000xf32, #tpu.memory_space<vmem>>
    %dma_start3A_642 = arith.constant 0 : i32
    %dma_start3A_643 = tpu.memref_slice %arg17[%dma_start3A_637, %dma_start3A_642] : memref<3x4000xi32, #tpu.memory_space<vmem>> -> memref<1x4000xi32, #tpu.memory_space<vmem>>
    %dma_start3A_644 = tpu.memref_squeeze %dma_start3A_643 : memref<1x4000xi32, #tpu.memory_space<vmem>> -> memref<4000xi32, #tpu.memory_space<vmem>>
    %dma_start3A_645 = arith.constant 0 : i32
    %dma_start3A_646 = tpu.memref_slice %arg11[%dma_start3A_645] : memref<102400xf32, #tpu.memory_space<vmem_shared>> -> memref<102400xf32, #tpu.memory_space<vmem_shared>>
    tpu.enqueue_indirect_dma source(%dma_start3A_646 : memref<102400xf32, #tpu.memory_space<vmem_shared>>) target(%dma_start3A_641 : memref<4000xf32, #tpu.memory_space<vmem>>) offsets(%dma_start3A_644 : memref<4000xi32, #tpu.memory_space<vmem>>) semaphore(%arg23 : memref<!tpu.dma_semaphore, #tpu.memory_space<semaphore_mem>>)
    %dma_start3A_647 = arith.constant 1 : i32
    %dma_start3A_648 = arith.constant 1 : i32
    %dma_start3A_649 = arith.constant 0 : i32
    %dma_start3A_650 = tpu.memref_slice %arg20[%dma_start3A_648, %dma_start3A_649] : memref<3x4000xf32, #tpu.memory_space<vmem>> -> memref<1x4000xf32, #tpu.memory_space<vmem>>
    %dma_start3A_651 = tpu.memref_squeeze %dma_start3A_650 : memref<1x4000xf32, #tpu.memory_space<vmem>> -> memref<4000xf32, #tpu.memory_space<vmem>>
    %dma_start3A_652 = arith.constant 0 : i32
    %dma_start3A_653 = tpu.memref_slice %arg17[%dma_start3A_647, %dma_start3A_652] : memref<3x4000xi32, #tpu.memory_space<vmem>> -> memref<1x4000xi32, #tpu.memory_space<vmem>>
    %dma_start3A_654 = tpu.memref_squeeze %dma_start3A_653 : memref<1x4000xi32, #tpu.memory_space<vmem>> -> memref<4000xi32, #tpu.memory_space<vmem>>
    %dma_start3A_655 = arith.constant 0 : i32
    %dma_start3A_656 = tpu.memref_slice %arg12[%dma_start3A_655] : memref<102400xf32, #tpu.memory_space<vmem_shared>> -> memref<102400xf32, #tpu.memory_space<vmem_shared>>
    tpu.enqueue_indirect_dma source(%dma_start3A_656 : memref<102400xf32, #tpu.memory_space<vmem_shared>>) target(%dma_start3A_651 : memref<4000xf32, #tpu.memory_space<vmem>>) offsets(%dma_start3A_654 : memref<4000xi32, #tpu.memory_space<vmem>>) semaphore(%arg23 : memref<!tpu.dma_semaphore, #tpu.memory_space<semaphore_mem>>)
    %dma_wait3A_657 = arith.constant 1 : i32
    %dma_wait3A_658 = arith.constant 1 : i32
    %dma_wait3A_659 = arith.constant 0 : i32
    %dma_wait3A_660 = tpu.memref_slice %arg19[%dma_wait3A_658, %dma_wait3A_659] : memref<3x4000xf32, #tpu.memory_space<vmem>> -> memref<1x4000xf32, #tpu.memory_space<vmem>>
    %dma_wait3A_661 = tpu.memref_squeeze %dma_wait3A_660 : memref<1x4000xf32, #tpu.memory_space<vmem>> -> memref<4000xf32, #tpu.memory_space<vmem>>
    %dma_wait3A_662 = arith.constant 0 : i32
    %dma_wait3A_663 = tpu.memref_slice %arg17[%dma_wait3A_657, %dma_wait3A_662] : memref<3x4000xi32, #tpu.memory_space<vmem>> -> memref<1x4000xi32, #tpu.memory_space<vmem>>
    %dma_wait3A_664 = tpu.memref_squeeze %dma_wait3A_663 : memref<1x4000xi32, #tpu.memory_space<vmem>> -> memref<4000xi32, #tpu.memory_space<vmem>>
    %dma_wait3A_665 = arith.constant 0 : i32
    %dma_wait3A_666 = tpu.memref_slice %arg11[%dma_wait3A_665] : memref<102400xf32, #tpu.memory_space<vmem_shared>> -> memref<102400xf32, #tpu.memory_space<vmem_shared>>
    tpu.wait_indirect_dma semaphore(%arg23 : memref<!tpu.dma_semaphore, #tpu.memory_space<semaphore_mem>>) src(%dma_wait3A_666 : memref<102400xf32, #tpu.memory_space<vmem_shared>>) dst(%dma_wait3A_661 : memref<4000xf32, #tpu.memory_space<vmem>>)
    %dma_wait3A_667 = arith.constant 1 : i32
    %dma_wait3A_668 = arith.constant 1 : i32
    %dma_wait3A_669 = arith.constant 0 : i32
    %dma_wait3A_670 = tpu.memref_slice %arg20[%dma_wait3A_668, %dma_wait3A_669] : memref<3x4000xf32, #tpu.memory_space<vmem>> -> memref<1x4000xf32, #tpu.memory_space<vmem>>
    %dma_wait3A_671 = tpu.memref_squeeze %dma_wait3A_670 : memref<1x4000xf32, #tpu.memory_space<vmem>> -> memref<4000xf32, #tpu.memory_space<vmem>>
    %dma_wait3A_672 = arith.constant 0 : i32
    %dma_wait3A_673 = tpu.memref_slice %arg17[%dma_wait3A_667, %dma_wait3A_672] : memref<3x4000xi32, #tpu.memory_space<vmem>> -> memref<1x4000xi32, #tpu.memory_space<vmem>>
    %dma_wait3A_674 = tpu.memref_squeeze %dma_wait3A_673 : memref<1x4000xi32, #tpu.memory_space<vmem>> -> memref<4000xi32, #tpu.memory_space<vmem>>
    %dma_wait3A_675 = arith.constant 0 : i32
    %dma_wait3A_676 = tpu.memref_slice %arg12[%dma_wait3A_675] : memref<102400xf32, #tpu.memory_space<vmem_shared>> -> memref<102400xf32, #tpu.memory_space<vmem_shared>>
    tpu.wait_indirect_dma semaphore(%arg23 : memref<!tpu.dma_semaphore, #tpu.memory_space<semaphore_mem>>) src(%dma_wait3A_676 : memref<102400xf32, #tpu.memory_space<vmem_shared>>) dst(%dma_wait3A_671 : memref<4000xf32, #tpu.memory_space<vmem>>)
    %dma_start3A_677 = arith.constant 1 : i32
    %dma_start3A_678 = arith.constant 1 : i32
    %dma_start3A_679 = arith.constant 0 : i32
    %dma_start3A_680 = tpu.memref_slice %arg19[%dma_start3A_677, %dma_start3A_679] : memref<3x4000xf32, #tpu.memory_space<vmem>> -> memref<1x4000xf32, #tpu.memory_space<vmem>>
    %dma_start3A_681 = tpu.memref_squeeze %dma_start3A_680 : memref<1x4000xf32, #tpu.memory_space<vmem>> -> memref<4000xf32, #tpu.memory_space<vmem>>
    %dma_start3A_682 = arith.constant 0 : i32
    %dma_start3A_683 = tpu.memref_slice %arg18[%dma_start3A_678, %dma_start3A_682] : memref<3x4000xi32, #tpu.memory_space<vmem>> -> memref<1x4000xi32, #tpu.memory_space<vmem>>
    %dma_start3A_684 = tpu.memref_squeeze %dma_start3A_683 : memref<1x4000xi32, #tpu.memory_space<vmem>> -> memref<4000xi32, #tpu.memory_space<vmem>>
    %dma_start3A_685 = arith.constant 0 : i32
    %dma_start3A_686 = tpu.memref_slice %arg13[%dma_start3A_685] : memref<102400xf32, #tpu.memory_space<vmem_shared>> -> memref<102400xf32, #tpu.memory_space<vmem_shared>>
    tpu.enqueue_indirect_dma source(%dma_start3A_681 : memref<4000xf32, #tpu.memory_space<vmem>>) target(%dma_start3A_686 : memref<102400xf32, #tpu.memory_space<vmem_shared>>) offsets(%dma_start3A_684 : memref<4000xi32, #tpu.memory_space<vmem>>) semaphore(%arg25 : memref<!tpu.dma_semaphore, #tpu.memory_space<semaphore_mem>>) {add = true}
    %dma_start3A_687 = arith.constant 1 : i32
    %dma_start3A_688 = arith.constant 1 : i32
    %dma_start3A_689 = arith.constant 0 : i32
    %dma_start3A_690 = tpu.memref_slice %arg20[%dma_start3A_687, %dma_start3A_689] : memref<3x4000xf32, #tpu.memory_space<vmem>> -> memref<1x4000xf32, #tpu.memory_space<vmem>>
    %dma_start3A_691 = tpu.memref_squeeze %dma_start3A_690 : memref<1x4000xf32, #tpu.memory_space<vmem>> -> memref<4000xf32, #tpu.memory_space<vmem>>
    %dma_start3A_692 = arith.constant 0 : i32
    %dma_start3A_693 = tpu.memref_slice %arg18[%dma_start3A_688, %dma_start3A_692] : memref<3x4000xi32, #tpu.memory_space<vmem>> -> memref<1x4000xi32, #tpu.memory_space<vmem>>
    %dma_start3A_694 = tpu.memref_squeeze %dma_start3A_693 : memref<1x4000xi32, #tpu.memory_space<vmem>> -> memref<4000xi32, #tpu.memory_space<vmem>>
    %dma_start3A_695 = arith.constant 0 : i32
    %dma_start3A_696 = tpu.memref_slice %arg14[%dma_start3A_695] : memref<102400xf32, #tpu.memory_space<vmem_shared>> -> memref<102400xf32, #tpu.memory_space<vmem_shared>>
    tpu.enqueue_indirect_dma source(%dma_start3A_691 : memref<4000xf32, #tpu.memory_space<vmem>>) target(%dma_start3A_696 : memref<102400xf32, #tpu.memory_space<vmem_shared>>) offsets(%dma_start3A_694 : memref<4000xi32, #tpu.memory_space<vmem>>) semaphore(%arg25 : memref<!tpu.dma_semaphore, #tpu.memory_space<semaphore_mem>>) {add = true}
    %dma_wait3A_697 = arith.constant 0 : i32
    %dma_wait3A_698 = arith.constant 0 : i32
    %dma_wait3A_699 = arith.constant 0 : i32
    %dma_wait3A_700 = tpu.memref_slice %arg19[%dma_wait3A_697, %dma_wait3A_699] : memref<3x4000xf32, #tpu.memory_space<vmem>> -> memref<1x4000xf32, #tpu.memory_space<vmem>>
    %dma_wait3A_701 = tpu.memref_squeeze %dma_wait3A_700 : memref<1x4000xf32, #tpu.memory_space<vmem>> -> memref<4000xf32, #tpu.memory_space<vmem>>
    %dma_wait3A_702 = arith.constant 0 : i32
    %dma_wait3A_703 = tpu.memref_slice %arg18[%dma_wait3A_698, %dma_wait3A_702] : memref<3x4000xi32, #tpu.memory_space<vmem>> -> memref<1x4000xi32, #tpu.memory_space<vmem>>
    %dma_wait3A_704 = tpu.memref_squeeze %dma_wait3A_703 : memref<1x4000xi32, #tpu.memory_space<vmem>> -> memref<4000xi32, #tpu.memory_space<vmem>>
    %dma_wait3A_705 = arith.constant 0 : i32
    %dma_wait3A_706 = tpu.memref_slice %arg13[%dma_wait3A_705] : memref<102400xf32, #tpu.memory_space<vmem_shared>> -> memref<102400xf32, #tpu.memory_space<vmem_shared>>
    tpu.wait_indirect_dma semaphore(%arg24 : memref<!tpu.dma_semaphore, #tpu.memory_space<semaphore_mem>>) src(%dma_wait3A_701 : memref<4000xf32, #tpu.memory_space<vmem>>) dst(%dma_wait3A_706 : memref<102400xf32, #tpu.memory_space<vmem_shared>>)
    %dma_wait3A_707 = arith.constant 0 : i32
    %dma_wait3A_708 = arith.constant 0 : i32
    %dma_wait3A_709 = arith.constant 0 : i32
    %dma_wait3A_710 = tpu.memref_slice %arg20[%dma_wait3A_707, %dma_wait3A_709] : memref<3x4000xf32, #tpu.memory_space<vmem>> -> memref<1x4000xf32, #tpu.memory_space<vmem>>
    %dma_wait3A_711 = tpu.memref_squeeze %dma_wait3A_710 : memref<1x4000xf32, #tpu.memory_space<vmem>> -> memref<4000xf32, #tpu.memory_space<vmem>>
    %dma_wait3A_712 = arith.constant 0 : i32
    %dma_wait3A_713 = tpu.memref_slice %arg18[%dma_wait3A_708, %dma_wait3A_712] : memref<3x4000xi32, #tpu.memory_space<vmem>> -> memref<1x4000xi32, #tpu.memory_space<vmem>>
    %dma_wait3A_714 = tpu.memref_squeeze %dma_wait3A_713 : memref<1x4000xi32, #tpu.memory_space<vmem>> -> memref<4000xi32, #tpu.memory_space<vmem>>
    %dma_wait3A_715 = arith.constant 0 : i32
    %dma_wait3A_716 = tpu.memref_slice %arg14[%dma_wait3A_715] : memref<102400xf32, #tpu.memory_space<vmem_shared>> -> memref<102400xf32, #tpu.memory_space<vmem_shared>>
    tpu.wait_indirect_dma semaphore(%arg24 : memref<!tpu.dma_semaphore, #tpu.memory_space<semaphore_mem>>) src(%dma_wait3A_711 : memref<4000xf32, #tpu.memory_space<vmem>>) dst(%dma_wait3A_716 : memref<102400xf32, #tpu.memory_space<vmem_shared>>)
    %dma_wait3A_717 = arith.constant 1 : i32
    %dma_wait3A_718 = arith.constant 1 : i32
    %dma_wait3A_719 = arith.constant 0 : i32
    %dma_wait3A_720 = tpu.memref_slice %arg19[%dma_wait3A_717, %dma_wait3A_719] : memref<3x4000xf32, #tpu.memory_space<vmem>> -> memref<1x4000xf32, #tpu.memory_space<vmem>>
    %dma_wait3A_721 = tpu.memref_squeeze %dma_wait3A_720 : memref<1x4000xf32, #tpu.memory_space<vmem>> -> memref<4000xf32, #tpu.memory_space<vmem>>
    %dma_wait3A_722 = arith.constant 0 : i32
    %dma_wait3A_723 = tpu.memref_slice %arg18[%dma_wait3A_718, %dma_wait3A_722] : memref<3x4000xi32, #tpu.memory_space<vmem>> -> memref<1x4000xi32, #tpu.memory_space<vmem>>
    %dma_wait3A_724 = tpu.memref_squeeze %dma_wait3A_723 : memref<1x4000xi32, #tpu.memory_space<vmem>> -> memref<4000xi32, #tpu.memory_space<vmem>>
    %dma_wait3A_725 = arith.constant 0 : i32
    %dma_wait3A_726 = tpu.memref_slice %arg13[%dma_wait3A_725] : memref<102400xf32, #tpu.memory_space<vmem_shared>> -> memref<102400xf32, #tpu.memory_space<vmem_shared>>
    tpu.wait_indirect_dma semaphore(%arg25 : memref<!tpu.dma_semaphore, #tpu.memory_space<semaphore_mem>>) src(%dma_wait3A_721 : memref<4000xf32, #tpu.memory_space<vmem>>) dst(%dma_wait3A_726 : memref<102400xf32, #tpu.memory_space<vmem_shared>>)
    %dma_wait3A_727 = arith.constant 1 : i32
    %dma_wait3A_728 = arith.constant 1 : i32
    %dma_wait3A_729 = arith.constant 0 : i32
    %dma_wait3A_730 = tpu.memref_slice %arg20[%dma_wait3A_727, %dma_wait3A_729] : memref<3x4000xf32, #tpu.memory_space<vmem>> -> memref<1x4000xf32, #tpu.memory_space<vmem>>
    %dma_wait3A_731 = tpu.memref_squeeze %dma_wait3A_730 : memref<1x4000xf32, #tpu.memory_space<vmem>> -> memref<4000xf32, #tpu.memory_space<vmem>>
    %dma_wait3A_732 = arith.constant 0 : i32
    %dma_wait3A_733 = tpu.memref_slice %arg18[%dma_wait3A_728, %dma_wait3A_732] : memref<3x4000xi32, #tpu.memory_space<vmem>> -> memref<1x4000xi32, #tpu.memory_space<vmem>>
    %dma_wait3A_734 = tpu.memref_squeeze %dma_wait3A_733 : memref<1x4000xi32, #tpu.memory_space<vmem>> -> memref<4000xi32, #tpu.memory_space<vmem>>
    %dma_wait3A_735 = arith.constant 0 : i32
    %dma_wait3A_736 = tpu.memref_slice %arg14[%dma_wait3A_735] : memref<102400xf32, #tpu.memory_space<vmem_shared>> -> memref<102400xf32, #tpu.memory_space<vmem_shared>>
    tpu.wait_indirect_dma semaphore(%arg25 : memref<!tpu.dma_semaphore, #tpu.memory_space<semaphore_mem>>) src(%dma_wait3A_731 : memref<4000xf32, #tpu.memory_space<vmem>>) dst(%dma_wait3A_736 : memref<102400xf32, #tpu.memory_space<vmem_shared>>)
    %add3A_737 = arith.constant 50 : i32
    %add3A_738 = arith.addi %mul3A_4, %add3A_737 : i32
    %min3A_739 = arith.constant 1599 : i32
    %min3A_740 = arith.minsi %add3A_738, %min3A_739 : i32
    %dma_wait3A_741 = arith.constant 2 : i32
    %dma_wait3A_742 = arith.constant 0 : i32
    %dma_wait3A_743 = tpu.memref_slice %arg17[%dma_wait3A_741, %dma_wait3A_742] : memref<3x4000xi32, #tpu.memory_space<vmem>> -> memref<1x4000xi32, #tpu.memory_space<vmem>>
    %dma_wait3A_744 = tpu.memref_squeeze %dma_wait3A_743 : memref<1x4000xi32, #tpu.memory_space<vmem>> -> memref<4000xi32, #tpu.memory_space<vmem>>
    %dma_wait3A_745 = arith.constant 0 : i32
    %dma_wait3A_746 = tpu.memref_slice %arg4[%min3A_740, %dma_wait3A_745] : memref<1600x4000xi32, #tpu.memory_space<hbm>> -> memref<1x4000xi32, #tpu.memory_space<hbm>>
    %dma_wait3A_747 = tpu.memref_squeeze %dma_wait3A_746 : memref<1x4000xi32, #tpu.memory_space<hbm>> -> memref<4000xi32, #tpu.memory_space<hbm>>
    %dma_wait3A_748 = arith.constant 0 : i32
    %dma_wait3A_749 = tpu.memref_slice %arg17[%dma_wait3A_741, %dma_wait3A_748] : memref<3x4000xi32, #tpu.memory_space<vmem>> -> memref<1x4000xi32, #tpu.memory_space<vmem>>
    %dma_wait3A_750 = tpu.memref_squeeze %dma_wait3A_749 : memref<1x4000xi32, #tpu.memory_space<vmem>> -> memref<4000xi32, #tpu.memory_space<vmem>>
    %dma_wait3A_751 = arith.constant 0 : i32
    %dma_wait3A_752 = tpu.memref_slice %arg4[%min3A_740, %dma_wait3A_751] : memref<1600x4000xi32, #tpu.memory_space<hbm>> -> memref<1x4000xi32, #tpu.memory_space<hbm>>
    %dma_wait3A_753 = tpu.memref_squeeze %dma_wait3A_752 : memref<1x4000xi32, #tpu.memory_space<hbm>> -> memref<4000xi32, #tpu.memory_space<hbm>>
    tpu.wait_dma2 semaphore(%arg22 : memref<!tpu.dma_semaphore, #tpu.memory_space<semaphore_mem>>) src(%dma_wait3A_753 : memref<4000xi32, #tpu.memory_space<hbm>>) dst(%dma_wait3A_750 : memref<4000xi32, #tpu.memory_space<vmem>>)
    %dma_wait3A_754 = arith.constant 2 : i32
    %dma_wait3A_755 = arith.constant 0 : i32
    %dma_wait3A_756 = tpu.memref_slice %arg18[%dma_wait3A_754, %dma_wait3A_755] : memref<3x4000xi32, #tpu.memory_space<vmem>> -> memref<1x4000xi32, #tpu.memory_space<vmem>>
    %dma_wait3A_757 = tpu.memref_squeeze %dma_wait3A_756 : memref<1x4000xi32, #tpu.memory_space<vmem>> -> memref<4000xi32, #tpu.memory_space<vmem>>
    %dma_wait3A_758 = arith.constant 0 : i32
    %dma_wait3A_759 = tpu.memref_slice %arg5[%min3A_740, %dma_wait3A_758] : memref<1600x4000xi32, #tpu.memory_space<hbm>> -> memref<1x4000xi32, #tpu.memory_space<hbm>>
    %dma_wait3A_760 = tpu.memref_squeeze %dma_wait3A_759 : memref<1x4000xi32, #tpu.memory_space<hbm>> -> memref<4000xi32, #tpu.memory_space<hbm>>
    %dma_wait3A_761 = arith.constant 0 : i32
    %dma_wait3A_762 = tpu.memref_slice %arg18[%dma_wait3A_754, %dma_wait3A_761] : memref<3x4000xi32, #tpu.memory_space<vmem>> -> memref<1x4000xi32, #tpu.memory_space<vmem>>
    %dma_wait3A_763 = tpu.memref_squeeze %dma_wait3A_762 : memref<1x4000xi32, #tpu.memory_space<vmem>> -> memref<4000xi32, #tpu.memory_space<vmem>>
    %dma_wait3A_764 = arith.constant 0 : i32
    %dma_wait3A_765 = tpu.memref_slice %arg5[%min3A_740, %dma_wait3A_764] : memref<1600x4000xi32, #tpu.memory_space<hbm>> -> memref<1x4000xi32, #tpu.memory_space<hbm>>
    %dma_wait3A_766 = tpu.memref_squeeze %dma_wait3A_765 : memref<1x4000xi32, #tpu.memory_space<hbm>> -> memref<4000xi32, #tpu.memory_space<hbm>>
    tpu.wait_dma2 semaphore(%arg22 : memref<!tpu.dma_semaphore, #tpu.memory_space<semaphore_mem>>) src(%dma_wait3A_766 : memref<4000xi32, #tpu.memory_space<hbm>>) dst(%dma_wait3A_763 : memref<4000xi32, #tpu.memory_space<vmem>>)
    %mul3A_767 = arith.constant 50 : i32
    %mul3A_768 = arith.muli %add3A, %mul3A_767 : i32
    %add3A_769 = arith.constant 0 : i32
    %add3A_770 = arith.addi %mul3A_768, %add3A_769 : i32
    %min3A_771 = arith.constant 1599 : i32
    %min3A_772 = arith.minsi %add3A_770, %min3A_771 : i32
    %dma_start3A_773 = arith.constant 0 : i32
    %dma_start3A_774 = arith.constant 0 : i32
    %dma_start3A_775 = tpu.memref_slice %arg17[%dma_start3A_773, %dma_start3A_774] : memref<3x4000xi32, #tpu.memory_space<vmem>> -> memref<1x4000xi32, #tpu.memory_space<vmem>>
    %dma_start3A_776 = tpu.memref_squeeze %dma_start3A_775 : memref<1x4000xi32, #tpu.memory_space<vmem>> -> memref<4000xi32, #tpu.memory_space<vmem>>
    %dma_start3A_777 = arith.constant 0 : i32
    %dma_start3A_778 = tpu.memref_slice %arg6[%min3A_772, %dma_start3A_777] : memref<1600x4000xi32, #tpu.memory_space<hbm>> -> memref<1x4000xi32, #tpu.memory_space<hbm>>
    %dma_start3A_779 = tpu.memref_squeeze %dma_start3A_778 : memref<1x4000xi32, #tpu.memory_space<hbm>> -> memref<4000xi32, #tpu.memory_space<hbm>>
    %dma_start3A_780 = arith.constant 0 : i32
    %dma_start3A_781 = tpu.memref_slice %arg17[%dma_start3A_773, %dma_start3A_780] : memref<3x4000xi32, #tpu.memory_space<vmem>> -> memref<1x4000xi32, #tpu.memory_space<vmem>>
    %dma_start3A_782 = tpu.memref_squeeze %dma_start3A_781 : memref<1x4000xi32, #tpu.memory_space<vmem>> -> memref<4000xi32, #tpu.memory_space<vmem>>
    %dma_start3A_783 = arith.constant 0 : i32
    %dma_start3A_784 = tpu.memref_slice %arg6[%min3A_772, %dma_start3A_783] : memref<1600x4000xi32, #tpu.memory_space<hbm>> -> memref<1x4000xi32, #tpu.memory_space<hbm>>
    %dma_start3A_785 = tpu.memref_squeeze %dma_start3A_784 : memref<1x4000xi32, #tpu.memory_space<hbm>> -> memref<4000xi32, #tpu.memory_space<hbm>>
    tpu.enqueue_dma source(%dma_start3A_785 : memref<4000xi32, #tpu.memory_space<hbm>>) target(%dma_start3A_782 : memref<4000xi32, #tpu.memory_space<vmem>>) target_semaphore(%arg22 : memref<!tpu.dma_semaphore, #tpu.memory_space<semaphore_mem>>)
    %dma_start3A_786 = arith.constant 0 : i32
    %dma_start3A_787 = arith.constant 0 : i32
    %dma_start3A_788 = tpu.memref_slice %arg18[%dma_start3A_786, %dma_start3A_787] : memref<3x4000xi32, #tpu.memory_space<vmem>> -> memref<1x4000xi32, #tpu.memory_space<vmem>>
    %dma_start3A_789 = tpu.memref_squeeze %dma_start3A_788 : memref<1x4000xi32, #tpu.memory_space<vmem>> -> memref<4000xi32, #tpu.memory_space<vmem>>
    %dma_start3A_790 = arith.constant 0 : i32
    %dma_start3A_791 = tpu.memref_slice %arg7[%min3A_772, %dma_start3A_790] : memref<1600x4000xi32, #tpu.memory_space<hbm>> -> memref<1x4000xi32, #tpu.memory_space<hbm>>
    %dma_start3A_792 = tpu.memref_squeeze %dma_start3A_791 : memref<1x4000xi32, #tpu.memory_space<hbm>> -> memref<4000xi32, #tpu.memory_space<hbm>>
    %dma_start3A_793 = arith.constant 0 : i32
    %dma_start3A_794 = tpu.memref_slice %arg18[%dma_start3A_786, %dma_start3A_793] : memref<3x4000xi32, #tpu.memory_space<vmem>> -> memref<1x4000xi32, #tpu.memory_space<vmem>>
    %dma_start3A_795 = tpu.memref_squeeze %dma_start3A_794 : memref<1x4000xi32, #tpu.memory_space<vmem>> -> memref<4000xi32, #tpu.memory_space<vmem>>
    %dma_start3A_796 = arith.constant 0 : i32
    %dma_start3A_797 = tpu.memref_slice %arg7[%min3A_772, %dma_start3A_796] : memref<1600x4000xi32, #tpu.memory_space<hbm>> -> memref<1x4000xi32, #tpu.memory_space<hbm>>
    %dma_start3A_798 = tpu.memref_squeeze %dma_start3A_797 : memref<1x4000xi32, #tpu.memory_space<hbm>> -> memref<4000xi32, #tpu.memory_space<hbm>>
    tpu.enqueue_dma source(%dma_start3A_798 : memref<4000xi32, #tpu.memory_space<hbm>>) target(%dma_start3A_795 : memref<4000xi32, #tpu.memory_space<vmem>>) target_semaphore(%arg22 : memref<!tpu.dma_semaphore, #tpu.memory_space<semaphore_mem>>)
    %add3A_799 = arith.constant 0 : i32
    %add3A_800 = arith.addi %mul3A_768, %add3A_799 : i32
    %min3A_801 = arith.constant 1599 : i32
    %min3A_802 = arith.minsi %add3A_800, %min3A_801 : i32
    %dma_wait3A_803 = arith.constant 0 : i32
    %dma_wait3A_804 = arith.constant 0 : i32
    %dma_wait3A_805 = tpu.memref_slice %arg17[%dma_wait3A_803, %dma_wait3A_804] : memref<3x4000xi32, #tpu.memory_space<vmem>> -> memref<1x4000xi32, #tpu.memory_space<vmem>>
    %dma_wait3A_806 = tpu.memref_squeeze %dma_wait3A_805 : memref<1x4000xi32, #tpu.memory_space<vmem>> -> memref<4000xi32, #tpu.memory_space<vmem>>
    %dma_wait3A_807 = arith.constant 0 : i32
    %dma_wait3A_808 = tpu.memref_slice %arg6[%min3A_802, %dma_wait3A_807] : memref<1600x4000xi32, #tpu.memory_space<hbm>> -> memref<1x4000xi32, #tpu.memory_space<hbm>>
    %dma_wait3A_809 = tpu.memref_squeeze %dma_wait3A_808 : memref<1x4000xi32, #tpu.memory_space<hbm>> -> memref<4000xi32, #tpu.memory_space<hbm>>
    %dma_wait3A_810 = arith.constant 0 : i32
    %dma_wait3A_811 = tpu.memref_slice %arg17[%dma_wait3A_803, %dma_wait3A_810] : memref<3x4000xi32, #tpu.memory_space<vmem>> -> memref<1x4000xi32, #tpu.memory_space<vmem>>
    %dma_wait3A_812 = tpu.memref_squeeze %dma_wait3A_811 : memref<1x4000xi32, #tpu.memory_space<vmem>> -> memref<4000xi32, #tpu.memory_space<vmem>>
    %dma_wait3A_813 = arith.constant 0 : i32
    %dma_wait3A_814 = tpu.memref_slice %arg6[%min3A_802, %dma_wait3A_813] : memref<1600x4000xi32, #tpu.memory_space<hbm>> -> memref<1x4000xi32, #tpu.memory_space<hbm>>
    %dma_wait3A_815 = tpu.memref_squeeze %dma_wait3A_814 : memref<1x4000xi32, #tpu.memory_space<hbm>> -> memref<4000xi32, #tpu.memory_space<hbm>>
    tpu.wait_dma2 semaphore(%arg22 : memref<!tpu.dma_semaphore, #tpu.memory_space<semaphore_mem>>) src(%dma_wait3A_815 : memref<4000xi32, #tpu.memory_space<hbm>>) dst(%dma_wait3A_812 : memref<4000xi32, #tpu.memory_space<vmem>>)
    %dma_wait3A_816 = arith.constant 0 : i32
    %dma_wait3A_817 = arith.constant 0 : i32
    %dma_wait3A_818 = tpu.memref_slice %arg18[%dma_wait3A_816, %dma_wait3A_817] : memref<3x4000xi32, #tpu.memory_space<vmem>> -> memref<1x4000xi32, #tpu.memory_space<vmem>>
    %dma_wait3A_819 = tpu.memref_squeeze %dma_wait3A_818 : memref<1x4000xi32, #tpu.memory_space<vmem>> -> memref<4000xi32, #tpu.memory_space<vmem>>
    %dma_wait3A_820 = arith.constant 0 : i32
    %dma_wait3A_821 = tpu.memref_slice %arg7[%min3A_802, %dma_wait3A_820] : memref<1600x4000xi32, #tpu.memory_space<hbm>> -> memref<1x4000xi32, #tpu.memory_space<hbm>>
    %dma_wait3A_822 = tpu.memref_squeeze %dma_wait3A_821 : memref<1x4000xi32, #tpu.memory_space<hbm>> -> memref<4000xi32, #tpu.memory_space<hbm>>
    %dma_wait3A_823 = arith.constant 0 : i32
    %dma_wait3A_824 = tpu.memref_slice %arg18[%dma_wait3A_816, %dma_wait3A_823] : memref<3x4000xi32, #tpu.memory_space<vmem>> -> memref<1x4000xi32, #tpu.memory_space<vmem>>
    %dma_wait3A_825 = tpu.memref_squeeze %dma_wait3A_824 : memref<1x4000xi32, #tpu.memory_space<vmem>> -> memref<4000xi32, #tpu.memory_space<vmem>>
    %dma_wait3A_826 = arith.constant 0 : i32
    %dma_wait3A_827 = tpu.memref_slice %arg7[%min3A_802, %dma_wait3A_826] : memref<1600x4000xi32, #tpu.memory_space<hbm>> -> memref<1x4000xi32, #tpu.memory_space<hbm>>
    %dma_wait3A_828 = tpu.memref_squeeze %dma_wait3A_827 : memref<1x4000xi32, #tpu.memory_space<hbm>> -> memref<4000xi32, #tpu.memory_space<hbm>>
    tpu.wait_dma2 semaphore(%arg22 : memref<!tpu.dma_semaphore, #tpu.memory_space<semaphore_mem>>) src(%dma_wait3A_828 : memref<4000xi32, #tpu.memory_space<hbm>>) dst(%dma_wait3A_825 : memref<4000xi32, #tpu.memory_space<vmem>>)
    %add3A_829 = arith.constant 1 : i32
    %add3A_830 = arith.addi %mul3A_768, %add3A_829 : i32
    %min3A_831 = arith.constant 1599 : i32
    %min3A_832 = arith.minsi %add3A_830, %min3A_831 : i32
    %dma_start3A_833 = arith.constant 1 : i32
    %dma_start3A_834 = arith.constant 0 : i32
    %dma_start3A_835 = tpu.memref_slice %arg17[%dma_start3A_833, %dma_start3A_834] : memref<3x4000xi32, #tpu.memory_space<vmem>> -> memref<1x4000xi32, #tpu.memory_space<vmem>>
    %dma_start3A_836 = tpu.memref_squeeze %dma_start3A_835 : memref<1x4000xi32, #tpu.memory_space<vmem>> -> memref<4000xi32, #tpu.memory_space<vmem>>
    %dma_start3A_837 = arith.constant 0 : i32
    %dma_start3A_838 = tpu.memref_slice %arg6[%min3A_832, %dma_start3A_837] : memref<1600x4000xi32, #tpu.memory_space<hbm>> -> memref<1x4000xi32, #tpu.memory_space<hbm>>
    %dma_start3A_839 = tpu.memref_squeeze %dma_start3A_838 : memref<1x4000xi32, #tpu.memory_space<hbm>> -> memref<4000xi32, #tpu.memory_space<hbm>>
    %dma_start3A_840 = arith.constant 0 : i32
    %dma_start3A_841 = tpu.memref_slice %arg17[%dma_start3A_833, %dma_start3A_840] : memref<3x4000xi32, #tpu.memory_space<vmem>> -> memref<1x4000xi32, #tpu.memory_space<vmem>>
    %dma_start3A_842 = tpu.memref_squeeze %dma_start3A_841 : memref<1x4000xi32, #tpu.memory_space<vmem>> -> memref<4000xi32, #tpu.memory_space<vmem>>
    %dma_start3A_843 = arith.constant 0 : i32
    %dma_start3A_844 = tpu.memref_slice %arg6[%min3A_832, %dma_start3A_843] : memref<1600x4000xi32, #tpu.memory_space<hbm>> -> memref<1x4000xi32, #tpu.memory_space<hbm>>
    %dma_start3A_845 = tpu.memref_squeeze %dma_start3A_844 : memref<1x4000xi32, #tpu.memory_space<hbm>> -> memref<4000xi32, #tpu.memory_space<hbm>>
    tpu.enqueue_dma source(%dma_start3A_845 : memref<4000xi32, #tpu.memory_space<hbm>>) target(%dma_start3A_842 : memref<4000xi32, #tpu.memory_space<vmem>>) target_semaphore(%arg22 : memref<!tpu.dma_semaphore, #tpu.memory_space<semaphore_mem>>)
    %dma_start3A_846 = arith.constant 1 : i32
    %dma_start3A_847 = arith.constant 0 : i32
    %dma_start3A_848 = tpu.memref_slice %arg18[%dma_start3A_846, %dma_start3A_847] : memref<3x4000xi32, #tpu.memory_space<vmem>> -> memref<1x4000xi32, #tpu.memory_space<vmem>>
    %dma_start3A_849 = tpu.memref_squeeze %dma_start3A_848 : memref<1x4000xi32, #tpu.memory_space<vmem>> -> memref<4000xi32, #tpu.memory_space<vmem>>
    %dma_start3A_850 = arith.constant 0 : i32
    %dma_start3A_851 = tpu.memref_slice %arg7[%min3A_832, %dma_start3A_850] : memref<1600x4000xi32, #tpu.memory_space<hbm>> -> memref<1x4000xi32, #tpu.memory_space<hbm>>
    %dma_start3A_852 = tpu.memref_squeeze %dma_start3A_851 : memref<1x4000xi32, #tpu.memory_space<hbm>> -> memref<4000xi32, #tpu.memory_space<hbm>>
    %dma_start3A_853 = arith.constant 0 : i32
    %dma_start3A_854 = tpu.memref_slice %arg18[%dma_start3A_846, %dma_start3A_853] : memref<3x4000xi32, #tpu.memory_space<vmem>> -> memref<1x4000xi32, #tpu.memory_space<vmem>>
    %dma_start3A_855 = tpu.memref_squeeze %dma_start3A_854 : memref<1x4000xi32, #tpu.memory_space<vmem>> -> memref<4000xi32, #tpu.memory_space<vmem>>
    %dma_start3A_856 = arith.constant 0 : i32
    %dma_start3A_857 = tpu.memref_slice %arg7[%min3A_832, %dma_start3A_856] : memref<1600x4000xi32, #tpu.memory_space<hbm>> -> memref<1x4000xi32, #tpu.memory_space<hbm>>
    %dma_start3A_858 = tpu.memref_squeeze %dma_start3A_857 : memref<1x4000xi32, #tpu.memory_space<hbm>> -> memref<4000xi32, #tpu.memory_space<hbm>>
    tpu.enqueue_dma source(%dma_start3A_858 : memref<4000xi32, #tpu.memory_space<hbm>>) target(%dma_start3A_855 : memref<4000xi32, #tpu.memory_space<vmem>>) target_semaphore(%arg22 : memref<!tpu.dma_semaphore, #tpu.memory_space<semaphore_mem>>)
    %dma_start3A_859 = arith.constant 0 : i32
    %dma_start3A_860 = arith.constant 0 : i32
    %dma_start3A_861 = arith.constant 0 : i32
    %dma_start3A_862 = tpu.memref_slice %arg19[%dma_start3A_860, %dma_start3A_861] : memref<3x4000xf32, #tpu.memory_space<vmem>> -> memref<1x4000xf32, #tpu.memory_space<vmem>>
    %dma_start3A_863 = tpu.memref_squeeze %dma_start3A_862 : memref<1x4000xf32, #tpu.memory_space<vmem>> -> memref<4000xf32, #tpu.memory_space<vmem>>
    %dma_start3A_864 = arith.constant 0 : i32
    %dma_start3A_865 = tpu.memref_slice %arg17[%dma_start3A_859, %dma_start3A_864] : memref<3x4000xi32, #tpu.memory_space<vmem>> -> memref<1x4000xi32, #tpu.memory_space<vmem>>
    %dma_start3A_866 = tpu.memref_squeeze %dma_start3A_865 : memref<1x4000xi32, #tpu.memory_space<vmem>> -> memref<4000xi32, #tpu.memory_space<vmem>>
    %dma_start3A_867 = arith.constant 0 : i32
    %dma_start3A_868 = tpu.memref_slice %arg11[%dma_start3A_867] : memref<102400xf32, #tpu.memory_space<vmem_shared>> -> memref<102400xf32, #tpu.memory_space<vmem_shared>>
    tpu.enqueue_indirect_dma source(%dma_start3A_868 : memref<102400xf32, #tpu.memory_space<vmem_shared>>) target(%dma_start3A_863 : memref<4000xf32, #tpu.memory_space<vmem>>) offsets(%dma_start3A_866 : memref<4000xi32, #tpu.memory_space<vmem>>) semaphore(%arg23 : memref<!tpu.dma_semaphore, #tpu.memory_space<semaphore_mem>>)
    %dma_start3A_869 = arith.constant 0 : i32
    %dma_start3A_870 = arith.constant 0 : i32
    %dma_start3A_871 = arith.constant 0 : i32
    %dma_start3A_872 = tpu.memref_slice %arg20[%dma_start3A_870, %dma_start3A_871] : memref<3x4000xf32, #tpu.memory_space<vmem>> -> memref<1x4000xf32, #tpu.memory_space<vmem>>
    %dma_start3A_873 = tpu.memref_squeeze %dma_start3A_872 : memref<1x4000xf32, #tpu.memory_space<vmem>> -> memref<4000xf32, #tpu.memory_space<vmem>>
    %dma_start3A_874 = arith.constant 0 : i32
    %dma_start3A_875 = tpu.memref_slice %arg17[%dma_start3A_869, %dma_start3A_874] : memref<3x4000xi32, #tpu.memory_space<vmem>> -> memref<1x4000xi32, #tpu.memory_space<vmem>>
    %dma_start3A_876 = tpu.memref_squeeze %dma_start3A_875 : memref<1x4000xi32, #tpu.memory_space<vmem>> -> memref<4000xi32, #tpu.memory_space<vmem>>
    %dma_start3A_877 = arith.constant 0 : i32
    %dma_start3A_878 = tpu.memref_slice %arg12[%dma_start3A_877] : memref<102400xf32, #tpu.memory_space<vmem_shared>> -> memref<102400xf32, #tpu.memory_space<vmem_shared>>
    tpu.enqueue_indirect_dma source(%dma_start3A_878 : memref<102400xf32, #tpu.memory_space<vmem_shared>>) target(%dma_start3A_873 : memref<4000xf32, #tpu.memory_space<vmem>>) offsets(%dma_start3A_876 : memref<4000xi32, #tpu.memory_space<vmem>>) semaphore(%arg23 : memref<!tpu.dma_semaphore, #tpu.memory_space<semaphore_mem>>)
    %dma_wait3A_879 = arith.constant 0 : i32
    %dma_wait3A_880 = arith.constant 0 : i32
    %dma_wait3A_881 = arith.constant 0 : i32
    %dma_wait3A_882 = tpu.memref_slice %arg19[%dma_wait3A_880, %dma_wait3A_881] : memref<3x4000xf32, #tpu.memory_space<vmem>> -> memref<1x4000xf32, #tpu.memory_space<vmem>>
    %dma_wait3A_883 = tpu.memref_squeeze %dma_wait3A_882 : memref<1x4000xf32, #tpu.memory_space<vmem>> -> memref<4000xf32, #tpu.memory_space<vmem>>
    %dma_wait3A_884 = arith.constant 0 : i32
    %dma_wait3A_885 = tpu.memref_slice %arg17[%dma_wait3A_879, %dma_wait3A_884] : memref<3x4000xi32, #tpu.memory_space<vmem>> -> memref<1x4000xi32, #tpu.memory_space<vmem>>
    %dma_wait3A_886 = tpu.memref_squeeze %dma_wait3A_885 : memref<1x4000xi32, #tpu.memory_space<vmem>> -> memref<4000xi32, #tpu.memory_space<vmem>>
    %dma_wait3A_887 = arith.constant 0 : i32
    %dma_wait3A_888 = tpu.memref_slice %arg11[%dma_wait3A_887] : memref<102400xf32, #tpu.memory_space<vmem_shared>> -> memref<102400xf32, #tpu.memory_space<vmem_shared>>
    tpu.wait_indirect_dma semaphore(%arg23 : memref<!tpu.dma_semaphore, #tpu.memory_space<semaphore_mem>>) src(%dma_wait3A_888 : memref<102400xf32, #tpu.memory_space<vmem_shared>>) dst(%dma_wait3A_883 : memref<4000xf32, #tpu.memory_space<vmem>>)
    %dma_wait3A_889 = arith.constant 0 : i32
    %dma_wait3A_890 = arith.constant 0 : i32
    %dma_wait3A_891 = arith.constant 0 : i32
    %dma_wait3A_892 = tpu.memref_slice %arg20[%dma_wait3A_890, %dma_wait3A_891] : memref<3x4000xf32, #tpu.memory_space<vmem>> -> memref<1x4000xf32, #tpu.memory_space<vmem>>
    %dma_wait3A_893 = tpu.memref_squeeze %dma_wait3A_892 : memref<1x4000xf32, #tpu.memory_space<vmem>> -> memref<4000xf32, #tpu.memory_space<vmem>>
    %dma_wait3A_894 = arith.constant 0 : i32
    %dma_wait3A_895 = tpu.memref_slice %arg17[%dma_wait3A_889, %dma_wait3A_894] : memref<3x4000xi32, #tpu.memory_space<vmem>> -> memref<1x4000xi32, #tpu.memory_space<vmem>>
    %dma_wait3A_896 = tpu.memref_squeeze %dma_wait3A_895 : memref<1x4000xi32, #tpu.memory_space<vmem>> -> memref<4000xi32, #tpu.memory_space<vmem>>
    %dma_wait3A_897 = arith.constant 0 : i32
    %dma_wait3A_898 = tpu.memref_slice %arg12[%dma_wait3A_897] : memref<102400xf32, #tpu.memory_space<vmem_shared>> -> memref<102400xf32, #tpu.memory_space<vmem_shared>>
    tpu.wait_indirect_dma semaphore(%arg23 : memref<!tpu.dma_semaphore, #tpu.memory_space<semaphore_mem>>) src(%dma_wait3A_898 : memref<102400xf32, #tpu.memory_space<vmem_shared>>) dst(%dma_wait3A_893 : memref<4000xf32, #tpu.memory_space<vmem>>)
    %dma_start3A_899 = arith.constant 0 : i32
    %dma_start3A_900 = arith.constant 0 : i32
    %dma_start3A_901 = arith.constant 0 : i32
    %dma_start3A_902 = tpu.memref_slice %arg19[%dma_start3A_899, %dma_start3A_901] : memref<3x4000xf32, #tpu.memory_space<vmem>> -> memref<1x4000xf32, #tpu.memory_space<vmem>>
    %dma_start3A_903 = tpu.memref_squeeze %dma_start3A_902 : memref<1x4000xf32, #tpu.memory_space<vmem>> -> memref<4000xf32, #tpu.memory_space<vmem>>
    %dma_start3A_904 = arith.constant 0 : i32
    %dma_start3A_905 = tpu.memref_slice %arg18[%dma_start3A_900, %dma_start3A_904] : memref<3x4000xi32, #tpu.memory_space<vmem>> -> memref<1x4000xi32, #tpu.memory_space<vmem>>
    %dma_start3A_906 = tpu.memref_squeeze %dma_start3A_905 : memref<1x4000xi32, #tpu.memory_space<vmem>> -> memref<4000xi32, #tpu.memory_space<vmem>>
    %dma_start3A_907 = arith.constant 0 : i32
    %dma_start3A_908 = tpu.memref_slice %arg15[%dma_start3A_907] : memref<102400xf32, #tpu.memory_space<vmem_shared>> -> memref<102400xf32, #tpu.memory_space<vmem_shared>>
    tpu.enqueue_indirect_dma source(%dma_start3A_903 : memref<4000xf32, #tpu.memory_space<vmem>>) target(%dma_start3A_908 : memref<102400xf32, #tpu.memory_space<vmem_shared>>) offsets(%dma_start3A_906 : memref<4000xi32, #tpu.memory_space<vmem>>) semaphore(%arg24 : memref<!tpu.dma_semaphore, #tpu.memory_space<semaphore_mem>>) {add = true}
    %dma_start3A_909 = arith.constant 0 : i32
    %dma_start3A_910 = arith.constant 0 : i32
    %dma_start3A_911 = arith.constant 0 : i32
    %dma_start3A_912 = tpu.memref_slice %arg20[%dma_start3A_909, %dma_start3A_911] : memref<3x4000xf32, #tpu.memory_space<vmem>> -> memref<1x4000xf32, #tpu.memory_space<vmem>>
    %dma_start3A_913 = tpu.memref_squeeze %dma_start3A_912 : memref<1x4000xf32, #tpu.memory_space<vmem>> -> memref<4000xf32, #tpu.memory_space<vmem>>
    %dma_start3A_914 = arith.constant 0 : i32
    %dma_start3A_915 = tpu.memref_slice %arg18[%dma_start3A_910, %dma_start3A_914] : memref<3x4000xi32, #tpu.memory_space<vmem>> -> memref<1x4000xi32, #tpu.memory_space<vmem>>
    %dma_start3A_916 = tpu.memref_squeeze %dma_start3A_915 : memref<1x4000xi32, #tpu.memory_space<vmem>> -> memref<4000xi32, #tpu.memory_space<vmem>>
    %dma_start3A_917 = arith.constant 0 : i32
    %dma_start3A_918 = tpu.memref_slice %arg16[%dma_start3A_917] : memref<102400xf32, #tpu.memory_space<vmem_shared>> -> memref<102400xf32, #tpu.memory_space<vmem_shared>>
    tpu.enqueue_indirect_dma source(%dma_start3A_913 : memref<4000xf32, #tpu.memory_space<vmem>>) target(%dma_start3A_918 : memref<102400xf32, #tpu.memory_space<vmem_shared>>) offsets(%dma_start3A_916 : memref<4000xi32, #tpu.memory_space<vmem>>) semaphore(%arg24 : memref<!tpu.dma_semaphore, #tpu.memory_space<semaphore_mem>>) {add = true}
    %add3A_919 = arith.constant 1 : i32
    %add3A_920 = arith.addi %mul3A_768, %add3A_919 : i32
    %min3A_921 = arith.constant 1599 : i32
    %min3A_922 = arith.minsi %add3A_920, %min3A_921 : i32
    %dma_wait3A_923 = arith.constant 1 : i32
    %dma_wait3A_924 = arith.constant 0 : i32
    %dma_wait3A_925 = tpu.memref_slice %arg17[%dma_wait3A_923, %dma_wait3A_924] : memref<3x4000xi32, #tpu.memory_space<vmem>> -> memref<1x4000xi32, #tpu.memory_space<vmem>>
    %dma_wait3A_926 = tpu.memref_squeeze %dma_wait3A_925 : memref<1x4000xi32, #tpu.memory_space<vmem>> -> memref<4000xi32, #tpu.memory_space<vmem>>
    %dma_wait3A_927 = arith.constant 0 : i32
    %dma_wait3A_928 = tpu.memref_slice %arg6[%min3A_922, %dma_wait3A_927] : memref<1600x4000xi32, #tpu.memory_space<hbm>> -> memref<1x4000xi32, #tpu.memory_space<hbm>>
    %dma_wait3A_929 = tpu.memref_squeeze %dma_wait3A_928 : memref<1x4000xi32, #tpu.memory_space<hbm>> -> memref<4000xi32, #tpu.memory_space<hbm>>
    %dma_wait3A_930 = arith.constant 0 : i32
    %dma_wait3A_931 = tpu.memref_slice %arg17[%dma_wait3A_923, %dma_wait3A_930] : memref<3x4000xi32, #tpu.memory_space<vmem>> -> memref<1x4000xi32, #tpu.memory_space<vmem>>
    %dma_wait3A_932 = tpu.memref_squeeze %dma_wait3A_931 : memref<1x4000xi32, #tpu.memory_space<vmem>> -> memref<4000xi32, #tpu.memory_space<vmem>>
    %dma_wait3A_933 = arith.constant 0 : i32
    %dma_wait3A_934 = tpu.memref_slice %arg6[%min3A_922, %dma_wait3A_933] : memref<1600x4000xi32, #tpu.memory_space<hbm>> -> memref<1x4000xi32, #tpu.memory_space<hbm>>
    %dma_wait3A_935 = tpu.memref_squeeze %dma_wait3A_934 : memref<1x4000xi32, #tpu.memory_space<hbm>> -> memref<4000xi32, #tpu.memory_space<hbm>>
    tpu.wait_dma2 semaphore(%arg22 : memref<!tpu.dma_semaphore, #tpu.memory_space<semaphore_mem>>) src(%dma_wait3A_935 : memref<4000xi32, #tpu.memory_space<hbm>>) dst(%dma_wait3A_932 : memref<4000xi32, #tpu.memory_space<vmem>>)
    %dma_wait3A_936 = arith.constant 1 : i32
    %dma_wait3A_937 = arith.constant 0 : i32
    %dma_wait3A_938 = tpu.memref_slice %arg18[%dma_wait3A_936, %dma_wait3A_937] : memref<3x4000xi32, #tpu.memory_space<vmem>> -> memref<1x4000xi32, #tpu.memory_space<vmem>>
    %dma_wait3A_939 = tpu.memref_squeeze %dma_wait3A_938 : memref<1x4000xi32, #tpu.memory_space<vmem>> -> memref<4000xi32, #tpu.memory_space<vmem>>
    %dma_wait3A_940 = arith.constant 0 : i32
    %dma_wait3A_941 = tpu.memref_slice %arg7[%min3A_922, %dma_wait3A_940] : memref<1600x4000xi32, #tpu.memory_space<hbm>> -> memref<1x4000xi32, #tpu.memory_space<hbm>>
    %dma_wait3A_942 = tpu.memref_squeeze %dma_wait3A_941 : memref<1x4000xi32, #tpu.memory_space<hbm>> -> memref<4000xi32, #tpu.memory_space<hbm>>
    %dma_wait3A_943 = arith.constant 0 : i32
    %dma_wait3A_944 = tpu.memref_slice %arg18[%dma_wait3A_936, %dma_wait3A_943] : memref<3x4000xi32, #tpu.memory_space<vmem>> -> memref<1x4000xi32, #tpu.memory_space<vmem>>
    %dma_wait3A_945 = tpu.memref_squeeze %dma_wait3A_944 : memref<1x4000xi32, #tpu.memory_space<vmem>> -> memref<4000xi32, #tpu.memory_space<vmem>>
    %dma_wait3A_946 = arith.constant 0 : i32
    %dma_wait3A_947 = tpu.memref_slice %arg7[%min3A_922, %dma_wait3A_946] : memref<1600x4000xi32, #tpu.memory_space<hbm>> -> memref<1x4000xi32, #tpu.memory_space<hbm>>
    %dma_wait3A_948 = tpu.memref_squeeze %dma_wait3A_947 : memref<1x4000xi32, #tpu.memory_space<hbm>> -> memref<4000xi32, #tpu.memory_space<hbm>>
    tpu.wait_dma2 semaphore(%arg22 : memref<!tpu.dma_semaphore, #tpu.memory_space<semaphore_mem>>) src(%dma_wait3A_948 : memref<4000xi32, #tpu.memory_space<hbm>>) dst(%dma_wait3A_945 : memref<4000xi32, #tpu.memory_space<vmem>>)
    %add3A_949 = arith.constant 2 : i32
    %add3A_950 = arith.addi %mul3A_768, %add3A_949 : i32
    %min3A_951 = arith.constant 1599 : i32
    %min3A_952 = arith.minsi %add3A_950, %min3A_951 : i32
    %dma_start3A_953 = arith.constant 2 : i32
    %dma_start3A_954 = arith.constant 0 : i32
    %dma_start3A_955 = tpu.memref_slice %arg17[%dma_start3A_953, %dma_start3A_954] : memref<3x4000xi32, #tpu.memory_space<vmem>> -> memref<1x4000xi32, #tpu.memory_space<vmem>>
    %dma_start3A_956 = tpu.memref_squeeze %dma_start3A_955 : memref<1x4000xi32, #tpu.memory_space<vmem>> -> memref<4000xi32, #tpu.memory_space<vmem>>
    %dma_start3A_957 = arith.constant 0 : i32
    %dma_start3A_958 = tpu.memref_slice %arg6[%min3A_952, %dma_start3A_957] : memref<1600x4000xi32, #tpu.memory_space<hbm>> -> memref<1x4000xi32, #tpu.memory_space<hbm>>
    %dma_start3A_959 = tpu.memref_squeeze %dma_start3A_958 : memref<1x4000xi32, #tpu.memory_space<hbm>> -> memref<4000xi32, #tpu.memory_space<hbm>>
    %dma_start3A_960 = arith.constant 0 : i32
    %dma_start3A_961 = tpu.memref_slice %arg17[%dma_start3A_953, %dma_start3A_960] : memref<3x4000xi32, #tpu.memory_space<vmem>> -> memref<1x4000xi32, #tpu.memory_space<vmem>>
    %dma_start3A_962 = tpu.memref_squeeze %dma_start3A_961 : memref<1x4000xi32, #tpu.memory_space<vmem>> -> memref<4000xi32, #tpu.memory_space<vmem>>
    %dma_start3A_963 = arith.constant 0 : i32
    %dma_start3A_964 = tpu.memref_slice %arg6[%min3A_952, %dma_start3A_963] : memref<1600x4000xi32, #tpu.memory_space<hbm>> -> memref<1x4000xi32, #tpu.memory_space<hbm>>
    %dma_start3A_965 = tpu.memref_squeeze %dma_start3A_964 : memref<1x4000xi32, #tpu.memory_space<hbm>> -> memref<4000xi32, #tpu.memory_space<hbm>>
    tpu.enqueue_dma source(%dma_start3A_965 : memref<4000xi32, #tpu.memory_space<hbm>>) target(%dma_start3A_962 : memref<4000xi32, #tpu.memory_space<vmem>>) target_semaphore(%arg22 : memref<!tpu.dma_semaphore, #tpu.memory_space<semaphore_mem>>)
    %dma_start3A_966 = arith.constant 2 : i32
    %dma_start3A_967 = arith.constant 0 : i32
    %dma_start3A_968 = tpu.memref_slice %arg18[%dma_start3A_966, %dma_start3A_967] : memref<3x4000xi32, #tpu.memory_space<vmem>> -> memref<1x4000xi32, #tpu.memory_space<vmem>>
    %dma_start3A_969 = tpu.memref_squeeze %dma_start3A_968 : memref<1x4000xi32, #tpu.memory_space<vmem>> -> memref<4000xi32, #tpu.memory_space<vmem>>
    %dma_start3A_970 = arith.constant 0 : i32
    %dma_start3A_971 = tpu.memref_slice %arg7[%min3A_952, %dma_start3A_970] : memref<1600x4000xi32, #tpu.memory_space<hbm>> -> memref<1x4000xi32, #tpu.memory_space<hbm>>
    %dma_start3A_972 = tpu.memref_squeeze %dma_start3A_971 : memref<1x4000xi32, #tpu.memory_space<hbm>> -> memref<4000xi32, #tpu.memory_space<hbm>>
    %dma_start3A_973 = arith.constant 0 : i32
    %dma_start3A_974 = tpu.memref_slice %arg18[%dma_start3A_966, %dma_start3A_973] : memref<3x4000xi32, #tpu.memory_space<vmem>> -> memref<1x4000xi32, #tpu.memory_space<vmem>>
    %dma_start3A_975 = tpu.memref_squeeze %dma_start3A_974 : memref<1x4000xi32, #tpu.memory_space<vmem>> -> memref<4000xi32, #tpu.memory_space<vmem>>
    %dma_start3A_976 = arith.constant 0 : i32
    %dma_start3A_977 = tpu.memref_slice %arg7[%min3A_952, %dma_start3A_976] : memref<1600x4000xi32, #tpu.memory_space<hbm>> -> memref<1x4000xi32, #tpu.memory_space<hbm>>
    %dma_start3A_978 = tpu.memref_squeeze %dma_start3A_977 : memref<1x4000xi32, #tpu.memory_space<hbm>> -> memref<4000xi32, #tpu.memory_space<hbm>>
    tpu.enqueue_dma source(%dma_start3A_978 : memref<4000xi32, #tpu.memory_space<hbm>>) target(%dma_start3A_975 : memref<4000xi32, #tpu.memory_space<vmem>>) target_semaphore(%arg22 : memref<!tpu.dma_semaphore, #tpu.memory_space<semaphore_mem>>)
    %dma_start3A_979 = arith.constant 1 : i32
    %dma_start3A_980 = arith.constant 1 : i32
    %dma_start3A_981 = arith.constant 0 : i32
    %dma_start3A_982 = tpu.memref_slice %arg19[%dma_start3A_980, %dma_start3A_981] : memref<3x4000xf32, #tpu.memory_space<vmem>> -> memref<1x4000xf32, #tpu.memory_space<vmem>>
    %dma_start3A_983 = tpu.memref_squeeze %dma_start3A_982 : memref<1x4000xf32, #tpu.memory_space<vmem>> -> memref<4000xf32, #tpu.memory_space<vmem>>
    %dma_start3A_984 = arith.constant 0 : i32
    %dma_start3A_985 = tpu.memref_slice %arg17[%dma_start3A_979, %dma_start3A_984] : memref<3x4000xi32, #tpu.memory_space<vmem>> -> memref<1x4000xi32, #tpu.memory_space<vmem>>
    %dma_start3A_986 = tpu.memref_squeeze %dma_start3A_985 : memref<1x4000xi32, #tpu.memory_space<vmem>> -> memref<4000xi32, #tpu.memory_space<vmem>>
    %dma_start3A_987 = arith.constant 0 : i32
    %dma_start3A_988 = tpu.memref_slice %arg11[%dma_start3A_987] : memref<102400xf32, #tpu.memory_space<vmem_shared>> -> memref<102400xf32, #tpu.memory_space<vmem_shared>>
    tpu.enqueue_indirect_dma source(%dma_start3A_988 : memref<102400xf32, #tpu.memory_space<vmem_shared>>) target(%dma_start3A_983 : memref<4000xf32, #tpu.memory_space<vmem>>) offsets(%dma_start3A_986 : memref<4000xi32, #tpu.memory_space<vmem>>) semaphore(%arg23 : memref<!tpu.dma_semaphore, #tpu.memory_space<semaphore_mem>>)
    %dma_start3A_989 = arith.constant 1 : i32
    %dma_start3A_990 = arith.constant 1 : i32
    %dma_start3A_991 = arith.constant 0 : i32
    %dma_start3A_992 = tpu.memref_slice %arg20[%dma_start3A_990, %dma_start3A_991] : memref<3x4000xf32, #tpu.memory_space<vmem>> -> memref<1x4000xf32, #tpu.memory_space<vmem>>
    %dma_start3A_993 = tpu.memref_squeeze %dma_start3A_992 : memref<1x4000xf32, #tpu.memory_space<vmem>> -> memref<4000xf32, #tpu.memory_space<vmem>>
    %dma_start3A_994 = arith.constant 0 : i32
    %dma_start3A_995 = tpu.memref_slice %arg17[%dma_start3A_989, %dma_start3A_994] : memref<3x4000xi32, #tpu.memory_space<vmem>> -> memref<1x4000xi32, #tpu.memory_space<vmem>>
    %dma_start3A_996 = tpu.memref_squeeze %dma_start3A_995 : memref<1x4000xi32, #tpu.memory_space<vmem>> -> memref<4000xi32, #tpu.memory_space<vmem>>
    %dma_start3A_997 = arith.constant 0 : i32
    %dma_start3A_998 = tpu.memref_slice %arg12[%dma_start3A_997] : memref<102400xf32, #tpu.memory_space<vmem_shared>> -> memref<102400xf32, #tpu.memory_space<vmem_shared>>
    tpu.enqueue_indirect_dma source(%dma_start3A_998 : memref<102400xf32, #tpu.memory_space<vmem_shared>>) target(%dma_start3A_993 : memref<4000xf32, #tpu.memory_space<vmem>>) offsets(%dma_start3A_996 : memref<4000xi32, #tpu.memory_space<vmem>>) semaphore(%arg23 : memref<!tpu.dma_semaphore, #tpu.memory_space<semaphore_mem>>)
    %dma_wait3A_999 = arith.constant 1 : i32
    %dma_wait3A_1000 = arith.constant 1 : i32
    %dma_wait3A_1001 = arith.constant 0 : i32
    %dma_wait3A_1002 = tpu.memref_slice %arg19[%dma_wait3A_1000, %dma_wait3A_1001] : memref<3x4000xf32, #tpu.memory_space<vmem>> -> memref<1x4000xf32, #tpu.memory_space<vmem>>
    %dma_wait3A_1003 = tpu.memref_squeeze %dma_wait3A_1002 : memref<1x4000xf32, #tpu.memory_space<vmem>> -> memref<4000xf32, #tpu.memory_space<vmem>>
    %dma_wait3A_1004 = arith.constant 0 : i32
    %dma_wait3A_1005 = tpu.memref_slice %arg17[%dma_wait3A_999, %dma_wait3A_1004] : memref<3x4000xi32, #tpu.memory_space<vmem>> -> memref<1x4000xi32, #tpu.memory_space<vmem>>
    %dma_wait3A_1006 = tpu.memref_squeeze %dma_wait3A_1005 : memref<1x4000xi32, #tpu.memory_space<vmem>> -> memref<4000xi32, #tpu.memory_space<vmem>>
    %dma_wait3A_1007 = arith.constant 0 : i32
    %dma_wait3A_1008 = tpu.memref_slice %arg11[%dma_wait3A_1007] : memref<102400xf32, #tpu.memory_space<vmem_shared>> -> memref<102400xf32, #tpu.memory_space<vmem_shared>>
    tpu.wait_indirect_dma semaphore(%arg23 : memref<!tpu.dma_semaphore, #tpu.memory_space<semaphore_mem>>) src(%dma_wait3A_1008 : memref<102400xf32, #tpu.memory_space<vmem_shared>>) dst(%dma_wait3A_1003 : memref<4000xf32, #tpu.memory_space<vmem>>)
    %dma_wait3A_1009 = arith.constant 1 : i32
    %dma_wait3A_1010 = arith.constant 1 : i32
    %dma_wait3A_1011 = arith.constant 0 : i32
    %dma_wait3A_1012 = tpu.memref_slice %arg20[%dma_wait3A_1010, %dma_wait3A_1011] : memref<3x4000xf32, #tpu.memory_space<vmem>> -> memref<1x4000xf32, #tpu.memory_space<vmem>>
    %dma_wait3A_1013 = tpu.memref_squeeze %dma_wait3A_1012 : memref<1x4000xf32, #tpu.memory_space<vmem>> -> memref<4000xf32, #tpu.memory_space<vmem>>
    %dma_wait3A_1014 = arith.constant 0 : i32
    %dma_wait3A_1015 = tpu.memref_slice %arg17[%dma_wait3A_1009, %dma_wait3A_1014] : memref<3x4000xi32, #tpu.memory_space<vmem>> -> memref<1x4000xi32, #tpu.memory_space<vmem>>
    %dma_wait3A_1016 = tpu.memref_squeeze %dma_wait3A_1015 : memref<1x4000xi32, #tpu.memory_space<vmem>> -> memref<4000xi32, #tpu.memory_space<vmem>>
    %dma_wait3A_1017 = arith.constant 0 : i32
    %dma_wait3A_1018 = tpu.memref_slice %arg12[%dma_wait3A_1017] : memref<102400xf32, #tpu.memory_space<vmem_shared>> -> memref<102400xf32, #tpu.memory_space<vmem_shared>>
    tpu.wait_indirect_dma semaphore(%arg23 : memref<!tpu.dma_semaphore, #tpu.memory_space<semaphore_mem>>) src(%dma_wait3A_1018 : memref<102400xf32, #tpu.memory_space<vmem_shared>>) dst(%dma_wait3A_1013 : memref<4000xf32, #tpu.memory_space<vmem>>)
    %dma_start3A_1019 = arith.constant 1 : i32
    %dma_start3A_1020 = arith.constant 1 : i32
    %dma_start3A_1021 = arith.constant 0 : i32
    %dma_start3A_1022 = tpu.memref_slice %arg19[%dma_start3A_1019, %dma_start3A_1021] : memref<3x4000xf32, #tpu.memory_space<vmem>> -> memref<1x4000xf32, #tpu.memory_space<vmem>>
    %dma_start3A_1023 = tpu.memref_squeeze %dma_start3A_1022 : memref<1x4000xf32, #tpu.memory_space<vmem>> -> memref<4000xf32, #tpu.memory_space<vmem>>
    %dma_start3A_1024 = arith.constant 0 : i32
    %dma_start3A_1025 = tpu.memref_slice %arg18[%dma_start3A_1020, %dma_start3A_1024] : memref<3x4000xi32, #tpu.memory_space<vmem>> -> memref<1x4000xi32, #tpu.memory_space<vmem>>
    %dma_start3A_1026 = tpu.memref_squeeze %dma_start3A_1025 : memref<1x4000xi32, #tpu.memory_space<vmem>> -> memref<4000xi32, #tpu.memory_space<vmem>>
    %dma_start3A_1027 = arith.constant 0 : i32
    %dma_start3A_1028 = tpu.memref_slice %arg15[%dma_start3A_1027] : memref<102400xf32, #tpu.memory_space<vmem_shared>> -> memref<102400xf32, #tpu.memory_space<vmem_shared>>
    tpu.enqueue_indirect_dma source(%dma_start3A_1023 : memref<4000xf32, #tpu.memory_space<vmem>>) target(%dma_start3A_1028 : memref<102400xf32, #tpu.memory_space<vmem_shared>>) offsets(%dma_start3A_1026 : memref<4000xi32, #tpu.memory_space<vmem>>) semaphore(%arg25 : memref<!tpu.dma_semaphore, #tpu.memory_space<semaphore_mem>>) {add = true}
    %dma_start3A_1029 = arith.constant 1 : i32
    %dma_start3A_1030 = arith.constant 1 : i32
    %dma_start3A_1031 = arith.constant 0 : i32
    %dma_start3A_1032 = tpu.memref_slice %arg20[%dma_start3A_1029, %dma_start3A_1031] : memref<3x4000xf32, #tpu.memory_space<vmem>> -> memref<1x4000xf32, #tpu.memory_space<vmem>>
    %dma_start3A_1033 = tpu.memref_squeeze %dma_start3A_1032 : memref<1x4000xf32, #tpu.memory_space<vmem>> -> memref<4000xf32, #tpu.memory_space<vmem>>
    %dma_start3A_1034 = arith.constant 0 : i32
    %dma_start3A_1035 = tpu.memref_slice %arg18[%dma_start3A_1030, %dma_start3A_1034] : memref<3x4000xi32, #tpu.memory_space<vmem>> -> memref<1x4000xi32, #tpu.memory_space<vmem>>
    %dma_start3A_1036 = tpu.memref_squeeze %dma_start3A_1035 : memref<1x4000xi32, #tpu.memory_space<vmem>> -> memref<4000xi32, #tpu.memory_space<vmem>>
    %dma_start3A_1037 = arith.constant 0 : i32
    %dma_start3A_1038 = tpu.memref_slice %arg16[%dma_start3A_1037] : memref<102400xf32, #tpu.memory_space<vmem_shared>> -> memref<102400xf32, #tpu.memory_space<vmem_shared>>
    tpu.enqueue_indirect_dma source(%dma_start3A_1033 : memref<4000xf32, #tpu.memory_space<vmem>>) target(%dma_start3A_1038 : memref<102400xf32, #tpu.memory_space<vmem_shared>>) offsets(%dma_start3A_1036 : memref<4000xi32, #tpu.memory_space<vmem>>) semaphore(%arg25 : memref<!tpu.dma_semaphore, #tpu.memory_space<semaphore_mem>>) {add = true}
    %add3A_1039 = arith.constant 2 : i32
    %add3A_1040 = arith.addi %mul3A_768, %add3A_1039 : i32
    %min3A_1041 = arith.constant 1599 : i32
    %min3A_1042 = arith.minsi %add3A_1040, %min3A_1041 : i32
    %dma_wait3A_1043 = arith.constant 2 : i32
    %dma_wait3A_1044 = arith.constant 0 : i32
    %dma_wait3A_1045 = tpu.memref_slice %arg17[%dma_wait3A_1043, %dma_wait3A_1044] : memref<3x4000xi32, #tpu.memory_space<vmem>> -> memref<1x4000xi32, #tpu.memory_space<vmem>>
    %dma_wait3A_1046 = tpu.memref_squeeze %dma_wait3A_1045 : memref<1x4000xi32, #tpu.memory_space<vmem>> -> memref<4000xi32, #tpu.memory_space<vmem>>
    %dma_wait3A_1047 = arith.constant 0 : i32
    %dma_wait3A_1048 = tpu.memref_slice %arg6[%min3A_1042, %dma_wait3A_1047] : memref<1600x4000xi32, #tpu.memory_space<hbm>> -> memref<1x4000xi32, #tpu.memory_space<hbm>>
    %dma_wait3A_1049 = tpu.memref_squeeze %dma_wait3A_1048 : memref<1x4000xi32, #tpu.memory_space<hbm>> -> memref<4000xi32, #tpu.memory_space<hbm>>
    %dma_wait3A_1050 = arith.constant 0 : i32
    %dma_wait3A_1051 = tpu.memref_slice %arg17[%dma_wait3A_1043, %dma_wait3A_1050] : memref<3x4000xi32, #tpu.memory_space<vmem>> -> memref<1x4000xi32, #tpu.memory_space<vmem>>
    %dma_wait3A_1052 = tpu.memref_squeeze %dma_wait3A_1051 : memref<1x4000xi32, #tpu.memory_space<vmem>> -> memref<4000xi32, #tpu.memory_space<vmem>>
    %dma_wait3A_1053 = arith.constant 0 : i32
    %dma_wait3A_1054 = tpu.memref_slice %arg6[%min3A_1042, %dma_wait3A_1053] : memref<1600x4000xi32, #tpu.memory_space<hbm>> -> memref<1x4000xi32, #tpu.memory_space<hbm>>
    %dma_wait3A_1055 = tpu.memref_squeeze %dma_wait3A_1054 : memref<1x4000xi32, #tpu.memory_space<hbm>> -> memref<4000xi32, #tpu.memory_space<hbm>>
    tpu.wait_dma2 semaphore(%arg22 : memref<!tpu.dma_semaphore, #tpu.memory_space<semaphore_mem>>) src(%dma_wait3A_1055 : memref<4000xi32, #tpu.memory_space<hbm>>) dst(%dma_wait3A_1052 : memref<4000xi32, #tpu.memory_space<vmem>>)
    %dma_wait3A_1056 = arith.constant 2 : i32
    %dma_wait3A_1057 = arith.constant 0 : i32
    %dma_wait3A_1058 = tpu.memref_slice %arg18[%dma_wait3A_1056, %dma_wait3A_1057] : memref<3x4000xi32, #tpu.memory_space<vmem>> -> memref<1x4000xi32, #tpu.memory_space<vmem>>
    %dma_wait3A_1059 = tpu.memref_squeeze %dma_wait3A_1058 : memref<1x4000xi32, #tpu.memory_space<vmem>> -> memref<4000xi32, #tpu.memory_space<vmem>>
    %dma_wait3A_1060 = arith.constant 0 : i32
    %dma_wait3A_1061 = tpu.memref_slice %arg7[%min3A_1042, %dma_wait3A_1060] : memref<1600x4000xi32, #tpu.memory_space<hbm>> -> memref<1x4000xi32, #tpu.memory_space<hbm>>
    %dma_wait3A_1062 = tpu.memref_squeeze %dma_wait3A_1061 : memref<1x4000xi32, #tpu.memory_space<hbm>> -> memref<4000xi32, #tpu.memory_space<hbm>>
    %dma_wait3A_1063 = arith.constant 0 : i32
    %dma_wait3A_1064 = tpu.memref_slice %arg18[%dma_wait3A_1056, %dma_wait3A_1063] : memref<3x4000xi32, #tpu.memory_space<vmem>> -> memref<1x4000xi32, #tpu.memory_space<vmem>>
    %dma_wait3A_1065 = tpu.memref_squeeze %dma_wait3A_1064 : memref<1x4000xi32, #tpu.memory_space<vmem>> -> memref<4000xi32, #tpu.memory_space<vmem>>
    %dma_wait3A_1066 = arith.constant 0 : i32
    %dma_wait3A_1067 = tpu.memref_slice %arg7[%min3A_1042, %dma_wait3A_1066] : memref<1600x4000xi32, #tpu.memory_space<hbm>> -> memref<1x4000xi32, #tpu.memory_space<hbm>>
    %dma_wait3A_1068 = tpu.memref_squeeze %dma_wait3A_1067 : memref<1x4000xi32, #tpu.memory_space<hbm>> -> memref<4000xi32, #tpu.memory_space<hbm>>
    tpu.wait_dma2 semaphore(%arg22 : memref<!tpu.dma_semaphore, #tpu.memory_space<semaphore_mem>>) src(%dma_wait3A_1068 : memref<4000xi32, #tpu.memory_space<hbm>>) dst(%dma_wait3A_1065 : memref<4000xi32, #tpu.memory_space<vmem>>)
    %dma_wait3A_1069 = arith.constant 0 : i32
    %dma_wait3A_1070 = arith.constant 0 : i32
    %dma_wait3A_1071 = arith.constant 0 : i32
    %dma_wait3A_1072 = tpu.memref_slice %arg19[%dma_wait3A_1069, %dma_wait3A_1071] : memref<3x4000xf32, #tpu.memory_space<vmem>> -> memref<1x4000xf32, #tpu.memory_space<vmem>>
    %dma_wait3A_1073 = tpu.memref_squeeze %dma_wait3A_1072 : memref<1x4000xf32, #tpu.memory_space<vmem>> -> memref<4000xf32, #tpu.memory_space<vmem>>
    %dma_wait3A_1074 = arith.constant 0 : i32
    %dma_wait3A_1075 = tpu.memref_slice %arg18[%dma_wait3A_1070, %dma_wait3A_1074] : memref<3x4000xi32, #tpu.memory_space<vmem>> -> memref<1x4000xi32, #tpu.memory_space<vmem>>
    %dma_wait3A_1076 = tpu.memref_squeeze %dma_wait3A_1075 : memref<1x4000xi32, #tpu.memory_space<vmem>> -> memref<4000xi32, #tpu.memory_space<vmem>>
    %dma_wait3A_1077 = arith.constant 0 : i32
    %dma_wait3A_1078 = tpu.memref_slice %arg15[%dma_wait3A_1077] : memref<102400xf32, #tpu.memory_space<vmem_shared>> -> memref<102400xf32, #tpu.memory_space<vmem_shared>>
    tpu.wait_indirect_dma semaphore(%arg24 : memref<!tpu.dma_semaphore, #tpu.memory_space<semaphore_mem>>) src(%dma_wait3A_1073 : memref<4000xf32, #tpu.memory_space<vmem>>) dst(%dma_wait3A_1078 : memref<102400xf32, #tpu.memory_space<vmem_shared>>)
    %dma_wait3A_1079 = arith.constant 0 : i32
    %dma_wait3A_1080 = arith.constant 0 : i32
    %dma_wait3A_1081 = arith.constant 0 : i32
    %dma_wait3A_1082 = tpu.memref_slice %arg20[%dma_wait3A_1079, %dma_wait3A_1081] : memref<3x4000xf32, #tpu.memory_space<vmem>> -> memref<1x4000xf32, #tpu.memory_space<vmem>>
    %dma_wait3A_1083 = tpu.memref_squeeze %dma_wait3A_1082 : memref<1x4000xf32, #tpu.memory_space<vmem>> -> memref<4000xf32, #tpu.memory_space<vmem>>
    %dma_wait3A_1084 = arith.constant 0 : i32
    %dma_wait3A_1085 = tpu.memref_slice %arg18[%dma_wait3A_1080, %dma_wait3A_1084] : memref<3x4000xi32, #tpu.memory_space<vmem>> -> memref<1x4000xi32, #tpu.memory_space<vmem>>
    %dma_wait3A_1086 = tpu.memref_squeeze %dma_wait3A_1085 : memref<1x4000xi32, #tpu.memory_space<vmem>> -> memref<4000xi32, #tpu.memory_space<vmem>>
    %dma_wait3A_1087 = arith.constant 0 : i32
    %dma_wait3A_1088 = tpu.memref_slice %arg16[%dma_wait3A_1087] : memref<102400xf32, #tpu.memory_space<vmem_shared>> -> memref<102400xf32, #tpu.memory_space<vmem_shared>>
    tpu.wait_indirect_dma semaphore(%arg24 : memref<!tpu.dma_semaphore, #tpu.memory_space<semaphore_mem>>) src(%dma_wait3A_1083 : memref<4000xf32, #tpu.memory_space<vmem>>) dst(%dma_wait3A_1088 : memref<102400xf32, #tpu.memory_space<vmem_shared>>)
    %add3A_1089 = arith.constant 3 : i32
    %add3A_1090 = arith.addi %mul3A_768, %add3A_1089 : i32
    %min3A_1091 = arith.constant 1599 : i32
    %min3A_1092 = arith.minsi %add3A_1090, %min3A_1091 : i32
    %dma_start3A_1093 = arith.constant 0 : i32
    %dma_start3A_1094 = arith.constant 0 : i32
    %dma_start3A_1095 = tpu.memref_slice %arg17[%dma_start3A_1093, %dma_start3A_1094] : memref<3x4000xi32, #tpu.memory_space<vmem>> -> memref<1x4000xi32, #tpu.memory_space<vmem>>
    %dma_start3A_1096 = tpu.memref_squeeze %dma_start3A_1095 : memref<1x4000xi32, #tpu.memory_space<vmem>> -> memref<4000xi32, #tpu.memory_space<vmem>>
    %dma_start3A_1097 = arith.constant 0 : i32
    %dma_start3A_1098 = tpu.memref_slice %arg6[%min3A_1092, %dma_start3A_1097] : memref<1600x4000xi32, #tpu.memory_space<hbm>> -> memref<1x4000xi32, #tpu.memory_space<hbm>>
    %dma_start3A_1099 = tpu.memref_squeeze %dma_start3A_1098 : memref<1x4000xi32, #tpu.memory_space<hbm>> -> memref<4000xi32, #tpu.memory_space<hbm>>
    %dma_start3A_1100 = arith.constant 0 : i32
    %dma_start3A_1101 = tpu.memref_slice %arg17[%dma_start3A_1093, %dma_start3A_1100] : memref<3x4000xi32, #tpu.memory_space<vmem>> -> memref<1x4000xi32, #tpu.memory_space<vmem>>
    %dma_start3A_1102 = tpu.memref_squeeze %dma_start3A_1101 : memref<1x4000xi32, #tpu.memory_space<vmem>> -> memref<4000xi32, #tpu.memory_space<vmem>>
    %dma_start3A_1103 = arith.constant 0 : i32
    %dma_start3A_1104 = tpu.memref_slice %arg6[%min3A_1092, %dma_start3A_1103] : memref<1600x4000xi32, #tpu.memory_space<hbm>> -> memref<1x4000xi32, #tpu.memory_space<hbm>>
    %dma_start3A_1105 = tpu.memref_squeeze %dma_start3A_1104 : memref<1x4000xi32, #tpu.memory_space<hbm>> -> memref<4000xi32, #tpu.memory_space<hbm>>
    tpu.enqueue_dma source(%dma_start3A_1105 : memref<4000xi32, #tpu.memory_space<hbm>>) target(%dma_start3A_1102 : memref<4000xi32, #tpu.memory_space<vmem>>) target_semaphore(%arg22 : memref<!tpu.dma_semaphore, #tpu.memory_space<semaphore_mem>>)
    %dma_start3A_1106 = arith.constant 0 : i32
    %dma_start3A_1107 = arith.constant 0 : i32
    %dma_start3A_1108 = tpu.memref_slice %arg18[%dma_start3A_1106, %dma_start3A_1107] : memref<3x4000xi32, #tpu.memory_space<vmem>> -> memref<1x4000xi32, #tpu.memory_space<vmem>>
    %dma_start3A_1109 = tpu.memref_squeeze %dma_start3A_1108 : memref<1x4000xi32, #tpu.memory_space<vmem>> -> memref<4000xi32, #tpu.memory_space<vmem>>
    %dma_start3A_1110 = arith.constant 0 : i32
    %dma_start3A_1111 = tpu.memref_slice %arg7[%min3A_1092, %dma_start3A_1110] : memref<1600x4000xi32, #tpu.memory_space<hbm>> -> memref<1x4000xi32, #tpu.memory_space<hbm>>
    %dma_start3A_1112 = tpu.memref_squeeze %dma_start3A_1111 : memref<1x4000xi32, #tpu.memory_space<hbm>> -> memref<4000xi32, #tpu.memory_space<hbm>>
    %dma_start3A_1113 = arith.constant 0 : i32
    %dma_start3A_1114 = tpu.memref_slice %arg18[%dma_start3A_1106, %dma_start3A_1113] : memref<3x4000xi32, #tpu.memory_space<vmem>> -> memref<1x4000xi32, #tpu.memory_space<vmem>>
    %dma_start3A_1115 = tpu.memref_squeeze %dma_start3A_1114 : memref<1x4000xi32, #tpu.memory_space<vmem>> -> memref<4000xi32, #tpu.memory_space<vmem>>
    %dma_start3A_1116 = arith.constant 0 : i32
    %dma_start3A_1117 = tpu.memref_slice %arg7[%min3A_1092, %dma_start3A_1116] : memref<1600x4000xi32, #tpu.memory_space<hbm>> -> memref<1x4000xi32, #tpu.memory_space<hbm>>
    %dma_start3A_1118 = tpu.memref_squeeze %dma_start3A_1117 : memref<1x4000xi32, #tpu.memory_space<hbm>> -> memref<4000xi32, #tpu.memory_space<hbm>>
    tpu.enqueue_dma source(%dma_start3A_1118 : memref<4000xi32, #tpu.memory_space<hbm>>) target(%dma_start3A_1115 : memref<4000xi32, #tpu.memory_space<vmem>>) target_semaphore(%arg22 : memref<!tpu.dma_semaphore, #tpu.memory_space<semaphore_mem>>)
    %dma_start3A_1119 = arith.constant 2 : i32
    %dma_start3A_1120 = arith.constant 2 : i32
    %dma_start3A_1121 = arith.constant 0 : i32
    %dma_start3A_1122 = tpu.memref_slice %arg19[%dma_start3A_1120, %dma_start3A_1121] : memref<3x4000xf32, #tpu.memory_space<vmem>> -> memref<1x4000xf32, #tpu.memory_space<vmem>>
    %dma_start3A_1123 = tpu.memref_squeeze %dma_start3A_1122 : memref<1x4000xf32, #tpu.memory_space<vmem>> -> memref<4000xf32, #tpu.memory_space<vmem>>
    %dma_start3A_1124 = arith.constant 0 : i32
    %dma_start3A_1125 = tpu.memref_slice %arg17[%dma_start3A_1119, %dma_start3A_1124] : memref<3x4000xi32, #tpu.memory_space<vmem>> -> memref<1x4000xi32, #tpu.memory_space<vmem>>
    %dma_start3A_1126 = tpu.memref_squeeze %dma_start3A_1125 : memref<1x4000xi32, #tpu.memory_space<vmem>> -> memref<4000xi32, #tpu.memory_space<vmem>>
    %dma_start3A_1127 = arith.constant 0 : i32
    %dma_start3A_1128 = tpu.memref_slice %arg11[%dma_start3A_1127] : memref<102400xf32, #tpu.memory_space<vmem_shared>> -> memref<102400xf32, #tpu.memory_space<vmem_shared>>
    tpu.enqueue_indirect_dma source(%dma_start3A_1128 : memref<102400xf32, #tpu.memory_space<vmem_shared>>) target(%dma_start3A_1123 : memref<4000xf32, #tpu.memory_space<vmem>>) offsets(%dma_start3A_1126 : memref<4000xi32, #tpu.memory_space<vmem>>) semaphore(%arg23 : memref<!tpu.dma_semaphore, #tpu.memory_space<semaphore_mem>>)
    %dma_start3A_1129 = arith.constant 2 : i32
    %dma_start3A_1130 = arith.constant 2 : i32
    %dma_start3A_1131 = arith.constant 0 : i32
    %dma_start3A_1132 = tpu.memref_slice %arg20[%dma_start3A_1130, %dma_start3A_1131] : memref<3x4000xf32, #tpu.memory_space<vmem>> -> memref<1x4000xf32, #tpu.memory_space<vmem>>
    %dma_start3A_1133 = tpu.memref_squeeze %dma_start3A_1132 : memref<1x4000xf32, #tpu.memory_space<vmem>> -> memref<4000xf32, #tpu.memory_space<vmem>>
    %dma_start3A_1134 = arith.constant 0 : i32
    %dma_start3A_1135 = tpu.memref_slice %arg17[%dma_start3A_1129, %dma_start3A_1134] : memref<3x4000xi32, #tpu.memory_space<vmem>> -> memref<1x4000xi32, #tpu.memory_space<vmem>>
    %dma_start3A_1136 = tpu.memref_squeeze %dma_start3A_1135 : memref<1x4000xi32, #tpu.memory_space<vmem>> -> memref<4000xi32, #tpu.memory_space<vmem>>
    %dma_start3A_1137 = arith.constant 0 : i32
    %dma_start3A_1138 = tpu.memref_slice %arg12[%dma_start3A_1137] : memref<102400xf32, #tpu.memory_space<vmem_shared>> -> memref<102400xf32, #tpu.memory_space<vmem_shared>>
    tpu.enqueue_indirect_dma source(%dma_start3A_1138 : memref<102400xf32, #tpu.memory_space<vmem_shared>>) target(%dma_start3A_1133 : memref<4000xf32, #tpu.memory_space<vmem>>) offsets(%dma_start3A_1136 : memref<4000xi32, #tpu.memory_space<vmem>>) semaphore(%arg23 : memref<!tpu.dma_semaphore, #tpu.memory_space<semaphore_mem>>)
    %dma_wait3A_1139 = arith.constant 2 : i32
    %dma_wait3A_1140 = arith.constant 2 : i32
    %dma_wait3A_1141 = arith.constant 0 : i32
    %dma_wait3A_1142 = tpu.memref_slice %arg19[%dma_wait3A_1140, %dma_wait3A_1141] : memref<3x4000xf32, #tpu.memory_space<vmem>> -> memref<1x4000xf32, #tpu.memory_space<vmem>>
    %dma_wait3A_1143 = tpu.memref_squeeze %dma_wait3A_1142 : memref<1x4000xf32, #tpu.memory_space<vmem>> -> memref<4000xf32, #tpu.memory_space<vmem>>
    %dma_wait3A_1144 = arith.constant 0 : i32
    %dma_wait3A_1145 = tpu.memref_slice %arg17[%dma_wait3A_1139, %dma_wait3A_1144] : memref<3x4000xi32, #tpu.memory_space<vmem>> -> memref<1x4000xi32, #tpu.memory_space<vmem>>
    %dma_wait3A_1146 = tpu.memref_squeeze %dma_wait3A_1145 : memref<1x4000xi32, #tpu.memory_space<vmem>> -> memref<4000xi32, #tpu.memory_space<vmem>>
    %dma_wait3A_1147 = arith.constant 0 : i32
    %dma_wait3A_1148 = tpu.memref_slice %arg11[%dma_wait3A_1147] : memref<102400xf32, #tpu.memory_space<vmem_shared>> -> memref<102400xf32, #tpu.memory_space<vmem_shared>>
    tpu.wait_indirect_dma semaphore(%arg23 : memref<!tpu.dma_semaphore, #tpu.memory_space<semaphore_mem>>) src(%dma_wait3A_1148 : memref<102400xf32, #tpu.memory_space<vmem_shared>>) dst(%dma_wait3A_1143 : memref<4000xf32, #tpu.memory_space<vmem>>)
    %dma_wait3A_1149 = arith.constant 2 : i32
    %dma_wait3A_1150 = arith.constant 2 : i32
    %dma_wait3A_1151 = arith.constant 0 : i32
    %dma_wait3A_1152 = tpu.memref_slice %arg20[%dma_wait3A_1150, %dma_wait3A_1151] : memref<3x4000xf32, #tpu.memory_space<vmem>> -> memref<1x4000xf32, #tpu.memory_space<vmem>>
    %dma_wait3A_1153 = tpu.memref_squeeze %dma_wait3A_1152 : memref<1x4000xf32, #tpu.memory_space<vmem>> -> memref<4000xf32, #tpu.memory_space<vmem>>
    %dma_wait3A_1154 = arith.constant 0 : i32
    %dma_wait3A_1155 = tpu.memref_slice %arg17[%dma_wait3A_1149, %dma_wait3A_1154] : memref<3x4000xi32, #tpu.memory_space<vmem>> -> memref<1x4000xi32, #tpu.memory_space<vmem>>
    %dma_wait3A_1156 = tpu.memref_squeeze %dma_wait3A_1155 : memref<1x4000xi32, #tpu.memory_space<vmem>> -> memref<4000xi32, #tpu.memory_space<vmem>>
    %dma_wait3A_1157 = arith.constant 0 : i32
    %dma_wait3A_1158 = tpu.memref_slice %arg12[%dma_wait3A_1157] : memref<102400xf32, #tpu.memory_space<vmem_shared>> -> memref<102400xf32, #tpu.memory_space<vmem_shared>>
    tpu.wait_indirect_dma semaphore(%arg23 : memref<!tpu.dma_semaphore, #tpu.memory_space<semaphore_mem>>) src(%dma_wait3A_1158 : memref<102400xf32, #tpu.memory_space<vmem_shared>>) dst(%dma_wait3A_1153 : memref<4000xf32, #tpu.memory_space<vmem>>)
    %dma_start3A_1159 = arith.constant 2 : i32
    %dma_start3A_1160 = arith.constant 2 : i32
    %dma_start3A_1161 = arith.constant 0 : i32
    %dma_start3A_1162 = tpu.memref_slice %arg19[%dma_start3A_1159, %dma_start3A_1161] : memref<3x4000xf32, #tpu.memory_space<vmem>> -> memref<1x4000xf32, #tpu.memory_space<vmem>>
    %dma_start3A_1163 = tpu.memref_squeeze %dma_start3A_1162 : memref<1x4000xf32, #tpu.memory_space<vmem>> -> memref<4000xf32, #tpu.memory_space<vmem>>
    %dma_start3A_1164 = arith.constant 0 : i32
    %dma_start3A_1165 = tpu.memref_slice %arg18[%dma_start3A_1160, %dma_start3A_1164] : memref<3x4000xi32, #tpu.memory_space<vmem>> -> memref<1x4000xi32, #tpu.memory_space<vmem>>
    %dma_start3A_1166 = tpu.memref_squeeze %dma_start3A_1165 : memref<1x4000xi32, #tpu.memory_space<vmem>> -> memref<4000xi32, #tpu.memory_space<vmem>>
    %dma_start3A_1167 = arith.constant 0 : i32
    %dma_start3A_1168 = tpu.memref_slice %arg15[%dma_start3A_1167] : memref<102400xf32, #tpu.memory_space<vmem_shared>> -> memref<102400xf32, #tpu.memory_space<vmem_shared>>
    tpu.enqueue_indirect_dma source(%dma_start3A_1163 : memref<4000xf32, #tpu.memory_space<vmem>>) target(%dma_start3A_1168 : memref<102400xf32, #tpu.memory_space<vmem_shared>>) offsets(%dma_start3A_1166 : memref<4000xi32, #tpu.memory_space<vmem>>) semaphore(%arg26 : memref<!tpu.dma_semaphore, #tpu.memory_space<semaphore_mem>>) {add = true}
    %dma_start3A_1169 = arith.constant 2 : i32
    %dma_start3A_1170 = arith.constant 2 : i32
    %dma_start3A_1171 = arith.constant 0 : i32
    %dma_start3A_1172 = tpu.memref_slice %arg20[%dma_start3A_1169, %dma_start3A_1171] : memref<3x4000xf32, #tpu.memory_space<vmem>> -> memref<1x4000xf32, #tpu.memory_space<vmem>>
    %dma_start3A_1173 = tpu.memref_squeeze %dma_start3A_1172 : memref<1x4000xf32, #tpu.memory_space<vmem>> -> memref<4000xf32, #tpu.memory_space<vmem>>
    %dma_start3A_1174 = arith.constant 0 : i32
    %dma_start3A_1175 = tpu.memref_slice %arg18[%dma_start3A_1170, %dma_start3A_1174] : memref<3x4000xi32, #tpu.memory_space<vmem>> -> memref<1x4000xi32, #tpu.memory_space<vmem>>
    %dma_start3A_1176 = tpu.memref_squeeze %dma_start3A_1175 : memref<1x4000xi32, #tpu.memory_space<vmem>> -> memref<4000xi32, #tpu.memory_space<vmem>>
    %dma_start3A_1177 = arith.constant 0 : i32
    %dma_start3A_1178 = tpu.memref_slice %arg16[%dma_start3A_1177] : memref<102400xf32, #tpu.memory_space<vmem_shared>> -> memref<102400xf32, #tpu.memory_space<vmem_shared>>
    tpu.enqueue_indirect_dma source(%dma_start3A_1173 : memref<4000xf32, #tpu.memory_space<vmem>>) target(%dma_start3A_1178 : memref<102400xf32, #tpu.memory_space<vmem_shared>>) offsets(%dma_start3A_1176 : memref<4000xi32, #tpu.memory_space<vmem>>) semaphore(%arg26 : memref<!tpu.dma_semaphore, #tpu.memory_space<semaphore_mem>>) {add = true}
    %scan3A_1179 = arith.constant 0 : i32
    %scan3A_1180 = arith.constant 1 : i32
    %scan3A_1181 = arith.constant 15 : i32
    %scan3A_1182 = arith.addi %scan3A_1180, %scan3A_1181 : i32
    %scan3A_1183 = arith.constant 1 : i32
    scf.for %scan3A_1539 = %scan3A_1180 to %scan3A_1182 step %scan3A_1183  : i32 {
      %mul3A_1540 = arith.constant 3 : i32
      %mul3A_1541 = arith.muli %mul3A_1540, %scan3A_1539 : i32
      %add3A_1542 = arith.constant 0 : i32
      %add3A_1543 = arith.addi %mul3A_1541, %add3A_1542 : i32
      %add3A_1544 = arith.addi %mul3A_768, %add3A_1543 : i32
      %min3A_1545 = arith.constant 1599 : i32
      %min3A_1546 = arith.minsi %add3A_1544, %min3A_1545 : i32
      %dma_wait3A_1547 = arith.constant 0 : i32
      %dma_wait3A_1548 = arith.constant 0 : i32
      %dma_wait3A_1549 = tpu.memref_slice %arg17[%dma_wait3A_1547, %dma_wait3A_1548] : memref<3x4000xi32, #tpu.memory_space<vmem>> -> memref<1x4000xi32, #tpu.memory_space<vmem>>
      %dma_wait3A_1550 = tpu.memref_squeeze %dma_wait3A_1549 : memref<1x4000xi32, #tpu.memory_space<vmem>> -> memref<4000xi32, #tpu.memory_space<vmem>>
      %dma_wait3A_1551 = arith.constant 0 : i32
      %dma_wait3A_1552 = tpu.memref_slice %arg6[%min3A_1546, %dma_wait3A_1551] : memref<1600x4000xi32, #tpu.memory_space<hbm>> -> memref<1x4000xi32, #tpu.memory_space<hbm>>
      %dma_wait3A_1553 = tpu.memref_squeeze %dma_wait3A_1552 : memref<1x4000xi32, #tpu.memory_space<hbm>> -> memref<4000xi32, #tpu.memory_space<hbm>>
      %dma_wait3A_1554 = arith.constant 0 : i32
      %dma_wait3A_1555 = tpu.memref_slice %arg17[%dma_wait3A_1547, %dma_wait3A_1554] : memref<3x4000xi32, #tpu.memory_space<vmem>> -> memref<1x4000xi32, #tpu.memory_space<vmem>>
      %dma_wait3A_1556 = tpu.memref_squeeze %dma_wait3A_1555 : memref<1x4000xi32, #tpu.memory_space<vmem>> -> memref<4000xi32, #tpu.memory_space<vmem>>
      %dma_wait3A_1557 = arith.constant 0 : i32
      %dma_wait3A_1558 = tpu.memref_slice %arg6[%min3A_1546, %dma_wait3A_1557] : memref<1600x4000xi32, #tpu.memory_space<hbm>> -> memref<1x4000xi32, #tpu.memory_space<hbm>>
      %dma_wait3A_1559 = tpu.memref_squeeze %dma_wait3A_1558 : memref<1x4000xi32, #tpu.memory_space<hbm>> -> memref<4000xi32, #tpu.memory_space<hbm>>
      tpu.wait_dma2 semaphore(%arg22 : memref<!tpu.dma_semaphore, #tpu.memory_space<semaphore_mem>>) src(%dma_wait3A_1559 : memref<4000xi32, #tpu.memory_space<hbm>>) dst(%dma_wait3A_1556 : memref<4000xi32, #tpu.memory_space<vmem>>)
      %dma_wait3A_1560 = arith.constant 0 : i32
      %dma_wait3A_1561 = arith.constant 0 : i32
      %dma_wait3A_1562 = tpu.memref_slice %arg18[%dma_wait3A_1560, %dma_wait3A_1561] : memref<3x4000xi32, #tpu.memory_space<vmem>> -> memref<1x4000xi32, #tpu.memory_space<vmem>>
      %dma_wait3A_1563 = tpu.memref_squeeze %dma_wait3A_1562 : memref<1x4000xi32, #tpu.memory_space<vmem>> -> memref<4000xi32, #tpu.memory_space<vmem>>
      %dma_wait3A_1564 = arith.constant 0 : i32
      %dma_wait3A_1565 = tpu.memref_slice %arg7[%min3A_1546, %dma_wait3A_1564] : memref<1600x4000xi32, #tpu.memory_space<hbm>> -> memref<1x4000xi32, #tpu.memory_space<hbm>>
      %dma_wait3A_1566 = tpu.memref_squeeze %dma_wait3A_1565 : memref<1x4000xi32, #tpu.memory_space<hbm>> -> memref<4000xi32, #tpu.memory_space<hbm>>
      %dma_wait3A_1567 = arith.constant 0 : i32
      %dma_wait3A_1568 = tpu.memref_slice %arg18[%dma_wait3A_1560, %dma_wait3A_1567] : memref<3x4000xi32, #tpu.memory_space<vmem>> -> memref<1x4000xi32, #tpu.memory_space<vmem>>
      %dma_wait3A_1569 = tpu.memref_squeeze %dma_wait3A_1568 : memref<1x4000xi32, #tpu.memory_space<vmem>> -> memref<4000xi32, #tpu.memory_space<vmem>>
      %dma_wait3A_1570 = arith.constant 0 : i32
      %dma_wait3A_1571 = tpu.memref_slice %arg7[%min3A_1546, %dma_wait3A_1570] : memref<1600x4000xi32, #tpu.memory_space<hbm>> -> memref<1x4000xi32, #tpu.memory_space<hbm>>
      %dma_wait3A_1572 = tpu.memref_squeeze %dma_wait3A_1571 : memref<1x4000xi32, #tpu.memory_space<hbm>> -> memref<4000xi32, #tpu.memory_space<hbm>>
      tpu.wait_dma2 semaphore(%arg22 : memref<!tpu.dma_semaphore, #tpu.memory_space<semaphore_mem>>) src(%dma_wait3A_1572 : memref<4000xi32, #tpu.memory_space<hbm>>) dst(%dma_wait3A_1569 : memref<4000xi32, #tpu.memory_space<vmem>>)
      %dma_wait3A_1573 = arith.constant 1 : i32
      %dma_wait3A_1574 = arith.constant 1 : i32
      %dma_wait3A_1575 = arith.constant 0 : i32
      %dma_wait3A_1576 = tpu.memref_slice %arg19[%dma_wait3A_1573, %dma_wait3A_1575] : memref<3x4000xf32, #tpu.memory_space<vmem>> -> memref<1x4000xf32, #tpu.memory_space<vmem>>
      %dma_wait3A_1577 = tpu.memref_squeeze %dma_wait3A_1576 : memref<1x4000xf32, #tpu.memory_space<vmem>> -> memref<4000xf32, #tpu.memory_space<vmem>>
      %dma_wait3A_1578 = arith.constant 0 : i32
      %dma_wait3A_1579 = tpu.memref_slice %arg18[%dma_wait3A_1574, %dma_wait3A_1578] : memref<3x4000xi32, #tpu.memory_space<vmem>> -> memref<1x4000xi32, #tpu.memory_space<vmem>>
      %dma_wait3A_1580 = tpu.memref_squeeze %dma_wait3A_1579 : memref<1x4000xi32, #tpu.memory_space<vmem>> -> memref<4000xi32, #tpu.memory_space<vmem>>
      %dma_wait3A_1581 = arith.constant 0 : i32
      %dma_wait3A_1582 = tpu.memref_slice %arg15[%dma_wait3A_1581] : memref<102400xf32, #tpu.memory_space<vmem_shared>> -> memref<102400xf32, #tpu.memory_space<vmem_shared>>
      tpu.wait_indirect_dma semaphore(%arg25 : memref<!tpu.dma_semaphore, #tpu.memory_space<semaphore_mem>>) src(%dma_wait3A_1577 : memref<4000xf32, #tpu.memory_space<vmem>>) dst(%dma_wait3A_1582 : memref<102400xf32, #tpu.memory_space<vmem_shared>>)
      %dma_wait3A_1583 = arith.constant 1 : i32
      %dma_wait3A_1584 = arith.constant 1 : i32
      %dma_wait3A_1585 = arith.constant 0 : i32
      %dma_wait3A_1586 = tpu.memref_slice %arg20[%dma_wait3A_1583, %dma_wait3A_1585] : memref<3x4000xf32, #tpu.memory_space<vmem>> -> memref<1x4000xf32, #tpu.memory_space<vmem>>
      %dma_wait3A_1587 = tpu.memref_squeeze %dma_wait3A_1586 : memref<1x4000xf32, #tpu.memory_space<vmem>> -> memref<4000xf32, #tpu.memory_space<vmem>>
      %dma_wait3A_1588 = arith.constant 0 : i32
      %dma_wait3A_1589 = tpu.memref_slice %arg18[%dma_wait3A_1584, %dma_wait3A_1588] : memref<3x4000xi32, #tpu.memory_space<vmem>> -> memref<1x4000xi32, #tpu.memory_space<vmem>>
      %dma_wait3A_1590 = tpu.memref_squeeze %dma_wait3A_1589 : memref<1x4000xi32, #tpu.memory_space<vmem>> -> memref<4000xi32, #tpu.memory_space<vmem>>
      %dma_wait3A_1591 = arith.constant 0 : i32
      %dma_wait3A_1592 = tpu.memref_slice %arg16[%dma_wait3A_1591] : memref<102400xf32, #tpu.memory_space<vmem_shared>> -> memref<102400xf32, #tpu.memory_space<vmem_shared>>
      tpu.wait_indirect_dma semaphore(%arg25 : memref<!tpu.dma_semaphore, #tpu.memory_space<semaphore_mem>>) src(%dma_wait3A_1587 : memref<4000xf32, #tpu.memory_space<vmem>>) dst(%dma_wait3A_1592 : memref<102400xf32, #tpu.memory_space<vmem_shared>>)
      %add3A_1593 = arith.constant 1 : i32
      %add3A_1594 = arith.addi %add3A_1543, %add3A_1593 : i32
      %add3A_1595 = arith.addi %mul3A_768, %add3A_1594 : i32
      %min3A_1596 = arith.constant 1599 : i32
      %min3A_1597 = arith.minsi %add3A_1595, %min3A_1596 : i32
      %dma_start3A_1598 = arith.constant 1 : i32
      %dma_start3A_1599 = arith.constant 0 : i32
      %dma_start3A_1600 = tpu.memref_slice %arg17[%dma_start3A_1598, %dma_start3A_1599] : memref<3x4000xi32, #tpu.memory_space<vmem>> -> memref<1x4000xi32, #tpu.memory_space<vmem>>
      %dma_start3A_1601 = tpu.memref_squeeze %dma_start3A_1600 : memref<1x4000xi32, #tpu.memory_space<vmem>> -> memref<4000xi32, #tpu.memory_space<vmem>>
      %dma_start3A_1602 = arith.constant 0 : i32
      %dma_start3A_1603 = tpu.memref_slice %arg6[%min3A_1597, %dma_start3A_1602] : memref<1600x4000xi32, #tpu.memory_space<hbm>> -> memref<1x4000xi32, #tpu.memory_space<hbm>>
      %dma_start3A_1604 = tpu.memref_squeeze %dma_start3A_1603 : memref<1x4000xi32, #tpu.memory_space<hbm>> -> memref<4000xi32, #tpu.memory_space<hbm>>
      %dma_start3A_1605 = arith.constant 0 : i32
      %dma_start3A_1606 = tpu.memref_slice %arg17[%dma_start3A_1598, %dma_start3A_1605] : memref<3x4000xi32, #tpu.memory_space<vmem>> -> memref<1x4000xi32, #tpu.memory_space<vmem>>
      %dma_start3A_1607 = tpu.memref_squeeze %dma_start3A_1606 : memref<1x4000xi32, #tpu.memory_space<vmem>> -> memref<4000xi32, #tpu.memory_space<vmem>>
      %dma_start3A_1608 = arith.constant 0 : i32
      %dma_start3A_1609 = tpu.memref_slice %arg6[%min3A_1597, %dma_start3A_1608] : memref<1600x4000xi32, #tpu.memory_space<hbm>> -> memref<1x4000xi32, #tpu.memory_space<hbm>>
      %dma_start3A_1610 = tpu.memref_squeeze %dma_start3A_1609 : memref<1x4000xi32, #tpu.memory_space<hbm>> -> memref<4000xi32, #tpu.memory_space<hbm>>
      tpu.enqueue_dma source(%dma_start3A_1610 : memref<4000xi32, #tpu.memory_space<hbm>>) target(%dma_start3A_1607 : memref<4000xi32, #tpu.memory_space<vmem>>) target_semaphore(%arg22 : memref<!tpu.dma_semaphore, #tpu.memory_space<semaphore_mem>>)
      %dma_start3A_1611 = arith.constant 1 : i32
      %dma_start3A_1612 = arith.constant 0 : i32
      %dma_start3A_1613 = tpu.memref_slice %arg18[%dma_start3A_1611, %dma_start3A_1612] : memref<3x4000xi32, #tpu.memory_space<vmem>> -> memref<1x4000xi32, #tpu.memory_space<vmem>>
      %dma_start3A_1614 = tpu.memref_squeeze %dma_start3A_1613 : memref<1x4000xi32, #tpu.memory_space<vmem>> -> memref<4000xi32, #tpu.memory_space<vmem>>
      %dma_start3A_1615 = arith.constant 0 : i32
      %dma_start3A_1616 = tpu.memref_slice %arg7[%min3A_1597, %dma_start3A_1615] : memref<1600x4000xi32, #tpu.memory_space<hbm>> -> memref<1x4000xi32, #tpu.memory_space<hbm>>
      %dma_start3A_1617 = tpu.memref_squeeze %dma_start3A_1616 : memref<1x4000xi32, #tpu.memory_space<hbm>> -> memref<4000xi32, #tpu.memory_space<hbm>>
      %dma_start3A_1618 = arith.constant 0 : i32
      %dma_start3A_1619 = tpu.memref_slice %arg18[%dma_start3A_1611, %dma_start3A_1618] : memref<3x4000xi32, #tpu.memory_space<vmem>> -> memref<1x4000xi32, #tpu.memory_space<vmem>>
      %dma_start3A_1620 = tpu.memref_squeeze %dma_start3A_1619 : memref<1x4000xi32, #tpu.memory_space<vmem>> -> memref<4000xi32, #tpu.memory_space<vmem>>
      %dma_start3A_1621 = arith.constant 0 : i32
      %dma_start3A_1622 = tpu.memref_slice %arg7[%min3A_1597, %dma_start3A_1621] : memref<1600x4000xi32, #tpu.memory_space<hbm>> -> memref<1x4000xi32, #tpu.memory_space<hbm>>
      %dma_start3A_1623 = tpu.memref_squeeze %dma_start3A_1622 : memref<1x4000xi32, #tpu.memory_space<hbm>> -> memref<4000xi32, #tpu.memory_space<hbm>>
      tpu.enqueue_dma source(%dma_start3A_1623 : memref<4000xi32, #tpu.memory_space<hbm>>) target(%dma_start3A_1620 : memref<4000xi32, #tpu.memory_space<vmem>>) target_semaphore(%arg22 : memref<!tpu.dma_semaphore, #tpu.memory_space<semaphore_mem>>)
      %dma_start3A_1624 = arith.constant 0 : i32
      %dma_start3A_1625 = arith.constant 0 : i32
      %dma_start3A_1626 = arith.constant 0 : i32
      %dma_start3A_1627 = tpu.memref_slice %arg19[%dma_start3A_1625, %dma_start3A_1626] : memref<3x4000xf32, #tpu.memory_space<vmem>> -> memref<1x4000xf32, #tpu.memory_space<vmem>>
      %dma_start3A_1628 = tpu.memref_squeeze %dma_start3A_1627 : memref<1x4000xf32, #tpu.memory_space<vmem>> -> memref<4000xf32, #tpu.memory_space<vmem>>
      %dma_start3A_1629 = arith.constant 0 : i32
      %dma_start3A_1630 = tpu.memref_slice %arg17[%dma_start3A_1624, %dma_start3A_1629] : memref<3x4000xi32, #tpu.memory_space<vmem>> -> memref<1x4000xi32, #tpu.memory_space<vmem>>
      %dma_start3A_1631 = tpu.memref_squeeze %dma_start3A_1630 : memref<1x4000xi32, #tpu.memory_space<vmem>> -> memref<4000xi32, #tpu.memory_space<vmem>>
      %dma_start3A_1632 = arith.constant 0 : i32
      %dma_start3A_1633 = tpu.memref_slice %arg11[%dma_start3A_1632] : memref<102400xf32, #tpu.memory_space<vmem_shared>> -> memref<102400xf32, #tpu.memory_space<vmem_shared>>
      tpu.enqueue_indirect_dma source(%dma_start3A_1633 : memref<102400xf32, #tpu.memory_space<vmem_shared>>) target(%dma_start3A_1628 : memref<4000xf32, #tpu.memory_space<vmem>>) offsets(%dma_start3A_1631 : memref<4000xi32, #tpu.memory_space<vmem>>) semaphore(%arg23 : memref<!tpu.dma_semaphore, #tpu.memory_space<semaphore_mem>>)
      %dma_start3A_1634 = arith.constant 0 : i32
      %dma_start3A_1635 = arith.constant 0 : i32
      %dma_start3A_1636 = arith.constant 0 : i32
      %dma_start3A_1637 = tpu.memref_slice %arg20[%dma_start3A_1635, %dma_start3A_1636] : memref<3x4000xf32, #tpu.memory_space<vmem>> -> memref<1x4000xf32, #tpu.memory_space<vmem>>
      %dma_start3A_1638 = tpu.memref_squeeze %dma_start3A_1637 : memref<1x4000xf32, #tpu.memory_space<vmem>> -> memref<4000xf32, #tpu.memory_space<vmem>>
      %dma_start3A_1639 = arith.constant 0 : i32
      %dma_start3A_1640 = tpu.memref_slice %arg17[%dma_start3A_1634, %dma_start3A_1639] : memref<3x4000xi32, #tpu.memory_space<vmem>> -> memref<1x4000xi32, #tpu.memory_space<vmem>>
      %dma_start3A_1641 = tpu.memref_squeeze %dma_start3A_1640 : memref<1x4000xi32, #tpu.memory_space<vmem>> -> memref<4000xi32, #tpu.memory_space<vmem>>
      %dma_start3A_1642 = arith.constant 0 : i32
      %dma_start3A_1643 = tpu.memref_slice %arg12[%dma_start3A_1642] : memref<102400xf32, #tpu.memory_space<vmem_shared>> -> memref<102400xf32, #tpu.memory_space<vmem_shared>>
      tpu.enqueue_indirect_dma source(%dma_start3A_1643 : memref<102400xf32, #tpu.memory_space<vmem_shared>>) target(%dma_start3A_1638 : memref<4000xf32, #tpu.memory_space<vmem>>) offsets(%dma_start3A_1641 : memref<4000xi32, #tpu.memory_space<vmem>>) semaphore(%arg23 : memref<!tpu.dma_semaphore, #tpu.memory_space<semaphore_mem>>)
      %dma_wait3A_1644 = arith.constant 0 : i32
      %dma_wait3A_1645 = arith.constant 0 : i32
      %dma_wait3A_1646 = arith.constant 0 : i32
      %dma_wait3A_1647 = tpu.memref_slice %arg19[%dma_wait3A_1645, %dma_wait3A_1646] : memref<3x4000xf32, #tpu.memory_space<vmem>> -> memref<1x4000xf32, #tpu.memory_space<vmem>>
      %dma_wait3A_1648 = tpu.memref_squeeze %dma_wait3A_1647 : memref<1x4000xf32, #tpu.memory_space<vmem>> -> memref<4000xf32, #tpu.memory_space<vmem>>
      %dma_wait3A_1649 = arith.constant 0 : i32
      %dma_wait3A_1650 = tpu.memref_slice %arg17[%dma_wait3A_1644, %dma_wait3A_1649] : memref<3x4000xi32, #tpu.memory_space<vmem>> -> memref<1x4000xi32, #tpu.memory_space<vmem>>
      %dma_wait3A_1651 = tpu.memref_squeeze %dma_wait3A_1650 : memref<1x4000xi32, #tpu.memory_space<vmem>> -> memref<4000xi32, #tpu.memory_space<vmem>>
      %dma_wait3A_1652 = arith.constant 0 : i32
      %dma_wait3A_1653 = tpu.memref_slice %arg11[%dma_wait3A_1652] : memref<102400xf32, #tpu.memory_space<vmem_shared>> -> memref<102400xf32, #tpu.memory_space<vmem_shared>>
      tpu.wait_indirect_dma semaphore(%arg23 : memref<!tpu.dma_semaphore, #tpu.memory_space<semaphore_mem>>) src(%dma_wait3A_1653 : memref<102400xf32, #tpu.memory_space<vmem_shared>>) dst(%dma_wait3A_1648 : memref<4000xf32, #tpu.memory_space<vmem>>)
      %dma_wait3A_1654 = arith.constant 0 : i32
      %dma_wait3A_1655 = arith.constant 0 : i32
      %dma_wait3A_1656 = arith.constant 0 : i32
      %dma_wait3A_1657 = tpu.memref_slice %arg20[%dma_wait3A_1655, %dma_wait3A_1656] : memref<3x4000xf32, #tpu.memory_space<vmem>> -> memref<1x4000xf32, #tpu.memory_space<vmem>>
      %dma_wait3A_1658 = tpu.memref_squeeze %dma_wait3A_1657 : memref<1x4000xf32, #tpu.memory_space<vmem>> -> memref<4000xf32, #tpu.memory_space<vmem>>
      %dma_wait3A_1659 = arith.constant 0 : i32
      %dma_wait3A_1660 = tpu.memref_slice %arg17[%dma_wait3A_1654, %dma_wait3A_1659] : memref<3x4000xi32, #tpu.memory_space<vmem>> -> memref<1x4000xi32, #tpu.memory_space<vmem>>
      %dma_wait3A_1661 = tpu.memref_squeeze %dma_wait3A_1660 : memref<1x4000xi32, #tpu.memory_space<vmem>> -> memref<4000xi32, #tpu.memory_space<vmem>>
      %dma_wait3A_1662 = arith.constant 0 : i32
      %dma_wait3A_1663 = tpu.memref_slice %arg12[%dma_wait3A_1662] : memref<102400xf32, #tpu.memory_space<vmem_shared>> -> memref<102400xf32, #tpu.memory_space<vmem_shared>>
      tpu.wait_indirect_dma semaphore(%arg23 : memref<!tpu.dma_semaphore, #tpu.memory_space<semaphore_mem>>) src(%dma_wait3A_1663 : memref<102400xf32, #tpu.memory_space<vmem_shared>>) dst(%dma_wait3A_1658 : memref<4000xf32, #tpu.memory_space<vmem>>)
      %dma_start3A_1664 = arith.constant 0 : i32
      %dma_start3A_1665 = arith.constant 0 : i32
      %dma_start3A_1666 = arith.constant 0 : i32
      %dma_start3A_1667 = tpu.memref_slice %arg19[%dma_start3A_1664, %dma_start3A_1666] : memref<3x4000xf32, #tpu.memory_space<vmem>> -> memref<1x4000xf32, #tpu.memory_space<vmem>>
      %dma_start3A_1668 = tpu.memref_squeeze %dma_start3A_1667 : memref<1x4000xf32, #tpu.memory_space<vmem>> -> memref<4000xf32, #tpu.memory_space<vmem>>
      %dma_start3A_1669 = arith.constant 0 : i32
      %dma_start3A_1670 = tpu.memref_slice %arg18[%dma_start3A_1665, %dma_start3A_1669] : memref<3x4000xi32, #tpu.memory_space<vmem>> -> memref<1x4000xi32, #tpu.memory_space<vmem>>
      %dma_start3A_1671 = tpu.memref_squeeze %dma_start3A_1670 : memref<1x4000xi32, #tpu.memory_space<vmem>> -> memref<4000xi32, #tpu.memory_space<vmem>>
      %dma_start3A_1672 = arith.constant 0 : i32
      %dma_start3A_1673 = tpu.memref_slice %arg15[%dma_start3A_1672] : memref<102400xf32, #tpu.memory_space<vmem_shared>> -> memref<102400xf32, #tpu.memory_space<vmem_shared>>
      tpu.enqueue_indirect_dma source(%dma_start3A_1668 : memref<4000xf32, #tpu.memory_space<vmem>>) target(%dma_start3A_1673 : memref<102400xf32, #tpu.memory_space<vmem_shared>>) offsets(%dma_start3A_1671 : memref<4000xi32, #tpu.memory_space<vmem>>) semaphore(%arg24 : memref<!tpu.dma_semaphore, #tpu.memory_space<semaphore_mem>>) {add = true}
      %dma_start3A_1674 = arith.constant 0 : i32
      %dma_start3A_1675 = arith.constant 0 : i32
      %dma_start3A_1676 = arith.constant 0 : i32
      %dma_start3A_1677 = tpu.memref_slice %arg20[%dma_start3A_1674, %dma_start3A_1676] : memref<3x4000xf32, #tpu.memory_space<vmem>> -> memref<1x4000xf32, #tpu.memory_space<vmem>>
      %dma_start3A_1678 = tpu.memref_squeeze %dma_start3A_1677 : memref<1x4000xf32, #tpu.memory_space<vmem>> -> memref<4000xf32, #tpu.memory_space<vmem>>
      %dma_start3A_1679 = arith.constant 0 : i32
      %dma_start3A_1680 = tpu.memref_slice %arg18[%dma_start3A_1675, %dma_start3A_1679] : memref<3x4000xi32, #tpu.memory_space<vmem>> -> memref<1x4000xi32, #tpu.memory_space<vmem>>
      %dma_start3A_1681 = tpu.memref_squeeze %dma_start3A_1680 : memref<1x4000xi32, #tpu.memory_space<vmem>> -> memref<4000xi32, #tpu.memory_space<vmem>>
      %dma_start3A_1682 = arith.constant 0 : i32
      %dma_start3A_1683 = tpu.memref_slice %arg16[%dma_start3A_1682] : memref<102400xf32, #tpu.memory_space<vmem_shared>> -> memref<102400xf32, #tpu.memory_space<vmem_shared>>
      tpu.enqueue_indirect_dma source(%dma_start3A_1678 : memref<4000xf32, #tpu.memory_space<vmem>>) target(%dma_start3A_1683 : memref<102400xf32, #tpu.memory_space<vmem_shared>>) offsets(%dma_start3A_1681 : memref<4000xi32, #tpu.memory_space<vmem>>) semaphore(%arg24 : memref<!tpu.dma_semaphore, #tpu.memory_space<semaphore_mem>>) {add = true}
      %mul3A_1684 = arith.constant 3 : i32
      %mul3A_1685 = arith.muli %mul3A_1684, %scan3A_1539 : i32
      %add3A_1686 = arith.constant 1 : i32
      %add3A_1687 = arith.addi %mul3A_1685, %add3A_1686 : i32
      %add3A_1688 = arith.addi %mul3A_768, %add3A_1687 : i32
      %min3A_1689 = arith.constant 1599 : i32
      %min3A_1690 = arith.minsi %add3A_1688, %min3A_1689 : i32
      %dma_wait3A_1691 = arith.constant 1 : i32
      %dma_wait3A_1692 = arith.constant 0 : i32
      %dma_wait3A_1693 = tpu.memref_slice %arg17[%dma_wait3A_1691, %dma_wait3A_1692] : memref<3x4000xi32, #tpu.memory_space<vmem>> -> memref<1x4000xi32, #tpu.memory_space<vmem>>
      %dma_wait3A_1694 = tpu.memref_squeeze %dma_wait3A_1693 : memref<1x4000xi32, #tpu.memory_space<vmem>> -> memref<4000xi32, #tpu.memory_space<vmem>>
      %dma_wait3A_1695 = arith.constant 0 : i32
      %dma_wait3A_1696 = tpu.memref_slice %arg6[%min3A_1690, %dma_wait3A_1695] : memref<1600x4000xi32, #tpu.memory_space<hbm>> -> memref<1x4000xi32, #tpu.memory_space<hbm>>
      %dma_wait3A_1697 = tpu.memref_squeeze %dma_wait3A_1696 : memref<1x4000xi32, #tpu.memory_space<hbm>> -> memref<4000xi32, #tpu.memory_space<hbm>>
      %dma_wait3A_1698 = arith.constant 0 : i32
      %dma_wait3A_1699 = tpu.memref_slice %arg17[%dma_wait3A_1691, %dma_wait3A_1698] : memref<3x4000xi32, #tpu.memory_space<vmem>> -> memref<1x4000xi32, #tpu.memory_space<vmem>>
      %dma_wait3A_1700 = tpu.memref_squeeze %dma_wait3A_1699 : memref<1x4000xi32, #tpu.memory_space<vmem>> -> memref<4000xi32, #tpu.memory_space<vmem>>
      %dma_wait3A_1701 = arith.constant 0 : i32
      %dma_wait3A_1702 = tpu.memref_slice %arg6[%min3A_1690, %dma_wait3A_1701] : memref<1600x4000xi32, #tpu.memory_space<hbm>> -> memref<1x4000xi32, #tpu.memory_space<hbm>>
      %dma_wait3A_1703 = tpu.memref_squeeze %dma_wait3A_1702 : memref<1x4000xi32, #tpu.memory_space<hbm>> -> memref<4000xi32, #tpu.memory_space<hbm>>
      tpu.wait_dma2 semaphore(%arg22 : memref<!tpu.dma_semaphore, #tpu.memory_space<semaphore_mem>>) src(%dma_wait3A_1703 : memref<4000xi32, #tpu.memory_space<hbm>>) dst(%dma_wait3A_1700 : memref<4000xi32, #tpu.memory_space<vmem>>)
      %dma_wait3A_1704 = arith.constant 1 : i32
      %dma_wait3A_1705 = arith.constant 0 : i32
      %dma_wait3A_1706 = tpu.memref_slice %arg18[%dma_wait3A_1704, %dma_wait3A_1705] : memref<3x4000xi32, #tpu.memory_space<vmem>> -> memref<1x4000xi32, #tpu.memory_space<vmem>>
      %dma_wait3A_1707 = tpu.memref_squeeze %dma_wait3A_1706 : memref<1x4000xi32, #tpu.memory_space<vmem>> -> memref<4000xi32, #tpu.memory_space<vmem>>
      %dma_wait3A_1708 = arith.constant 0 : i32
      %dma_wait3A_1709 = tpu.memref_slice %arg7[%min3A_1690, %dma_wait3A_1708] : memref<1600x4000xi32, #tpu.memory_space<hbm>> -> memref<1x4000xi32, #tpu.memory_space<hbm>>
      %dma_wait3A_1710 = tpu.memref_squeeze %dma_wait3A_1709 : memref<1x4000xi32, #tpu.memory_space<hbm>> -> memref<4000xi32, #tpu.memory_space<hbm>>
      %dma_wait3A_1711 = arith.constant 0 : i32
      %dma_wait3A_1712 = tpu.memref_slice %arg18[%dma_wait3A_1704, %dma_wait3A_1711] : memref<3x4000xi32, #tpu.memory_space<vmem>> -> memref<1x4000xi32, #tpu.memory_space<vmem>>
      %dma_wait3A_1713 = tpu.memref_squeeze %dma_wait3A_1712 : memref<1x4000xi32, #tpu.memory_space<vmem>> -> memref<4000xi32, #tpu.memory_space<vmem>>
      %dma_wait3A_1714 = arith.constant 0 : i32
      %dma_wait3A_1715 = tpu.memref_slice %arg7[%min3A_1690, %dma_wait3A_1714] : memref<1600x4000xi32, #tpu.memory_space<hbm>> -> memref<1x4000xi32, #tpu.memory_space<hbm>>
      %dma_wait3A_1716 = tpu.memref_squeeze %dma_wait3A_1715 : memref<1x4000xi32, #tpu.memory_space<hbm>> -> memref<4000xi32, #tpu.memory_space<hbm>>
      tpu.wait_dma2 semaphore(%arg22 : memref<!tpu.dma_semaphore, #tpu.memory_space<semaphore_mem>>) src(%dma_wait3A_1716 : memref<4000xi32, #tpu.memory_space<hbm>>) dst(%dma_wait3A_1713 : memref<4000xi32, #tpu.memory_space<vmem>>)
      %dma_wait3A_1717 = arith.constant 2 : i32
      %dma_wait3A_1718 = arith.constant 2 : i32
      %dma_wait3A_1719 = arith.constant 0 : i32
      %dma_wait3A_1720 = tpu.memref_slice %arg19[%dma_wait3A_1717, %dma_wait3A_1719] : memref<3x4000xf32, #tpu.memory_space<vmem>> -> memref<1x4000xf32, #tpu.memory_space<vmem>>
      %dma_wait3A_1721 = tpu.memref_squeeze %dma_wait3A_1720 : memref<1x4000xf32, #tpu.memory_space<vmem>> -> memref<4000xf32, #tpu.memory_space<vmem>>
      %dma_wait3A_1722 = arith.constant 0 : i32
      %dma_wait3A_1723 = tpu.memref_slice %arg18[%dma_wait3A_1718, %dma_wait3A_1722] : memref<3x4000xi32, #tpu.memory_space<vmem>> -> memref<1x4000xi32, #tpu.memory_space<vmem>>
      %dma_wait3A_1724 = tpu.memref_squeeze %dma_wait3A_1723 : memref<1x4000xi32, #tpu.memory_space<vmem>> -> memref<4000xi32, #tpu.memory_space<vmem>>
      %dma_wait3A_1725 = arith.constant 0 : i32
      %dma_wait3A_1726 = tpu.memref_slice %arg15[%dma_wait3A_1725] : memref<102400xf32, #tpu.memory_space<vmem_shared>> -> memref<102400xf32, #tpu.memory_space<vmem_shared>>
      tpu.wait_indirect_dma semaphore(%arg26 : memref<!tpu.dma_semaphore, #tpu.memory_space<semaphore_mem>>) src(%dma_wait3A_1721 : memref<4000xf32, #tpu.memory_space<vmem>>) dst(%dma_wait3A_1726 : memref<102400xf32, #tpu.memory_space<vmem_shared>>)
      %dma_wait3A_1727 = arith.constant 2 : i32
      %dma_wait3A_1728 = arith.constant 2 : i32
      %dma_wait3A_1729 = arith.constant 0 : i32
      %dma_wait3A_1730 = tpu.memref_slice %arg20[%dma_wait3A_1727, %dma_wait3A_1729] : memref<3x4000xf32, #tpu.memory_space<vmem>> -> memref<1x4000xf32, #tpu.memory_space<vmem>>
      %dma_wait3A_1731 = tpu.memref_squeeze %dma_wait3A_1730 : memref<1x4000xf32, #tpu.memory_space<vmem>> -> memref<4000xf32, #tpu.memory_space<vmem>>
      %dma_wait3A_1732 = arith.constant 0 : i32
      %dma_wait3A_1733 = tpu.memref_slice %arg18[%dma_wait3A_1728, %dma_wait3A_1732] : memref<3x4000xi32, #tpu.memory_space<vmem>> -> memref<1x4000xi32, #tpu.memory_space<vmem>>
      %dma_wait3A_1734 = tpu.memref_squeeze %dma_wait3A_1733 : memref<1x4000xi32, #tpu.memory_space<vmem>> -> memref<4000xi32, #tpu.memory_space<vmem>>
      %dma_wait3A_1735 = arith.constant 0 : i32
      %dma_wait3A_1736 = tpu.memref_slice %arg16[%dma_wait3A_1735] : memref<102400xf32, #tpu.memory_space<vmem_shared>> -> memref<102400xf32, #tpu.memory_space<vmem_shared>>
      tpu.wait_indirect_dma semaphore(%arg26 : memref<!tpu.dma_semaphore, #tpu.memory_space<semaphore_mem>>) src(%dma_wait3A_1731 : memref<4000xf32, #tpu.memory_space<vmem>>) dst(%dma_wait3A_1736 : memref<102400xf32, #tpu.memory_space<vmem_shared>>)
      %add3A_1737 = arith.constant 1 : i32
      %add3A_1738 = arith.addi %add3A_1687, %add3A_1737 : i32
      %add3A_1739 = arith.addi %mul3A_768, %add3A_1738 : i32
      %min3A_1740 = arith.constant 1599 : i32
      %min3A_1741 = arith.minsi %add3A_1739, %min3A_1740 : i32
      %dma_start3A_1742 = arith.constant 2 : i32
      %dma_start3A_1743 = arith.constant 0 : i32
      %dma_start3A_1744 = tpu.memref_slice %arg17[%dma_start3A_1742, %dma_start3A_1743] : memref<3x4000xi32, #tpu.memory_space<vmem>> -> memref<1x4000xi32, #tpu.memory_space<vmem>>
      %dma_start3A_1745 = tpu.memref_squeeze %dma_start3A_1744 : memref<1x4000xi32, #tpu.memory_space<vmem>> -> memref<4000xi32, #tpu.memory_space<vmem>>
      %dma_start3A_1746 = arith.constant 0 : i32
      %dma_start3A_1747 = tpu.memref_slice %arg6[%min3A_1741, %dma_start3A_1746] : memref<1600x4000xi32, #tpu.memory_space<hbm>> -> memref<1x4000xi32, #tpu.memory_space<hbm>>
      %dma_start3A_1748 = tpu.memref_squeeze %dma_start3A_1747 : memref<1x4000xi32, #tpu.memory_space<hbm>> -> memref<4000xi32, #tpu.memory_space<hbm>>
      %dma_start3A_1749 = arith.constant 0 : i32
      %dma_start3A_1750 = tpu.memref_slice %arg17[%dma_start3A_1742, %dma_start3A_1749] : memref<3x4000xi32, #tpu.memory_space<vmem>> -> memref<1x4000xi32, #tpu.memory_space<vmem>>
      %dma_start3A_1751 = tpu.memref_squeeze %dma_start3A_1750 : memref<1x4000xi32, #tpu.memory_space<vmem>> -> memref<4000xi32, #tpu.memory_space<vmem>>
      %dma_start3A_1752 = arith.constant 0 : i32
      %dma_start3A_1753 = tpu.memref_slice %arg6[%min3A_1741, %dma_start3A_1752] : memref<1600x4000xi32, #tpu.memory_space<hbm>> -> memref<1x4000xi32, #tpu.memory_space<hbm>>
      %dma_start3A_1754 = tpu.memref_squeeze %dma_start3A_1753 : memref<1x4000xi32, #tpu.memory_space<hbm>> -> memref<4000xi32, #tpu.memory_space<hbm>>
      tpu.enqueue_dma source(%dma_start3A_1754 : memref<4000xi32, #tpu.memory_space<hbm>>) target(%dma_start3A_1751 : memref<4000xi32, #tpu.memory_space<vmem>>) target_semaphore(%arg22 : memref<!tpu.dma_semaphore, #tpu.memory_space<semaphore_mem>>)
      %dma_start3A_1755 = arith.constant 2 : i32
      %dma_start3A_1756 = arith.constant 0 : i32
      %dma_start3A_1757 = tpu.memref_slice %arg18[%dma_start3A_1755, %dma_start3A_1756] : memref<3x4000xi32, #tpu.memory_space<vmem>> -> memref<1x4000xi32, #tpu.memory_space<vmem>>
      %dma_start3A_1758 = tpu.memref_squeeze %dma_start3A_1757 : memref<1x4000xi32, #tpu.memory_space<vmem>> -> memref<4000xi32, #tpu.memory_space<vmem>>
      %dma_start3A_1759 = arith.constant 0 : i32
      %dma_start3A_1760 = tpu.memref_slice %arg7[%min3A_1741, %dma_start3A_1759] : memref<1600x4000xi32, #tpu.memory_space<hbm>> -> memref<1x4000xi32, #tpu.memory_space<hbm>>
      %dma_start3A_1761 = tpu.memref_squeeze %dma_start3A_1760 : memref<1x4000xi32, #tpu.memory_space<hbm>> -> memref<4000xi32, #tpu.memory_space<hbm>>
      %dma_start3A_1762 = arith.constant 0 : i32
      %dma_start3A_1763 = tpu.memref_slice %arg18[%dma_start3A_1755, %dma_start3A_1762] : memref<3x4000xi32, #tpu.memory_space<vmem>> -> memref<1x4000xi32, #tpu.memory_space<vmem>>
      %dma_start3A_1764 = tpu.memref_squeeze %dma_start3A_1763 : memref<1x4000xi32, #tpu.memory_space<vmem>> -> memref<4000xi32, #tpu.memory_space<vmem>>
      %dma_start3A_1765 = arith.constant 0 : i32
      %dma_start3A_1766 = tpu.memref_slice %arg7[%min3A_1741, %dma_start3A_1765] : memref<1600x4000xi32, #tpu.memory_space<hbm>> -> memref<1x4000xi32, #tpu.memory_space<hbm>>
      %dma_start3A_1767 = tpu.memref_squeeze %dma_start3A_1766 : memref<1x4000xi32, #tpu.memory_space<hbm>> -> memref<4000xi32, #tpu.memory_space<hbm>>
      tpu.enqueue_dma source(%dma_start3A_1767 : memref<4000xi32, #tpu.memory_space<hbm>>) target(%dma_start3A_1764 : memref<4000xi32, #tpu.memory_space<vmem>>) target_semaphore(%arg22 : memref<!tpu.dma_semaphore, #tpu.memory_space<semaphore_mem>>)
      %dma_start3A_1768 = arith.constant 1 : i32
      %dma_start3A_1769 = arith.constant 1 : i32
      %dma_start3A_1770 = arith.constant 0 : i32
      %dma_start3A_1771 = tpu.memref_slice %arg19[%dma_start3A_1769, %dma_start3A_1770] : memref<3x4000xf32, #tpu.memory_space<vmem>> -> memref<1x4000xf32, #tpu.memory_space<vmem>>
      %dma_start3A_1772 = tpu.memref_squeeze %dma_start3A_1771 : memref<1x4000xf32, #tpu.memory_space<vmem>> -> memref<4000xf32, #tpu.memory_space<vmem>>
      %dma_start3A_1773 = arith.constant 0 : i32
      %dma_start3A_1774 = tpu.memref_slice %arg17[%dma_start3A_1768, %dma_start3A_1773] : memref<3x4000xi32, #tpu.memory_space<vmem>> -> memref<1x4000xi32, #tpu.memory_space<vmem>>
      %dma_start3A_1775 = tpu.memref_squeeze %dma_start3A_1774 : memref<1x4000xi32, #tpu.memory_space<vmem>> -> memref<4000xi32, #tpu.memory_space<vmem>>
      %dma_start3A_1776 = arith.constant 0 : i32
      %dma_start3A_1777 = tpu.memref_slice %arg11[%dma_start3A_1776] : memref<102400xf32, #tpu.memory_space<vmem_shared>> -> memref<102400xf32, #tpu.memory_space<vmem_shared>>
      tpu.enqueue_indirect_dma source(%dma_start3A_1777 : memref<102400xf32, #tpu.memory_space<vmem_shared>>) target(%dma_start3A_1772 : memref<4000xf32, #tpu.memory_space<vmem>>) offsets(%dma_start3A_1775 : memref<4000xi32, #tpu.memory_space<vmem>>) semaphore(%arg23 : memref<!tpu.dma_semaphore, #tpu.memory_space<semaphore_mem>>)
      %dma_start3A_1778 = arith.constant 1 : i32
      %dma_start3A_1779 = arith.constant 1 : i32
      %dma_start3A_1780 = arith.constant 0 : i32
      %dma_start3A_1781 = tpu.memref_slice %arg20[%dma_start3A_1779, %dma_start3A_1780] : memref<3x4000xf32, #tpu.memory_space<vmem>> -> memref<1x4000xf32, #tpu.memory_space<vmem>>
      %dma_start3A_1782 = tpu.memref_squeeze %dma_start3A_1781 : memref<1x4000xf32, #tpu.memory_space<vmem>> -> memref<4000xf32, #tpu.memory_space<vmem>>
      %dma_start3A_1783 = arith.constant 0 : i32
      %dma_start3A_1784 = tpu.memref_slice %arg17[%dma_start3A_1778, %dma_start3A_1783] : memref<3x4000xi32, #tpu.memory_space<vmem>> -> memref<1x4000xi32, #tpu.memory_space<vmem>>
      %dma_start3A_1785 = tpu.memref_squeeze %dma_start3A_1784 : memref<1x4000xi32, #tpu.memory_space<vmem>> -> memref<4000xi32, #tpu.memory_space<vmem>>
      %dma_start3A_1786 = arith.constant 0 : i32
      %dma_start3A_1787 = tpu.memref_slice %arg12[%dma_start3A_1786] : memref<102400xf32, #tpu.memory_space<vmem_shared>> -> memref<102400xf32, #tpu.memory_space<vmem_shared>>
      tpu.enqueue_indirect_dma source(%dma_start3A_1787 : memref<102400xf32, #tpu.memory_space<vmem_shared>>) target(%dma_start3A_1782 : memref<4000xf32, #tpu.memory_space<vmem>>) offsets(%dma_start3A_1785 : memref<4000xi32, #tpu.memory_space<vmem>>) semaphore(%arg23 : memref<!tpu.dma_semaphore, #tpu.memory_space<semaphore_mem>>)
      %dma_wait3A_1788 = arith.constant 1 : i32
      %dma_wait3A_1789 = arith.constant 1 : i32
      %dma_wait3A_1790 = arith.constant 0 : i32
      %dma_wait3A_1791 = tpu.memref_slice %arg19[%dma_wait3A_1789, %dma_wait3A_1790] : memref<3x4000xf32, #tpu.memory_space<vmem>> -> memref<1x4000xf32, #tpu.memory_space<vmem>>
      %dma_wait3A_1792 = tpu.memref_squeeze %dma_wait3A_1791 : memref<1x4000xf32, #tpu.memory_space<vmem>> -> memref<4000xf32, #tpu.memory_space<vmem>>
      %dma_wait3A_1793 = arith.constant 0 : i32
      %dma_wait3A_1794 = tpu.memref_slice %arg17[%dma_wait3A_1788, %dma_wait3A_1793] : memref<3x4000xi32, #tpu.memory_space<vmem>> -> memref<1x4000xi32, #tpu.memory_space<vmem>>
      %dma_wait3A_1795 = tpu.memref_squeeze %dma_wait3A_1794 : memref<1x4000xi32, #tpu.memory_space<vmem>> -> memref<4000xi32, #tpu.memory_space<vmem>>
      %dma_wait3A_1796 = arith.constant 0 : i32
      %dma_wait3A_1797 = tpu.memref_slice %arg11[%dma_wait3A_1796] : memref<102400xf32, #tpu.memory_space<vmem_shared>> -> memref<102400xf32, #tpu.memory_space<vmem_shared>>
      tpu.wait_indirect_dma semaphore(%arg23 : memref<!tpu.dma_semaphore, #tpu.memory_space<semaphore_mem>>) src(%dma_wait3A_1797 : memref<102400xf32, #tpu.memory_space<vmem_shared>>) dst(%dma_wait3A_1792 : memref<4000xf32, #tpu.memory_space<vmem>>)
      %dma_wait3A_1798 = arith.constant 1 : i32
      %dma_wait3A_1799 = arith.constant 1 : i32
      %dma_wait3A_1800 = arith.constant 0 : i32
      %dma_wait3A_1801 = tpu.memref_slice %arg20[%dma_wait3A_1799, %dma_wait3A_1800] : memref<3x4000xf32, #tpu.memory_space<vmem>> -> memref<1x4000xf32, #tpu.memory_space<vmem>>
      %dma_wait3A_1802 = tpu.memref_squeeze %dma_wait3A_1801 : memref<1x4000xf32, #tpu.memory_space<vmem>> -> memref<4000xf32, #tpu.memory_space<vmem>>
      %dma_wait3A_1803 = arith.constant 0 : i32
      %dma_wait3A_1804 = tpu.memref_slice %arg17[%dma_wait3A_1798, %dma_wait3A_1803] : memref<3x4000xi32, #tpu.memory_space<vmem>> -> memref<1x4000xi32, #tpu.memory_space<vmem>>
      %dma_wait3A_1805 = tpu.memref_squeeze %dma_wait3A_1804 : memref<1x4000xi32, #tpu.memory_space<vmem>> -> memref<4000xi32, #tpu.memory_space<vmem>>
      %dma_wait3A_1806 = arith.constant 0 : i32
      %dma_wait3A_1807 = tpu.memref_slice %arg12[%dma_wait3A_1806] : memref<102400xf32, #tpu.memory_space<vmem_shared>> -> memref<102400xf32, #tpu.memory_space<vmem_shared>>
      tpu.wait_indirect_dma semaphore(%arg23 : memref<!tpu.dma_semaphore, #tpu.memory_space<semaphore_mem>>) src(%dma_wait3A_1807 : memref<102400xf32, #tpu.memory_space<vmem_shared>>) dst(%dma_wait3A_1802 : memref<4000xf32, #tpu.memory_space<vmem>>)
      %dma_start3A_1808 = arith.constant 1 : i32
      %dma_start3A_1809 = arith.constant 1 : i32
      %dma_start3A_1810 = arith.constant 0 : i32
      %dma_start3A_1811 = tpu.memref_slice %arg19[%dma_start3A_1808, %dma_start3A_1810] : memref<3x4000xf32, #tpu.memory_space<vmem>> -> memref<1x4000xf32, #tpu.memory_space<vmem>>
      %dma_start3A_1812 = tpu.memref_squeeze %dma_start3A_1811 : memref<1x4000xf32, #tpu.memory_space<vmem>> -> memref<4000xf32, #tpu.memory_space<vmem>>
      %dma_start3A_1813 = arith.constant 0 : i32
      %dma_start3A_1814 = tpu.memref_slice %arg18[%dma_start3A_1809, %dma_start3A_1813] : memref<3x4000xi32, #tpu.memory_space<vmem>> -> memref<1x4000xi32, #tpu.memory_space<vmem>>
      %dma_start3A_1815 = tpu.memref_squeeze %dma_start3A_1814 : memref<1x4000xi32, #tpu.memory_space<vmem>> -> memref<4000xi32, #tpu.memory_space<vmem>>
      %dma_start3A_1816 = arith.constant 0 : i32
      %dma_start3A_1817 = tpu.memref_slice %arg15[%dma_start3A_1816] : memref<102400xf32, #tpu.memory_space<vmem_shared>> -> memref<102400xf32, #tpu.memory_space<vmem_shared>>
      tpu.enqueue_indirect_dma source(%dma_start3A_1812 : memref<4000xf32, #tpu.memory_space<vmem>>) target(%dma_start3A_1817 : memref<102400xf32, #tpu.memory_space<vmem_shared>>) offsets(%dma_start3A_1815 : memref<4000xi32, #tpu.memory_space<vmem>>) semaphore(%arg25 : memref<!tpu.dma_semaphore, #tpu.memory_space<semaphore_mem>>) {add = true}
      %dma_start3A_1818 = arith.constant 1 : i32
      %dma_start3A_1819 = arith.constant 1 : i32
      %dma_start3A_1820 = arith.constant 0 : i32
      %dma_start3A_1821 = tpu.memref_slice %arg20[%dma_start3A_1818, %dma_start3A_1820] : memref<3x4000xf32, #tpu.memory_space<vmem>> -> memref<1x4000xf32, #tpu.memory_space<vmem>>
      %dma_start3A_1822 = tpu.memref_squeeze %dma_start3A_1821 : memref<1x4000xf32, #tpu.memory_space<vmem>> -> memref<4000xf32, #tpu.memory_space<vmem>>
      %dma_start3A_1823 = arith.constant 0 : i32
      %dma_start3A_1824 = tpu.memref_slice %arg18[%dma_start3A_1819, %dma_start3A_1823] : memref<3x4000xi32, #tpu.memory_space<vmem>> -> memref<1x4000xi32, #tpu.memory_space<vmem>>
      %dma_start3A_1825 = tpu.memref_squeeze %dma_start3A_1824 : memref<1x4000xi32, #tpu.memory_space<vmem>> -> memref<4000xi32, #tpu.memory_space<vmem>>
      %dma_start3A_1826 = arith.constant 0 : i32
      %dma_start3A_1827 = tpu.memref_slice %arg16[%dma_start3A_1826] : memref<102400xf32, #tpu.memory_space<vmem_shared>> -> memref<102400xf32, #tpu.memory_space<vmem_shared>>
      tpu.enqueue_indirect_dma source(%dma_start3A_1822 : memref<4000xf32, #tpu.memory_space<vmem>>) target(%dma_start3A_1827 : memref<102400xf32, #tpu.memory_space<vmem_shared>>) offsets(%dma_start3A_1825 : memref<4000xi32, #tpu.memory_space<vmem>>) semaphore(%arg25 : memref<!tpu.dma_semaphore, #tpu.memory_space<semaphore_mem>>) {add = true}
      %mul3A_1828 = arith.constant 3 : i32
      %mul3A_1829 = arith.muli %mul3A_1828, %scan3A_1539 : i32
      %add3A_1830 = arith.constant 2 : i32
      %add3A_1831 = arith.addi %mul3A_1829, %add3A_1830 : i32
      %add3A_1832 = arith.addi %mul3A_768, %add3A_1831 : i32
      %min3A_1833 = arith.constant 1599 : i32
      %min3A_1834 = arith.minsi %add3A_1832, %min3A_1833 : i32
      %dma_wait3A_1835 = arith.constant 2 : i32
      %dma_wait3A_1836 = arith.constant 0 : i32
      %dma_wait3A_1837 = tpu.memref_slice %arg17[%dma_wait3A_1835, %dma_wait3A_1836] : memref<3x4000xi32, #tpu.memory_space<vmem>> -> memref<1x4000xi32, #tpu.memory_space<vmem>>
      %dma_wait3A_1838 = tpu.memref_squeeze %dma_wait3A_1837 : memref<1x4000xi32, #tpu.memory_space<vmem>> -> memref<4000xi32, #tpu.memory_space<vmem>>
      %dma_wait3A_1839 = arith.constant 0 : i32
      %dma_wait3A_1840 = tpu.memref_slice %arg6[%min3A_1834, %dma_wait3A_1839] : memref<1600x4000xi32, #tpu.memory_space<hbm>> -> memref<1x4000xi32, #tpu.memory_space<hbm>>
      %dma_wait3A_1841 = tpu.memref_squeeze %dma_wait3A_1840 : memref<1x4000xi32, #tpu.memory_space<hbm>> -> memref<4000xi32, #tpu.memory_space<hbm>>
      %dma_wait3A_1842 = arith.constant 0 : i32
      %dma_wait3A_1843 = tpu.memref_slice %arg17[%dma_wait3A_1835, %dma_wait3A_1842] : memref<3x4000xi32, #tpu.memory_space<vmem>> -> memref<1x4000xi32, #tpu.memory_space<vmem>>
      %dma_wait3A_1844 = tpu.memref_squeeze %dma_wait3A_1843 : memref<1x4000xi32, #tpu.memory_space<vmem>> -> memref<4000xi32, #tpu.memory_space<vmem>>
      %dma_wait3A_1845 = arith.constant 0 : i32
      %dma_wait3A_1846 = tpu.memref_slice %arg6[%min3A_1834, %dma_wait3A_1845] : memref<1600x4000xi32, #tpu.memory_space<hbm>> -> memref<1x4000xi32, #tpu.memory_space<hbm>>
      %dma_wait3A_1847 = tpu.memref_squeeze %dma_wait3A_1846 : memref<1x4000xi32, #tpu.memory_space<hbm>> -> memref<4000xi32, #tpu.memory_space<hbm>>
      tpu.wait_dma2 semaphore(%arg22 : memref<!tpu.dma_semaphore, #tpu.memory_space<semaphore_mem>>) src(%dma_wait3A_1847 : memref<4000xi32, #tpu.memory_space<hbm>>) dst(%dma_wait3A_1844 : memref<4000xi32, #tpu.memory_space<vmem>>)
      %dma_wait3A_1848 = arith.constant 2 : i32
      %dma_wait3A_1849 = arith.constant 0 : i32
      %dma_wait3A_1850 = tpu.memref_slice %arg18[%dma_wait3A_1848, %dma_wait3A_1849] : memref<3x4000xi32, #tpu.memory_space<vmem>> -> memref<1x4000xi32, #tpu.memory_space<vmem>>
      %dma_wait3A_1851 = tpu.memref_squeeze %dma_wait3A_1850 : memref<1x4000xi32, #tpu.memory_space<vmem>> -> memref<4000xi32, #tpu.memory_space<vmem>>
      %dma_wait3A_1852 = arith.constant 0 : i32
      %dma_wait3A_1853 = tpu.memref_slice %arg7[%min3A_1834, %dma_wait3A_1852] : memref<1600x4000xi32, #tpu.memory_space<hbm>> -> memref<1x4000xi32, #tpu.memory_space<hbm>>
      %dma_wait3A_1854 = tpu.memref_squeeze %dma_wait3A_1853 : memref<1x4000xi32, #tpu.memory_space<hbm>> -> memref<4000xi32, #tpu.memory_space<hbm>>
      %dma_wait3A_1855 = arith.constant 0 : i32
      %dma_wait3A_1856 = tpu.memref_slice %arg18[%dma_wait3A_1848, %dma_wait3A_1855] : memref<3x4000xi32, #tpu.memory_space<vmem>> -> memref<1x4000xi32, #tpu.memory_space<vmem>>
      %dma_wait3A_1857 = tpu.memref_squeeze %dma_wait3A_1856 : memref<1x4000xi32, #tpu.memory_space<vmem>> -> memref<4000xi32, #tpu.memory_space<vmem>>
      %dma_wait3A_1858 = arith.constant 0 : i32
      %dma_wait3A_1859 = tpu.memref_slice %arg7[%min3A_1834, %dma_wait3A_1858] : memref<1600x4000xi32, #tpu.memory_space<hbm>> -> memref<1x4000xi32, #tpu.memory_space<hbm>>
      %dma_wait3A_1860 = tpu.memref_squeeze %dma_wait3A_1859 : memref<1x4000xi32, #tpu.memory_space<hbm>> -> memref<4000xi32, #tpu.memory_space<hbm>>
      tpu.wait_dma2 semaphore(%arg22 : memref<!tpu.dma_semaphore, #tpu.memory_space<semaphore_mem>>) src(%dma_wait3A_1860 : memref<4000xi32, #tpu.memory_space<hbm>>) dst(%dma_wait3A_1857 : memref<4000xi32, #tpu.memory_space<vmem>>)
      %dma_wait3A_1861 = arith.constant 0 : i32
      %dma_wait3A_1862 = arith.constant 0 : i32
      %dma_wait3A_1863 = arith.constant 0 : i32
      %dma_wait3A_1864 = tpu.memref_slice %arg19[%dma_wait3A_1861, %dma_wait3A_1863] : memref<3x4000xf32, #tpu.memory_space<vmem>> -> memref<1x4000xf32, #tpu.memory_space<vmem>>
      %dma_wait3A_1865 = tpu.memref_squeeze %dma_wait3A_1864 : memref<1x4000xf32, #tpu.memory_space<vmem>> -> memref<4000xf32, #tpu.memory_space<vmem>>
      %dma_wait3A_1866 = arith.constant 0 : i32
      %dma_wait3A_1867 = tpu.memref_slice %arg18[%dma_wait3A_1862, %dma_wait3A_1866] : memref<3x4000xi32, #tpu.memory_space<vmem>> -> memref<1x4000xi32, #tpu.memory_space<vmem>>
      %dma_wait3A_1868 = tpu.memref_squeeze %dma_wait3A_1867 : memref<1x4000xi32, #tpu.memory_space<vmem>> -> memref<4000xi32, #tpu.memory_space<vmem>>
      %dma_wait3A_1869 = arith.constant 0 : i32
      %dma_wait3A_1870 = tpu.memref_slice %arg15[%dma_wait3A_1869] : memref<102400xf32, #tpu.memory_space<vmem_shared>> -> memref<102400xf32, #tpu.memory_space<vmem_shared>>
      tpu.wait_indirect_dma semaphore(%arg24 : memref<!tpu.dma_semaphore, #tpu.memory_space<semaphore_mem>>) src(%dma_wait3A_1865 : memref<4000xf32, #tpu.memory_space<vmem>>) dst(%dma_wait3A_1870 : memref<102400xf32, #tpu.memory_space<vmem_shared>>)
      %dma_wait3A_1871 = arith.constant 0 : i32
      %dma_wait3A_1872 = arith.constant 0 : i32
      %dma_wait3A_1873 = arith.constant 0 : i32
      %dma_wait3A_1874 = tpu.memref_slice %arg20[%dma_wait3A_1871, %dma_wait3A_1873] : memref<3x4000xf32, #tpu.memory_space<vmem>> -> memref<1x4000xf32, #tpu.memory_space<vmem>>
      %dma_wait3A_1875 = tpu.memref_squeeze %dma_wait3A_1874 : memref<1x4000xf32, #tpu.memory_space<vmem>> -> memref<4000xf32, #tpu.memory_space<vmem>>
      %dma_wait3A_1876 = arith.constant 0 : i32
      %dma_wait3A_1877 = tpu.memref_slice %arg18[%dma_wait3A_1872, %dma_wait3A_1876] : memref<3x4000xi32, #tpu.memory_space<vmem>> -> memref<1x4000xi32, #tpu.memory_space<vmem>>
      %dma_wait3A_1878 = tpu.memref_squeeze %dma_wait3A_1877 : memref<1x4000xi32, #tpu.memory_space<vmem>> -> memref<4000xi32, #tpu.memory_space<vmem>>
      %dma_wait3A_1879 = arith.constant 0 : i32
      %dma_wait3A_1880 = tpu.memref_slice %arg16[%dma_wait3A_1879] : memref<102400xf32, #tpu.memory_space<vmem_shared>> -> memref<102400xf32, #tpu.memory_space<vmem_shared>>
      tpu.wait_indirect_dma semaphore(%arg24 : memref<!tpu.dma_semaphore, #tpu.memory_space<semaphore_mem>>) src(%dma_wait3A_1875 : memref<4000xf32, #tpu.memory_space<vmem>>) dst(%dma_wait3A_1880 : memref<102400xf32, #tpu.memory_space<vmem_shared>>)
      %add3A_1881 = arith.constant 1 : i32
      %add3A_1882 = arith.addi %add3A_1831, %add3A_1881 : i32
      %add3A_1883 = arith.addi %mul3A_768, %add3A_1882 : i32
      %min3A_1884 = arith.constant 1599 : i32
      %min3A_1885 = arith.minsi %add3A_1883, %min3A_1884 : i32
      %dma_start3A_1886 = arith.constant 0 : i32
      %dma_start3A_1887 = arith.constant 0 : i32
      %dma_start3A_1888 = tpu.memref_slice %arg17[%dma_start3A_1886, %dma_start3A_1887] : memref<3x4000xi32, #tpu.memory_space<vmem>> -> memref<1x4000xi32, #tpu.memory_space<vmem>>
      %dma_start3A_1889 = tpu.memref_squeeze %dma_start3A_1888 : memref<1x4000xi32, #tpu.memory_space<vmem>> -> memref<4000xi32, #tpu.memory_space<vmem>>
      %dma_start3A_1890 = arith.constant 0 : i32
      %dma_start3A_1891 = tpu.memref_slice %arg6[%min3A_1885, %dma_start3A_1890] : memref<1600x4000xi32, #tpu.memory_space<hbm>> -> memref<1x4000xi32, #tpu.memory_space<hbm>>
      %dma_start3A_1892 = tpu.memref_squeeze %dma_start3A_1891 : memref<1x4000xi32, #tpu.memory_space<hbm>> -> memref<4000xi32, #tpu.memory_space<hbm>>
      %dma_start3A_1893 = arith.constant 0 : i32
      %dma_start3A_1894 = tpu.memref_slice %arg17[%dma_start3A_1886, %dma_start3A_1893] : memref<3x4000xi32, #tpu.memory_space<vmem>> -> memref<1x4000xi32, #tpu.memory_space<vmem>>
      %dma_start3A_1895 = tpu.memref_squeeze %dma_start3A_1894 : memref<1x4000xi32, #tpu.memory_space<vmem>> -> memref<4000xi32, #tpu.memory_space<vmem>>
      %dma_start3A_1896 = arith.constant 0 : i32
      %dma_start3A_1897 = tpu.memref_slice %arg6[%min3A_1885, %dma_start3A_1896] : memref<1600x4000xi32, #tpu.memory_space<hbm>> -> memref<1x4000xi32, #tpu.memory_space<hbm>>
      %dma_start3A_1898 = tpu.memref_squeeze %dma_start3A_1897 : memref<1x4000xi32, #tpu.memory_space<hbm>> -> memref<4000xi32, #tpu.memory_space<hbm>>
      tpu.enqueue_dma source(%dma_start3A_1898 : memref<4000xi32, #tpu.memory_space<hbm>>) target(%dma_start3A_1895 : memref<4000xi32, #tpu.memory_space<vmem>>) target_semaphore(%arg22 : memref<!tpu.dma_semaphore, #tpu.memory_space<semaphore_mem>>)
      %dma_start3A_1899 = arith.constant 0 : i32
      %dma_start3A_1900 = arith.constant 0 : i32
      %dma_start3A_1901 = tpu.memref_slice %arg18[%dma_start3A_1899, %dma_start3A_1900] : memref<3x4000xi32, #tpu.memory_space<vmem>> -> memref<1x4000xi32, #tpu.memory_space<vmem>>
      %dma_start3A_1902 = tpu.memref_squeeze %dma_start3A_1901 : memref<1x4000xi32, #tpu.memory_space<vmem>> -> memref<4000xi32, #tpu.memory_space<vmem>>
      %dma_start3A_1903 = arith.constant 0 : i32
      %dma_start3A_1904 = tpu.memref_slice %arg7[%min3A_1885, %dma_start3A_1903] : memref<1600x4000xi32, #tpu.memory_space<hbm>> -> memref<1x4000xi32, #tpu.memory_space<hbm>>
      %dma_start3A_1905 = tpu.memref_squeeze %dma_start3A_1904 : memref<1x4000xi32, #tpu.memory_space<hbm>> -> memref<4000xi32, #tpu.memory_space<hbm>>
      %dma_start3A_1906 = arith.constant 0 : i32
      %dma_start3A_1907 = tpu.memref_slice %arg18[%dma_start3A_1899, %dma_start3A_1906] : memref<3x4000xi32, #tpu.memory_space<vmem>> -> memref<1x4000xi32, #tpu.memory_space<vmem>>
      %dma_start3A_1908 = tpu.memref_squeeze %dma_start3A_1907 : memref<1x4000xi32, #tpu.memory_space<vmem>> -> memref<4000xi32, #tpu.memory_space<vmem>>
      %dma_start3A_1909 = arith.constant 0 : i32
      %dma_start3A_1910 = tpu.memref_slice %arg7[%min3A_1885, %dma_start3A_1909] : memref<1600x4000xi32, #tpu.memory_space<hbm>> -> memref<1x4000xi32, #tpu.memory_space<hbm>>
      %dma_start3A_1911 = tpu.memref_squeeze %dma_start3A_1910 : memref<1x4000xi32, #tpu.memory_space<hbm>> -> memref<4000xi32, #tpu.memory_space<hbm>>
      tpu.enqueue_dma source(%dma_start3A_1911 : memref<4000xi32, #tpu.memory_space<hbm>>) target(%dma_start3A_1908 : memref<4000xi32, #tpu.memory_space<vmem>>) target_semaphore(%arg22 : memref<!tpu.dma_semaphore, #tpu.memory_space<semaphore_mem>>)
      %dma_start3A_1912 = arith.constant 2 : i32
      %dma_start3A_1913 = arith.constant 2 : i32
      %dma_start3A_1914 = arith.constant 0 : i32
      %dma_start3A_1915 = tpu.memref_slice %arg19[%dma_start3A_1913, %dma_start3A_1914] : memref<3x4000xf32, #tpu.memory_space<vmem>> -> memref<1x4000xf32, #tpu.memory_space<vmem>>
      %dma_start3A_1916 = tpu.memref_squeeze %dma_start3A_1915 : memref<1x4000xf32, #tpu.memory_space<vmem>> -> memref<4000xf32, #tpu.memory_space<vmem>>
      %dma_start3A_1917 = arith.constant 0 : i32
      %dma_start3A_1918 = tpu.memref_slice %arg17[%dma_start3A_1912, %dma_start3A_1917] : memref<3x4000xi32, #tpu.memory_space<vmem>> -> memref<1x4000xi32, #tpu.memory_space<vmem>>
      %dma_start3A_1919 = tpu.memref_squeeze %dma_start3A_1918 : memref<1x4000xi32, #tpu.memory_space<vmem>> -> memref<4000xi32, #tpu.memory_space<vmem>>
      %dma_start3A_1920 = arith.constant 0 : i32
      %dma_start3A_1921 = tpu.memref_slice %arg11[%dma_start3A_1920] : memref<102400xf32, #tpu.memory_space<vmem_shared>> -> memref<102400xf32, #tpu.memory_space<vmem_shared>>
      tpu.enqueue_indirect_dma source(%dma_start3A_1921 : memref<102400xf32, #tpu.memory_space<vmem_shared>>) target(%dma_start3A_1916 : memref<4000xf32, #tpu.memory_space<vmem>>) offsets(%dma_start3A_1919 : memref<4000xi32, #tpu.memory_space<vmem>>) semaphore(%arg23 : memref<!tpu.dma_semaphore, #tpu.memory_space<semaphore_mem>>)
      %dma_start3A_1922 = arith.constant 2 : i32
      %dma_start3A_1923 = arith.constant 2 : i32
      %dma_start3A_1924 = arith.constant 0 : i32
      %dma_start3A_1925 = tpu.memref_slice %arg20[%dma_start3A_1923, %dma_start3A_1924] : memref<3x4000xf32, #tpu.memory_space<vmem>> -> memref<1x4000xf32, #tpu.memory_space<vmem>>
      %dma_start3A_1926 = tpu.memref_squeeze %dma_start3A_1925 : memref<1x4000xf32, #tpu.memory_space<vmem>> -> memref<4000xf32, #tpu.memory_space<vmem>>
      %dma_start3A_1927 = arith.constant 0 : i32
      %dma_start3A_1928 = tpu.memref_slice %arg17[%dma_start3A_1922, %dma_start3A_1927] : memref<3x4000xi32, #tpu.memory_space<vmem>> -> memref<1x4000xi32, #tpu.memory_space<vmem>>
      %dma_start3A_1929 = tpu.memref_squeeze %dma_start3A_1928 : memref<1x4000xi32, #tpu.memory_space<vmem>> -> memref<4000xi32, #tpu.memory_space<vmem>>
      %dma_start3A_1930 = arith.constant 0 : i32
      %dma_start3A_1931 = tpu.memref_slice %arg12[%dma_start3A_1930] : memref<102400xf32, #tpu.memory_space<vmem_shared>> -> memref<102400xf32, #tpu.memory_space<vmem_shared>>
      tpu.enqueue_indirect_dma source(%dma_start3A_1931 : memref<102400xf32, #tpu.memory_space<vmem_shared>>) target(%dma_start3A_1926 : memref<4000xf32, #tpu.memory_space<vmem>>) offsets(%dma_start3A_1929 : memref<4000xi32, #tpu.memory_space<vmem>>) semaphore(%arg23 : memref<!tpu.dma_semaphore, #tpu.memory_space<semaphore_mem>>)
      %dma_wait3A_1932 = arith.constant 2 : i32
      %dma_wait3A_1933 = arith.constant 2 : i32
      %dma_wait3A_1934 = arith.constant 0 : i32
      %dma_wait3A_1935 = tpu.memref_slice %arg19[%dma_wait3A_1933, %dma_wait3A_1934] : memref<3x4000xf32, #tpu.memory_space<vmem>> -> memref<1x4000xf32, #tpu.memory_space<vmem>>
      %dma_wait3A_1936 = tpu.memref_squeeze %dma_wait3A_1935 : memref<1x4000xf32, #tpu.memory_space<vmem>> -> memref<4000xf32, #tpu.memory_space<vmem>>
      %dma_wait3A_1937 = arith.constant 0 : i32
      %dma_wait3A_1938 = tpu.memref_slice %arg17[%dma_wait3A_1932, %dma_wait3A_1937] : memref<3x4000xi32, #tpu.memory_space<vmem>> -> memref<1x4000xi32, #tpu.memory_space<vmem>>
      %dma_wait3A_1939 = tpu.memref_squeeze %dma_wait3A_1938 : memref<1x4000xi32, #tpu.memory_space<vmem>> -> memref<4000xi32, #tpu.memory_space<vmem>>
      %dma_wait3A_1940 = arith.constant 0 : i32
      %dma_wait3A_1941 = tpu.memref_slice %arg11[%dma_wait3A_1940] : memref<102400xf32, #tpu.memory_space<vmem_shared>> -> memref<102400xf32, #tpu.memory_space<vmem_shared>>
      tpu.wait_indirect_dma semaphore(%arg23 : memref<!tpu.dma_semaphore, #tpu.memory_space<semaphore_mem>>) src(%dma_wait3A_1941 : memref<102400xf32, #tpu.memory_space<vmem_shared>>) dst(%dma_wait3A_1936 : memref<4000xf32, #tpu.memory_space<vmem>>)
      %dma_wait3A_1942 = arith.constant 2 : i32
      %dma_wait3A_1943 = arith.constant 2 : i32
      %dma_wait3A_1944 = arith.constant 0 : i32
      %dma_wait3A_1945 = tpu.memref_slice %arg20[%dma_wait3A_1943, %dma_wait3A_1944] : memref<3x4000xf32, #tpu.memory_space<vmem>> -> memref<1x4000xf32, #tpu.memory_space<vmem>>
      %dma_wait3A_1946 = tpu.memref_squeeze %dma_wait3A_1945 : memref<1x4000xf32, #tpu.memory_space<vmem>> -> memref<4000xf32, #tpu.memory_space<vmem>>
      %dma_wait3A_1947 = arith.constant 0 : i32
      %dma_wait3A_1948 = tpu.memref_slice %arg17[%dma_wait3A_1942, %dma_wait3A_1947] : memref<3x4000xi32, #tpu.memory_space<vmem>> -> memref<1x4000xi32, #tpu.memory_space<vmem>>
      %dma_wait3A_1949 = tpu.memref_squeeze %dma_wait3A_1948 : memref<1x4000xi32, #tpu.memory_space<vmem>> -> memref<4000xi32, #tpu.memory_space<vmem>>
      %dma_wait3A_1950 = arith.constant 0 : i32
      %dma_wait3A_1951 = tpu.memref_slice %arg12[%dma_wait3A_1950] : memref<102400xf32, #tpu.memory_space<vmem_shared>> -> memref<102400xf32, #tpu.memory_space<vmem_shared>>
      tpu.wait_indirect_dma semaphore(%arg23 : memref<!tpu.dma_semaphore, #tpu.memory_space<semaphore_mem>>) src(%dma_wait3A_1951 : memref<102400xf32, #tpu.memory_space<vmem_shared>>) dst(%dma_wait3A_1946 : memref<4000xf32, #tpu.memory_space<vmem>>)
      %dma_start3A_1952 = arith.constant 2 : i32
      %dma_start3A_1953 = arith.constant 2 : i32
      %dma_start3A_1954 = arith.constant 0 : i32
      %dma_start3A_1955 = tpu.memref_slice %arg19[%dma_start3A_1952, %dma_start3A_1954] : memref<3x4000xf32, #tpu.memory_space<vmem>> -> memref<1x4000xf32, #tpu.memory_space<vmem>>
      %dma_start3A_1956 = tpu.memref_squeeze %dma_start3A_1955 : memref<1x4000xf32, #tpu.memory_space<vmem>> -> memref<4000xf32, #tpu.memory_space<vmem>>
      %dma_start3A_1957 = arith.constant 0 : i32
      %dma_start3A_1958 = tpu.memref_slice %arg18[%dma_start3A_1953, %dma_start3A_1957] : memref<3x4000xi32, #tpu.memory_space<vmem>> -> memref<1x4000xi32, #tpu.memory_space<vmem>>
      %dma_start3A_1959 = tpu.memref_squeeze %dma_start3A_1958 : memref<1x4000xi32, #tpu.memory_space<vmem>> -> memref<4000xi32, #tpu.memory_space<vmem>>
      %dma_start3A_1960 = arith.constant 0 : i32
      %dma_start3A_1961 = tpu.memref_slice %arg15[%dma_start3A_1960] : memref<102400xf32, #tpu.memory_space<vmem_shared>> -> memref<102400xf32, #tpu.memory_space<vmem_shared>>
      tpu.enqueue_indirect_dma source(%dma_start3A_1956 : memref<4000xf32, #tpu.memory_space<vmem>>) target(%dma_start3A_1961 : memref<102400xf32, #tpu.memory_space<vmem_shared>>) offsets(%dma_start3A_1959 : memref<4000xi32, #tpu.memory_space<vmem>>) semaphore(%arg26 : memref<!tpu.dma_semaphore, #tpu.memory_space<semaphore_mem>>) {add = true}
      %dma_start3A_1962 = arith.constant 2 : i32
      %dma_start3A_1963 = arith.constant 2 : i32
      %dma_start3A_1964 = arith.constant 0 : i32
      %dma_start3A_1965 = tpu.memref_slice %arg20[%dma_start3A_1962, %dma_start3A_1964] : memref<3x4000xf32, #tpu.memory_space<vmem>> -> memref<1x4000xf32, #tpu.memory_space<vmem>>
      %dma_start3A_1966 = tpu.memref_squeeze %dma_start3A_1965 : memref<1x4000xf32, #tpu.memory_space<vmem>> -> memref<4000xf32, #tpu.memory_space<vmem>>
      %dma_start3A_1967 = arith.constant 0 : i32
      %dma_start3A_1968 = tpu.memref_slice %arg18[%dma_start3A_1963, %dma_start3A_1967] : memref<3x4000xi32, #tpu.memory_space<vmem>> -> memref<1x4000xi32, #tpu.memory_space<vmem>>
      %dma_start3A_1969 = tpu.memref_squeeze %dma_start3A_1968 : memref<1x4000xi32, #tpu.memory_space<vmem>> -> memref<4000xi32, #tpu.memory_space<vmem>>
      %dma_start3A_1970 = arith.constant 0 : i32
      %dma_start3A_1971 = tpu.memref_slice %arg16[%dma_start3A_1970] : memref<102400xf32, #tpu.memory_space<vmem_shared>> -> memref<102400xf32, #tpu.memory_space<vmem_shared>>
      tpu.enqueue_indirect_dma source(%dma_start3A_1966 : memref<4000xf32, #tpu.memory_space<vmem>>) target(%dma_start3A_1971 : memref<102400xf32, #tpu.memory_space<vmem_shared>>) offsets(%dma_start3A_1969 : memref<4000xi32, #tpu.memory_space<vmem>>) semaphore(%arg26 : memref<!tpu.dma_semaphore, #tpu.memory_space<semaphore_mem>>) {add = true}
    }
    %scan3A_1184 = arith.constant 15 : i32
    %add3A_1185 = arith.constant 48 : i32
    %add3A_1186 = arith.addi %mul3A_768, %add3A_1185 : i32
    %min3A_1187 = arith.constant 1599 : i32
    %min3A_1188 = arith.minsi %add3A_1186, %min3A_1187 : i32
    %dma_wait3A_1189 = arith.constant 0 : i32
    %dma_wait3A_1190 = arith.constant 0 : i32
    %dma_wait3A_1191 = tpu.memref_slice %arg17[%dma_wait3A_1189, %dma_wait3A_1190] : memref<3x4000xi32, #tpu.memory_space<vmem>> -> memref<1x4000xi32, #tpu.memory_space<vmem>>
    %dma_wait3A_1192 = tpu.memref_squeeze %dma_wait3A_1191 : memref<1x4000xi32, #tpu.memory_space<vmem>> -> memref<4000xi32, #tpu.memory_space<vmem>>
    %dma_wait3A_1193 = arith.constant 0 : i32
    %dma_wait3A_1194 = tpu.memref_slice %arg6[%min3A_1188, %dma_wait3A_1193] : memref<1600x4000xi32, #tpu.memory_space<hbm>> -> memref<1x4000xi32, #tpu.memory_space<hbm>>
    %dma_wait3A_1195 = tpu.memref_squeeze %dma_wait3A_1194 : memref<1x4000xi32, #tpu.memory_space<hbm>> -> memref<4000xi32, #tpu.memory_space<hbm>>
    %dma_wait3A_1196 = arith.constant 0 : i32
    %dma_wait3A_1197 = tpu.memref_slice %arg17[%dma_wait3A_1189, %dma_wait3A_1196] : memref<3x4000xi32, #tpu.memory_space<vmem>> -> memref<1x4000xi32, #tpu.memory_space<vmem>>
    %dma_wait3A_1198 = tpu.memref_squeeze %dma_wait3A_1197 : memref<1x4000xi32, #tpu.memory_space<vmem>> -> memref<4000xi32, #tpu.memory_space<vmem>>
    %dma_wait3A_1199 = arith.constant 0 : i32
    %dma_wait3A_1200 = tpu.memref_slice %arg6[%min3A_1188, %dma_wait3A_1199] : memref<1600x4000xi32, #tpu.memory_space<hbm>> -> memref<1x4000xi32, #tpu.memory_space<hbm>>
    %dma_wait3A_1201 = tpu.memref_squeeze %dma_wait3A_1200 : memref<1x4000xi32, #tpu.memory_space<hbm>> -> memref<4000xi32, #tpu.memory_space<hbm>>
    tpu.wait_dma2 semaphore(%arg22 : memref<!tpu.dma_semaphore, #tpu.memory_space<semaphore_mem>>) src(%dma_wait3A_1201 : memref<4000xi32, #tpu.memory_space<hbm>>) dst(%dma_wait3A_1198 : memref<4000xi32, #tpu.memory_space<vmem>>)
    %dma_wait3A_1202 = arith.constant 0 : i32
    %dma_wait3A_1203 = arith.constant 0 : i32
    %dma_wait3A_1204 = tpu.memref_slice %arg18[%dma_wait3A_1202, %dma_wait3A_1203] : memref<3x4000xi32, #tpu.memory_space<vmem>> -> memref<1x4000xi32, #tpu.memory_space<vmem>>
    %dma_wait3A_1205 = tpu.memref_squeeze %dma_wait3A_1204 : memref<1x4000xi32, #tpu.memory_space<vmem>> -> memref<4000xi32, #tpu.memory_space<vmem>>
    %dma_wait3A_1206 = arith.constant 0 : i32
    %dma_wait3A_1207 = tpu.memref_slice %arg7[%min3A_1188, %dma_wait3A_1206] : memref<1600x4000xi32, #tpu.memory_space<hbm>> -> memref<1x4000xi32, #tpu.memory_space<hbm>>
    %dma_wait3A_1208 = tpu.memref_squeeze %dma_wait3A_1207 : memref<1x4000xi32, #tpu.memory_space<hbm>> -> memref<4000xi32, #tpu.memory_space<hbm>>
    %dma_wait3A_1209 = arith.constant 0 : i32
    %dma_wait3A_1210 = tpu.memref_slice %arg18[%dma_wait3A_1202, %dma_wait3A_1209] : memref<3x4000xi32, #tpu.memory_space<vmem>> -> memref<1x4000xi32, #tpu.memory_space<vmem>>
    %dma_wait3A_1211 = tpu.memref_squeeze %dma_wait3A_1210 : memref<1x4000xi32, #tpu.memory_space<vmem>> -> memref<4000xi32, #tpu.memory_space<vmem>>
    %dma_wait3A_1212 = arith.constant 0 : i32
    %dma_wait3A_1213 = tpu.memref_slice %arg7[%min3A_1188, %dma_wait3A_1212] : memref<1600x4000xi32, #tpu.memory_space<hbm>> -> memref<1x4000xi32, #tpu.memory_space<hbm>>
    %dma_wait3A_1214 = tpu.memref_squeeze %dma_wait3A_1213 : memref<1x4000xi32, #tpu.memory_space<hbm>> -> memref<4000xi32, #tpu.memory_space<hbm>>
    tpu.wait_dma2 semaphore(%arg22 : memref<!tpu.dma_semaphore, #tpu.memory_space<semaphore_mem>>) src(%dma_wait3A_1214 : memref<4000xi32, #tpu.memory_space<hbm>>) dst(%dma_wait3A_1211 : memref<4000xi32, #tpu.memory_space<vmem>>)
    %dma_wait3A_1215 = arith.constant 1 : i32
    %dma_wait3A_1216 = arith.constant 1 : i32
    %dma_wait3A_1217 = arith.constant 0 : i32
    %dma_wait3A_1218 = tpu.memref_slice %arg19[%dma_wait3A_1215, %dma_wait3A_1217] : memref<3x4000xf32, #tpu.memory_space<vmem>> -> memref<1x4000xf32, #tpu.memory_space<vmem>>
    %dma_wait3A_1219 = tpu.memref_squeeze %dma_wait3A_1218 : memref<1x4000xf32, #tpu.memory_space<vmem>> -> memref<4000xf32, #tpu.memory_space<vmem>>
    %dma_wait3A_1220 = arith.constant 0 : i32
    %dma_wait3A_1221 = tpu.memref_slice %arg18[%dma_wait3A_1216, %dma_wait3A_1220] : memref<3x4000xi32, #tpu.memory_space<vmem>> -> memref<1x4000xi32, #tpu.memory_space<vmem>>
    %dma_wait3A_1222 = tpu.memref_squeeze %dma_wait3A_1221 : memref<1x4000xi32, #tpu.memory_space<vmem>> -> memref<4000xi32, #tpu.memory_space<vmem>>
    %dma_wait3A_1223 = arith.constant 0 : i32
    %dma_wait3A_1224 = tpu.memref_slice %arg15[%dma_wait3A_1223] : memref<102400xf32, #tpu.memory_space<vmem_shared>> -> memref<102400xf32, #tpu.memory_space<vmem_shared>>
    tpu.wait_indirect_dma semaphore(%arg25 : memref<!tpu.dma_semaphore, #tpu.memory_space<semaphore_mem>>) src(%dma_wait3A_1219 : memref<4000xf32, #tpu.memory_space<vmem>>) dst(%dma_wait3A_1224 : memref<102400xf32, #tpu.memory_space<vmem_shared>>)
    %dma_wait3A_1225 = arith.constant 1 : i32
    %dma_wait3A_1226 = arith.constant 1 : i32
    %dma_wait3A_1227 = arith.constant 0 : i32
    %dma_wait3A_1228 = tpu.memref_slice %arg20[%dma_wait3A_1225, %dma_wait3A_1227] : memref<3x4000xf32, #tpu.memory_space<vmem>> -> memref<1x4000xf32, #tpu.memory_space<vmem>>
    %dma_wait3A_1229 = tpu.memref_squeeze %dma_wait3A_1228 : memref<1x4000xf32, #tpu.memory_space<vmem>> -> memref<4000xf32, #tpu.memory_space<vmem>>
    %dma_wait3A_1230 = arith.constant 0 : i32
    %dma_wait3A_1231 = tpu.memref_slice %arg18[%dma_wait3A_1226, %dma_wait3A_1230] : memref<3x4000xi32, #tpu.memory_space<vmem>> -> memref<1x4000xi32, #tpu.memory_space<vmem>>
    %dma_wait3A_1232 = tpu.memref_squeeze %dma_wait3A_1231 : memref<1x4000xi32, #tpu.memory_space<vmem>> -> memref<4000xi32, #tpu.memory_space<vmem>>
    %dma_wait3A_1233 = arith.constant 0 : i32
    %dma_wait3A_1234 = tpu.memref_slice %arg16[%dma_wait3A_1233] : memref<102400xf32, #tpu.memory_space<vmem_shared>> -> memref<102400xf32, #tpu.memory_space<vmem_shared>>
    tpu.wait_indirect_dma semaphore(%arg25 : memref<!tpu.dma_semaphore, #tpu.memory_space<semaphore_mem>>) src(%dma_wait3A_1229 : memref<4000xf32, #tpu.memory_space<vmem>>) dst(%dma_wait3A_1234 : memref<102400xf32, #tpu.memory_space<vmem_shared>>)
    %add3A_1235 = arith.constant 49 : i32
    %add3A_1236 = arith.addi %mul3A_768, %add3A_1235 : i32
    %min3A_1237 = arith.constant 1599 : i32
    %min3A_1238 = arith.minsi %add3A_1236, %min3A_1237 : i32
    %dma_start3A_1239 = arith.constant 1 : i32
    %dma_start3A_1240 = arith.constant 0 : i32
    %dma_start3A_1241 = tpu.memref_slice %arg17[%dma_start3A_1239, %dma_start3A_1240] : memref<3x4000xi32, #tpu.memory_space<vmem>> -> memref<1x4000xi32, #tpu.memory_space<vmem>>
    %dma_start3A_1242 = tpu.memref_squeeze %dma_start3A_1241 : memref<1x4000xi32, #tpu.memory_space<vmem>> -> memref<4000xi32, #tpu.memory_space<vmem>>
    %dma_start3A_1243 = arith.constant 0 : i32
    %dma_start3A_1244 = tpu.memref_slice %arg6[%min3A_1238, %dma_start3A_1243] : memref<1600x4000xi32, #tpu.memory_space<hbm>> -> memref<1x4000xi32, #tpu.memory_space<hbm>>
    %dma_start3A_1245 = tpu.memref_squeeze %dma_start3A_1244 : memref<1x4000xi32, #tpu.memory_space<hbm>> -> memref<4000xi32, #tpu.memory_space<hbm>>
    %dma_start3A_1246 = arith.constant 0 : i32
    %dma_start3A_1247 = tpu.memref_slice %arg17[%dma_start3A_1239, %dma_start3A_1246] : memref<3x4000xi32, #tpu.memory_space<vmem>> -> memref<1x4000xi32, #tpu.memory_space<vmem>>
    %dma_start3A_1248 = tpu.memref_squeeze %dma_start3A_1247 : memref<1x4000xi32, #tpu.memory_space<vmem>> -> memref<4000xi32, #tpu.memory_space<vmem>>
    %dma_start3A_1249 = arith.constant 0 : i32
    %dma_start3A_1250 = tpu.memref_slice %arg6[%min3A_1238, %dma_start3A_1249] : memref<1600x4000xi32, #tpu.memory_space<hbm>> -> memref<1x4000xi32, #tpu.memory_space<hbm>>
    %dma_start3A_1251 = tpu.memref_squeeze %dma_start3A_1250 : memref<1x4000xi32, #tpu.memory_space<hbm>> -> memref<4000xi32, #tpu.memory_space<hbm>>
    tpu.enqueue_dma source(%dma_start3A_1251 : memref<4000xi32, #tpu.memory_space<hbm>>) target(%dma_start3A_1248 : memref<4000xi32, #tpu.memory_space<vmem>>) target_semaphore(%arg22 : memref<!tpu.dma_semaphore, #tpu.memory_space<semaphore_mem>>)
    %dma_start3A_1252 = arith.constant 1 : i32
    %dma_start3A_1253 = arith.constant 0 : i32
    %dma_start3A_1254 = tpu.memref_slice %arg18[%dma_start3A_1252, %dma_start3A_1253] : memref<3x4000xi32, #tpu.memory_space<vmem>> -> memref<1x4000xi32, #tpu.memory_space<vmem>>
    %dma_start3A_1255 = tpu.memref_squeeze %dma_start3A_1254 : memref<1x4000xi32, #tpu.memory_space<vmem>> -> memref<4000xi32, #tpu.memory_space<vmem>>
    %dma_start3A_1256 = arith.constant 0 : i32
    %dma_start3A_1257 = tpu.memref_slice %arg7[%min3A_1238, %dma_start3A_1256] : memref<1600x4000xi32, #tpu.memory_space<hbm>> -> memref<1x4000xi32, #tpu.memory_space<hbm>>
    %dma_start3A_1258 = tpu.memref_squeeze %dma_start3A_1257 : memref<1x4000xi32, #tpu.memory_space<hbm>> -> memref<4000xi32, #tpu.memory_space<hbm>>
    %dma_start3A_1259 = arith.constant 0 : i32
    %dma_start3A_1260 = tpu.memref_slice %arg18[%dma_start3A_1252, %dma_start3A_1259] : memref<3x4000xi32, #tpu.memory_space<vmem>> -> memref<1x4000xi32, #tpu.memory_space<vmem>>
    %dma_start3A_1261 = tpu.memref_squeeze %dma_start3A_1260 : memref<1x4000xi32, #tpu.memory_space<vmem>> -> memref<4000xi32, #tpu.memory_space<vmem>>
    %dma_start3A_1262 = arith.constant 0 : i32
    %dma_start3A_1263 = tpu.memref_slice %arg7[%min3A_1238, %dma_start3A_1262] : memref<1600x4000xi32, #tpu.memory_space<hbm>> -> memref<1x4000xi32, #tpu.memory_space<hbm>>
    %dma_start3A_1264 = tpu.memref_squeeze %dma_start3A_1263 : memref<1x4000xi32, #tpu.memory_space<hbm>> -> memref<4000xi32, #tpu.memory_space<hbm>>
    tpu.enqueue_dma source(%dma_start3A_1264 : memref<4000xi32, #tpu.memory_space<hbm>>) target(%dma_start3A_1261 : memref<4000xi32, #tpu.memory_space<vmem>>) target_semaphore(%arg22 : memref<!tpu.dma_semaphore, #tpu.memory_space<semaphore_mem>>)
    %dma_start3A_1265 = arith.constant 0 : i32
    %dma_start3A_1266 = arith.constant 0 : i32
    %dma_start3A_1267 = arith.constant 0 : i32
    %dma_start3A_1268 = tpu.memref_slice %arg19[%dma_start3A_1266, %dma_start3A_1267] : memref<3x4000xf32, #tpu.memory_space<vmem>> -> memref<1x4000xf32, #tpu.memory_space<vmem>>
    %dma_start3A_1269 = tpu.memref_squeeze %dma_start3A_1268 : memref<1x4000xf32, #tpu.memory_space<vmem>> -> memref<4000xf32, #tpu.memory_space<vmem>>
    %dma_start3A_1270 = arith.constant 0 : i32
    %dma_start3A_1271 = tpu.memref_slice %arg17[%dma_start3A_1265, %dma_start3A_1270] : memref<3x4000xi32, #tpu.memory_space<vmem>> -> memref<1x4000xi32, #tpu.memory_space<vmem>>
    %dma_start3A_1272 = tpu.memref_squeeze %dma_start3A_1271 : memref<1x4000xi32, #tpu.memory_space<vmem>> -> memref<4000xi32, #tpu.memory_space<vmem>>
    %dma_start3A_1273 = arith.constant 0 : i32
    %dma_start3A_1274 = tpu.memref_slice %arg11[%dma_start3A_1273] : memref<102400xf32, #tpu.memory_space<vmem_shared>> -> memref<102400xf32, #tpu.memory_space<vmem_shared>>
    tpu.enqueue_indirect_dma source(%dma_start3A_1274 : memref<102400xf32, #tpu.memory_space<vmem_shared>>) target(%dma_start3A_1269 : memref<4000xf32, #tpu.memory_space<vmem>>) offsets(%dma_start3A_1272 : memref<4000xi32, #tpu.memory_space<vmem>>) semaphore(%arg23 : memref<!tpu.dma_semaphore, #tpu.memory_space<semaphore_mem>>)
    %dma_start3A_1275 = arith.constant 0 : i32
    %dma_start3A_1276 = arith.constant 0 : i32
    %dma_start3A_1277 = arith.constant 0 : i32
    %dma_start3A_1278 = tpu.memref_slice %arg20[%dma_start3A_1276, %dma_start3A_1277] : memref<3x4000xf32, #tpu.memory_space<vmem>> -> memref<1x4000xf32, #tpu.memory_space<vmem>>
    %dma_start3A_1279 = tpu.memref_squeeze %dma_start3A_1278 : memref<1x4000xf32, #tpu.memory_space<vmem>> -> memref<4000xf32, #tpu.memory_space<vmem>>
    %dma_start3A_1280 = arith.constant 0 : i32
    %dma_start3A_1281 = tpu.memref_slice %arg17[%dma_start3A_1275, %dma_start3A_1280] : memref<3x4000xi32, #tpu.memory_space<vmem>> -> memref<1x4000xi32, #tpu.memory_space<vmem>>
    %dma_start3A_1282 = tpu.memref_squeeze %dma_start3A_1281 : memref<1x4000xi32, #tpu.memory_space<vmem>> -> memref<4000xi32, #tpu.memory_space<vmem>>
    %dma_start3A_1283 = arith.constant 0 : i32
    %dma_start3A_1284 = tpu.memref_slice %arg12[%dma_start3A_1283] : memref<102400xf32, #tpu.memory_space<vmem_shared>> -> memref<102400xf32, #tpu.memory_space<vmem_shared>>
    tpu.enqueue_indirect_dma source(%dma_start3A_1284 : memref<102400xf32, #tpu.memory_space<vmem_shared>>) target(%dma_start3A_1279 : memref<4000xf32, #tpu.memory_space<vmem>>) offsets(%dma_start3A_1282 : memref<4000xi32, #tpu.memory_space<vmem>>) semaphore(%arg23 : memref<!tpu.dma_semaphore, #tpu.memory_space<semaphore_mem>>)
    %dma_wait3A_1285 = arith.constant 0 : i32
    %dma_wait3A_1286 = arith.constant 0 : i32
    %dma_wait3A_1287 = arith.constant 0 : i32
    %dma_wait3A_1288 = tpu.memref_slice %arg19[%dma_wait3A_1286, %dma_wait3A_1287] : memref<3x4000xf32, #tpu.memory_space<vmem>> -> memref<1x4000xf32, #tpu.memory_space<vmem>>
    %dma_wait3A_1289 = tpu.memref_squeeze %dma_wait3A_1288 : memref<1x4000xf32, #tpu.memory_space<vmem>> -> memref<4000xf32, #tpu.memory_space<vmem>>
    %dma_wait3A_1290 = arith.constant 0 : i32
    %dma_wait3A_1291 = tpu.memref_slice %arg17[%dma_wait3A_1285, %dma_wait3A_1290] : memref<3x4000xi32, #tpu.memory_space<vmem>> -> memref<1x4000xi32, #tpu.memory_space<vmem>>
    %dma_wait3A_1292 = tpu.memref_squeeze %dma_wait3A_1291 : memref<1x4000xi32, #tpu.memory_space<vmem>> -> memref<4000xi32, #tpu.memory_space<vmem>>
    %dma_wait3A_1293 = arith.constant 0 : i32
    %dma_wait3A_1294 = tpu.memref_slice %arg11[%dma_wait3A_1293] : memref<102400xf32, #tpu.memory_space<vmem_shared>> -> memref<102400xf32, #tpu.memory_space<vmem_shared>>
    tpu.wait_indirect_dma semaphore(%arg23 : memref<!tpu.dma_semaphore, #tpu.memory_space<semaphore_mem>>) src(%dma_wait3A_1294 : memref<102400xf32, #tpu.memory_space<vmem_shared>>) dst(%dma_wait3A_1289 : memref<4000xf32, #tpu.memory_space<vmem>>)
    %dma_wait3A_1295 = arith.constant 0 : i32
    %dma_wait3A_1296 = arith.constant 0 : i32
    %dma_wait3A_1297 = arith.constant 0 : i32
    %dma_wait3A_1298 = tpu.memref_slice %arg20[%dma_wait3A_1296, %dma_wait3A_1297] : memref<3x4000xf32, #tpu.memory_space<vmem>> -> memref<1x4000xf32, #tpu.memory_space<vmem>>
    %dma_wait3A_1299 = tpu.memref_squeeze %dma_wait3A_1298 : memref<1x4000xf32, #tpu.memory_space<vmem>> -> memref<4000xf32, #tpu.memory_space<vmem>>
    %dma_wait3A_1300 = arith.constant 0 : i32
    %dma_wait3A_1301 = tpu.memref_slice %arg17[%dma_wait3A_1295, %dma_wait3A_1300] : memref<3x4000xi32, #tpu.memory_space<vmem>> -> memref<1x4000xi32, #tpu.memory_space<vmem>>
    %dma_wait3A_1302 = tpu.memref_squeeze %dma_wait3A_1301 : memref<1x4000xi32, #tpu.memory_space<vmem>> -> memref<4000xi32, #tpu.memory_space<vmem>>
    %dma_wait3A_1303 = arith.constant 0 : i32
    %dma_wait3A_1304 = tpu.memref_slice %arg12[%dma_wait3A_1303] : memref<102400xf32, #tpu.memory_space<vmem_shared>> -> memref<102400xf32, #tpu.memory_space<vmem_shared>>
    tpu.wait_indirect_dma semaphore(%arg23 : memref<!tpu.dma_semaphore, #tpu.memory_space<semaphore_mem>>) src(%dma_wait3A_1304 : memref<102400xf32, #tpu.memory_space<vmem_shared>>) dst(%dma_wait3A_1299 : memref<4000xf32, #tpu.memory_space<vmem>>)
    %dma_start3A_1305 = arith.constant 0 : i32
    %dma_start3A_1306 = arith.constant 0 : i32
    %dma_start3A_1307 = arith.constant 0 : i32
    %dma_start3A_1308 = tpu.memref_slice %arg19[%dma_start3A_1305, %dma_start3A_1307] : memref<3x4000xf32, #tpu.memory_space<vmem>> -> memref<1x4000xf32, #tpu.memory_space<vmem>>
    %dma_start3A_1309 = tpu.memref_squeeze %dma_start3A_1308 : memref<1x4000xf32, #tpu.memory_space<vmem>> -> memref<4000xf32, #tpu.memory_space<vmem>>
    %dma_start3A_1310 = arith.constant 0 : i32
    %dma_start3A_1311 = tpu.memref_slice %arg18[%dma_start3A_1306, %dma_start3A_1310] : memref<3x4000xi32, #tpu.memory_space<vmem>> -> memref<1x4000xi32, #tpu.memory_space<vmem>>
    %dma_start3A_1312 = tpu.memref_squeeze %dma_start3A_1311 : memref<1x4000xi32, #tpu.memory_space<vmem>> -> memref<4000xi32, #tpu.memory_space<vmem>>
    %dma_start3A_1313 = arith.constant 0 : i32
    %dma_start3A_1314 = tpu.memref_slice %arg15[%dma_start3A_1313] : memref<102400xf32, #tpu.memory_space<vmem_shared>> -> memref<102400xf32, #tpu.memory_space<vmem_shared>>
    tpu.enqueue_indirect_dma source(%dma_start3A_1309 : memref<4000xf32, #tpu.memory_space<vmem>>) target(%dma_start3A_1314 : memref<102400xf32, #tpu.memory_space<vmem_shared>>) offsets(%dma_start3A_1312 : memref<4000xi32, #tpu.memory_space<vmem>>) semaphore(%arg24 : memref<!tpu.dma_semaphore, #tpu.memory_space<semaphore_mem>>) {add = true}
    %dma_start3A_1315 = arith.constant 0 : i32
    %dma_start3A_1316 = arith.constant 0 : i32
    %dma_start3A_1317 = arith.constant 0 : i32
    %dma_start3A_1318 = tpu.memref_slice %arg20[%dma_start3A_1315, %dma_start3A_1317] : memref<3x4000xf32, #tpu.memory_space<vmem>> -> memref<1x4000xf32, #tpu.memory_space<vmem>>
    %dma_start3A_1319 = tpu.memref_squeeze %dma_start3A_1318 : memref<1x4000xf32, #tpu.memory_space<vmem>> -> memref<4000xf32, #tpu.memory_space<vmem>>
    %dma_start3A_1320 = arith.constant 0 : i32
    %dma_start3A_1321 = tpu.memref_slice %arg18[%dma_start3A_1316, %dma_start3A_1320] : memref<3x4000xi32, #tpu.memory_space<vmem>> -> memref<1x4000xi32, #tpu.memory_space<vmem>>
    %dma_start3A_1322 = tpu.memref_squeeze %dma_start3A_1321 : memref<1x4000xi32, #tpu.memory_space<vmem>> -> memref<4000xi32, #tpu.memory_space<vmem>>
    %dma_start3A_1323 = arith.constant 0 : i32
    %dma_start3A_1324 = tpu.memref_slice %arg16[%dma_start3A_1323] : memref<102400xf32, #tpu.memory_space<vmem_shared>> -> memref<102400xf32, #tpu.memory_space<vmem_shared>>
    tpu.enqueue_indirect_dma source(%dma_start3A_1319 : memref<4000xf32, #tpu.memory_space<vmem>>) target(%dma_start3A_1324 : memref<102400xf32, #tpu.memory_space<vmem_shared>>) offsets(%dma_start3A_1322 : memref<4000xi32, #tpu.memory_space<vmem>>) semaphore(%arg24 : memref<!tpu.dma_semaphore, #tpu.memory_space<semaphore_mem>>) {add = true}
    %add3A_1325 = arith.constant 49 : i32
    %add3A_1326 = arith.addi %mul3A_768, %add3A_1325 : i32
    %min3A_1327 = arith.constant 1599 : i32
    %min3A_1328 = arith.minsi %add3A_1326, %min3A_1327 : i32
    %dma_wait3A_1329 = arith.constant 1 : i32
    %dma_wait3A_1330 = arith.constant 0 : i32
    %dma_wait3A_1331 = tpu.memref_slice %arg17[%dma_wait3A_1329, %dma_wait3A_1330] : memref<3x4000xi32, #tpu.memory_space<vmem>> -> memref<1x4000xi32, #tpu.memory_space<vmem>>
    %dma_wait3A_1332 = tpu.memref_squeeze %dma_wait3A_1331 : memref<1x4000xi32, #tpu.memory_space<vmem>> -> memref<4000xi32, #tpu.memory_space<vmem>>
    %dma_wait3A_1333 = arith.constant 0 : i32
    %dma_wait3A_1334 = tpu.memref_slice %arg6[%min3A_1328, %dma_wait3A_1333] : memref<1600x4000xi32, #tpu.memory_space<hbm>> -> memref<1x4000xi32, #tpu.memory_space<hbm>>
    %dma_wait3A_1335 = tpu.memref_squeeze %dma_wait3A_1334 : memref<1x4000xi32, #tpu.memory_space<hbm>> -> memref<4000xi32, #tpu.memory_space<hbm>>
    %dma_wait3A_1336 = arith.constant 0 : i32
    %dma_wait3A_1337 = tpu.memref_slice %arg17[%dma_wait3A_1329, %dma_wait3A_1336] : memref<3x4000xi32, #tpu.memory_space<vmem>> -> memref<1x4000xi32, #tpu.memory_space<vmem>>
    %dma_wait3A_1338 = tpu.memref_squeeze %dma_wait3A_1337 : memref<1x4000xi32, #tpu.memory_space<vmem>> -> memref<4000xi32, #tpu.memory_space<vmem>>
    %dma_wait3A_1339 = arith.constant 0 : i32
    %dma_wait3A_1340 = tpu.memref_slice %arg6[%min3A_1328, %dma_wait3A_1339] : memref<1600x4000xi32, #tpu.memory_space<hbm>> -> memref<1x4000xi32, #tpu.memory_space<hbm>>
    %dma_wait3A_1341 = tpu.memref_squeeze %dma_wait3A_1340 : memref<1x4000xi32, #tpu.memory_space<hbm>> -> memref<4000xi32, #tpu.memory_space<hbm>>
    tpu.wait_dma2 semaphore(%arg22 : memref<!tpu.dma_semaphore, #tpu.memory_space<semaphore_mem>>) src(%dma_wait3A_1341 : memref<4000xi32, #tpu.memory_space<hbm>>) dst(%dma_wait3A_1338 : memref<4000xi32, #tpu.memory_space<vmem>>)
    %dma_wait3A_1342 = arith.constant 1 : i32
    %dma_wait3A_1343 = arith.constant 0 : i32
    %dma_wait3A_1344 = tpu.memref_slice %arg18[%dma_wait3A_1342, %dma_wait3A_1343] : memref<3x4000xi32, #tpu.memory_space<vmem>> -> memref<1x4000xi32, #tpu.memory_space<vmem>>
    %dma_wait3A_1345 = tpu.memref_squeeze %dma_wait3A_1344 : memref<1x4000xi32, #tpu.memory_space<vmem>> -> memref<4000xi32, #tpu.memory_space<vmem>>
    %dma_wait3A_1346 = arith.constant 0 : i32
    %dma_wait3A_1347 = tpu.memref_slice %arg7[%min3A_1328, %dma_wait3A_1346] : memref<1600x4000xi32, #tpu.memory_space<hbm>> -> memref<1x4000xi32, #tpu.memory_space<hbm>>
    %dma_wait3A_1348 = tpu.memref_squeeze %dma_wait3A_1347 : memref<1x4000xi32, #tpu.memory_space<hbm>> -> memref<4000xi32, #tpu.memory_space<hbm>>
    %dma_wait3A_1349 = arith.constant 0 : i32
    %dma_wait3A_1350 = tpu.memref_slice %arg18[%dma_wait3A_1342, %dma_wait3A_1349] : memref<3x4000xi32, #tpu.memory_space<vmem>> -> memref<1x4000xi32, #tpu.memory_space<vmem>>
    %dma_wait3A_1351 = tpu.memref_squeeze %dma_wait3A_1350 : memref<1x4000xi32, #tpu.memory_space<vmem>> -> memref<4000xi32, #tpu.memory_space<vmem>>
    %dma_wait3A_1352 = arith.constant 0 : i32
    %dma_wait3A_1353 = tpu.memref_slice %arg7[%min3A_1328, %dma_wait3A_1352] : memref<1600x4000xi32, #tpu.memory_space<hbm>> -> memref<1x4000xi32, #tpu.memory_space<hbm>>
    %dma_wait3A_1354 = tpu.memref_squeeze %dma_wait3A_1353 : memref<1x4000xi32, #tpu.memory_space<hbm>> -> memref<4000xi32, #tpu.memory_space<hbm>>
    tpu.wait_dma2 semaphore(%arg22 : memref<!tpu.dma_semaphore, #tpu.memory_space<semaphore_mem>>) src(%dma_wait3A_1354 : memref<4000xi32, #tpu.memory_space<hbm>>) dst(%dma_wait3A_1351 : memref<4000xi32, #tpu.memory_space<vmem>>)
    %dma_wait3A_1355 = arith.constant 2 : i32
    %dma_wait3A_1356 = arith.constant 2 : i32
    %dma_wait3A_1357 = arith.constant 0 : i32
    %dma_wait3A_1358 = tpu.memref_slice %arg19[%dma_wait3A_1355, %dma_wait3A_1357] : memref<3x4000xf32, #tpu.memory_space<vmem>> -> memref<1x4000xf32, #tpu.memory_space<vmem>>
    %dma_wait3A_1359 = tpu.memref_squeeze %dma_wait3A_1358 : memref<1x4000xf32, #tpu.memory_space<vmem>> -> memref<4000xf32, #tpu.memory_space<vmem>>
    %dma_wait3A_1360 = arith.constant 0 : i32
    %dma_wait3A_1361 = tpu.memref_slice %arg18[%dma_wait3A_1356, %dma_wait3A_1360] : memref<3x4000xi32, #tpu.memory_space<vmem>> -> memref<1x4000xi32, #tpu.memory_space<vmem>>
    %dma_wait3A_1362 = tpu.memref_squeeze %dma_wait3A_1361 : memref<1x4000xi32, #tpu.memory_space<vmem>> -> memref<4000xi32, #tpu.memory_space<vmem>>
    %dma_wait3A_1363 = arith.constant 0 : i32
    %dma_wait3A_1364 = tpu.memref_slice %arg15[%dma_wait3A_1363] : memref<102400xf32, #tpu.memory_space<vmem_shared>> -> memref<102400xf32, #tpu.memory_space<vmem_shared>>
    tpu.wait_indirect_dma semaphore(%arg26 : memref<!tpu.dma_semaphore, #tpu.memory_space<semaphore_mem>>) src(%dma_wait3A_1359 : memref<4000xf32, #tpu.memory_space<vmem>>) dst(%dma_wait3A_1364 : memref<102400xf32, #tpu.memory_space<vmem_shared>>)
    %dma_wait3A_1365 = arith.constant 2 : i32
    %dma_wait3A_1366 = arith.constant 2 : i32
    %dma_wait3A_1367 = arith.constant 0 : i32
    %dma_wait3A_1368 = tpu.memref_slice %arg20[%dma_wait3A_1365, %dma_wait3A_1367] : memref<3x4000xf32, #tpu.memory_space<vmem>> -> memref<1x4000xf32, #tpu.memory_space<vmem>>
    %dma_wait3A_1369 = tpu.memref_squeeze %dma_wait3A_1368 : memref<1x4000xf32, #tpu.memory_space<vmem>> -> memref<4000xf32, #tpu.memory_space<vmem>>
    %dma_wait3A_1370 = arith.constant 0 : i32
    %dma_wait3A_1371 = tpu.memref_slice %arg18[%dma_wait3A_1366, %dma_wait3A_1370] : memref<3x4000xi32, #tpu.memory_space<vmem>> -> memref<1x4000xi32, #tpu.memory_space<vmem>>
    %dma_wait3A_1372 = tpu.memref_squeeze %dma_wait3A_1371 : memref<1x4000xi32, #tpu.memory_space<vmem>> -> memref<4000xi32, #tpu.memory_space<vmem>>
    %dma_wait3A_1373 = arith.constant 0 : i32
    %dma_wait3A_1374 = tpu.memref_slice %arg16[%dma_wait3A_1373] : memref<102400xf32, #tpu.memory_space<vmem_shared>> -> memref<102400xf32, #tpu.memory_space<vmem_shared>>
    tpu.wait_indirect_dma semaphore(%arg26 : memref<!tpu.dma_semaphore, #tpu.memory_space<semaphore_mem>>) src(%dma_wait3A_1369 : memref<4000xf32, #tpu.memory_space<vmem>>) dst(%dma_wait3A_1374 : memref<102400xf32, #tpu.memory_space<vmem_shared>>)
    %add3A_1375 = arith.constant 50 : i32
    %add3A_1376 = arith.addi %mul3A_768, %add3A_1375 : i32
    %min3A_1377 = arith.constant 1599 : i32
    %min3A_1378 = arith.minsi %add3A_1376, %min3A_1377 : i32
    %dma_start3A_1379 = arith.constant 2 : i32
    %dma_start3A_1380 = arith.constant 0 : i32
    %dma_start3A_1381 = tpu.memref_slice %arg17[%dma_start3A_1379, %dma_start3A_1380] : memref<3x4000xi32, #tpu.memory_space<vmem>> -> memref<1x4000xi32, #tpu.memory_space<vmem>>
    %dma_start3A_1382 = tpu.memref_squeeze %dma_start3A_1381 : memref<1x4000xi32, #tpu.memory_space<vmem>> -> memref<4000xi32, #tpu.memory_space<vmem>>
    %dma_start3A_1383 = arith.constant 0 : i32
    %dma_start3A_1384 = tpu.memref_slice %arg6[%min3A_1378, %dma_start3A_1383] : memref<1600x4000xi32, #tpu.memory_space<hbm>> -> memref<1x4000xi32, #tpu.memory_space<hbm>>
    %dma_start3A_1385 = tpu.memref_squeeze %dma_start3A_1384 : memref<1x4000xi32, #tpu.memory_space<hbm>> -> memref<4000xi32, #tpu.memory_space<hbm>>
    %dma_start3A_1386 = arith.constant 0 : i32
    %dma_start3A_1387 = tpu.memref_slice %arg17[%dma_start3A_1379, %dma_start3A_1386] : memref<3x4000xi32, #tpu.memory_space<vmem>> -> memref<1x4000xi32, #tpu.memory_space<vmem>>
    %dma_start3A_1388 = tpu.memref_squeeze %dma_start3A_1387 : memref<1x4000xi32, #tpu.memory_space<vmem>> -> memref<4000xi32, #tpu.memory_space<vmem>>
    %dma_start3A_1389 = arith.constant 0 : i32
    %dma_start3A_1390 = tpu.memref_slice %arg6[%min3A_1378, %dma_start3A_1389] : memref<1600x4000xi32, #tpu.memory_space<hbm>> -> memref<1x4000xi32, #tpu.memory_space<hbm>>
    %dma_start3A_1391 = tpu.memref_squeeze %dma_start3A_1390 : memref<1x4000xi32, #tpu.memory_space<hbm>> -> memref<4000xi32, #tpu.memory_space<hbm>>
    tpu.enqueue_dma source(%dma_start3A_1391 : memref<4000xi32, #tpu.memory_space<hbm>>) target(%dma_start3A_1388 : memref<4000xi32, #tpu.memory_space<vmem>>) target_semaphore(%arg22 : memref<!tpu.dma_semaphore, #tpu.memory_space<semaphore_mem>>)
    %dma_start3A_1392 = arith.constant 2 : i32
    %dma_start3A_1393 = arith.constant 0 : i32
    %dma_start3A_1394 = tpu.memref_slice %arg18[%dma_start3A_1392, %dma_start3A_1393] : memref<3x4000xi32, #tpu.memory_space<vmem>> -> memref<1x4000xi32, #tpu.memory_space<vmem>>
    %dma_start3A_1395 = tpu.memref_squeeze %dma_start3A_1394 : memref<1x4000xi32, #tpu.memory_space<vmem>> -> memref<4000xi32, #tpu.memory_space<vmem>>
    %dma_start3A_1396 = arith.constant 0 : i32
    %dma_start3A_1397 = tpu.memref_slice %arg7[%min3A_1378, %dma_start3A_1396] : memref<1600x4000xi32, #tpu.memory_space<hbm>> -> memref<1x4000xi32, #tpu.memory_space<hbm>>
    %dma_start3A_1398 = tpu.memref_squeeze %dma_start3A_1397 : memref<1x4000xi32, #tpu.memory_space<hbm>> -> memref<4000xi32, #tpu.memory_space<hbm>>
    %dma_start3A_1399 = arith.constant 0 : i32
    %dma_start3A_1400 = tpu.memref_slice %arg18[%dma_start3A_1392, %dma_start3A_1399] : memref<3x4000xi32, #tpu.memory_space<vmem>> -> memref<1x4000xi32, #tpu.memory_space<vmem>>
    %dma_start3A_1401 = tpu.memref_squeeze %dma_start3A_1400 : memref<1x4000xi32, #tpu.memory_space<vmem>> -> memref<4000xi32, #tpu.memory_space<vmem>>
    %dma_start3A_1402 = arith.constant 0 : i32
    %dma_start3A_1403 = tpu.memref_slice %arg7[%min3A_1378, %dma_start3A_1402] : memref<1600x4000xi32, #tpu.memory_space<hbm>> -> memref<1x4000xi32, #tpu.memory_space<hbm>>
    %dma_start3A_1404 = tpu.memref_squeeze %dma_start3A_1403 : memref<1x4000xi32, #tpu.memory_space<hbm>> -> memref<4000xi32, #tpu.memory_space<hbm>>
    tpu.enqueue_dma source(%dma_start3A_1404 : memref<4000xi32, #tpu.memory_space<hbm>>) target(%dma_start3A_1401 : memref<4000xi32, #tpu.memory_space<vmem>>) target_semaphore(%arg22 : memref<!tpu.dma_semaphore, #tpu.memory_space<semaphore_mem>>)
    %dma_start3A_1405 = arith.constant 1 : i32
    %dma_start3A_1406 = arith.constant 1 : i32
    %dma_start3A_1407 = arith.constant 0 : i32
    %dma_start3A_1408 = tpu.memref_slice %arg19[%dma_start3A_1406, %dma_start3A_1407] : memref<3x4000xf32, #tpu.memory_space<vmem>> -> memref<1x4000xf32, #tpu.memory_space<vmem>>
    %dma_start3A_1409 = tpu.memref_squeeze %dma_start3A_1408 : memref<1x4000xf32, #tpu.memory_space<vmem>> -> memref<4000xf32, #tpu.memory_space<vmem>>
    %dma_start3A_1410 = arith.constant 0 : i32
    %dma_start3A_1411 = tpu.memref_slice %arg17[%dma_start3A_1405, %dma_start3A_1410] : memref<3x4000xi32, #tpu.memory_space<vmem>> -> memref<1x4000xi32, #tpu.memory_space<vmem>>
    %dma_start3A_1412 = tpu.memref_squeeze %dma_start3A_1411 : memref<1x4000xi32, #tpu.memory_space<vmem>> -> memref<4000xi32, #tpu.memory_space<vmem>>
    %dma_start3A_1413 = arith.constant 0 : i32
    %dma_start3A_1414 = tpu.memref_slice %arg11[%dma_start3A_1413] : memref<102400xf32, #tpu.memory_space<vmem_shared>> -> memref<102400xf32, #tpu.memory_space<vmem_shared>>
    tpu.enqueue_indirect_dma source(%dma_start3A_1414 : memref<102400xf32, #tpu.memory_space<vmem_shared>>) target(%dma_start3A_1409 : memref<4000xf32, #tpu.memory_space<vmem>>) offsets(%dma_start3A_1412 : memref<4000xi32, #tpu.memory_space<vmem>>) semaphore(%arg23 : memref<!tpu.dma_semaphore, #tpu.memory_space<semaphore_mem>>)
    %dma_start3A_1415 = arith.constant 1 : i32
    %dma_start3A_1416 = arith.constant 1 : i32
    %dma_start3A_1417 = arith.constant 0 : i32
    %dma_start3A_1418 = tpu.memref_slice %arg20[%dma_start3A_1416, %dma_start3A_1417] : memref<3x4000xf32, #tpu.memory_space<vmem>> -> memref<1x4000xf32, #tpu.memory_space<vmem>>
    %dma_start3A_1419 = tpu.memref_squeeze %dma_start3A_1418 : memref<1x4000xf32, #tpu.memory_space<vmem>> -> memref<4000xf32, #tpu.memory_space<vmem>>
    %dma_start3A_1420 = arith.constant 0 : i32
    %dma_start3A_1421 = tpu.memref_slice %arg17[%dma_start3A_1415, %dma_start3A_1420] : memref<3x4000xi32, #tpu.memory_space<vmem>> -> memref<1x4000xi32, #tpu.memory_space<vmem>>
    %dma_start3A_1422 = tpu.memref_squeeze %dma_start3A_1421 : memref<1x4000xi32, #tpu.memory_space<vmem>> -> memref<4000xi32, #tpu.memory_space<vmem>>
    %dma_start3A_1423 = arith.constant 0 : i32
    %dma_start3A_1424 = tpu.memref_slice %arg12[%dma_start3A_1423] : memref<102400xf32, #tpu.memory_space<vmem_shared>> -> memref<102400xf32, #tpu.memory_space<vmem_shared>>
    tpu.enqueue_indirect_dma source(%dma_start3A_1424 : memref<102400xf32, #tpu.memory_space<vmem_shared>>) target(%dma_start3A_1419 : memref<4000xf32, #tpu.memory_space<vmem>>) offsets(%dma_start3A_1422 : memref<4000xi32, #tpu.memory_space<vmem>>) semaphore(%arg23 : memref<!tpu.dma_semaphore, #tpu.memory_space<semaphore_mem>>)
    %dma_wait3A_1425 = arith.constant 1 : i32
    %dma_wait3A_1426 = arith.constant 1 : i32
    %dma_wait3A_1427 = arith.constant 0 : i32
    %dma_wait3A_1428 = tpu.memref_slice %arg19[%dma_wait3A_1426, %dma_wait3A_1427] : memref<3x4000xf32, #tpu.memory_space<vmem>> -> memref<1x4000xf32, #tpu.memory_space<vmem>>
    %dma_wait3A_1429 = tpu.memref_squeeze %dma_wait3A_1428 : memref<1x4000xf32, #tpu.memory_space<vmem>> -> memref<4000xf32, #tpu.memory_space<vmem>>
    %dma_wait3A_1430 = arith.constant 0 : i32
    %dma_wait3A_1431 = tpu.memref_slice %arg17[%dma_wait3A_1425, %dma_wait3A_1430] : memref<3x4000xi32, #tpu.memory_space<vmem>> -> memref<1x4000xi32, #tpu.memory_space<vmem>>
    %dma_wait3A_1432 = tpu.memref_squeeze %dma_wait3A_1431 : memref<1x4000xi32, #tpu.memory_space<vmem>> -> memref<4000xi32, #tpu.memory_space<vmem>>
    %dma_wait3A_1433 = arith.constant 0 : i32
    %dma_wait3A_1434 = tpu.memref_slice %arg11[%dma_wait3A_1433] : memref<102400xf32, #tpu.memory_space<vmem_shared>> -> memref<102400xf32, #tpu.memory_space<vmem_shared>>
    tpu.wait_indirect_dma semaphore(%arg23 : memref<!tpu.dma_semaphore, #tpu.memory_space<semaphore_mem>>) src(%dma_wait3A_1434 : memref<102400xf32, #tpu.memory_space<vmem_shared>>) dst(%dma_wait3A_1429 : memref<4000xf32, #tpu.memory_space<vmem>>)
    %dma_wait3A_1435 = arith.constant 1 : i32
    %dma_wait3A_1436 = arith.constant 1 : i32
    %dma_wait3A_1437 = arith.constant 0 : i32
    %dma_wait3A_1438 = tpu.memref_slice %arg20[%dma_wait3A_1436, %dma_wait3A_1437] : memref<3x4000xf32, #tpu.memory_space<vmem>> -> memref<1x4000xf32, #tpu.memory_space<vmem>>
    %dma_wait3A_1439 = tpu.memref_squeeze %dma_wait3A_1438 : memref<1x4000xf32, #tpu.memory_space<vmem>> -> memref<4000xf32, #tpu.memory_space<vmem>>
    %dma_wait3A_1440 = arith.constant 0 : i32
    %dma_wait3A_1441 = tpu.memref_slice %arg17[%dma_wait3A_1435, %dma_wait3A_1440] : memref<3x4000xi32, #tpu.memory_space<vmem>> -> memref<1x4000xi32, #tpu.memory_space<vmem>>
    %dma_wait3A_1442 = tpu.memref_squeeze %dma_wait3A_1441 : memref<1x4000xi32, #tpu.memory_space<vmem>> -> memref<4000xi32, #tpu.memory_space<vmem>>
    %dma_wait3A_1443 = arith.constant 0 : i32
    %dma_wait3A_1444 = tpu.memref_slice %arg12[%dma_wait3A_1443] : memref<102400xf32, #tpu.memory_space<vmem_shared>> -> memref<102400xf32, #tpu.memory_space<vmem_shared>>
    tpu.wait_indirect_dma semaphore(%arg23 : memref<!tpu.dma_semaphore, #tpu.memory_space<semaphore_mem>>) src(%dma_wait3A_1444 : memref<102400xf32, #tpu.memory_space<vmem_shared>>) dst(%dma_wait3A_1439 : memref<4000xf32, #tpu.memory_space<vmem>>)
    %dma_start3A_1445 = arith.constant 1 : i32
    %dma_start3A_1446 = arith.constant 1 : i32
    %dma_start3A_1447 = arith.constant 0 : i32
    %dma_start3A_1448 = tpu.memref_slice %arg19[%dma_start3A_1445, %dma_start3A_1447] : memref<3x4000xf32, #tpu.memory_space<vmem>> -> memref<1x4000xf32, #tpu.memory_space<vmem>>
    %dma_start3A_1449 = tpu.memref_squeeze %dma_start3A_1448 : memref<1x4000xf32, #tpu.memory_space<vmem>> -> memref<4000xf32, #tpu.memory_space<vmem>>
    %dma_start3A_1450 = arith.constant 0 : i32
    %dma_start3A_1451 = tpu.memref_slice %arg18[%dma_start3A_1446, %dma_start3A_1450] : memref<3x4000xi32, #tpu.memory_space<vmem>> -> memref<1x4000xi32, #tpu.memory_space<vmem>>
    %dma_start3A_1452 = tpu.memref_squeeze %dma_start3A_1451 : memref<1x4000xi32, #tpu.memory_space<vmem>> -> memref<4000xi32, #tpu.memory_space<vmem>>
    %dma_start3A_1453 = arith.constant 0 : i32
    %dma_start3A_1454 = tpu.memref_slice %arg15[%dma_start3A_1453] : memref<102400xf32, #tpu.memory_space<vmem_shared>> -> memref<102400xf32, #tpu.memory_space<vmem_shared>>
    tpu.enqueue_indirect_dma source(%dma_start3A_1449 : memref<4000xf32, #tpu.memory_space<vmem>>) target(%dma_start3A_1454 : memref<102400xf32, #tpu.memory_space<vmem_shared>>) offsets(%dma_start3A_1452 : memref<4000xi32, #tpu.memory_space<vmem>>) semaphore(%arg25 : memref<!tpu.dma_semaphore, #tpu.memory_space<semaphore_mem>>) {add = true}
    %dma_start3A_1455 = arith.constant 1 : i32
    %dma_start3A_1456 = arith.constant 1 : i32
    %dma_start3A_1457 = arith.constant 0 : i32
    %dma_start3A_1458 = tpu.memref_slice %arg20[%dma_start3A_1455, %dma_start3A_1457] : memref<3x4000xf32, #tpu.memory_space<vmem>> -> memref<1x4000xf32, #tpu.memory_space<vmem>>
    %dma_start3A_1459 = tpu.memref_squeeze %dma_start3A_1458 : memref<1x4000xf32, #tpu.memory_space<vmem>> -> memref<4000xf32, #tpu.memory_space<vmem>>
    %dma_start3A_1460 = arith.constant 0 : i32
    %dma_start3A_1461 = tpu.memref_slice %arg18[%dma_start3A_1456, %dma_start3A_1460] : memref<3x4000xi32, #tpu.memory_space<vmem>> -> memref<1x4000xi32, #tpu.memory_space<vmem>>
    %dma_start3A_1462 = tpu.memref_squeeze %dma_start3A_1461 : memref<1x4000xi32, #tpu.memory_space<vmem>> -> memref<4000xi32, #tpu.memory_space<vmem>>
    %dma_start3A_1463 = arith.constant 0 : i32
    %dma_start3A_1464 = tpu.memref_slice %arg16[%dma_start3A_1463] : memref<102400xf32, #tpu.memory_space<vmem_shared>> -> memref<102400xf32, #tpu.memory_space<vmem_shared>>
    tpu.enqueue_indirect_dma source(%dma_start3A_1459 : memref<4000xf32, #tpu.memory_space<vmem>>) target(%dma_start3A_1464 : memref<102400xf32, #tpu.memory_space<vmem_shared>>) offsets(%dma_start3A_1462 : memref<4000xi32, #tpu.memory_space<vmem>>) semaphore(%arg25 : memref<!tpu.dma_semaphore, #tpu.memory_space<semaphore_mem>>) {add = true}
    %dma_wait3A_1465 = arith.constant 0 : i32
    %dma_wait3A_1466 = arith.constant 0 : i32
    %dma_wait3A_1467 = arith.constant 0 : i32
    %dma_wait3A_1468 = tpu.memref_slice %arg19[%dma_wait3A_1465, %dma_wait3A_1467] : memref<3x4000xf32, #tpu.memory_space<vmem>> -> memref<1x4000xf32, #tpu.memory_space<vmem>>
    %dma_wait3A_1469 = tpu.memref_squeeze %dma_wait3A_1468 : memref<1x4000xf32, #tpu.memory_space<vmem>> -> memref<4000xf32, #tpu.memory_space<vmem>>
    %dma_wait3A_1470 = arith.constant 0 : i32
    %dma_wait3A_1471 = tpu.memref_slice %arg18[%dma_wait3A_1466, %dma_wait3A_1470] : memref<3x4000xi32, #tpu.memory_space<vmem>> -> memref<1x4000xi32, #tpu.memory_space<vmem>>
    %dma_wait3A_1472 = tpu.memref_squeeze %dma_wait3A_1471 : memref<1x4000xi32, #tpu.memory_space<vmem>> -> memref<4000xi32, #tpu.memory_space<vmem>>
    %dma_wait3A_1473 = arith.constant 0 : i32
    %dma_wait3A_1474 = tpu.memref_slice %arg15[%dma_wait3A_1473] : memref<102400xf32, #tpu.memory_space<vmem_shared>> -> memref<102400xf32, #tpu.memory_space<vmem_shared>>
    tpu.wait_indirect_dma semaphore(%arg24 : memref<!tpu.dma_semaphore, #tpu.memory_space<semaphore_mem>>) src(%dma_wait3A_1469 : memref<4000xf32, #tpu.memory_space<vmem>>) dst(%dma_wait3A_1474 : memref<102400xf32, #tpu.memory_space<vmem_shared>>)
    %dma_wait3A_1475 = arith.constant 0 : i32
    %dma_wait3A_1476 = arith.constant 0 : i32
    %dma_wait3A_1477 = arith.constant 0 : i32
    %dma_wait3A_1478 = tpu.memref_slice %arg20[%dma_wait3A_1475, %dma_wait3A_1477] : memref<3x4000xf32, #tpu.memory_space<vmem>> -> memref<1x4000xf32, #tpu.memory_space<vmem>>
    %dma_wait3A_1479 = tpu.memref_squeeze %dma_wait3A_1478 : memref<1x4000xf32, #tpu.memory_space<vmem>> -> memref<4000xf32, #tpu.memory_space<vmem>>
    %dma_wait3A_1480 = arith.constant 0 : i32
    %dma_wait3A_1481 = tpu.memref_slice %arg18[%dma_wait3A_1476, %dma_wait3A_1480] : memref<3x4000xi32, #tpu.memory_space<vmem>> -> memref<1x4000xi32, #tpu.memory_space<vmem>>
    %dma_wait3A_1482 = tpu.memref_squeeze %dma_wait3A_1481 : memref<1x4000xi32, #tpu.memory_space<vmem>> -> memref<4000xi32, #tpu.memory_space<vmem>>
    %dma_wait3A_1483 = arith.constant 0 : i32
    %dma_wait3A_1484 = tpu.memref_slice %arg16[%dma_wait3A_1483] : memref<102400xf32, #tpu.memory_space<vmem_shared>> -> memref<102400xf32, #tpu.memory_space<vmem_shared>>
    tpu.wait_indirect_dma semaphore(%arg24 : memref<!tpu.dma_semaphore, #tpu.memory_space<semaphore_mem>>) src(%dma_wait3A_1479 : memref<4000xf32, #tpu.memory_space<vmem>>) dst(%dma_wait3A_1484 : memref<102400xf32, #tpu.memory_space<vmem_shared>>)
    %dma_wait3A_1485 = arith.constant 1 : i32
    %dma_wait3A_1486 = arith.constant 1 : i32
    %dma_wait3A_1487 = arith.constant 0 : i32
    %dma_wait3A_1488 = tpu.memref_slice %arg19[%dma_wait3A_1485, %dma_wait3A_1487] : memref<3x4000xf32, #tpu.memory_space<vmem>> -> memref<1x4000xf32, #tpu.memory_space<vmem>>
    %dma_wait3A_1489 = tpu.memref_squeeze %dma_wait3A_1488 : memref<1x4000xf32, #tpu.memory_space<vmem>> -> memref<4000xf32, #tpu.memory_space<vmem>>
    %dma_wait3A_1490 = arith.constant 0 : i32
    %dma_wait3A_1491 = tpu.memref_slice %arg18[%dma_wait3A_1486, %dma_wait3A_1490] : memref<3x4000xi32, #tpu.memory_space<vmem>> -> memref<1x4000xi32, #tpu.memory_space<vmem>>
    %dma_wait3A_1492 = tpu.memref_squeeze %dma_wait3A_1491 : memref<1x4000xi32, #tpu.memory_space<vmem>> -> memref<4000xi32, #tpu.memory_space<vmem>>
    %dma_wait3A_1493 = arith.constant 0 : i32
    %dma_wait3A_1494 = tpu.memref_slice %arg15[%dma_wait3A_1493] : memref<102400xf32, #tpu.memory_space<vmem_shared>> -> memref<102400xf32, #tpu.memory_space<vmem_shared>>
    tpu.wait_indirect_dma semaphore(%arg25 : memref<!tpu.dma_semaphore, #tpu.memory_space<semaphore_mem>>) src(%dma_wait3A_1489 : memref<4000xf32, #tpu.memory_space<vmem>>) dst(%dma_wait3A_1494 : memref<102400xf32, #tpu.memory_space<vmem_shared>>)
    %dma_wait3A_1495 = arith.constant 1 : i32
    %dma_wait3A_1496 = arith.constant 1 : i32
    %dma_wait3A_1497 = arith.constant 0 : i32
    %dma_wait3A_1498 = tpu.memref_slice %arg20[%dma_wait3A_1495, %dma_wait3A_1497] : memref<3x4000xf32, #tpu.memory_space<vmem>> -> memref<1x4000xf32, #tpu.memory_space<vmem>>
    %dma_wait3A_1499 = tpu.memref_squeeze %dma_wait3A_1498 : memref<1x4000xf32, #tpu.memory_space<vmem>> -> memref<4000xf32, #tpu.memory_space<vmem>>
    %dma_wait3A_1500 = arith.constant 0 : i32
    %dma_wait3A_1501 = tpu.memref_slice %arg18[%dma_wait3A_1496, %dma_wait3A_1500] : memref<3x4000xi32, #tpu.memory_space<vmem>> -> memref<1x4000xi32, #tpu.memory_space<vmem>>
    %dma_wait3A_1502 = tpu.memref_squeeze %dma_wait3A_1501 : memref<1x4000xi32, #tpu.memory_space<vmem>> -> memref<4000xi32, #tpu.memory_space<vmem>>
    %dma_wait3A_1503 = arith.constant 0 : i32
    %dma_wait3A_1504 = tpu.memref_slice %arg16[%dma_wait3A_1503] : memref<102400xf32, #tpu.memory_space<vmem_shared>> -> memref<102400xf32, #tpu.memory_space<vmem_shared>>
    tpu.wait_indirect_dma semaphore(%arg25 : memref<!tpu.dma_semaphore, #tpu.memory_space<semaphore_mem>>) src(%dma_wait3A_1499 : memref<4000xf32, #tpu.memory_space<vmem>>) dst(%dma_wait3A_1504 : memref<102400xf32, #tpu.memory_space<vmem_shared>>)
    %add3A_1505 = arith.constant 50 : i32
    %add3A_1506 = arith.addi %mul3A_768, %add3A_1505 : i32
    %min3A_1507 = arith.constant 1599 : i32
    %min3A_1508 = arith.minsi %add3A_1506, %min3A_1507 : i32
    %dma_wait3A_1509 = arith.constant 2 : i32
    %dma_wait3A_1510 = arith.constant 0 : i32
    %dma_wait3A_1511 = tpu.memref_slice %arg17[%dma_wait3A_1509, %dma_wait3A_1510] : memref<3x4000xi32, #tpu.memory_space<vmem>> -> memref<1x4000xi32, #tpu.memory_space<vmem>>
    %dma_wait3A_1512 = tpu.memref_squeeze %dma_wait3A_1511 : memref<1x4000xi32, #tpu.memory_space<vmem>> -> memref<4000xi32, #tpu.memory_space<vmem>>
    %dma_wait3A_1513 = arith.constant 0 : i32
    %dma_wait3A_1514 = tpu.memref_slice %arg6[%min3A_1508, %dma_wait3A_1513] : memref<1600x4000xi32, #tpu.memory_space<hbm>> -> memref<1x4000xi32, #tpu.memory_space<hbm>>
    %dma_wait3A_1515 = tpu.memref_squeeze %dma_wait3A_1514 : memref<1x4000xi32, #tpu.memory_space<hbm>> -> memref<4000xi32, #tpu.memory_space<hbm>>
    %dma_wait3A_1516 = arith.constant 0 : i32
    %dma_wait3A_1517 = tpu.memref_slice %arg17[%dma_wait3A_1509, %dma_wait3A_1516] : memref<3x4000xi32, #tpu.memory_space<vmem>> -> memref<1x4000xi32, #tpu.memory_space<vmem>>
    %dma_wait3A_1518 = tpu.memref_squeeze %dma_wait3A_1517 : memref<1x4000xi32, #tpu.memory_space<vmem>> -> memref<4000xi32, #tpu.memory_space<vmem>>
    %dma_wait3A_1519 = arith.constant 0 : i32
    %dma_wait3A_1520 = tpu.memref_slice %arg6[%min3A_1508, %dma_wait3A_1519] : memref<1600x4000xi32, #tpu.memory_space<hbm>> -> memref<1x4000xi32, #tpu.memory_space<hbm>>
    %dma_wait3A_1521 = tpu.memref_squeeze %dma_wait3A_1520 : memref<1x4000xi32, #tpu.memory_space<hbm>> -> memref<4000xi32, #tpu.memory_space<hbm>>
    tpu.wait_dma2 semaphore(%arg22 : memref<!tpu.dma_semaphore, #tpu.memory_space<semaphore_mem>>) src(%dma_wait3A_1521 : memref<4000xi32, #tpu.memory_space<hbm>>) dst(%dma_wait3A_1518 : memref<4000xi32, #tpu.memory_space<vmem>>)
    %dma_wait3A_1522 = arith.constant 2 : i32
    %dma_wait3A_1523 = arith.constant 0 : i32
    %dma_wait3A_1524 = tpu.memref_slice %arg18[%dma_wait3A_1522, %dma_wait3A_1523] : memref<3x4000xi32, #tpu.memory_space<vmem>> -> memref<1x4000xi32, #tpu.memory_space<vmem>>
    %dma_wait3A_1525 = tpu.memref_squeeze %dma_wait3A_1524 : memref<1x4000xi32, #tpu.memory_space<vmem>> -> memref<4000xi32, #tpu.memory_space<vmem>>
    %dma_wait3A_1526 = arith.constant 0 : i32
    %dma_wait3A_1527 = tpu.memref_slice %arg7[%min3A_1508, %dma_wait3A_1526] : memref<1600x4000xi32, #tpu.memory_space<hbm>> -> memref<1x4000xi32, #tpu.memory_space<hbm>>
    %dma_wait3A_1528 = tpu.memref_squeeze %dma_wait3A_1527 : memref<1x4000xi32, #tpu.memory_space<hbm>> -> memref<4000xi32, #tpu.memory_space<hbm>>
    %dma_wait3A_1529 = arith.constant 0 : i32
    %dma_wait3A_1530 = tpu.memref_slice %arg18[%dma_wait3A_1522, %dma_wait3A_1529] : memref<3x4000xi32, #tpu.memory_space<vmem>> -> memref<1x4000xi32, #tpu.memory_space<vmem>>
    %dma_wait3A_1531 = tpu.memref_squeeze %dma_wait3A_1530 : memref<1x4000xi32, #tpu.memory_space<vmem>> -> memref<4000xi32, #tpu.memory_space<vmem>>
    %dma_wait3A_1532 = arith.constant 0 : i32
    %dma_wait3A_1533 = tpu.memref_slice %arg7[%min3A_1508, %dma_wait3A_1532] : memref<1600x4000xi32, #tpu.memory_space<hbm>> -> memref<1x4000xi32, #tpu.memory_space<hbm>>
    %dma_wait3A_1534 = tpu.memref_squeeze %dma_wait3A_1533 : memref<1x4000xi32, #tpu.memory_space<hbm>> -> memref<4000xi32, #tpu.memory_space<hbm>>
    tpu.wait_dma2 semaphore(%arg22 : memref<!tpu.dma_semaphore, #tpu.memory_space<semaphore_mem>>) src(%dma_wait3A_1534 : memref<4000xi32, #tpu.memory_space<hbm>>) dst(%dma_wait3A_1531 : memref<4000xi32, #tpu.memory_space<vmem>>)
    %barrier3A_1535 = arith.constant 0 : index
    tpu.barrier barrier_id(%barrier3A_1535)
    "tpu.region"() ({
      %run_scoped3A_1539 = tpu.sem_alloc : memref<!tpu.dma_semaphore, #tpu.memory_space<semaphore_mem>>
      %dma_start3A_1540 = tpu.memref_slice %arg13[%mul3A_2] : memref<102400xf32, #tpu.memory_space<vmem_shared>> -> memref<6400xf32, #tpu.memory_space<vmem_shared>>
      %dma_start3A_1541 = tpu.memref_slice %arg13[%mul3A_2] : memref<102400xf32, #tpu.memory_space<vmem_shared>> -> memref<6400xf32, #tpu.memory_space<vmem_shared>>
      tpu.enqueue_dma source(%dma_start3A_1541 : memref<6400xf32, #tpu.memory_space<vmem_shared>>) target(%arg21 : memref<6400xf32, #tpu.memory_space<vmem>>) target_semaphore(%run_scoped3A_1539 : memref<!tpu.dma_semaphore, #tpu.memory_space<semaphore_mem>>)
      %dma_wait3A_1542 = tpu.memref_slice %arg13[%mul3A_2] : memref<102400xf32, #tpu.memory_space<vmem_shared>> -> memref<6400xf32, #tpu.memory_space<vmem_shared>>
      %dma_wait3A_1543 = tpu.memref_slice %arg13[%mul3A_2] : memref<102400xf32, #tpu.memory_space<vmem_shared>> -> memref<6400xf32, #tpu.memory_space<vmem_shared>>
      tpu.wait_dma2 semaphore(%run_scoped3A_1539 : memref<!tpu.dma_semaphore, #tpu.memory_space<semaphore_mem>>) src(%dma_wait3A_1543 : memref<6400xf32, #tpu.memory_space<vmem_shared>>) dst(%arg21 : memref<6400xf32, #tpu.memory_space<vmem>>)
      tpu.yield
    }) : () -> ()
    %run_scoped3A = arith.constant 0 : i32
    "tpu.region"() ({
      %run_scoped3A_1539 = tpu.sem_alloc : memref<!tpu.dma_semaphore, #tpu.memory_space<semaphore_mem>>
      %dma_start3A_1540 = tpu.memref_slice %arg9[%arg0, %run_scoped3A, %mul3A_2] : memref<2x2x102400xf32, #tpu.memory_space<hbm>> -> memref<1x1x6400xf32, #tpu.memory_space<hbm>>
      %dma_start3A_1541 = tpu.memref_squeeze %dma_start3A_1540 : memref<1x1x6400xf32, #tpu.memory_space<hbm>> -> memref<6400xf32, #tpu.memory_space<hbm>>
      %dma_start3A_1542 = tpu.memref_slice %arg9[%arg0, %run_scoped3A, %mul3A_2] : memref<2x2x102400xf32, #tpu.memory_space<hbm>> -> memref<1x1x6400xf32, #tpu.memory_space<hbm>>
      %dma_start3A_1543 = tpu.memref_squeeze %dma_start3A_1542 : memref<1x1x6400xf32, #tpu.memory_space<hbm>> -> memref<6400xf32, #tpu.memory_space<hbm>>
      tpu.enqueue_dma source(%arg21 : memref<6400xf32, #tpu.memory_space<vmem>>) target(%dma_start3A_1543 : memref<6400xf32, #tpu.memory_space<hbm>>) target_semaphore(%run_scoped3A_1539 : memref<!tpu.dma_semaphore, #tpu.memory_space<semaphore_mem>>)
      %dma_wait3A_1544 = tpu.memref_slice %arg9[%arg0, %run_scoped3A, %mul3A_2] : memref<2x2x102400xf32, #tpu.memory_space<hbm>> -> memref<1x1x6400xf32, #tpu.memory_space<hbm>>
      %dma_wait3A_1545 = tpu.memref_squeeze %dma_wait3A_1544 : memref<1x1x6400xf32, #tpu.memory_space<hbm>> -> memref<6400xf32, #tpu.memory_space<hbm>>
      %dma_wait3A_1546 = tpu.memref_slice %arg9[%arg0, %run_scoped3A, %mul3A_2] : memref<2x2x102400xf32, #tpu.memory_space<hbm>> -> memref<1x1x6400xf32, #tpu.memory_space<hbm>>
      %dma_wait3A_1547 = tpu.memref_squeeze %dma_wait3A_1546 : memref<1x1x6400xf32, #tpu.memory_space<hbm>> -> memref<6400xf32, #tpu.memory_space<hbm>>
      tpu.wait_dma2 semaphore(%run_scoped3A_1539 : memref<!tpu.dma_semaphore, #tpu.memory_space<semaphore_mem>>) src(%arg21 : memref<6400xf32, #tpu.memory_space<vmem>>) dst(%dma_wait3A_1547 : memref<6400xf32, #tpu.memory_space<hbm>>)
      tpu.yield
    }) : () -> ()
    "tpu.region"() ({
      %run_scoped3A_1539 = tpu.sem_alloc : memref<!tpu.dma_semaphore, #tpu.memory_space<semaphore_mem>>
      %dma_start3A_1540 = tpu.memref_slice %arg14[%mul3A_2] : memref<102400xf32, #tpu.memory_space<vmem_shared>> -> memref<6400xf32, #tpu.memory_space<vmem_shared>>
      %dma_start3A_1541 = tpu.memref_slice %arg14[%mul3A_2] : memref<102400xf32, #tpu.memory_space<vmem_shared>> -> memref<6400xf32, #tpu.memory_space<vmem_shared>>
      tpu.enqueue_dma source(%dma_start3A_1541 : memref<6400xf32, #tpu.memory_space<vmem_shared>>) target(%arg21 : memref<6400xf32, #tpu.memory_space<vmem>>) target_semaphore(%run_scoped3A_1539 : memref<!tpu.dma_semaphore, #tpu.memory_space<semaphore_mem>>)
      %dma_wait3A_1542 = tpu.memref_slice %arg14[%mul3A_2] : memref<102400xf32, #tpu.memory_space<vmem_shared>> -> memref<6400xf32, #tpu.memory_space<vmem_shared>>
      %dma_wait3A_1543 = tpu.memref_slice %arg14[%mul3A_2] : memref<102400xf32, #tpu.memory_space<vmem_shared>> -> memref<6400xf32, #tpu.memory_space<vmem_shared>>
      tpu.wait_dma2 semaphore(%run_scoped3A_1539 : memref<!tpu.dma_semaphore, #tpu.memory_space<semaphore_mem>>) src(%dma_wait3A_1543 : memref<6400xf32, #tpu.memory_space<vmem_shared>>) dst(%arg21 : memref<6400xf32, #tpu.memory_space<vmem>>)
      tpu.yield
    }) : () -> ()
    %run_scoped3A_1536 = arith.constant 1 : i32
    "tpu.region"() ({
      %run_scoped3A_1539 = tpu.sem_alloc : memref<!tpu.dma_semaphore, #tpu.memory_space<semaphore_mem>>
      %dma_start3A_1540 = tpu.memref_slice %arg9[%arg0, %run_scoped3A_1536, %mul3A_2] : memref<2x2x102400xf32, #tpu.memory_space<hbm>> -> memref<1x1x6400xf32, #tpu.memory_space<hbm>>
      %dma_start3A_1541 = tpu.memref_squeeze %dma_start3A_1540 : memref<1x1x6400xf32, #tpu.memory_space<hbm>> -> memref<6400xf32, #tpu.memory_space<hbm>>
      %dma_start3A_1542 = tpu.memref_slice %arg9[%arg0, %run_scoped3A_1536, %mul3A_2] : memref<2x2x102400xf32, #tpu.memory_space<hbm>> -> memref<1x1x6400xf32, #tpu.memory_space<hbm>>
      %dma_start3A_1543 = tpu.memref_squeeze %dma_start3A_1542 : memref<1x1x6400xf32, #tpu.memory_space<hbm>> -> memref<6400xf32, #tpu.memory_space<hbm>>
      tpu.enqueue_dma source(%arg21 : memref<6400xf32, #tpu.memory_space<vmem>>) target(%dma_start3A_1543 : memref<6400xf32, #tpu.memory_space<hbm>>) target_semaphore(%run_scoped3A_1539 : memref<!tpu.dma_semaphore, #tpu.memory_space<semaphore_mem>>)
      %dma_wait3A_1544 = tpu.memref_slice %arg9[%arg0, %run_scoped3A_1536, %mul3A_2] : memref<2x2x102400xf32, #tpu.memory_space<hbm>> -> memref<1x1x6400xf32, #tpu.memory_space<hbm>>
      %dma_wait3A_1545 = tpu.memref_squeeze %dma_wait3A_1544 : memref<1x1x6400xf32, #tpu.memory_space<hbm>> -> memref<6400xf32, #tpu.memory_space<hbm>>
      %dma_wait3A_1546 = tpu.memref_slice %arg9[%arg0, %run_scoped3A_1536, %mul3A_2] : memref<2x2x102400xf32, #tpu.memory_space<hbm>> -> memref<1x1x6400xf32, #tpu.memory_space<hbm>>
      %dma_wait3A_1547 = tpu.memref_squeeze %dma_wait3A_1546 : memref<1x1x6400xf32, #tpu.memory_space<hbm>> -> memref<6400xf32, #tpu.memory_space<hbm>>
      tpu.wait_dma2 semaphore(%run_scoped3A_1539 : memref<!tpu.dma_semaphore, #tpu.memory_space<semaphore_mem>>) src(%arg21 : memref<6400xf32, #tpu.memory_space<vmem>>) dst(%dma_wait3A_1547 : memref<6400xf32, #tpu.memory_space<hbm>>)
      tpu.yield
    }) : () -> ()
    "tpu.region"() ({
      %run_scoped3A_1539 = tpu.sem_alloc : memref<!tpu.dma_semaphore, #tpu.memory_space<semaphore_mem>>
      %dma_start3A_1540 = tpu.memref_slice %arg15[%mul3A_2] : memref<102400xf32, #tpu.memory_space<vmem_shared>> -> memref<6400xf32, #tpu.memory_space<vmem_shared>>
      %dma_start3A_1541 = tpu.memref_slice %arg15[%mul3A_2] : memref<102400xf32, #tpu.memory_space<vmem_shared>> -> memref<6400xf32, #tpu.memory_space<vmem_shared>>
      tpu.enqueue_dma source(%dma_start3A_1541 : memref<6400xf32, #tpu.memory_space<vmem_shared>>) target(%arg21 : memref<6400xf32, #tpu.memory_space<vmem>>) target_semaphore(%run_scoped3A_1539 : memref<!tpu.dma_semaphore, #tpu.memory_space<semaphore_mem>>)
      %dma_wait3A_1542 = tpu.memref_slice %arg15[%mul3A_2] : memref<102400xf32, #tpu.memory_space<vmem_shared>> -> memref<6400xf32, #tpu.memory_space<vmem_shared>>
      %dma_wait3A_1543 = tpu.memref_slice %arg15[%mul3A_2] : memref<102400xf32, #tpu.memory_space<vmem_shared>> -> memref<6400xf32, #tpu.memory_space<vmem_shared>>
      tpu.wait_dma2 semaphore(%run_scoped3A_1539 : memref<!tpu.dma_semaphore, #tpu.memory_space<semaphore_mem>>) src(%dma_wait3A_1543 : memref<6400xf32, #tpu.memory_space<vmem_shared>>) dst(%arg21 : memref<6400xf32, #tpu.memory_space<vmem>>)
      tpu.yield
    }) : () -> ()
    %run_scoped3A_1537 = arith.constant 0 : i32
    "tpu.region"() ({
      %run_scoped3A_1539 = tpu.sem_alloc : memref<!tpu.dma_semaphore, #tpu.memory_space<semaphore_mem>>
      %dma_start3A_1540 = tpu.memref_slice %arg10[%arg0, %run_scoped3A_1537, %mul3A_2] : memref<2x2x102400xf32, #tpu.memory_space<hbm>> -> memref<1x1x6400xf32, #tpu.memory_space<hbm>>
      %dma_start3A_1541 = tpu.memref_squeeze %dma_start3A_1540 : memref<1x1x6400xf32, #tpu.memory_space<hbm>> -> memref<6400xf32, #tpu.memory_space<hbm>>
      %dma_start3A_1542 = tpu.memref_slice %arg10[%arg0, %run_scoped3A_1537, %mul3A_2] : memref<2x2x102400xf32, #tpu.memory_space<hbm>> -> memref<1x1x6400xf32, #tpu.memory_space<hbm>>
      %dma_start3A_1543 = tpu.memref_squeeze %dma_start3A_1542 : memref<1x1x6400xf32, #tpu.memory_space<hbm>> -> memref<6400xf32, #tpu.memory_space<hbm>>
      tpu.enqueue_dma source(%arg21 : memref<6400xf32, #tpu.memory_space<vmem>>) target(%dma_start3A_1543 : memref<6400xf32, #tpu.memory_space<hbm>>) target_semaphore(%run_scoped3A_1539 : memref<!tpu.dma_semaphore, #tpu.memory_space<semaphore_mem>>)
      %dma_wait3A_1544 = tpu.memref_slice %arg10[%arg0, %run_scoped3A_1537, %mul3A_2] : memref<2x2x102400xf32, #tpu.memory_space<hbm>> -> memref<1x1x6400xf32, #tpu.memory_space<hbm>>
      %dma_wait3A_1545 = tpu.memref_squeeze %dma_wait3A_1544 : memref<1x1x6400xf32, #tpu.memory_space<hbm>> -> memref<6400xf32, #tpu.memory_space<hbm>>
      %dma_wait3A_1546 = tpu.memref_slice %arg10[%arg0, %run_scoped3A_1537, %mul3A_2] : memref<2x2x102400xf32, #tpu.memory_space<hbm>> -> memref<1x1x6400xf32, #tpu.memory_space<hbm>>
      %dma_wait3A_1547 = tpu.memref_squeeze %dma_wait3A_1546 : memref<1x1x6400xf32, #tpu.memory_space<hbm>> -> memref<6400xf32, #tpu.memory_space<hbm>>
      tpu.wait_dma2 semaphore(%run_scoped3A_1539 : memref<!tpu.dma_semaphore, #tpu.memory_space<semaphore_mem>>) src(%arg21 : memref<6400xf32, #tpu.memory_space<vmem>>) dst(%dma_wait3A_1547 : memref<6400xf32, #tpu.memory_space<hbm>>)
      tpu.yield
    }) : () -> ()
    "tpu.region"() ({
      %run_scoped3A_1539 = tpu.sem_alloc : memref<!tpu.dma_semaphore, #tpu.memory_space<semaphore_mem>>
      %dma_start3A_1540 = tpu.memref_slice %arg16[%mul3A_2] : memref<102400xf32, #tpu.memory_space<vmem_shared>> -> memref<6400xf32, #tpu.memory_space<vmem_shared>>
      %dma_start3A_1541 = tpu.memref_slice %arg16[%mul3A_2] : memref<102400xf32, #tpu.memory_space<vmem_shared>> -> memref<6400xf32, #tpu.memory_space<vmem_shared>>
      tpu.enqueue_dma source(%dma_start3A_1541 : memref<6400xf32, #tpu.memory_space<vmem_shared>>) target(%arg21 : memref<6400xf32, #tpu.memory_space<vmem>>) target_semaphore(%run_scoped3A_1539 : memref<!tpu.dma_semaphore, #tpu.memory_space<semaphore_mem>>)
      %dma_wait3A_1542 = tpu.memref_slice %arg16[%mul3A_2] : memref<102400xf32, #tpu.memory_space<vmem_shared>> -> memref<6400xf32, #tpu.memory_space<vmem_shared>>
      %dma_wait3A_1543 = tpu.memref_slice %arg16[%mul3A_2] : memref<102400xf32, #tpu.memory_space<vmem_shared>> -> memref<6400xf32, #tpu.memory_space<vmem_shared>>
      tpu.wait_dma2 semaphore(%run_scoped3A_1539 : memref<!tpu.dma_semaphore, #tpu.memory_space<semaphore_mem>>) src(%dma_wait3A_1543 : memref<6400xf32, #tpu.memory_space<vmem_shared>>) dst(%arg21 : memref<6400xf32, #tpu.memory_space<vmem>>)
      tpu.yield
    }) : () -> ()
    %run_scoped3A_1538 = arith.constant 1 : i32
    "tpu.region"() ({
      %run_scoped3A_1539 = tpu.sem_alloc : memref<!tpu.dma_semaphore, #tpu.memory_space<semaphore_mem>>
      %dma_start3A_1540 = tpu.memref_slice %arg10[%arg0, %run_scoped3A_1538, %mul3A_2] : memref<2x2x102400xf32, #tpu.memory_space<hbm>> -> memref<1x1x6400xf32, #tpu.memory_space<hbm>>
      %dma_start3A_1541 = tpu.memref_squeeze %dma_start3A_1540 : memref<1x1x6400xf32, #tpu.memory_space<hbm>> -> memref<6400xf32, #tpu.memory_space<hbm>>
      %dma_start3A_1542 = tpu.memref_slice %arg10[%arg0, %run_scoped3A_1538, %mul3A_2] : memref<2x2x102400xf32, #tpu.memory_space<hbm>> -> memref<1x1x6400xf32, #tpu.memory_space<hbm>>
      %dma_start3A_1543 = tpu.memref_squeeze %dma_start3A_1542 : memref<1x1x6400xf32, #tpu.memory_space<hbm>> -> memref<6400xf32, #tpu.memory_space<hbm>>
      tpu.enqueue_dma source(%arg21 : memref<6400xf32, #tpu.memory_space<vmem>>) target(%dma_start3A_1543 : memref<6400xf32, #tpu.memory_space<hbm>>) target_semaphore(%run_scoped3A_1539 : memref<!tpu.dma_semaphore, #tpu.memory_space<semaphore_mem>>)
      %dma_wait3A_1544 = tpu.memref_slice %arg10[%arg0, %run_scoped3A_1538, %mul3A_2] : memref<2x2x102400xf32, #tpu.memory_space<hbm>> -> memref<1x1x6400xf32, #tpu.memory_space<hbm>>
      %dma_wait3A_1545 = tpu.memref_squeeze %dma_wait3A_1544 : memref<1x1x6400xf32, #tpu.memory_space<hbm>> -> memref<6400xf32, #tpu.memory_space<hbm>>
      %dma_wait3A_1546 = tpu.memref_slice %arg10[%arg0, %run_scoped3A_1538, %mul3A_2] : memref<2x2x102400xf32, #tpu.memory_space<hbm>> -> memref<1x1x6400xf32, #tpu.memory_space<hbm>>
      %dma_wait3A_1547 = tpu.memref_squeeze %dma_wait3A_1546 : memref<1x1x6400xf32, #tpu.memory_space<hbm>> -> memref<6400xf32, #tpu.memory_space<hbm>>
      tpu.wait_dma2 semaphore(%run_scoped3A_1539 : memref<!tpu.dma_semaphore, #tpu.memory_space<semaphore_mem>>) src(%arg21 : memref<6400xf32, #tpu.memory_space<vmem>>) dst(%dma_wait3A_1547 : memref<6400xf32, #tpu.memory_space<hbm>>)
      tpu.yield
    }) : () -> ()
    return
  }
}

module attributes {stable_mosaic.version = 14 : i64} {
  func.func @_prep_body(%arg0: memref<800x128xf32, #tpu.memory_space<vmem>>, %arg1: memref<800x128xf32, #tpu.memory_space<vmem>>, %arg2: memref<800x128xf32, #tpu.memory_space<vmem>>, %arg3: memref<800x128xf32, #tpu.memory_space<vmem>>, %arg4: memref<800x128xf32, #tpu.memory_space<vmem>>) attributes {dimension_semantics = [], scalar_prefetch = 0 : i64, scratch_operands = 0 : i64, tpu.core_type = #tpu.core_type<tc>} {
    %get3A = arith.constant 0 : index
    %get3A_0 = arith.constant 0 : index
    %get3A_1 = vector.load %arg1[%get3A, %get3A_0] : memref<800x128xf32, #tpu.memory_space<vmem>>, vector<800x128xf32>
    %get3A_2 = arith.constant 0 : index
    %get3A_3 = arith.constant 0 : index
    %get3A_4 = vector.load %arg2[%get3A_2, %get3A_3] : memref<800x128xf32, #tpu.memory_space<vmem>>, vector<800x128xf32>
    %sub3A = arith.constant 1.000000e+00 : f32
    %sub3A_5 = vector.broadcast %sub3A : f32 to vector<800x128xf32>
    %sub3A_6 = arith.subf %sub3A_5, %get3A_4 : vector<800x128xf32>
    %mul3A = arith.mulf %get3A_1, %sub3A_6 : vector<800x128xf32>
    %get3A_7 = arith.constant 0 : index
    %get3A_8 = arith.constant 0 : index
    %get3A_9 = vector.load %arg0[%get3A_7, %get3A_8] : memref<800x128xf32, #tpu.memory_space<vmem>>, vector<800x128xf32>
    %mul3A_10 = arith.mulf %get3A_9, %mul3A : vector<800x128xf32>
    %swap3A = arith.constant 0 : index
    %swap3A_11 = arith.constant 0 : index
    %swap3A_12 = vector.load %arg3[%swap3A, %swap3A_11] : memref<800x128xf32, #tpu.memory_space<vmem>>, vector<800x128xf32>
    tpu.vector_store %arg3[%swap3A, %swap3A_11], %mul3A_10 {strides = array<i32>} : memref<800x128xf32, #tpu.memory_space<vmem>>, vector<800x128xf32>,
    %swap3A_13 = arith.constant 0 : index
    %swap3A_14 = arith.constant 0 : index
    %swap3A_15 = vector.load %arg4[%swap3A_13, %swap3A_14] : memref<800x128xf32, #tpu.memory_space<vmem>>, vector<800x128xf32>
    tpu.vector_store %arg4[%swap3A_13, %swap3A_14], %mul3A {strides = array<i32>} : memref<800x128xf32, #tpu.memory_space<vmem>>, vector<800x128xf32>,
    return
  }
}

module attributes {stable_mosaic.version = 14 : i64} {
  func.func @_fin_body(%arg0: memref<800x128xf32, #tpu.memory_space<vmem>>, %arg1: memref<800x128xf32, #tpu.memory_space<vmem>>, %arg2: memref<800x128xf32, #tpu.memory_space<vmem>>, %arg3: memref<800x128xf32, #tpu.memory_space<vmem>>, %arg4: memref<800x128xf32, #tpu.memory_space<vmem>>, %arg5: memref<800x128xf32, #tpu.memory_space<vmem>>, %arg6: memref<800x128xf32, #tpu.memory_space<vmem>>, %arg7: memref<800x128xf32, #tpu.memory_space<vmem>>, %arg8: memref<800x128xf32, #tpu.memory_space<vmem>>, %arg9: memref<800x128xf32, #tpu.memory_space<vmem>>, %arg10: memref<800x128xf32, #tpu.memory_space<vmem>>, %arg11: memref<800x128xf32, #tpu.memory_space<vmem>>, %arg12: memref<800x128xi32, #tpu.memory_space<vmem>>) attributes {dimension_semantics = [], scalar_prefetch = 0 : i64, scratch_operands = 0 : i64, tpu.core_type = #tpu.core_type<tc>} {
    %get3A = arith.constant 0 : index
    %get3A_0 = arith.constant 0 : index
    %get3A_1 = vector.load %arg0[%get3A, %get3A_0] : memref<800x128xf32, #tpu.memory_space<vmem>>, vector<800x128xf32>
    %get3A_2 = arith.constant 0 : index
    %get3A_3 = arith.constant 0 : index
    %get3A_4 = vector.load %arg1[%get3A_2, %get3A_3] : memref<800x128xf32, #tpu.memory_space<vmem>>, vector<800x128xf32>
    %gt3A = arith.constant 0.000000e+00 : f32
    %gt3A_5 = vector.broadcast %gt3A : f32 to vector<800x128xf32>
    %gt3A_6 = arith.cmpf ogt, %get3A_4, %gt3A_5 : vector<800x128xf32>
    %get3A_7 = arith.constant 0 : index
    %get3A_8 = arith.constant 0 : index
    %get3A_9 = vector.load %arg2[%get3A_7, %get3A_8] : memref<800x128xf32, #tpu.memory_space<vmem>>, vector<800x128xf32>
    %gt3A_10 = arith.constant 0.000000e+00 : f32
    %gt3A_11 = vector.broadcast %gt3A_10 : f32 to vector<800x128xf32>
    %gt3A_12 = arith.cmpf ogt, %get3A_9, %gt3A_11 : vector<800x128xf32>
    %and3A = arith.andi %gt3A_6, %gt3A_12 : vector<800x128xi1>
    %get3A_13 = arith.constant 0 : index
    %get3A_14 = arith.constant 0 : index
    %get3A_15 = vector.load %arg3[%get3A_13, %get3A_14] : memref<800x128xf32, #tpu.memory_space<vmem>>, vector<800x128xf32>
    %get3A_16 = arith.constant 0 : index
    %get3A_17 = arith.constant 0 : index
    %get3A_18 = vector.load %arg4[%get3A_16, %get3A_17] : memref<800x128xf32, #tpu.memory_space<vmem>>, vector<800x128xf32>
    %add3A = arith.addf %get3A_15, %get3A_18 : vector<800x128xf32>
    %get3A_19 = arith.constant 0 : index
    %get3A_20 = arith.constant 0 : index
    %get3A_21 = vector.load %arg5[%get3A_19, %get3A_20] : memref<800x128xf32, #tpu.memory_space<vmem>>, vector<800x128xf32>
    %get3A_22 = arith.constant 0 : index
    %get3A_23 = arith.constant 0 : index
    %get3A_24 = vector.load %arg6[%get3A_22, %get3A_23] : memref<800x128xf32, #tpu.memory_space<vmem>>, vector<800x128xf32>
    %add3A_25 = arith.addf %get3A_21, %get3A_24 : vector<800x128xf32>
    %gt3A_26 = arith.constant 0.000000e+00 : f32
    %gt3A_27 = vector.broadcast %gt3A_26 : f32 to vector<800x128xf32>
    %gt3A_28 = arith.cmpf ogt, %add3A_25, %gt3A_27 : vector<800x128xf32>
    %and3A_29 = arith.andi %and3A, %gt3A_28 : vector<800x128xi1>
    %max3A = arith.constant 1.000000e+00 : f32
    %max3A_30 = vector.broadcast %max3A : f32 to vector<800x128xf32>
    %max3A_31 = arith.maximumf %add3A_25, %max3A_30 : vector<800x128xf32>
    %div3A = arith.divf %add3A, %max3A_31 : vector<800x128xf32>
    %select_n3A = arith.select %and3A_29, %div3A, %get3A_1 : vector<800x128xi1>, vector<800x128xf32>
    %get3A_32 = arith.constant 0 : index
    %get3A_33 = arith.constant 0 : index
    %get3A_34 = vector.load %arg7[%get3A_32, %get3A_33] : memref<800x128xf32, #tpu.memory_space<vmem>>, vector<800x128xf32>
    %get3A_35 = arith.constant 0 : index
    %get3A_36 = arith.constant 0 : index
    %get3A_37 = vector.load %arg8[%get3A_35, %get3A_36] : memref<800x128xf32, #tpu.memory_space<vmem>>, vector<800x128xf32>
    %add3A_38 = arith.addf %get3A_34, %get3A_37 : vector<800x128xf32>
    %get3A_39 = arith.constant 0 : index
    %get3A_40 = arith.constant 0 : index
    %get3A_41 = vector.load %arg9[%get3A_39, %get3A_40] : memref<800x128xf32, #tpu.memory_space<vmem>>, vector<800x128xf32>
    %get3A_42 = arith.constant 0 : index
    %get3A_43 = arith.constant 0 : index
    %get3A_44 = vector.load %arg10[%get3A_42, %get3A_43] : memref<800x128xf32, #tpu.memory_space<vmem>>, vector<800x128xf32>
    %add3A_45 = arith.addf %get3A_41, %get3A_44 : vector<800x128xf32>
    %gt3A_46 = arith.constant 0.000000e+00 : f32
    %gt3A_47 = vector.broadcast %gt3A_46 : f32 to vector<800x128xf32>
    %gt3A_48 = arith.cmpf ogt, %add3A_45, %gt3A_47 : vector<800x128xf32>
    %and3A_49 = arith.andi %and3A, %gt3A_48 : vector<800x128xi1>
    %max3A_50 = arith.constant 1.000000e+00 : f32
    %max3A_51 = vector.broadcast %max3A_50 : f32 to vector<800x128xf32>
    %max3A_52 = arith.maximumf %add3A_45, %max3A_51 : vector<800x128xf32>
    %div3A_53 = arith.divf %add3A_38, %max3A_52 : vector<800x128xf32>
    %select_n3A_54 = arith.select %and3A_49, %div3A_53, %get3A_1 : vector<800x128xi1>, vector<800x128xf32>
    %abs3A = math.absf %select_n3A : vector<800x128xf32>
    %ne3A = arith.constant 0x7F800000 : f32
    %ne3A_55 = vector.broadcast %ne3A : f32 to vector<800x128xf32>
    %ne3A_56 = arith.cmpf one, %abs3A, %ne3A_55 : vector<800x128xf32>
    %abs3A_57 = math.absf %select_n3A_54 : vector<800x128xf32>
    %ne3A_58 = arith.constant 0x7F800000 : f32
    %ne3A_59 = vector.broadcast %ne3A_58 : f32 to vector<800x128xf32>
    %ne3A_60 = arith.cmpf one, %abs3A_57, %ne3A_59 : vector<800x128xf32>
    %and3A_61 = arith.andi %ne3A_56, %ne3A_60 : vector<800x128xi1>
    %and3A_62 = arith.andi %and3A_61, %gt3A_6 : vector<800x128xi1>
    %add3A_63 = arith.addf %select_n3A, %select_n3A_54 : vector<800x128xf32>
    %mul3A = arith.constant 5.000000e-01 : f32
    %mul3A_64 = vector.broadcast %mul3A : f32 to vector<800x128xf32>
    %mul3A_65 = arith.mulf %add3A_63, %mul3A_64 : vector<800x128xf32>
    %select_n3A_66 = arith.select %and3A_62, %mul3A_65, %get3A_1 : vector<800x128xi1>, vector<800x128xf32>
    %swap3A = arith.constant 0 : index
    %swap3A_67 = arith.constant 0 : index
    %swap3A_68 = vector.load %arg11[%swap3A, %swap3A_67] : memref<800x128xf32, #tpu.memory_space<vmem>>, vector<800x128xf32>
    tpu.vector_store %arg11[%swap3A, %swap3A_67], %select_n3A_66 {strides = array<i32>} : memref<800x128xf32, #tpu.memory_space<vmem>>, vector<800x128xf32>,
    %convert_element_type3A = arith.extui %and3A_62 : vector<800x128xi1> to vector<800x128xi32>
    %swap3A_69 = arith.constant 0 : index
    %swap3A_70 = arith.constant 0 : index
    %swap3A_71 = vector.load %arg12[%swap3A_69, %swap3A_70] : memref<800x128xi32, #tpu.memory_space<vmem>>, vector<800x128xi32>
    tpu.vector_store %arg12[%swap3A_69, %swap3A_70], %convert_element_type3A {strides = array<i32>} : memref<800x128xi32, #tpu.memory_space<vmem>>, vector<800x128xi32>,
    return
  }
}

</mosaic_0001>

<sc_bundles>
// kernel: kernel.5.cloned.1.call-start
scs
__scs_entry_jumppad:
0x0: {  	(pc) =	sbr.rel $0x88, $3  }
0x1: {  	(tag) =	ssettag $0x0;
	lr =	simm.s32 $0x1  }
0x2: {  	[smem:$0x3F9C] =	sst lr;
	_ =	strace $0xD0000000  }
0x3: {  	_ = 	snop  }
0x4: {  	_ = 	snop  }
0x5: {  	_ = 	snop  }
0x6: {  	_ = 	snop  }
0x7: {  	_ = 	snop  }
__scs_overlays_trampoline_lowered:
0x8: {  	[smem:$0x3FAB] =	sst s0  }
0x9: {  	[smem:$0x3FAC] =	sst s1  }
0xa: {  	[smem:$0x3FAD] =	sst s2  }
0xb: {  	[smem:$0x3FAE] =	sst s3  }
0xc: {  	[smem:$0x3FAF] =	sst s4  }
0xd: {  	[smem:$0x3FB0] =	sst s5  }
0xe: {  	[smem:$0x3FB1] =	sst s6  }
0xf: {  	[smem:$0x3FB2] =	sst s7  }
0x10: {  	[smem:$0x3FB3] =	sst s8  }
0x11: {  	[smem:$0x3FB4] =	sst s9;
	s0 =	simm.s32 @!p0 $0x0  }
0x12: {  	s1 =	sld [smem:$0x3F9A];
	s0 =	simm.s32 @p0 $0x1  }
0x13: {  	[smem:$0x3FB5] =	sst s0;
	s0 =	simm.s32 @!p1 $0x0  }
0x14: {  	s2 =	sld [smem:$0x3F99];
	s0 =	simm.s32 @p1 $0x1  }
0x15: {  	[smem:$0x3FB6] =	sst s0;
	s0 =	simm.s32 @!p2 $0x0  }
0x16: {  	s3 =	sld [smem:$0x3FDB];
	s0 =	simm.s32 @p2 $0x1  }
0x17: {  	s4 =	simm.s32 $0x1BF5;
	[smem:$0x3FB8] =	sst s0  }
0x18: {  	s0 =	sld [smem:$0x3F9B];
	_ =	swait.ge [sflag:s4], $0x0  }
0x19: {  	s7 =	sld [smem:$0x3F9C]  }
0x1a: {  	s8 =	sadd.s32 $0xFFFFE003, lr  }
0x1b: {  	s9 =	sadd.s32 $0xFFFFFEF7, lr;
	s5 =	simm.s32 $0xFFFFFFFF;
	p2 =	slt.u32 s8, $0xFFFFF086  }
0x1c: {  	p1 =	slt.u32 s9, $0xF7A;
	s5 =	simm.s32 @!p2 $0x0  }
0x1d: {  	s5 =	simm.s32 @p1 $0x1;
	p0 =	seq.s32 s7, s2  }
0x1e: {  	s7 =	smul.u32 @!p0 $0xF7A, s2;
	p2 =	seq.s32 @!p0 s5, $0x0  }
0x1f: {  	s9 =	smul.u32 $0xF7A, s1;
	s8 =	simm.s32 @!p0 $0x1BF5;
	p2 =	por !p2, p0  }
0x20: {  	[sflag:s8] =	ssyncset.s32 @!p0 $0xFFFFF086;
	s6 =	sadd.s32 @!p0 s3, s7;
	s7 =	simm.s32 @!p0 $0x108  }
0x21: {  	s3 =	sadd.s32 s3, s9;
	s6 =	sadd.s32 @!p0 $0x88, s6;
	s7 =	simm.s32 @p2 $0x1082  }
0x22: {  	[simem:s7], [sflag:s8] =	dma.local @!p0 [hbm:s6], $0xF7A  }
0x23: {  	s9 =	sor.u32 $0xD0000000, s2;
	s6 =	simm.s32 $0x108;
	_ =	swait.ge @!p0 [sflag:s8], $0x0  }
0x24: {  	s3 =	sadd.s32 $0x88, s3;
	s6 =	simm.s32 @!p1 $0x1082;
	[sflag:s4] =	ssyncset.s32 $0xFFFFF086  }
0x25: {  	[simem:s6], [sflag:s4] =	dma.local [hbm:s3], $0xF7A  }
0x26: {  	[smem:$0x3F9C] =	sst s1;
	(tag) =	ssettag s2;
	_ =	strace s9  }
0x27: {  	s1 =	sld [smem:$0x3FAC]  }
0x28: {  	s2 =	sld [smem:$0x3FAD]  }
0x29: {  	s4 =	sld [smem:$0x3FAF]  }
0x2a: {  	p0 =	seq.s32 s5, $0x0;
	s5 =	sld [smem:$0x3FB0]  }
0x2b: {  	s6 =	sld [smem:$0x3FB1]  }
0x2c: {  	s7 =	sld [smem:$0x3FB2]  }
0x2d: {  	s3 =	simm.s32 $0x108;
	s8 =	sld [smem:$0x3FB3]  }
0x2e: {  	s3 =	simm.s32 @!p0 $0x1082;
	s9 =	sld [smem:$0x3FB4]  }
0x2f: {  	lr =	sadd.s32 s0, s3;
	s0 =	sld [smem:$0x3FAB]  }
0x30: {  	s3 =	sld [smem:$0x3FAE]  }
0x31: {  	[smem:$0x3FB7] =	sst s10  }
0x32: {  	s10 =	sld [smem:$0x3FB5];
	_ =	sdelay $0x3  }
0x33: {  	p0 =	seq.s32 s10, $0x1;
	s10 =	sld [smem:$0x3FB7];
	_ =	sdelay $0x3  }
0x34: {  	[smem:$0x3FB7] =	sst s10  }
0x35: {  	s10 =	sld [smem:$0x3FB6];
	_ =	sdelay $0x3  }
0x36: {  	p1 =	seq.s32 s10, $0x1;
	s10 =	sld [smem:$0x3FB7];
	_ =	sdelay $0x3  }
0x37: {  	[smem:$0x3FB7] =	sst s10  }
0x38: {  	s10 =	sld [smem:$0x3FB8]  }
0x39: {  	_ = 	snop;
	(pc) =	sbr.ind lr, $3  }
0x3a: {  	_ = 	snop  }
0x3b: {  	_ = 	snop  }
0x3c: {  	p2 =	seq.s32 s10, $0x1;
	s10 =	sld [smem:$0x3FB7]  }
0x3d: {  	_ =	shalt  }
0x3e: {  	_ =	shalt  }
0x3f: {  	_ =	shalt  }
0x40: {  	_ =	shalt  }
0x41: {  	_ =	shalt  }
0x42: {  	_ =	shalt  }
0x43: {  	_ =	shalt  }
0x44: {  	_ =	shalt  }
0x45: {  	_ =	shalt  }
0x46: {  	_ =	shalt  }
0x47: {  	_ =	shalt  }
0x48: {  	_ =	shalt  }
0x49: {  	_ =	shalt  }
0x4a: {  	_ =	shalt  }
0x4b: {  	_ =	shalt  }
0x4c: {  	_ =	shalt  }
0x4d: {  	_ =	shalt  }
0x4e: {  	_ =	shalt  }
0x4f: {  	_ =	shalt  }
0x50: {  	_ =	shalt  }
0x51: {  	_ =	shalt  }
0x52: {  	_ =	shalt  }
0x53: {  	_ =	shalt  }
0x54: {  	_ =	shalt  }
0x55: {  	_ =	shalt  }
0x56: {  	_ =	shalt  }
0x57: {  	_ =	shalt  }
0x58: {  	_ =	shalt  }
0x59: {  	_ =	shalt  }
0x5a: {  	_ =	shalt  }
0x5b: {  	_ =	shalt  }
0x5c: {  	_ =	shalt  }
0x5d: {  	_ =	shalt  }
0x5e: {  	_ =	shalt  }
0x5f: {  	_ =	shalt  }
0x60: {  	_ =	shalt  }
0x61: {  	_ =	shalt  }
0x62: {  	_ =	shalt  }
0x63: {  	_ =	shalt  }
0x64: {  	_ =	shalt  }
0x65: {  	_ =	shalt  }
0x66: {  	_ =	shalt  }
0x67: {  	_ =	shalt  }
0x68: {  	_ =	shalt  }
0x69: {  	_ =	shalt  }
0x6a: {  	_ =	shalt  }
0x6b: {  	_ =	shalt  }
0x6c: {  	_ =	shalt  }
0x6d: {  	_ =	shalt  }
0x6e: {  	_ =	shalt  }
0x6f: {  	_ =	shalt  }
0x70: {  	_ =	shalt  }
0x71: {  	_ =	shalt  }
0x72: {  	_ =	shalt  }
0x73: {  	_ =	shalt  }
0x74: {  	_ =	shalt  }
0x75: {  	_ =	shalt  }
0x76: {  	_ =	shalt  }
0x77: {  	_ =	shalt  }
0x78: {  	_ =	shalt  }
0x79: {  	_ =	shalt  }
0x7a: {  	_ =	shalt  }
0x7b: {  	_ =	shalt  }
0x7c: {  	_ =	shalt  }
0x7d: {  	_ =	shalt  }
0x7e: {  	_ =	shalt  }
0x7f: {  	_ =	shalt  }
0x80: {  	_ =	shalt  }
0x81: {  	_ =	shalt  }
0x82: {  	_ =	shalt  }
0x83: {  	_ =	shalt  }
0x84: {  	_ =	shalt  }
0x85: {  	_ =	shalt  }
0x86: {  	_ =	shalt  }
0x87: {  	_ =	shalt  }
.Lfunc_end0:
.L_simem_size_0:
called_computation_lowered:
.L_overlay_start_0:
0x88: {  	s2 =	sld [smem:$0x3FD9]  }
0x89: {  	s3 =	sld [smem:$0x3FFE];
	_ =	sdelay $0x1  }
0x8a: {  	s1 =	srdreg.scid  }
0x8b: {  	s0 =	sand.u32 $0x1, s1  }
0x8c: {  	s14 =	sshll.u32 s0, $0xA;
	s2 =	sadd.s32 s3, s2  }
0x8d: {  	s2 =	sadd.s32 s2, s14  }
0x8e: {  	[smem:$0x3FC3] =	sst s2  }
0x8f: {  	_ = 	snop  }
0x90: {  	s2 =	sld [smem:$0x3FD0];
	_ =	sdelay $0x2  }
0x91: {  	s15 =	simm.s32 $0xA;
	s4 =	simm.s32 $0x10  }
0x92: {  	[smem:s4], [sflag:s15] =	dma.local [hbm:s2], $0x1  }
0x93: {  	_ =	swait.eq [sflag:s15], $0x1  }
0x94: {  	[sflag:s15] =	ssyncset.done $0x0  }
0x95: {  	[sflag:s15] =	ssyncadd.s32 $0xFFFFFFFF  }
0x96: {  	s16 =	sld [smem:$0x11];
	(tm) =	ssettm $0x1  }
0x97: {  	s17 =	sld [smem:$0x3FFB];
	_ =	sdelay $0x3  }
0x98: {  	_ =	strace s17  }
0x99: {  	s3 =	sld [smem:$0x3FFC];
	_ =	sdelay $0x3  }
0x9a: {  	_ =	strace s3  }
0x9b: {  	s3 =	sld [smem:$0x3FFD];
	_ =	sdelay $0x3  }
0x9c: {  	_ =	strace s3  }
0x9d: {  	_ =	strace $0x8FFFFFFF  }
0x9e: {  	s18 =	sld [smem:$0x3FDB];
	_ =	sdelay $0x1  }
0x9f: {  	s19 =	simm.s32 $_scs_section_size  }
0xa0: {  	s5 =	simm.s32 $_size__tile_overlayer_lowered;
	s6 =	simm.s32 $_tile_overlayer_lowered  }
0xa1: {  	s22 =	simm.s32 $0x1BFF;
	s21 =	sshll.u32 s6, $0x1;
	s3 =	sadd.s32 s19, s18  }
0xa2: {  	s7 =	simm.s32 $0x0;
	s20 =	sshll.u32 s5, $0x1;
	s5 =	sadd.s32 s21, s3  }
0xa3: {  	[timem:s7], [sflag:s22] =	dma.local [hbm:s5], s20  }
0xa4: {  	_ =	swait.ge [sflag:s22], s20  }
0xa5: {  	s4 =	ssub.s32 $0x0, s20;
	[sflag:s22] =	ssyncset.done $0x0  }
0xa6: {  	[sflag:s22] =	ssyncadd.s32 s4;
	_ =	sdelay $0x1  }
0xa7: {  	s23 =	simm.s32 $0x1B8B  }
0xa8: {  	_ =	swait.ge [sflag:s23], $0x1  }
0xa9: {  	[sflag:s23] =	ssyncset.done $0x0  }
0xaa: {  	s25 =	simm.s32 $0x1B8E;
	s24 =	sld [smem:$0x3FFE];
	[sflag:s23] =	ssyncadd.s32 $0xFFFFFFFF  }
0xab: {  	s26 =	simm.s32 $execute0_lowered;
	[smem:$0x3FD2] =	sst s25  }
0xac: {  	s5 =	sshll.u32 s26, $0x1;
	_ =	strace $0x80000046;
	[dreg:$0x1] =	wrdreg $0xFFFFFFFF  }
0xad: {  	s28 =	simm.s32 $_size_execute0_lowered;
	s3 =	sadd.s32 s3, s5;
	[dreg:$0x0] =	wrdreg $0x0  }
0xae: {  	s5 =	sshll.u32 s28, $0x1;
	[dreg:$0x2] =	wrdreg s3  }
0xaf: {  	[dreg:$0x3] =	wrdreg s5  }
0xb0: {  	[dreg:$0x4] =	wrdreg $0xC0  }
0xb1: {  	_ =	task [dreg:s7], $0x5FFFF  }
0xb2: {  	[dreg:$0x1] =	wrdreg $0xFFFFFFFF  }
0xb3: {  	[dreg:$0x0] =	wrdreg $0x60  }
0xb4: {  	[dreg:$0x2] =	wrdreg s24  }
0xb5: {  	[dreg:$0x3] =	wrdreg s16  }
0xb6: {  	[dreg:$0x4] =	wrdreg $0x0  }
0xb7: {  	[dreg:$0x5] =	wrdreg $0x19000  }
0xb8: {  	[dreg:$0x6] =	wrdreg $0x32000  }
0xb9: {  	[dreg:$0x7] =	wrdreg $0x4B000  }
0xba: {  	[dreg:$0x8] =	wrdreg $0x64000  }
0xbb: {  	[dreg:$0x9] =	wrdreg $0x7D000  }
0xbc: {  	[dreg:$0xa] =	wrdreg $0x9  }
0xbd: {  	_ =	task.clear_ibuf [dreg:s7], $0xBFFFF;
	_ =	strace $0x90000046  }
0xbe: {  	s29 =	simm.s32 $0x9;
	_ =	strace $0x80000048  }
0xbf: {  	_ =	swait.ge [sflag:s29], $0x1  }
0xc0: {  	[sflag:s29] =	ssyncadd.s32 $0xFFFFFFFF  }
0xc1: {  	_ =	strace $0x90000048  }
0xc2: {  	_ =	sfence  }
0xc3: {  	s30 =	sld [smem:$0x0];
	_ =	sdelay $0x2  }
0xc4: {  	s31 =	sshll.u32 s1, $0xD;
	s1 =	sshrl.u32 s1, $0x2  }
0xc5: {  	s3 =	sand.u32 $0x4000, s31;
	s1 =	sadd.s32 s1, s30  }
0xc6: {  	s0 =	sor.u32 s3, s0;
	s1 =	sshll.u32 s1, $0x11  }
0xc7: {  	s0 =	sor.u32 s1, s0  }
0xc8: {  	s0 =	sadd.s32 $0x8F2B, s0  }
0xc9: {  	[sflag:s0] =	ssyncadd.remote.s32 $0x1  }
0xca: {  	_ =	sfence.sel $0xFFFF  }
0xcb: {  	[dreg:$0x0] =	wrdreg $0xFFFFFFFF;
	(pc) =	sbr.abs _section_cstart, $3  }
0xcc: {  	[dreg:$0x1] =	wrdreg $0xFFFFFFFF  }
0xcd: {  	_ =	task.clear_ibuf [dreg:s7], $0x2FFFF;
	_ =	strace $0x9FFFFFFF  }
0xce: {  	(tm) =	ssettm $0x7FFFFFFF  }
0xcf: {  	_ =	shalt  }
tec
execute0_lowered:
.L_overlay_start_1:
0x0: {  	(tag) =	ssettag $0x1  }
0x1: {  	s0 =	rddreg [dreg:$0x0]  }
0x2: {  	s1 =	rddreg [dreg:$0x2]  }
0x3: {  	s3 =	rddreg [dreg:$0x3]  }
0x4: {  	s4 =	rddreg [dreg:$0x4]  }
0x5: {  	s5 =	rddreg [dreg:$0x5]  }
0x6: {  	s21 =	stileid.u32;
	s2 =	srdreg.scid  }
0x7: {  	s7 =	rddreg [dreg:$0x6];
	s6 =	sand.u32 $0x1, s2;
	s18 =	sshll.u32 s21, $0x1  }
0x8: {  	s8 =	rddreg [dreg:$0x7];
	s9 =	simm.s32 $0x0;
	s10 =	sor.u32 s6, s18  }
0x9: {  	[smem:$0x7FF] =	sst s9;
	s12 =	sadd.s32 $0xC5400, s0;
	s11 =	smul.u32 $0x32, s10  }
0xa: {  	s15 =	sadd.s32 $0x1E00, s0;
	s19 =	ssub.s32 $0x2, s6;
	s13 =	smul.u32 $0x61A8, s10  }
0xb: {  	s17 =	sadd.s32 $0x24C000, s0;
	s16 =	sshrl.u32 s19, $0x1;
	s10 =	smul.u32 $0x30D40, s10  }
0xc: {  	s2 =	ssub.s32 s19, s16;
	s16 =	smul.u32 $0xC350, s21;
	s14 =	sor.u32 $0x1, s11  }
0xd: {  	_ =	strace $0x80000047;
	s18 =	sadd.s32 s12, s13;
	s14 =	smul.u32 $0x1F4, s14  }
0xe: {  	s11 =	smin.u32 s11, $0x60D;
	[dreg:$0xd] =	wrdreg s18;
	s18 =	smul.u32 $0x61A8, s6  }
0xf: {  	s19 =	sadd.s32 s16, s12;
	s11 =	smul.u32 $0xFA0, s11;
	s20 =	sadd.s32 s12, s14  }
0x10: {  	s23 =	sadd.s32 s16, s17;
	s19 =	sadd.s32 s18, s19;
	[dreg:$0xe] =	wrdreg s20  }
0x11: {  	s10 =	sshrl.u32 s10, $0x3;
	s24 =	sadd.s32 s18, s23;
	[dreg:$0x9] =	wrdreg s19  }
0x12: {  	s11 =	sshrl.u32 s11, $0x3;
	s23 =	sadd.s32 s15, s14;
	[dreg:$0xb] =	wrdreg s24  }
0x13: {  	s20 =	sadd.s32 s16, s15;
	[dreg:$0x14] =	wrdreg s23;
	s23 =	sadd.s32 s17, s14  }
0x14: {  	s19 =	sadd.s32 $0x5DC, s10;
	s22 =	sadd.s32 s18, s20;
	[dreg:$0x1b] =	wrdreg s23  }
0x15: {  	s20 =	sadd.s32 $0x3E8, s10;
	s25 =	sadd.s32 s12, s19;
	[dreg:$0xa] =	wrdreg s22  }
0x16: {  	s10 =	sadd.s32 $0x5FB4, s10;
	s22 =	sadd.s32 s12, s20;
	[dreg:$0x10] =	wrdreg s25  }
0x17: {  	s11 =	sadd.s32 $0x61A8, s11;
	s26 =	sadd.s32 s12, s10;
	[dreg:$0xf] =	wrdreg s22  }
0x18: {  	s12 =	sadd.s32 s12, s11;
	[dreg:$0x11] =	wrdreg s26  }
0x19: {  	s24 =	sadd.s32 s15, s20;
	[dreg:$0x12] =	wrdreg s12  }
0x1a: {  	s25 =	sadd.s32 s15, s19;
	[dreg:$0x15] =	wrdreg s24  }
0x1b: {  	s22 =	sadd.s32 s15, s13;
	[dreg:$0x16] =	wrdreg s25  }
0x1c: {  	s26 =	sadd.s32 s15, s10;
	[dreg:$0x13] =	wrdreg s22  }
0x1d: {  	s15 =	sadd.s32 s15, s11;
	[dreg:$0x17] =	wrdreg s26  }
0x1e: {  	s25 =	sadd.s32 s17, s20;
	[dreg:$0x18] =	wrdreg s15  }
0x1f: {  	s12 =	sadd.s32 $0x188A00, s0;
	s22 =	sadd.s32 s17, s13;
	[dreg:$0x1d] =	wrdreg s25  }
0x20: {  	s13 =	sadd.s32 s12, s13;
	[dreg:$0x19] =	wrdreg s22  }
0x21: {  	s24 =	sadd.s32 s12, s14;
	[dreg:$0x1a] =	wrdreg s13  }
0x22: {  	s26 =	sadd.s32 s12, s20;
	[dreg:$0x1c] =	wrdreg s24  }
0x23: {  	s28 =	simm.s32 $0x1;
	s14 =	sadd.s32 s17, s19;
	[dreg:$0x1e] =	wrdreg s26  }
0x24: {  	s29 =	simm.s32 $0xA5A0;
	s15 =	sadd.s32 s12, s19;
	[dreg:$0x1f] =	wrdreg s14  }
0x25: {  	s30 =	simm.s32 $0xD480;
	s19 =	sadd.s32 s17, s10;
	[smem:$0x7EB] =	sst s15  }
0x26: {  	s31 =	simm.s32 $0xFA0;
	s10 =	sadd.s32 s12, s10;
	[smem:$0x7EC] =	sst s19  }
0x27: {  	s6 =	smul.u32 $0x32000, s6;
	s20 =	sadd.s32 s17, s11;
	[smem:$0x7ED] =	sst s10  }
0x28: {  	s13 =	smul.u32 $0x1900, s21;
	[smem:$0x7EE] =	sst s20;
	s21 =	sadd.s32 s12, s11  }
0x29: {  	s22 =	sadd.s32 s16, s12;
	s24 =	sadd.s32 $0x315A00, s0;
	s19 =	simm.s32 $0x0  }
0x2a: {  	[smem:$0x7EF] =	sst s21;
	s10 =	sadd.s32 s18, s22;
	s18 =	smax.u32 s2, $0x1  }
0x2b: {  	s2 =	simm.s32 $0x122A0;
	s22 =	simm.s32 $0x5;
	[smem:$0x7FA] =	sst s19  }
0x2c: {  	s6 =	sadd.s32 s13, s6;
	s23 =	sshrl.u32 s13, $0x3;
	[dreg:$0xc] =	wrdreg s10  }
0x2d: {  	s15 =	sadd.s32 s13, s1;
	s16 =	sadd.s32 s13, s3;
	[smem:$0x7F9] =	sst s18  }
0x2e: {  	s20 =	sadd.s32 s13, s4;
	s17 =	sadd.s32 s13, s5;
	[smem:$0x7F6] =	sst s15  }
0x2f: {  	s21 =	sadd.s32 s13, s7;
	s10 =	simm.s32 $0xB540;
	[smem:$0x7F7] =	sst s16  }
0x30: {  	s6 =	sshrl.u32 s6, $0x3;
	s11 =	sadd.s32 s23, s0;
	[smem:$0x7F8] =	sst s17  }
0x31: {  	s0 =	sadd.s32 $0x322200, s0;
	s23 =	sadd.s32 s13, s8;
	[smem:$0x7FB] =	sst s20  }
0x32: {  	s13 =	simm.s32 $0x13240;
	s15 =	simm.s32 $0x11300;
	[smem:$0x7FC] =	sst s21  }
0x33: {  	s16 =	simm.s32 $0x141E0;
	s26 =	sadd.s32 s24, s6;
	[smem:$0x7FD] =	sst s23  }
0x34: {  	s25 =	sadd.s32 $0x3200, s6;
	s6 =	sadd.s32 s0, s6;
	[smem:$0x7F0] =	sst s26  }
0x35: {  	s17 =	simm.s32 $0x4;
	s14 =	sadd.s32 $0x312800, s11;
	[smem:$0x7F2] =	sst s6  }
0x36: {  	s12 =	sadd.s32 s24, s25;
	s0 =	sadd.s32 s0, s25;
	[smem:$0x7F5] =	sst s14  }
0x37: {  	s24 =	simm.s32 $0x15180;
	s25 =	simm.s32 $0x9600;
	s26 =	simm.s32 $0xC4E0  }
0x38: {  	s6 =	simm.s32 $0xF3C0;
	s14 =	simm.s32 $0x3;
	[smem:$0x7F1] =	sst s12  }
0x39: {  	[smem:$0x7F3] =	sst s0;
	s12 =	sadd.s32 $0x30F600, s11;
	s0 =	simm.s32 $0x2  }
0x3a: {  	s11 =	simm.s32 $0xE420;
	[smem:$0x7F4] =	sst s12;
	s12 =	simm.s32 $0x10360  }
.LBB2_1:
0x3b: {  	s18 =	sld [smem:$0x7F4];
	_ =	sdelay $0x1  }
0x3c: {  	s19 =	simm.s32 $0x6  }
0x3d: {  	[tilespmem:s24], [sflag:$0x6] =	stream.linear.gather [hbm4b:s18+s9], $0x1900, $0x38;
	[tilespmem:$0x16A80] =	vst v63  }
0x3e: {  	_ =	swait.ge [sflag:s19], $0x1900  }
0x3f: {  	s18 =	sld [smem:$0x7F6]  }
0x40: {  	[sflag:s19] =	ssyncset.done $0x0  }
0x41: {  	[sflag:s19] =	ssyncadd.s32 $0xFFFFE700  }
0x42: {  	[spmem:s18] =	stream.linear.scatter [tilespmem:s24], [sflag:$0x6], $0x1900, $0x38;
	[tilespmem:$0x16A80] =	vst v63  }
0x43: {  	_ =	swait.ge [sflag:s19], $0x1900  }
0x44: {  	s18 =	sld [smem:$0x7F5]  }
0x45: {  	[sflag:s19] =	ssyncset.done $0x0  }
0x46: {  	[sflag:s19] =	ssyncadd.s32 $0xFFFFE700  }
0x47: {  	[tilespmem:s24], [sflag:$0x6] =	stream.linear.gather [hbm4b:s18+s9], $0x1900, $0x38;
	[tilespmem:$0x16A80] =	vst v63  }
0x48: {  	_ =	swait.ge [sflag:s19], $0x1900  }
0x49: {  	s18 =	sld [smem:$0x7F7]  }
0x4a: {  	[sflag:s19] =	ssyncset.done $0x0  }
0x4b: {  	[sflag:s19] =	ssyncadd.s32 $0xFFFFE700  }
0x4c: {  	[spmem:s18] =	stream.linear.scatter [tilespmem:s24], [sflag:$0x6], $0x1900, $0x38;
	[tilespmem:$0x16A80] =	vst v63  }
0x4d: {  	_ =	swait.ge [sflag:s19], $0x1900  }
0x4e: {  	[sflag:s19] =	ssyncset.done $0x0  }
0x4f: {  	[sflag:s19] =	ssyncadd.s32 $0xFFFFE700  }
0x50: {  	s18 =	rddreg [dreg:$0x1]  }
0x51: {  	[tilespmem:s24], [sflag:$0x6] =	stream.linear.gather [hbm4b:s18+s9], $0x1900, $0x38;
	[tilespmem:$0x16A80] =	vst v63  }
0x52: {  	_ =	swait.ge [sflag:s19], $0x1900  }
0x53: {  	[sflag:s19] =	ssyncset.done $0x0  }
0x54: {  	[sflag:s19] =	ssyncadd.s32 $0xFFFFE700  }
0x55: {  	[spmem:s20] =	stream.linear.scatter [tilespmem:s24], [sflag:$0x6], $0x1900, $0x38;
	[tilespmem:$0x16A80] =	vst v63  }
0x56: {  	_ =	swait.ge [sflag:s19], $0x1900  }
0x57: {  	s20 =	sld [smem:$0x7F8]  }
0x58: {  	[sflag:s19] =	ssyncset.done $0x0  }
0x59: {  	[sflag:s19] =	ssyncadd.s32 $0xFFFFE700  }
0x5a: {  	[spmem:s20] =	stream.linear.scatter [tilespmem:s24], [sflag:$0x6], $0x1900, $0x38;
	[tilespmem:$0x16A80] =	vst v63  }
0x5b: {  	_ =	swait.ge [sflag:s19], $0x1900  }
0x5c: {  	[sflag:s19] =	ssyncset.done $0x0  }
0x5d: {  	[sflag:s19] =	ssyncadd.s32 $0xFFFFE700  }
0x5e: {  	[spmem:s21] =	stream.linear.scatter [tilespmem:s24], [sflag:$0x6], $0x1900, $0x38;
	[tilespmem:$0x16A80] =	vst v63  }
0x5f: {  	_ =	swait.ge [sflag:s19], $0x1900  }
0x60: {  	[sflag:s19] =	ssyncset.done $0x0  }
0x61: {  	[sflag:s19] =	ssyncadd.s32 $0xFFFFE700  }
0x62: {  	[spmem:s23] =	stream.linear.scatter [tilespmem:s24], [sflag:$0x6], $0x1900, $0x38;
	[tilespmem:$0x16A80] =	vst v63  }
0x63: {  	_ =	swait.ge [sflag:s19], $0x1900  }
0x64: {  	[sflag:s19] =	ssyncset.done $0x0  }
0x65: {  	[sflag:s19] =	ssyncadd.s32 $0xFFFFE700  }
0x66: {  	[bflag:$0x0] =	sbarrier.arrive $0xFFFF  }
0x67: {  	s23 =	rddreg [dreg:$0xd]  }
0x68: {  	[tilespmem:s25], [sflag:$0x1] =	stream.linear.gather [hbm4b:s23+s9], $0xFA0, $0x38;
	[tilespmem:$0x16A80] =	vst v63  }
0x69: {  	s24 =	rddreg [dreg:$0x13]  }
0x6a: {  	[tilespmem:s26], [sflag:$0x1] =	stream.linear.gather [hbm4b:s24+s9], $0xFA0, $0x38;
	[tilespmem:$0x16A80] =	vst v63  }
0x6b: {  	_ =	swait.ge [sflag:s28], $0xFA0  }
0x6c: {  	[sflag:s28] =	ssyncset.done $0x0  }
0x6d: {  	[sflag:s28] =	ssyncadd.s32 $0xFFFFF060  }
0x6e: {  	_ =	swait.ge [sflag:s28], $0xFA0  }
0x6f: {  	[sflag:s28] =	ssyncset.done $0x0  }
0x70: {  	s19 =	rddreg [dreg:$0xe];
	[sflag:s28] =	ssyncadd.s32 $0xFFFFF060  }
0x71: {  	[tilespmem:s29], [sflag:$0x1] =	stream.linear.gather [hbm4b:s19+s9], $0xFA0, $0x38;
	[tilespmem:$0x16A80] =	vst v63  }
0x72: {  	s20 =	rddreg [dreg:$0x14]  }
0x73: {  	[tilespmem:s30], [sflag:$0x1] =	stream.linear.gather [hbm4b:s20+s9], $0xFA0, $0x38;
	[tilespmem:$0x16A80] =	vst v63  }
0x74: {  	_ = 	snop  }
0x75: {  	[tilespmem:s6], [sflag:$0x2] =	stream.indirect.gather [spmem:s1], $0x1, s25, s31, $0xb8;
	[tilespmem:$0x16A80] =	vst v63  }
0x76: {  	_ = 	snop  }
0x77: {  	[tilespmem:s2], [sflag:$0x2] =	stream.indirect.gather [spmem:s3], $0x1, s25, s31, $0xb8;
	[tilespmem:$0x16A80] =	vst v63  }
0x78: {  	_ =	swait.ge [sflag:s0], $0xFA0  }
0x79: {  	[sflag:s0] =	ssyncset.done $0x0  }
0x7a: {  	[sflag:s0] =	ssyncadd.s32 $0xFFFFF060  }
0x7b: {  	_ =	swait.ge [sflag:s0], $0xFA0  }
0x7c: {  	[sflag:s0] =	ssyncset.done $0x0  }
0x7d: {  	[sflag:s0] =	ssyncadd.s32 $0xFFFFF060  }
0x7e: {  	[spmem:s4] =	stream.indirect.scatter.add.f32 [tilespmem:s6], [sflag:$0x3], $0x1, s26, s31, $0xb8;
	[tilespmem:$0x16A80] =	vst v63  }
0x7f: {  	_ = 	snop  }
0x80: {  	[spmem:s5] =	stream.indirect.scatter.add.f32 [tilespmem:s2], [sflag:$0x3], $0x1, s26, s31, $0xb8;
	[tilespmem:$0x16A80] =	vst v63  }
0x81: {  	_ =	swait.ge [sflag:s28], $0xFA0  }
0x82: {  	[sflag:s28] =	ssyncset.done $0x0  }
0x83: {  	[sflag:s28] =	ssyncadd.s32 $0xFFFFF060  }
0x84: {  	_ =	swait.ge [sflag:s28], $0xFA0  }
0x85: {  	[sflag:s28] =	ssyncset.done $0x0  }
0x86: {  	s21 =	rddreg [dreg:$0xf];
	[sflag:s28] =	ssyncadd.s32 $0xFFFFF060  }
0x87: {  	[tilespmem:s10], [sflag:$0x1] =	stream.linear.gather [hbm4b:s21+s9], $0xFA0, $0x38;
	[tilespmem:$0x16A80] =	vst v63  }
0x88: {  	s23 =	rddreg [dreg:$0x15]  }
0x89: {  	[tilespmem:s11], [sflag:$0x1] =	stream.linear.gather [hbm4b:s23+s9], $0xFA0, $0x38;
	[tilespmem:$0x16A80] =	vst v63  }
0x8a: {  	_ = 	snop  }
0x8b: {  	[tilespmem:s12], [sflag:$0x2] =	stream.indirect.gather [spmem:s1], $0x1, s29, s31, $0xb8;
	[tilespmem:$0x16A80] =	vst v63  }
0x8c: {  	_ = 	snop  }
0x8d: {  	[tilespmem:s13], [sflag:$0x2] =	stream.indirect.gather [spmem:s3], $0x1, s29, s31, $0xb8;
	[tilespmem:$0x16A80] =	vst v63  }
0x8e: {  	_ =	swait.ge [sflag:s0], $0xFA0  }
0x8f: {  	[sflag:s0] =	ssyncset.done $0x0  }
0x90: {  	[sflag:s0] =	ssyncadd.s32 $0xFFFFF060  }
0x91: {  	_ =	swait.ge [sflag:s0], $0xFA0  }
0x92: {  	[sflag:s0] =	ssyncset.done $0x0  }
0x93: {  	[sflag:s0] =	ssyncadd.s32 $0xFFFFF060  }
0x94: {  	[spmem:s4] =	stream.indirect.scatter.add.f32 [tilespmem:s12], [sflag:$0x4], $0x1, s30, s31, $0xb8;
	[tilespmem:$0x16A80] =	vst v63  }
0x95: {  	_ = 	snop  }
0x96: {  	[spmem:s5] =	stream.indirect.scatter.add.f32 [tilespmem:s13], [sflag:$0x4], $0x1, s30, s31, $0xb8;
	[tilespmem:$0x16A80] =	vst v63  }
0x97: {  	_ =	swait.ge [sflag:s28], $0xFA0  }
0x98: {  	[sflag:s28] =	ssyncset.done $0x0  }
0x99: {  	[sflag:s28] =	ssyncadd.s32 $0xFFFFF060  }
0x9a: {  	_ =	swait.ge [sflag:s28], $0xFA0  }
0x9b: {  	[sflag:s28] =	ssyncset.done $0x0  }
0x9c: {  	[sflag:s28] =	ssyncadd.s32 $0xFFFFF060  }
0x9d: {  	_ =	swait.ge [sflag:s14], $0xFA0  }
0x9e: {  	[sflag:s14] =	ssyncset.done $0x0  }
0x9f: {  	[sflag:s14] =	ssyncadd.s32 $0xFFFFF060  }
0xa0: {  	_ =	swait.ge [sflag:s14], $0xFA0  }
0xa1: {  	[sflag:s14] =	ssyncset.done $0x0  }
0xa2: {  	s24 =	rddreg [dreg:$0x10];
	[sflag:s14] =	ssyncadd.s32 $0xFFFFF060  }
0xa3: {  	[tilespmem:s25], [sflag:$0x1] =	stream.linear.gather [hbm4b:s24+s9], $0xFA0, $0x38;
	[tilespmem:$0x16A80] =	vst v63  }
0xa4: {  	s19 =	rddreg [dreg:$0x16]  }
0xa5: {  	[tilespmem:s26], [sflag:$0x1] =	stream.linear.gather [hbm4b:s19+s9], $0xFA0, $0x38;
	[tilespmem:$0x16A80] =	vst v63  }
0xa6: {  	_ = 	snop  }
0xa7: {  	[tilespmem:s15], [sflag:$0x2] =	stream.indirect.gather [spmem:s1], $0x1, s10, s31, $0xb8;
	[tilespmem:$0x16A80] =	vst v63  }
0xa8: {  	_ = 	snop  }
0xa9: {  	[tilespmem:s16], [sflag:$0x2] =	stream.indirect.gather [spmem:s3], $0x1, s10, s31, $0xb8;
	[tilespmem:$0x16A80] =	vst v63  }
0xaa: {  	_ =	swait.ge [sflag:s0], $0xFA0  }
0xab: {  	[sflag:s0] =	ssyncset.done $0x0  }
0xac: {  	[sflag:s0] =	ssyncadd.s32 $0xFFFFF060  }
0xad: {  	_ =	swait.ge [sflag:s0], $0xFA0  }
0xae: {  	[sflag:s0] =	ssyncset.done $0x0  }
0xaf: {  	[sflag:s0] =	ssyncadd.s32 $0xFFFFF060  }
0xb0: {  	[spmem:s4] =	stream.indirect.scatter.add.f32 [tilespmem:s15], [sflag:$0x5], $0x1, s11, s31, $0xb8;
	[tilespmem:$0x16A80] =	vst v63  }
0xb1: {  	_ = 	snop  }
0xb2: {  	[spmem:s5] =	stream.indirect.scatter.add.f32 [tilespmem:s16], [sflag:$0x5], $0x1, s11, s31, $0xb8;
	[tilespmem:$0x16A80] =	vst v63  }
0xb3: {  	_ =	swait.ge [sflag:s28], $0xFA0  }
0xb4: {  	[sflag:s28] =	ssyncset.done $0x0  }
0xb5: {  	[sflag:s28] =	ssyncadd.s32 $0xFFFFF060  }
0xb6: {  	_ =	swait.ge [sflag:s28], $0xFA0  }
0xb7: {  	[sflag:s28] =	ssyncset.done $0x0  }
0xb8: {  	[sflag:s28] =	ssyncadd.s32 $0xFFFFF060  }
0xb9: {  	_ =	swait.ge [sflag:s17], $0xFA0  }
0xba: {  	[sflag:s17] =	ssyncset.done $0x0  }
0xbb: {  	[sflag:s17] =	ssyncadd.s32 $0xFFFFF060  }
0xbc: {  	_ =	swait.ge [sflag:s17], $0xFA0  }
0xbd: {  	s20 =	rddreg [dreg:$0x9]  }
0xbe: {  	s21 =	rddreg [dreg:$0xa];
	[sflag:s17] =	ssyncset.done $0x0;
	s19 =	sadd.s32 $0x0, s20  }
0xbf: {  	[sflag:s17] =	ssyncadd.s32 $0xFFFFF060;
	s20 =	sadd.s32 $0x0, s21;
	s23 =	sadd.s32 $0x7D0, s19  }
0xc0: {  	[tilespmem:s29], [sflag:$0x1] =	stream.linear.gather [hbm4b:s23+s9], $0xFA0, $0x38;
	[tilespmem:$0x16A80] =	vst v63  }
0xc1: {  	s24 =	sadd.s32 $0x7D0, s20  }
0xc2: {  	[tilespmem:s30], [sflag:$0x1] =	stream.linear.gather [hbm4b:s24+s9], $0xFA0, $0x38;
	[tilespmem:$0x16A80] =	vst v63  }
0xc3: {  	_ = 	snop  }
0xc4: {  	[tilespmem:s6], [sflag:$0x2] =	stream.indirect.gather [spmem:s1], $0x1, s25, s31, $0xb8;
	[tilespmem:$0x16A80] =	vst v63  }
0xc5: {  	_ = 	snop  }
0xc6: {  	[tilespmem:s2], [sflag:$0x2] =	stream.indirect.gather [spmem:s3], $0x1, s25, s31, $0xb8;
	[tilespmem:$0x16A80] =	vst v63  }
0xc7: {  	_ =	swait.ge [sflag:s0], $0xFA0  }
0xc8: {  	[sflag:s0] =	ssyncset.done $0x0  }
0xc9: {  	[sflag:s0] =	ssyncadd.s32 $0xFFFFF060  }
0xca: {  	_ =	swait.ge [sflag:s0], $0xFA0  }
0xcb: {  	[sflag:s0] =	ssyncset.done $0x0  }
0xcc: {  	[sflag:s0] =	ssyncadd.s32 $0xFFFFF060  }
0xcd: {  	[spmem:s4] =	stream.indirect.scatter.add.f32 [tilespmem:s6], [sflag:$0x3], $0x1, s26, s31, $0xb8;
	[tilespmem:$0x16A80] =	vst v63  }
0xce: {  	_ = 	snop  }
0xcf: {  	[spmem:s5] =	stream.indirect.scatter.add.f32 [tilespmem:s2], [sflag:$0x3], $0x1, s26, s31, $0xb8;
	[tilespmem:$0x16A80] =	vst v63  }
0xd0: {  	_ =	swait.ge [sflag:s28], $0xFA0  }
0xd1: {  	[sflag:s28] =	ssyncset.done $0x0  }
0xd2: {  	[sflag:s28] =	ssyncadd.s32 $0xFFFFF060  }
0xd3: {  	_ =	swait.ge [sflag:s28], $0xFA0  }
0xd4: {  	[sflag:s28] =	ssyncset.done $0x0  }
0xd5: {  	[sflag:s28] =	ssyncadd.s32 $0xFFFFF060  }
0xd6: {  	_ =	swait.ge [sflag:s22], $0xFA0  }
0xd7: {  	[sflag:s22] =	ssyncset.done $0x0  }
0xd8: {  	[sflag:s22] =	ssyncadd.s32 $0xFFFFF060  }
0xd9: {  	_ =	swait.ge [sflag:s22], $0xFA0  }
0xda: {  	[sflag:s22] =	ssyncset.done $0x0  }
0xdb: {  	s18 =	sadd.s32 $0x9C4, s19;
	[sflag:s22] =	ssyncadd.s32 $0xFFFFF060  }
0xdc: {  	[tilespmem:s10], [sflag:$0x1] =	stream.linear.gather [hbm4b:s18+s9], $0xFA0, $0x38;
	[tilespmem:$0x16A80] =	vst v63  }
0xdd: {  	s23 =	sadd.s32 $0x9C4, s20  }
0xde: {  	[tilespmem:s11], [sflag:$0x1] =	stream.linear.gather [hbm4b:s23+s9], $0xFA0, $0x38;
	[tilespmem:$0x16A80] =	vst v63  }
0xdf: {  	_ = 	snop  }
0xe0: {  	[tilespmem:s12], [sflag:$0x2] =	stream.indirect.gather [spmem:s1], $0x1, s29, s31, $0xb8;
	[tilespmem:$0x16A80] =	vst v63  }
0xe1: {  	_ = 	snop  }
0xe2: {  	[tilespmem:s13], [sflag:$0x2] =	stream.indirect.gather [spmem:s3], $0x1, s29, s31, $0xb8;
	[tilespmem:$0x16A80] =	vst v63  }
0xe3: {  	_ =	swait.ge [sflag:s0], $0xFA0  }
0xe4: {  	[sflag:s0] =	ssyncset.done $0x0  }
0xe5: {  	[sflag:s0] =	ssyncadd.s32 $0xFFFFF060  }
0xe6: {  	_ =	swait.ge [sflag:s0], $0xFA0  }
0xe7: {  	[sflag:s0] =	ssyncset.done $0x0  }
0xe8: {  	[sflag:s0] =	ssyncadd.s32 $0xFFFFF060  }
0xe9: {  	[spmem:s4] =	stream.indirect.scatter.add.f32 [tilespmem:s12], [sflag:$0x4], $0x1, s30, s31, $0xb8;
	[tilespmem:$0x16A80] =	vst v63  }
0xea: {  	_ = 	snop  }
0xeb: {  	[spmem:s5] =	stream.indirect.scatter.add.f32 [tilespmem:s13], [sflag:$0x4], $0x1, s30, s31, $0xb8;
	[tilespmem:$0x16A80] =	vst v63  }
0xec: {  	_ =	swait.ge [sflag:s28], $0xFA0  }
0xed: {  	[sflag:s28] =	ssyncset.done $0x0  }
0xee: {  	[sflag:s28] =	ssyncadd.s32 $0xFFFFF060  }
0xef: {  	_ =	swait.ge [sflag:s28], $0xFA0  }
0xf0: {  	[sflag:s28] =	ssyncset.done $0x0  }
0xf1: {  	[sflag:s28] =	ssyncadd.s32 $0xFFFFF060  }
0xf2: {  	_ =	swait.ge [sflag:s14], $0xFA0  }
0xf3: {  	[sflag:s14] =	ssyncset.done $0x0  }
0xf4: {  	[sflag:s14] =	ssyncadd.s32 $0xFFFFF060  }
0xf5: {  	_ =	swait.ge [sflag:s14], $0xFA0  }
0xf6: {  	[sflag:s14] =	ssyncset.done $0x0  }
0xf7: {  	s19 =	sadd.s32 $0xBB8, s19;
	[sflag:s14] =	ssyncadd.s32 $0xFFFFF060  }
0xf8: {  	[tilespmem:s25], [sflag:$0x1] =	stream.linear.gather [hbm4b:s19+s9], $0xFA0, $0x38;
	[tilespmem:$0x16A80] =	vst v63  }
0xf9: {  	s24 =	sadd.s32 $0xBB8, s20  }
0xfa: {  	[tilespmem:s26], [sflag:$0x1] =	stream.linear.gather [hbm4b:s24+s9], $0xFA0, $0x38;
	[tilespmem:$0x16A80] =	vst v63  }
0xfb: {  	_ = 	snop  }
0xfc: {  	[tilespmem:s15], [sflag:$0x2] =	stream.indirect.gather [spmem:s1], $0x1, s10, s31, $0xb8;
	[tilespmem:$0x16A80] =	vst v63  }
0xfd: {  	_ = 	snop  }
0xfe: {  	[tilespmem:s16], [sflag:$0x2] =	stream.indirect.gather [spmem:s3], $0x1, s10, s31, $0xb8;
	[tilespmem:$0x16A80] =	vst v63  }
0xff: {  	_ =	swait.ge [sflag:s0], $0xFA0  }
0x100: {  	[sflag:s0] =	ssyncset.done $0x0  }
0x101: {  	[sflag:s0] =	ssyncadd.s32 $0xFFFFF060  }
0x102: {  	_ =	swait.ge [sflag:s0], $0xFA0  }
0x103: {  	[sflag:s0] =	ssyncset.done $0x0  }
0x104: {  	s19 =	simm.s32 $0x5DC;
	[sflag:s0] =	ssyncadd.s32 $0xFFFFF060  }
0x105: {  	[spmem:s4] =	stream.indirect.scatter.add.f32 [tilespmem:s15], [sflag:$0x5], $0x1, s11, s31, $0xb8;
	[tilespmem:$0x16A80] =	vst v63  }
.LBB2_2:
0x106: {  	[spmem:s5] =	stream.indirect.scatter.add.f32 [tilespmem:s16], [sflag:$0x5], $0x1, s11, s31, $0xb8;
	[tilespmem:$0x16A80] =	vst v63  }
0x107: {  	_ =	swait.ge [sflag:s28], $0xFA0  }
0x108: {  	[sflag:s28] =	ssyncset.done $0x0  }
0x109: {  	[sflag:s28] =	ssyncadd.s32 $0xFFFFF060  }
0x10a: {  	_ =	swait.ge [sflag:s28], $0xFA0  }
0x10b: {  	[sflag:s28] =	ssyncset.done $0x0  }
0x10c: {  	[sflag:s28] =	ssyncadd.s32 $0xFFFFF060  }
0x10d: {  	_ =	swait.ge [sflag:s17], $0xFA0  }
0x10e: {  	[sflag:s17] =	ssyncset.done $0x0  }
0x10f: {  	[sflag:s17] =	ssyncadd.s32 $0xFFFFF060  }
0x110: {  	_ =	swait.ge [sflag:s17], $0xFA0  }
0x111: {  	s21 =	smov.u32 s19;
	s20 =	rddreg [dreg:$0x9]  }
0x112: {  	s18 =	rddreg [dreg:$0xa];
	[sflag:s17] =	ssyncset.done $0x0;
	s20 =	sadd.s32 s21, s20  }
0x113: {  	[sflag:s17] =	ssyncadd.s32 $0xFFFFF060;
	s21 =	sadd.s32 s21, s18;
	s23 =	sadd.s32 $0x7D0, s20  }
0x114: {  	[tilespmem:s29], [sflag:$0x1] =	stream.linear.gather [hbm4b:s23+s9], $0xFA0, $0x38;
	[tilespmem:$0x16A80] =	vst v63  }
0x115: {  	s18 =	sadd.s32 $0x7D0, s21  }
0x116: {  	[tilespmem:s30], [sflag:$0x1] =	stream.linear.gather [hbm4b:s18+s9], $0xFA0, $0x38;
	[tilespmem:$0x16A80] =	vst v63  }
0x117: {  	_ = 	snop  }
0x118: {  	[tilespmem:s6], [sflag:$0x2] =	stream.indirect.gather [spmem:s1], $0x1, s25, s31, $0xb8;
	[tilespmem:$0x16A80] =	vst v63  }
0x119: {  	_ = 	snop  }
0x11a: {  	[tilespmem:s2], [sflag:$0x2] =	stream.indirect.gather [spmem:s3], $0x1, s25, s31, $0xb8;
	[tilespmem:$0x16A80] =	vst v63  }
0x11b: {  	_ =	swait.ge [sflag:s0], $0xFA0  }
0x11c: {  	[sflag:s0] =	ssyncset.done $0x0  }
0x11d: {  	[sflag:s0] =	ssyncadd.s32 $0xFFFFF060  }
0x11e: {  	_ =	swait.ge [sflag:s0], $0xFA0  }
0x11f: {  	[sflag:s0] =	ssyncset.done $0x0  }
0x120: {  	[sflag:s0] =	ssyncadd.s32 $0xFFFFF060  }
0x121: {  	[spmem:s4] =	stream.indirect.scatter.add.f32 [tilespmem:s6], [sflag:$0x3], $0x1, s26, s31, $0xb8;
	[tilespmem:$0x16A80] =	vst v63  }
0x122: {  	_ = 	snop  }
0x123: {  	[spmem:s5] =	stream.indirect.scatter.add.f32 [tilespmem:s2], [sflag:$0x3], $0x1, s26, s31, $0xb8;
	[tilespmem:$0x16A80] =	vst v63  }
0x124: {  	_ =	swait.ge [sflag:s28], $0xFA0  }
0x125: {  	[sflag:s28] =	ssyncset.done $0x0  }
0x126: {  	[sflag:s28] =	ssyncadd.s32 $0xFFFFF060  }
0x127: {  	_ =	swait.ge [sflag:s28], $0xFA0  }
0x128: {  	[sflag:s28] =	ssyncset.done $0x0  }
0x129: {  	[sflag:s28] =	ssyncadd.s32 $0xFFFFF060  }
0x12a: {  	_ =	swait.ge [sflag:s22], $0xFA0  }
0x12b: {  	[sflag:s22] =	ssyncset.done $0x0  }
0x12c: {  	[sflag:s22] =	ssyncadd.s32 $0xFFFFF060  }
0x12d: {  	_ =	swait.ge [sflag:s22], $0xFA0  }
0x12e: {  	[sflag:s22] =	ssyncset.done $0x0  }
0x12f: {  	s23 =	sadd.s32 $0x9C4, s20;
	[sflag:s22] =	ssyncadd.s32 $0xFFFFF060  }
0x130: {  	[tilespmem:s10], [sflag:$0x1] =	stream.linear.gather [hbm4b:s23+s9], $0xFA0, $0x38;
	[tilespmem:$0x16A80] =	vst v63  }
0x131: {  	s24 =	sadd.s32 $0x9C4, s21  }
0x132: {  	[tilespmem:s11], [sflag:$0x1] =	stream.linear.gather [hbm4b:s24+s9], $0xFA0, $0x38;
	[tilespmem:$0x16A80] =	vst v63  }
0x133: {  	_ = 	snop  }
0x134: {  	[tilespmem:s12], [sflag:$0x2] =	stream.indirect.gather [spmem:s1], $0x1, s29, s31, $0xb8;
	[tilespmem:$0x16A80] =	vst v63  }
0x135: {  	_ = 	snop  }
0x136: {  	[tilespmem:s13], [sflag:$0x2] =	stream.indirect.gather [spmem:s3], $0x1, s29, s31, $0xb8;
	[tilespmem:$0x16A80] =	vst v63  }
0x137: {  	_ =	swait.ge [sflag:s0], $0xFA0  }
0x138: {  	[sflag:s0] =	ssyncset.done $0x0  }
0x139: {  	[sflag:s0] =	ssyncadd.s32 $0xFFFFF060  }
0x13a: {  	_ =	swait.ge [sflag:s0], $0xFA0  }
0x13b: {  	[sflag:s0] =	ssyncset.done $0x0  }
0x13c: {  	[sflag:s0] =	ssyncadd.s32 $0xFFFFF060  }
0x13d: {  	[spmem:s4] =	stream.indirect.scatter.add.f32 [tilespmem:s12], [sflag:$0x4], $0x1, s30, s31, $0xb8;
	[tilespmem:$0x16A80] =	vst v63  }
0x13e: {  	_ = 	snop  }
0x13f: {  	[spmem:s5] =	stream.indirect.scatter.add.f32 [tilespmem:s13], [sflag:$0x4], $0x1, s30, s31, $0xb8;
	[tilespmem:$0x16A80] =	vst v63  }
0x140: {  	_ =	swait.ge [sflag:s28], $0xFA0  }
0x141: {  	[sflag:s28] =	ssyncset.done $0x0  }
0x142: {  	[sflag:s28] =	ssyncadd.s32 $0xFFFFF060  }
0x143: {  	_ =	swait.ge [sflag:s28], $0xFA0  }
0x144: {  	[sflag:s28] =	ssyncset.done $0x0  }
0x145: {  	[sflag:s28] =	ssyncadd.s32 $0xFFFFF060  }
0x146: {  	_ =	swait.ge [sflag:s14], $0xFA0  }
0x147: {  	[sflag:s14] =	ssyncset.done $0x0  }
0x148: {  	[sflag:s14] =	ssyncadd.s32 $0xFFFFF060  }
0x149: {  	_ =	swait.ge [sflag:s14], $0xFA0  }
0x14a: {  	[sflag:s14] =	ssyncset.done $0x0  }
0x14b: {  	s23 =	sadd.s32 $0xBB8, s20;
	[sflag:s14] =	ssyncadd.s32 $0xFFFFF060  }
0x14c: {  	[tilespmem:s25], [sflag:$0x1] =	stream.linear.gather [hbm4b:s23+s9], $0xFA0, $0x38;
	[tilespmem:$0x16A80] =	vst v63  }
0x14d: {  	s24 =	sadd.s32 $0xBB8, s21  }
0x14e: {  	[tilespmem:s26], [sflag:$0x1] =	stream.linear.gather [hbm4b:s24+s9], $0xFA0, $0x38;
	[tilespmem:$0x16A80] =	vst v63  }
0x14f: {  	_ = 	snop  }
0x150: {  	[tilespmem:s15], [sflag:$0x2] =	stream.indirect.gather [spmem:s1], $0x1, s10, s31, $0xb8;
	[tilespmem:$0x16A80] =	vst v63  }
0x151: {  	_ = 	snop  }
0x152: {  	[tilespmem:s16], [sflag:$0x2] =	stream.indirect.gather [spmem:s3], $0x1, s10, s31, $0xb8;
	[tilespmem:$0x16A80] =	vst v63  }
0x153: {  	_ =	swait.ge [sflag:s0], $0xFA0  }
0x154: {  	p0 =	sne.s32 s19, $0x5208;
	[sflag:s0] =	ssyncset.done $0x0  }
.Ltmp0:
0x155: {  	[sflag:s0] =	ssyncadd.s32 $0xFFFFF060;
	(pc) =	sbr.rel @p0 .LBB2_2-.Ltmp0, $4  }
0x156: {  	_ =	swait.ge [sflag:s0], $0xFA0  }
0x157: {  	[sflag:s0] =	ssyncset.done $0x0  }
0x158: {  	s19 =	sadd.s32 $0x5DC, s19;
	[sflag:s0] =	ssyncadd.s32 $0xFFFFF060  }
0x159: {  	[spmem:s4] =	stream.indirect.scatter.add.f32 [tilespmem:s15], [sflag:$0x5], $0x1, s11, s31, $0xb8;
	[tilespmem:$0x16A80] =	vst v63  }
0x15a: {  	[spmem:s5] =	stream.indirect.scatter.add.f32 [tilespmem:s16], [sflag:$0x5], $0x1, s11, s31, $0xb8;
	[tilespmem:$0x16A80] =	vst v63  }
0x15b: {  	_ =	swait.ge [sflag:s28], $0xFA0  }
0x15c: {  	[sflag:s28] =	ssyncset.done $0x0  }
0x15d: {  	[sflag:s28] =	ssyncadd.s32 $0xFFFFF060  }
0x15e: {  	_ =	swait.ge [sflag:s28], $0xFA0  }
0x15f: {  	[sflag:s28] =	ssyncset.done $0x0  }
0x160: {  	[sflag:s28] =	ssyncadd.s32 $0xFFFFF060  }
0x161: {  	_ =	swait.ge [sflag:s17], $0xFA0  }
0x162: {  	[sflag:s17] =	ssyncset.done $0x0  }
0x163: {  	[sflag:s17] =	ssyncadd.s32 $0xFFFFF060  }
0x164: {  	_ =	swait.ge [sflag:s17], $0xFA0  }
0x165: {  	[sflag:s17] =	ssyncset.done $0x0  }
0x166: {  	s19 =	simm.s32 $0x0;
	s18 =	rddreg [dreg:$0x11];
	[sflag:s17] =	ssyncadd.s32 $0xFFFFF060  }
0x167: {  	[tilespmem:s29], [sflag:$0x1] =	stream.linear.gather [hbm4b:s18+s19], $0xFA0, $0x38;
	[tilespmem:$0x16A80] =	vst v63  }
0x168: {  	s23 =	rddreg [dreg:$0x17]  }
0x169: {  	[tilespmem:s30], [sflag:$0x1] =	stream.linear.gather [hbm4b:s23+s19], $0xFA0, $0x38;
	[tilespmem:$0x16A80] =	vst v63  }
0x16a: {  	_ = 	snop  }
0x16b: {  	[tilespmem:s6], [sflag:$0x2] =	stream.indirect.gather [spmem:s1], $0x1, s25, s31, $0xb8;
	[tilespmem:$0x16A80] =	vst v63  }
0x16c: {  	_ = 	snop  }
0x16d: {  	[tilespmem:s2], [sflag:$0x2] =	stream.indirect.gather [spmem:s3], $0x1, s25, s31, $0xb8;
	[tilespmem:$0x16A80] =	vst v63  }
0x16e: {  	_ =	swait.ge [sflag:s0], $0xFA0  }
0x16f: {  	[sflag:s0] =	ssyncset.done $0x0  }
0x170: {  	[sflag:s0] =	ssyncadd.s32 $0xFFFFF060  }
0x171: {  	_ =	swait.ge [sflag:s0], $0xFA0  }
0x172: {  	[sflag:s0] =	ssyncset.done $0x0  }
0x173: {  	[sflag:s0] =	ssyncadd.s32 $0xFFFFF060  }
0x174: {  	[spmem:s4] =	stream.indirect.scatter.add.f32 [tilespmem:s6], [sflag:$0x3], $0x1, s26, s31, $0xb8;
	[tilespmem:$0x16A80] =	vst v63  }
0x175: {  	_ = 	snop  }
0x176: {  	[spmem:s5] =	stream.indirect.scatter.add.f32 [tilespmem:s2], [sflag:$0x3], $0x1, s26, s31, $0xb8;
	[tilespmem:$0x16A80] =	vst v63  }
0x177: {  	_ =	swait.ge [sflag:s28], $0xFA0  }
0x178: {  	[sflag:s28] =	ssyncset.done $0x0  }
0x179: {  	[sflag:s28] =	ssyncadd.s32 $0xFFFFF060  }
0x17a: {  	_ =	swait.ge [sflag:s28], $0xFA0  }
0x17b: {  	[sflag:s28] =	ssyncset.done $0x0  }
0x17c: {  	[sflag:s28] =	ssyncadd.s32 $0xFFFFF060  }
0x17d: {  	_ =	swait.ge [sflag:s22], $0xFA0  }
0x17e: {  	[sflag:s22] =	ssyncset.done $0x0  }
0x17f: {  	[sflag:s22] =	ssyncadd.s32 $0xFFFFF060  }
0x180: {  	_ =	swait.ge [sflag:s22], $0xFA0  }
0x181: {  	[sflag:s22] =	ssyncset.done $0x0  }
0x182: {  	s24 =	rddreg [dreg:$0x12];
	[sflag:s22] =	ssyncadd.s32 $0xFFFFF060  }
0x183: {  	[tilespmem:s10], [sflag:$0x1] =	stream.linear.gather [hbm4b:s24+s19], $0xFA0, $0x38;
	[tilespmem:$0x16A80] =	vst v63  }
0x184: {  	s20 =	rddreg [dreg:$0x18]  }
0x185: {  	[tilespmem:s11], [sflag:$0x1] =	stream.linear.gather [hbm4b:s20+s19], $0xFA0, $0x38;
	[tilespmem:$0x16A80] =	vst v63  }
0x186: {  	_ = 	snop  }
0x187: {  	[tilespmem:s12], [sflag:$0x2] =	stream.indirect.gather [spmem:s1], $0x1, s29, s31, $0xb8;
	[tilespmem:$0x16A80] =	vst v63  }
0x188: {  	_ = 	snop  }
0x189: {  	[tilespmem:s13], [sflag:$0x2] =	stream.indirect.gather [spmem:s3], $0x1, s29, s31, $0xb8;
	[tilespmem:$0x16A80] =	vst v63  }
0x18a: {  	_ =	swait.ge [sflag:s0], $0xFA0  }
0x18b: {  	[sflag:s0] =	ssyncset.done $0x0  }
0x18c: {  	[sflag:s0] =	ssyncadd.s32 $0xFFFFF060  }
0x18d: {  	_ =	swait.ge [sflag:s0], $0xFA0  }
0x18e: {  	[sflag:s0] =	ssyncset.done $0x0  }
0x18f: {  	[sflag:s0] =	ssyncadd.s32 $0xFFFFF060  }
0x190: {  	[spmem:s4] =	stream.indirect.scatter.add.f32 [tilespmem:s12], [sflag:$0x4], $0x1, s30, s31, $0xb8;
	[tilespmem:$0x16A80] =	vst v63  }
0x191: {  	_ = 	snop  }
0x192: {  	[spmem:s5] =	stream.indirect.scatter.add.f32 [tilespmem:s13], [sflag:$0x4], $0x1, s30, s31, $0xb8;
	[tilespmem:$0x16A80] =	vst v63  }
0x193: {  	_ =	swait.ge [sflag:s14], $0xFA0  }
0x194: {  	[sflag:s14] =	ssyncset.done $0x0  }
0x195: {  	[sflag:s14] =	ssyncadd.s32 $0xFFFFF060  }
0x196: {  	_ =	swait.ge [sflag:s14], $0xFA0  }
0x197: {  	[sflag:s14] =	ssyncset.done $0x0  }
0x198: {  	[sflag:s14] =	ssyncadd.s32 $0xFFFFF060  }
0x199: {  	_ =	swait.ge [sflag:s17], $0xFA0  }
0x19a: {  	[sflag:s17] =	ssyncset.done $0x0  }
0x19b: {  	[sflag:s17] =	ssyncadd.s32 $0xFFFFF060  }
0x19c: {  	_ =	swait.ge [sflag:s17], $0xFA0  }
0x19d: {  	[sflag:s17] =	ssyncset.done $0x0  }
0x19e: {  	[sflag:s17] =	ssyncadd.s32 $0xFFFFF060  }
0x19f: {  	_ =	swait.ge [sflag:s28], $0xFA0  }
0x1a0: {  	[sflag:s28] =	ssyncset.done $0x0  }
0x1a1: {  	[sflag:s28] =	ssyncadd.s32 $0xFFFFF060  }
0x1a2: {  	_ =	swait.ge [sflag:s28], $0xFA0  }
0x1a3: {  	[sflag:s28] =	ssyncset.done $0x0  }
0x1a4: {  	s21 =	rddreg [dreg:$0x19];
	[sflag:s28] =	ssyncadd.s32 $0xFFFFF060  }
0x1a5: {  	[tilespmem:s25], [sflag:$0x1] =	stream.linear.gather [hbm4b:s21+s19], $0xFA0, $0x38;
	[tilespmem:$0x16A80] =	vst v63  }
0x1a6: {  	s23 =	rddreg [dreg:$0x1a]  }
0x1a7: {  	[tilespmem:s26], [sflag:$0x1] =	stream.linear.gather [hbm4b:s23+s19], $0xFA0, $0x38;
	[tilespmem:$0x16A80] =	vst v63  }
0x1a8: {  	_ =	swait.ge [sflag:s28], $0xFA0  }
0x1a9: {  	[sflag:s28] =	ssyncset.done $0x0  }
0x1aa: {  	[sflag:s28] =	ssyncadd.s32 $0xFFFFF060  }
0x1ab: {  	_ =	swait.ge [sflag:s28], $0xFA0  }
0x1ac: {  	[sflag:s28] =	ssyncset.done $0x0  }
0x1ad: {  	s24 =	rddreg [dreg:$0x1b];
	[sflag:s28] =	ssyncadd.s32 $0xFFFFF060  }
0x1ae: {  	[tilespmem:s29], [sflag:$0x1] =	stream.linear.gather [hbm4b:s24+s19], $0xFA0, $0x38;
	[tilespmem:$0x16A80] =	vst v63  }
0x1af: {  	s20 =	rddreg [dreg:$0x1c]  }
0x1b0: {  	[tilespmem:s30], [sflag:$0x1] =	stream.linear.gather [hbm4b:s20+s19], $0xFA0, $0x38;
	[tilespmem:$0x16A80] =	vst v63  }
0x1b1: {  	_ = 	snop  }
0x1b2: {  	[tilespmem:s6], [sflag:$0x2] =	stream.indirect.gather [spmem:s1], $0x1, s25, s31, $0xb8;
	[tilespmem:$0x16A80] =	vst v63  }
0x1b3: {  	_ = 	snop  }
0x1b4: {  	[tilespmem:s2], [sflag:$0x2] =	stream.indirect.gather [spmem:s3], $0x1, s25, s31, $0xb8;
	[tilespmem:$0x16A80] =	vst v63  }
0x1b5: {  	_ =	swait.ge [sflag:s0], $0xFA0  }
0x1b6: {  	[sflag:s0] =	ssyncset.done $0x0  }
0x1b7: {  	[sflag:s0] =	ssyncadd.s32 $0xFFFFF060  }
0x1b8: {  	_ =	swait.ge [sflag:s0], $0xFA0  }
0x1b9: {  	[sflag:s0] =	ssyncset.done $0x0  }
0x1ba: {  	[sflag:s0] =	ssyncadd.s32 $0xFFFFF060  }
0x1bb: {  	[spmem:s7] =	stream.indirect.scatter.add.f32 [tilespmem:s6], [sflag:$0x3], $0x1, s26, s31, $0xb8;
	[tilespmem:$0x16A80] =	vst v63  }
0x1bc: {  	_ = 	snop  }
0x1bd: {  	[spmem:s8] =	stream.indirect.scatter.add.f32 [tilespmem:s2], [sflag:$0x3], $0x1, s26, s31, $0xb8;
	[tilespmem:$0x16A80] =	vst v63  }
0x1be: {  	_ =	swait.ge [sflag:s28], $0xFA0  }
0x1bf: {  	[sflag:s28] =	ssyncset.done $0x0  }
0x1c0: {  	[sflag:s28] =	ssyncadd.s32 $0xFFFFF060  }
0x1c1: {  	_ =	swait.ge [sflag:s28], $0xFA0  }
0x1c2: {  	[sflag:s28] =	ssyncset.done $0x0  }
0x1c3: {  	s21 =	rddreg [dreg:$0x1d];
	[sflag:s28] =	ssyncadd.s32 $0xFFFFF060  }
0x1c4: {  	[tilespmem:s10], [sflag:$0x1] =	stream.linear.gather [hbm4b:s21+s19], $0xFA0, $0x38;
	[tilespmem:$0x16A80] =	vst v63  }
0x1c5: {  	s23 =	rddreg [dreg:$0x1e]  }
0x1c6: {  	[tilespmem:s11], [sflag:$0x1] =	stream.linear.gather [hbm4b:s23+s19], $0xFA0, $0x38;
	[tilespmem:$0x16A80] =	vst v63  }
0x1c7: {  	_ = 	snop  }
0x1c8: {  	[tilespmem:s12], [sflag:$0x2] =	stream.indirect.gather [spmem:s1], $0x1, s29, s31, $0xb8;
	[tilespmem:$0x16A80] =	vst v63  }
0x1c9: {  	_ = 	snop  }
0x1ca: {  	[tilespmem:s13], [sflag:$0x2] =	stream.indirect.gather [spmem:s3], $0x1, s29, s31, $0xb8;
	[tilespmem:$0x16A80] =	vst v63  }
0x1cb: {  	_ =	swait.ge [sflag:s0], $0xFA0  }
0x1cc: {  	[sflag:s0] =	ssyncset.done $0x0  }
0x1cd: {  	[sflag:s0] =	ssyncadd.s32 $0xFFFFF060  }
0x1ce: {  	_ =	swait.ge [sflag:s0], $0xFA0  }
0x1cf: {  	[sflag:s0] =	ssyncset.done $0x0  }
0x1d0: {  	[sflag:s0] =	ssyncadd.s32 $0xFFFFF060  }
0x1d1: {  	[spmem:s7] =	stream.indirect.scatter.add.f32 [tilespmem:s12], [sflag:$0x4], $0x1, s30, s31, $0xb8;
	[tilespmem:$0x16A80] =	vst v63  }
0x1d2: {  	_ = 	snop  }
0x1d3: {  	[spmem:s8] =	stream.indirect.scatter.add.f32 [tilespmem:s13], [sflag:$0x4], $0x1, s30, s31, $0xb8;
	[tilespmem:$0x16A80] =	vst v63  }
0x1d4: {  	_ =	swait.ge [sflag:s28], $0xFA0  }
0x1d5: {  	[sflag:s28] =	ssyncset.done $0x0  }
0x1d6: {  	[sflag:s28] =	ssyncadd.s32 $0xFFFFF060  }
0x1d7: {  	_ =	swait.ge [sflag:s28], $0xFA0  }
0x1d8: {  	[sflag:s28] =	ssyncset.done $0x0  }
0x1d9: {  	[sflag:s28] =	ssyncadd.s32 $0xFFFFF060  }
0x1da: {  	_ =	swait.ge [sflag:s14], $0xFA0  }
0x1db: {  	[sflag:s14] =	ssyncset.done $0x0  }
0x1dc: {  	[sflag:s14] =	ssyncadd.s32 $0xFFFFF060  }
0x1dd: {  	_ =	swait.ge [sflag:s14], $0xFA0  }
0x1de: {  	[sflag:s14] =	ssyncset.done $0x0;
	s24 =	rddreg [dreg:$0x1f]  }
0x1df: {  	s20 =	sld [smem:$0x7EB];
	[sflag:s14] =	ssyncadd.s32 $0xFFFFF060  }
0x1e0: {  	[tilespmem:s25], [sflag:$0x1] =	stream.linear.gather [hbm4b:s24+s19], $0xFA0, $0x38;
	[tilespmem:$0x16A80] =	vst v63  }
0x1e1: {  	_ = 	snop  }
0x1e2: {  	[tilespmem:s26], [sflag:$0x1] =	stream.linear.gather [hbm4b:s20+s19], $0xFA0, $0x38;
	[tilespmem:$0x16A80] =	vst v63  }
0x1e3: {  	_ = 	snop  }
0x1e4: {  	[tilespmem:s15], [sflag:$0x2] =	stream.indirect.gather [spmem:s1], $0x1, s10, s31, $0xb8;
	[tilespmem:$0x16A80] =	vst v63  }
0x1e5: {  	_ = 	snop  }
0x1e6: {  	[tilespmem:s16], [sflag:$0x2] =	stream.indirect.gather [spmem:s3], $0x1, s10, s31, $0xb8;
	[tilespmem:$0x16A80] =	vst v63  }
0x1e7: {  	_ =	swait.ge [sflag:s0], $0xFA0  }
0x1e8: {  	[sflag:s0] =	ssyncset.done $0x0  }
0x1e9: {  	[sflag:s0] =	ssyncadd.s32 $0xFFFFF060  }
0x1ea: {  	_ =	swait.ge [sflag:s0], $0xFA0  }
0x1eb: {  	[sflag:s0] =	ssyncset.done $0x0  }
0x1ec: {  	[sflag:s0] =	ssyncadd.s32 $0xFFFFF060  }
0x1ed: {  	[spmem:s7] =	stream.indirect.scatter.add.f32 [tilespmem:s15], [sflag:$0x5], $0x1, s11, s31, $0xb8;
	[tilespmem:$0x16A80] =	vst v63  }
0x1ee: {  	_ = 	snop  }
0x1ef: {  	[spmem:s8] =	stream.indirect.scatter.add.f32 [tilespmem:s16], [sflag:$0x5], $0x1, s11, s31, $0xb8;
	[tilespmem:$0x16A80] =	vst v63  }
0x1f0: {  	_ =	swait.ge [sflag:s28], $0xFA0  }
0x1f1: {  	[sflag:s28] =	ssyncset.done $0x0  }
0x1f2: {  	[sflag:s28] =	ssyncadd.s32 $0xFFFFF060  }
0x1f3: {  	_ =	swait.ge [sflag:s28], $0xFA0  }
0x1f4: {  	[sflag:s28] =	ssyncset.done $0x0  }
0x1f5: {  	[sflag:s28] =	ssyncadd.s32 $0xFFFFF060  }
0x1f6: {  	_ =	swait.ge [sflag:s17], $0xFA0  }
0x1f7: {  	[sflag:s17] =	ssyncset.done $0x0  }
0x1f8: {  	[sflag:s17] =	ssyncadd.s32 $0xFFFFF060  }
0x1f9: {  	_ =	swait.ge [sflag:s17], $0xFA0  }
0x1fa: {  	s21 =	rddreg [dreg:$0xb]  }
0x1fb: {  	s23 =	rddreg [dreg:$0xc];
	[sflag:s17] =	ssyncset.done $0x0;
	s18 =	sadd.s32 $0x0, s21  }
0x1fc: {  	[sflag:s17] =	ssyncadd.s32 $0xFFFFF060;
	s19 =	sadd.s32 $0x0, s23;
	s20 =	sadd.s32 $0x7D0, s18  }
0x1fd: {  	[tilespmem:s29], [sflag:$0x1] =	stream.linear.gather [hbm4b:s20+s9], $0xFA0, $0x38;
	[tilespmem:$0x16A80] =	vst v63  }
0x1fe: {  	s24 =	sadd.s32 $0x7D0, s19  }
0x1ff: {  	[tilespmem:s30], [sflag:$0x1] =	stream.linear.gather [hbm4b:s24+s9], $0xFA0, $0x38;
	[tilespmem:$0x16A80] =	vst v63  }
0x200: {  	_ = 	snop  }
0x201: {  	[tilespmem:s6], [sflag:$0x2] =	stream.indirect.gather [spmem:s1], $0x1, s25, s31, $0xb8;
	[tilespmem:$0x16A80] =	vst v63  }
0x202: {  	_ = 	snop  }
0x203: {  	[tilespmem:s2], [sflag:$0x2] =	stream.indirect.gather [spmem:s3], $0x1, s25, s31, $0xb8;
	[tilespmem:$0x16A80] =	vst v63  }
0x204: {  	_ =	swait.ge [sflag:s0], $0xFA0  }
0x205: {  	[sflag:s0] =	ssyncset.done $0x0  }
0x206: {  	[sflag:s0] =	ssyncadd.s32 $0xFFFFF060  }
0x207: {  	_ =	swait.ge [sflag:s0], $0xFA0  }
0x208: {  	[sflag:s0] =	ssyncset.done $0x0  }
0x209: {  	[sflag:s0] =	ssyncadd.s32 $0xFFFFF060  }
0x20a: {  	[spmem:s7] =	stream.indirect.scatter.add.f32 [tilespmem:s6], [sflag:$0x3], $0x1, s26, s31, $0xb8;
	[tilespmem:$0x16A80] =	vst v63  }
0x20b: {  	_ = 	snop  }
0x20c: {  	[spmem:s8] =	stream.indirect.scatter.add.f32 [tilespmem:s2], [sflag:$0x3], $0x1, s26, s31, $0xb8;
	[tilespmem:$0x16A80] =	vst v63  }
0x20d: {  	_ =	swait.ge [sflag:s28], $0xFA0  }
0x20e: {  	[sflag:s28] =	ssyncset.done $0x0  }
0x20f: {  	[sflag:s28] =	ssyncadd.s32 $0xFFFFF060  }
0x210: {  	_ =	swait.ge [sflag:s28], $0xFA0  }
0x211: {  	[sflag:s28] =	ssyncset.done $0x0  }
0x212: {  	[sflag:s28] =	ssyncadd.s32 $0xFFFFF060  }
0x213: {  	_ =	swait.ge [sflag:s22], $0xFA0  }
0x214: {  	[sflag:s22] =	ssyncset.done $0x0  }
0x215: {  	[sflag:s22] =	ssyncadd.s32 $0xFFFFF060  }
0x216: {  	_ =	swait.ge [sflag:s22], $0xFA0  }
0x217: {  	[sflag:s22] =	ssyncset.done $0x0  }
0x218: {  	s21 =	sadd.s32 $0x9C4, s18;
	[sflag:s22] =	ssyncadd.s32 $0xFFFFF060  }
0x219: {  	[tilespmem:s10], [sflag:$0x1] =	stream.linear.gather [hbm4b:s21+s9], $0xFA0, $0x38;
	[tilespmem:$0x16A80] =	vst v63  }
0x21a: {  	s23 =	sadd.s32 $0x9C4, s19  }
0x21b: {  	[tilespmem:s11], [sflag:$0x1] =	stream.linear.gather [hbm4b:s23+s9], $0xFA0, $0x38;
	[tilespmem:$0x16A80] =	vst v63  }
0x21c: {  	_ = 	snop  }
0x21d: {  	[tilespmem:s12], [sflag:$0x2] =	stream.indirect.gather [spmem:s1], $0x1, s29, s31, $0xb8;
	[tilespmem:$0x16A80] =	vst v63  }
0x21e: {  	_ = 	snop  }
0x21f: {  	[tilespmem:s13], [sflag:$0x2] =	stream.indirect.gather [spmem:s3], $0x1, s29, s31, $0xb8;
	[tilespmem:$0x16A80] =	vst v63  }
0x220: {  	_ =	swait.ge [sflag:s0], $0xFA0  }
0x221: {  	[sflag:s0] =	ssyncset.done $0x0  }
0x222: {  	[sflag:s0] =	ssyncadd.s32 $0xFFFFF060  }
0x223: {  	_ =	swait.ge [sflag:s0], $0xFA0  }
0x224: {  	[sflag:s0] =	ssyncset.done $0x0  }
0x225: {  	[sflag:s0] =	ssyncadd.s32 $0xFFFFF060  }
0x226: {  	[spmem:s7] =	stream.indirect.scatter.add.f32 [tilespmem:s12], [sflag:$0x4], $0x1, s30, s31, $0xb8;
	[tilespmem:$0x16A80] =	vst v63  }
0x227: {  	_ = 	snop  }
0x228: {  	[spmem:s8] =	stream.indirect.scatter.add.f32 [tilespmem:s13], [sflag:$0x4], $0x1, s30, s31, $0xb8;
	[tilespmem:$0x16A80] =	vst v63  }
0x229: {  	_ =	swait.ge [sflag:s28], $0xFA0  }
0x22a: {  	[sflag:s28] =	ssyncset.done $0x0  }
0x22b: {  	[sflag:s28] =	ssyncadd.s32 $0xFFFFF060  }
0x22c: {  	_ =	swait.ge [sflag:s28], $0xFA0  }
0x22d: {  	[sflag:s28] =	ssyncset.done $0x0  }
0x22e: {  	[sflag:s28] =	ssyncadd.s32 $0xFFFFF060  }
0x22f: {  	_ =	swait.ge [sflag:s14], $0xFA0  }
0x230: {  	[sflag:s14] =	ssyncset.done $0x0  }
0x231: {  	[sflag:s14] =	ssyncadd.s32 $0xFFFFF060  }
0x232: {  	_ =	swait.ge [sflag:s14], $0xFA0  }
0x233: {  	[sflag:s14] =	ssyncset.done $0x0  }
0x234: {  	s18 =	sadd.s32 $0xBB8, s18;
	[sflag:s14] =	ssyncadd.s32 $0xFFFFF060  }
0x235: {  	[tilespmem:s25], [sflag:$0x1] =	stream.linear.gather [hbm4b:s18+s9], $0xFA0, $0x38;
	[tilespmem:$0x16A80] =	vst v63  }
0x236: {  	s24 =	sadd.s32 $0xBB8, s19  }
0x237: {  	[tilespmem:s26], [sflag:$0x1] =	stream.linear.gather [hbm4b:s24+s9], $0xFA0, $0x38;
	[tilespmem:$0x16A80] =	vst v63  }
0x238: {  	_ = 	snop  }
0x239: {  	[tilespmem:s15], [sflag:$0x2] =	stream.indirect.gather [spmem:s1], $0x1, s10, s31, $0xb8;
	[tilespmem:$0x16A80] =	vst v63  }
0x23a: {  	_ = 	snop  }
0x23b: {  	[tilespmem:s16], [sflag:$0x2] =	stream.indirect.gather [spmem:s3], $0x1, s10, s31, $0xb8;
	[tilespmem:$0x16A80] =	vst v63  }
0x23c: {  	_ =	swait.ge [sflag:s0], $0xFA0  }
0x23d: {  	[sflag:s0] =	ssyncset.done $0x0  }
0x23e: {  	[sflag:s0] =	ssyncadd.s32 $0xFFFFF060  }
0x23f: {  	_ =	swait.ge [sflag:s0], $0xFA0  }
0x240: {  	[sflag:s0] =	ssyncset.done $0x0  }
0x241: {  	s19 =	simm.s32 $0x5DC;
	[sflag:s0] =	ssyncadd.s32 $0xFFFFF060  }
0x242: {  	[spmem:s7] =	stream.indirect.scatter.add.f32 [tilespmem:s15], [sflag:$0x5], $0x1, s11, s31, $0xb8;
	[tilespmem:$0x16A80] =	vst v63  }
.LBB2_4:
0x243: {  	[spmem:s8] =	stream.indirect.scatter.add.f32 [tilespmem:s16], [sflag:$0x5], $0x1, s11, s31, $0xb8;
	[tilespmem:$0x16A80] =	vst v63  }
0x244: {  	_ =	swait.ge [sflag:s28], $0xFA0  }
0x245: {  	[sflag:s28] =	ssyncset.done $0x0  }
0x246: {  	[sflag:s28] =	ssyncadd.s32 $0xFFFFF060  }
0x247: {  	_ =	swait.ge [sflag:s28], $0xFA0  }
0x248: {  	[sflag:s28] =	ssyncset.done $0x0  }
0x249: {  	[sflag:s28] =	ssyncadd.s32 $0xFFFFF060  }
0x24a: {  	_ =	swait.ge [sflag:s17], $0xFA0  }
0x24b: {  	[sflag:s17] =	ssyncset.done $0x0  }
0x24c: {  	[sflag:s17] =	ssyncadd.s32 $0xFFFFF060  }
0x24d: {  	_ =	swait.ge [sflag:s17], $0xFA0  }
0x24e: {  	s18 =	smov.u32 s19;
	s20 =	rddreg [dreg:$0xb]  }
0x24f: {  	s21 =	rddreg [dreg:$0xc];
	[sflag:s17] =	ssyncset.done $0x0;
	s20 =	sadd.s32 s18, s20  }
0x250: {  	[sflag:s17] =	ssyncadd.s32 $0xFFFFF060;
	s21 =	sadd.s32 s18, s21;
	s23 =	sadd.s32 $0x7D0, s20  }
0x251: {  	[tilespmem:s29], [sflag:$0x1] =	stream.linear.gather [hbm4b:s23+s9], $0xFA0, $0x38;
	[tilespmem:$0x16A80] =	vst v63  }
0x252: {  	s18 =	sadd.s32 $0x7D0, s21  }
0x253: {  	[tilespmem:s30], [sflag:$0x1] =	stream.linear.gather [hbm4b:s18+s9], $0xFA0, $0x38;
	[tilespmem:$0x16A80] =	vst v63  }
0x254: {  	_ = 	snop  }
0x255: {  	[tilespmem:s6], [sflag:$0x2] =	stream.indirect.gather [spmem:s1], $0x1, s25, s31, $0xb8;
	[tilespmem:$0x16A80] =	vst v63  }
0x256: {  	_ = 	snop  }
0x257: {  	[tilespmem:s2], [sflag:$0x2] =	stream.indirect.gather [spmem:s3], $0x1, s25, s31, $0xb8;
	[tilespmem:$0x16A80] =	vst v63  }
0x258: {  	_ =	swait.ge [sflag:s0], $0xFA0  }
0x259: {  	[sflag:s0] =	ssyncset.done $0x0  }
0x25a: {  	[sflag:s0] =	ssyncadd.s32 $0xFFFFF060  }
0x25b: {  	_ =	swait.ge [sflag:s0], $0xFA0  }
0x25c: {  	[sflag:s0] =	ssyncset.done $0x0  }
0x25d: {  	[sflag:s0] =	ssyncadd.s32 $0xFFFFF060  }
0x25e: {  	[spmem:s7] =	stream.indirect.scatter.add.f32 [tilespmem:s6], [sflag:$0x3], $0x1, s26, s31, $0xb8;
	[tilespmem:$0x16A80] =	vst v63  }
0x25f: {  	_ = 	snop  }
0x260: {  	[spmem:s8] =	stream.indirect.scatter.add.f32 [tilespmem:s2], [sflag:$0x3], $0x1, s26, s31, $0xb8;
	[tilespmem:$0x16A80] =	vst v63  }
0x261: {  	_ =	swait.ge [sflag:s28], $0xFA0  }
0x262: {  	[sflag:s28] =	ssyncset.done $0x0  }
0x263: {  	[sflag:s28] =	ssyncadd.s32 $0xFFFFF060  }
0x264: {  	_ =	swait.ge [sflag:s28], $0xFA0  }
0x265: {  	[sflag:s28] =	ssyncset.done $0x0  }
0x266: {  	[sflag:s28] =	ssyncadd.s32 $0xFFFFF060  }
0x267: {  	_ =	swait.ge [sflag:s22], $0xFA0  }
0x268: {  	[sflag:s22] =	ssyncset.done $0x0  }
0x269: {  	[sflag:s22] =	ssyncadd.s32 $0xFFFFF060  }
0x26a: {  	_ =	swait.ge [sflag:s22], $0xFA0  }
0x26b: {  	[sflag:s22] =	ssyncset.done $0x0  }
0x26c: {  	s23 =	sadd.s32 $0x9C4, s20;
	[sflag:s22] =	ssyncadd.s32 $0xFFFFF060  }
0x26d: {  	[tilespmem:s10], [sflag:$0x1] =	stream.linear.gather [hbm4b:s23+s9], $0xFA0, $0x38;
	[tilespmem:$0x16A80] =	vst v63  }
0x26e: {  	s24 =	sadd.s32 $0x9C4, s21  }
0x26f: {  	[tilespmem:s11], [sflag:$0x1] =	stream.linear.gather [hbm4b:s24+s9], $0xFA0, $0x38;
	[tilespmem:$0x16A80] =	vst v63  }
0x270: {  	_ = 	snop  }
0x271: {  	[tilespmem:s12], [sflag:$0x2] =	stream.indirect.gather [spmem:s1], $0x1, s29, s31, $0xb8;
	[tilespmem:$0x16A80] =	vst v63  }
0x272: {  	_ = 	snop  }
0x273: {  	[tilespmem:s13], [sflag:$0x2] =	stream.indirect.gather [spmem:s3], $0x1, s29, s31, $0xb8;
	[tilespmem:$0x16A80] =	vst v63  }
0x274: {  	_ =	swait.ge [sflag:s0], $0xFA0  }
0x275: {  	[sflag:s0] =	ssyncset.done $0x0  }
0x276: {  	[sflag:s0] =	ssyncadd.s32 $0xFFFFF060  }
0x277: {  	_ =	swait.ge [sflag:s0], $0xFA0  }
0x278: {  	[sflag:s0] =	ssyncset.done $0x0  }
0x279: {  	[sflag:s0] =	ssyncadd.s32 $0xFFFFF060  }
0x27a: {  	[spmem:s7] =	stream.indirect.scatter.add.f32 [tilespmem:s12], [sflag:$0x4], $0x1, s30, s31, $0xb8;
	[tilespmem:$0x16A80] =	vst v63  }
0x27b: {  	_ = 	snop  }
0x27c: {  	[spmem:s8] =	stream.indirect.scatter.add.f32 [tilespmem:s13], [sflag:$0x4], $0x1, s30, s31, $0xb8;
	[tilespmem:$0x16A80] =	vst v63  }
0x27d: {  	_ =	swait.ge [sflag:s28], $0xFA0  }
0x27e: {  	[sflag:s28] =	ssyncset.done $0x0  }
0x27f: {  	[sflag:s28] =	ssyncadd.s32 $0xFFFFF060  }
0x280: {  	_ =	swait.ge [sflag:s28], $0xFA0  }
0x281: {  	[sflag:s28] =	ssyncset.done $0x0  }
0x282: {  	[sflag:s28] =	ssyncadd.s32 $0xFFFFF060  }
0x283: {  	_ =	swait.ge [sflag:s14], $0xFA0  }
0x284: {  	[sflag:s14] =	ssyncset.done $0x0  }
0x285: {  	[sflag:s14] =	ssyncadd.s32 $0xFFFFF060  }
0x286: {  	_ =	swait.ge [sflag:s14], $0xFA0  }
0x287: {  	[sflag:s14] =	ssyncset.done $0x0  }
0x288: {  	s23 =	sadd.s32 $0xBB8, s20;
	[sflag:s14] =	ssyncadd.s32 $0xFFFFF060  }
0x289: {  	[tilespmem:s25], [sflag:$0x1] =	stream.linear.gather [hbm4b:s23+s9], $0xFA0, $0x38;
	[tilespmem:$0x16A80] =	vst v63  }
0x28a: {  	s24 =	sadd.s32 $0xBB8, s21  }
0x28b: {  	[tilespmem:s26], [sflag:$0x1] =	stream.linear.gather [hbm4b:s24+s9], $0xFA0, $0x38;
	[tilespmem:$0x16A80] =	vst v63  }
0x28c: {  	_ = 	snop  }
0x28d: {  	[tilespmem:s15], [sflag:$0x2] =	stream.indirect.gather [spmem:s1], $0x1, s10, s31, $0xb8;
	[tilespmem:$0x16A80] =	vst v63  }
0x28e: {  	_ = 	snop  }
0x28f: {  	[tilespmem:s16], [sflag:$0x2] =	stream.indirect.gather [spmem:s3], $0x1, s10, s31, $0xb8;
	[tilespmem:$0x16A80] =	vst v63  }
0x290: {  	_ =	swait.ge [sflag:s0], $0xFA0  }
0x291: {  	p0 =	sne.s32 s19, $0x5208;
	[sflag:s0] =	ssyncset.done $0x0  }
.Ltmp1:
0x292: {  	[sflag:s0] =	ssyncadd.s32 $0xFFFFF060;
	(pc) =	sbr.rel @p0 .LBB2_4-.Ltmp1, $4  }
0x293: {  	_ =	swait.ge [sflag:s0], $0xFA0  }
0x294: {  	[sflag:s0] =	ssyncset.done $0x0  }
0x295: {  	s19 =	sadd.s32 $0x5DC, s19;
	[sflag:s0] =	ssyncadd.s32 $0xFFFFF060  }
0x296: {  	[spmem:s7] =	stream.indirect.scatter.add.f32 [tilespmem:s15], [sflag:$0x5], $0x1, s11, s31, $0xb8;
	[tilespmem:$0x16A80] =	vst v63  }
0x297: {  	[spmem:s8] =	stream.indirect.scatter.add.f32 [tilespmem:s16], [sflag:$0x5], $0x1, s11, s31, $0xb8;
	[tilespmem:$0x16A80] =	vst v63  }
0x298: {  	_ =	swait.ge [sflag:s28], $0xFA0  }
0x299: {  	[sflag:s28] =	ssyncset.done $0x0  }
0x29a: {  	[sflag:s28] =	ssyncadd.s32 $0xFFFFF060  }
0x29b: {  	_ =	swait.ge [sflag:s28], $0xFA0  }
0x29c: {  	[sflag:s28] =	ssyncset.done $0x0  }
0x29d: {  	[sflag:s28] =	ssyncadd.s32 $0xFFFFF060  }
0x29e: {  	_ =	swait.ge [sflag:s17], $0xFA0  }
0x29f: {  	[sflag:s17] =	ssyncset.done $0x0  }
0x2a0: {  	[sflag:s17] =	ssyncadd.s32 $0xFFFFF060  }
0x2a1: {  	_ =	swait.ge [sflag:s17], $0xFA0  }
0x2a2: {  	s18 =	sld [smem:$0x7EC]  }
0x2a3: {  	[sflag:s17] =	ssyncset.done $0x0  }
0x2a4: {  	s24 =	sld [smem:$0x7ED];
	[sflag:s17] =	ssyncadd.s32 $0xFFFFF060  }
0x2a5: {  	[tilespmem:s29], [sflag:$0x1] =	stream.linear.gather [hbm4b:s18+s9], $0xFA0, $0x38;
	[tilespmem:$0x16A80] =	vst v63  }
0x2a6: {  	_ = 	snop  }
0x2a7: {  	[tilespmem:s30], [sflag:$0x1] =	stream.linear.gather [hbm4b:s24+s9], $0xFA0, $0x38;
	[tilespmem:$0x16A80] =	vst v63  }
0x2a8: {  	_ = 	snop  }
0x2a9: {  	[tilespmem:s6], [sflag:$0x2] =	stream.indirect.gather [spmem:s1], $0x1, s25, s31, $0xb8;
	[tilespmem:$0x16A80] =	vst v63  }
0x2aa: {  	_ = 	snop  }
0x2ab: {  	[tilespmem:s2], [sflag:$0x2] =	stream.indirect.gather [spmem:s3], $0x1, s25, s31, $0xb8;
	[tilespmem:$0x16A80] =	vst v63  }
0x2ac: {  	_ =	swait.ge [sflag:s0], $0xFA0  }
0x2ad: {  	[sflag:s0] =	ssyncset.done $0x0  }
0x2ae: {  	[sflag:s0] =	ssyncadd.s32 $0xFFFFF060  }
0x2af: {  	_ =	swait.ge [sflag:s0], $0xFA0  }
0x2b0: {  	[sflag:s0] =	ssyncset.done $0x0  }
0x2b1: {  	[sflag:s0] =	ssyncadd.s32 $0xFFFFF060  }
0x2b2: {  	[spmem:s7] =	stream.indirect.scatter.add.f32 [tilespmem:s6], [sflag:$0x3], $0x1, s26, s31, $0xb8;
	[tilespmem:$0x16A80] =	vst v63  }
0x2b3: {  	_ = 	snop  }
0x2b4: {  	[spmem:s8] =	stream.indirect.scatter.add.f32 [tilespmem:s2], [sflag:$0x3], $0x1, s26, s31, $0xb8;
	[tilespmem:$0x16A80] =	vst v63  }
0x2b5: {  	_ =	swait.ge [sflag:s28], $0xFA0  }
0x2b6: {  	[sflag:s28] =	ssyncset.done $0x0  }
0x2b7: {  	[sflag:s28] =	ssyncadd.s32 $0xFFFFF060  }
0x2b8: {  	_ =	swait.ge [sflag:s28], $0xFA0  }
0x2b9: {  	[sflag:s28] =	ssyncset.done $0x0  }
0x2ba: {  	[sflag:s28] =	ssyncadd.s32 $0xFFFFF060  }
0x2bb: {  	_ =	swait.ge [sflag:s22], $0xFA0  }
0x2bc: {  	[sflag:s22] =	ssyncset.done $0x0  }
0x2bd: {  	[sflag:s22] =	ssyncadd.s32 $0xFFFFF060  }
0x2be: {  	_ =	swait.ge [sflag:s22], $0xFA0  }
0x2bf: {  	s19 =	sld [smem:$0x7EE]  }
0x2c0: {  	[sflag:s22] =	ssyncset.done $0x0  }
0x2c1: {  	s20 =	sld [smem:$0x7EF];
	[sflag:s22] =	ssyncadd.s32 $0xFFFFF060  }
0x2c2: {  	[tilespmem:s10], [sflag:$0x1] =	stream.linear.gather [hbm4b:s19+s9], $0xFA0, $0x38;
	[tilespmem:$0x16A80] =	vst v63  }
0x2c3: {  	_ = 	snop  }
0x2c4: {  	[tilespmem:s11], [sflag:$0x1] =	stream.linear.gather [hbm4b:s20+s9], $0xFA0, $0x38;
	[tilespmem:$0x16A80] =	vst v63  }
0x2c5: {  	_ = 	snop  }
0x2c6: {  	[tilespmem:s12], [sflag:$0x2] =	stream.indirect.gather [spmem:s1], $0x1, s29, s31, $0xb8;
	[tilespmem:$0x16A80] =	vst v63  }
0x2c7: {  	_ = 	snop  }
0x2c8: {  	[tilespmem:s13], [sflag:$0x2] =	stream.indirect.gather [spmem:s3], $0x1, s29, s31, $0xb8;
	[tilespmem:$0x16A80] =	vst v63  }
0x2c9: {  	_ =	swait.ge [sflag:s0], $0xFA0  }
0x2ca: {  	[sflag:s0] =	ssyncset.done $0x0  }
0x2cb: {  	[sflag:s0] =	ssyncadd.s32 $0xFFFFF060  }
0x2cc: {  	_ =	swait.ge [sflag:s0], $0xFA0  }
0x2cd: {  	[sflag:s0] =	ssyncset.done $0x0  }
0x2ce: {  	[sflag:s0] =	ssyncadd.s32 $0xFFFFF060  }
0x2cf: {  	[spmem:s7] =	stream.indirect.scatter.add.f32 [tilespmem:s12], [sflag:$0x4], $0x1, s30, s31, $0xb8;
	[tilespmem:$0x16A80] =	vst v63  }
0x2d0: {  	_ = 	snop  }
0x2d1: {  	[spmem:s8] =	stream.indirect.scatter.add.f32 [tilespmem:s13], [sflag:$0x4], $0x1, s30, s31, $0xb8;
	[tilespmem:$0x16A80] =	vst v63  }
0x2d2: {  	_ =	swait.ge [sflag:s14], $0xFA0  }
0x2d3: {  	[sflag:s14] =	ssyncset.done $0x0  }
0x2d4: {  	[sflag:s14] =	ssyncadd.s32 $0xFFFFF060  }
0x2d5: {  	_ =	swait.ge [sflag:s14], $0xFA0  }
0x2d6: {  	[sflag:s14] =	ssyncset.done $0x0  }
0x2d7: {  	[sflag:s14] =	ssyncadd.s32 $0xFFFFF060  }
0x2d8: {  	_ =	swait.ge [sflag:s17], $0xFA0  }
0x2d9: {  	[sflag:s17] =	ssyncset.done $0x0  }
0x2da: {  	[sflag:s17] =	ssyncadd.s32 $0xFFFFF060  }
0x2db: {  	_ =	swait.ge [sflag:s17], $0xFA0  }
0x2dc: {  	[sflag:s17] =	ssyncset.done $0x0  }
0x2dd: {  	[sflag:s17] =	ssyncadd.s32 $0xFFFFF060  }
0x2de: {  	_ =	swait.ge [sflag:s28], $0xFA0  }
0x2df: {  	[sflag:s28] =	ssyncset.done $0x0  }
0x2e0: {  	[sflag:s28] =	ssyncadd.s32 $0xFFFFF060  }
0x2e1: {  	_ =	swait.ge [sflag:s28], $0xFA0  }
0x2e2: {  	[sflag:s28] =	ssyncset.done $0x0  }
0x2e3: {  	[sflag:s28] =	ssyncadd.s32 $0xFFFFF060  }
0x2e4: {  	[bflag:$0x0] =	sbarrier.arrive $0xFFFF  }
0x2e5: {  	s21 =	sld [smem:$0x7FB];
	_ =	sdelay $0x1  }
0x2e6: {  	s24 =	simm.s32 $0x15180;
	s19 =	simm.s32 $0x6  }
0x2e7: {  	[tilespmem:s24], [sflag:$0x6] =	stream.linear.gather [spmem:s21], $0x1900, $0x38;
	[tilespmem:$0x16A80] =	vst v63  }
0x2e8: {  	_ =	swait.ge [sflag:s19], $0x1900  }
0x2e9: {  	s23 =	sld [smem:$0x7F0]  }
0x2ea: {  	[sflag:s19] =	ssyncset.done $0x0  }
0x2eb: {  	[sflag:s19] =	ssyncadd.s32 $0xFFFFE700  }
0x2ec: {  	[hbm4b:s23+s9] =	stream.linear.scatter [tilespmem:s24], [sflag:$0x6], $0x1900, $0x38;
	[tilespmem:$0x16A80] =	vst v63  }
0x2ed: {  	_ =	swait.ge [sflag:s19], $0x1900  }
0x2ee: {  	s20 =	sld [smem:$0x7F8]  }
0x2ef: {  	[sflag:s19] =	ssyncset.done $0x0  }
0x2f0: {  	[sflag:s19] =	ssyncadd.s32 $0xFFFFE700  }
0x2f1: {  	[tilespmem:s24], [sflag:$0x6] =	stream.linear.gather [spmem:s20], $0x1900, $0x38;
	[tilespmem:$0x16A80] =	vst v63  }
0x2f2: {  	_ =	swait.ge [sflag:s19], $0x1900  }
0x2f3: {  	s21 =	sld [smem:$0x7F1]  }
0x2f4: {  	[sflag:s19] =	ssyncset.done $0x0  }
0x2f5: {  	[sflag:s19] =	ssyncadd.s32 $0xFFFFE700  }
0x2f6: {  	[hbm4b:s21+s9] =	stream.linear.scatter [tilespmem:s24], [sflag:$0x6], $0x1900, $0x38;
	[tilespmem:$0x16A80] =	vst v63  }
0x2f7: {  	_ =	swait.ge [sflag:s19], $0x1900  }
0x2f8: {  	s21 =	sld [smem:$0x7FC]  }
0x2f9: {  	[sflag:s19] =	ssyncset.done $0x0  }
0x2fa: {  	[sflag:s19] =	ssyncadd.s32 $0xFFFFE700  }
0x2fb: {  	[tilespmem:s24], [sflag:$0x6] =	stream.linear.gather [spmem:s21], $0x1900, $0x38;
	[tilespmem:$0x16A80] =	vst v63  }
0x2fc: {  	_ =	swait.ge [sflag:s19], $0x1900  }
0x2fd: {  	s23 =	sld [smem:$0x7F2]  }
0x2fe: {  	[sflag:s19] =	ssyncset.done $0x0  }
0x2ff: {  	[sflag:s19] =	ssyncadd.s32 $0xFFFFE700  }
0x300: {  	[hbm4b:s23+s9] =	stream.linear.scatter [tilespmem:s24], [sflag:$0x6], $0x1900, $0x38;
	[tilespmem:$0x16A80] =	vst v63  }
0x301: {  	_ =	swait.ge [sflag:s19], $0x1900  }
0x302: {  	s23 =	sld [smem:$0x7FD]  }
0x303: {  	[sflag:s19] =	ssyncset.done $0x0  }
0x304: {  	[sflag:s19] =	ssyncadd.s32 $0xFFFFE700  }
0x305: {  	[tilespmem:s24], [sflag:$0x6] =	stream.linear.gather [spmem:s23], $0x1900, $0x38;
	[tilespmem:$0x16A80] =	vst v63  }
0x306: {  	_ =	swait.ge [sflag:s19], $0x1900  }
0x307: {  	s20 =	sld [smem:$0x7F3]  }
0x308: {  	[sflag:s19] =	ssyncset.done $0x0  }
0x309: {  	[sflag:s19] =	ssyncadd.s32 $0xFFFFE700  }
0x30a: {  	[hbm4b:s20+s9] =	stream.linear.scatter [tilespmem:s24], [sflag:$0x6], $0x1900, $0x38;
	[tilespmem:$0x16A80] =	vst v63  }
0x30b: {  	_ =	swait.ge [sflag:s19], $0x1900  }
0x30c: {  	s20 =	sld [smem:$0x7FA]  }
0x30d: {  	[sflag:s19] =	ssyncset.done $0x0;
	s19 =	sld [smem:$0x7F9];
	_ =	sdelay $0x1  }
0x30e: {  	s20 =	sadd.s32 $0x1, s20  }
0x30f: {  	p0 =	sne.s32 s20, s19  }
.Ltmp2:
0x310: {  	_ = 	snop;
	(pc) =	sbr.rel @p0 .LBB2_1-.Ltmp2, $3  }
0x311: {  	_ =	sdelay $0x1  }
0x312: {  	[smem:$0x7FA] =	sst s20;
	s19 =	simm.s32 $0x6  }
0x313: {  	s20 =	sld [smem:$0x7FB];
	[sflag:s19] =	ssyncadd.s32 $0xFFFFE700  }
0x314: {  	_ =	sfence.sel $0x180000  }
0x315: {  	[bflag:$0x0] =	sbarrier.arrive $0xFFFF  }
0x316: {  	_ =	strace $0x90000047  }
0x317: {  	s0 =	stileid.u32;
	[bflag:$0x2] =	sbarrier.arrive $0xFFFF  }
0x318: {  	p0 =	sne.s32 s0, $0x0;
	s0 =	rddreg [dreg:$0x8]  }
0x319: {  	s0 =	sadd.s32 @!p0 $0x100000, s0  }
0x31a: {  	[sflag:s0] =	ssyncadd.tile.s32 @!p0 $0x1;
	_ =	shalt  }
.Lfunc_end2:
_tile_overlayer_lowered:
.L_overlay_start_2:
0x31b: {  	(tag) =	ssettag $0x2  }
0x31c: {  	s0 =	rddreg [dreg:$0x0];
	s2 =	stileid.u32  }
0x31d: {  	s1 =	rddreg [dreg:$0x1];
	p0 =	sne.s32 s2, $0x0  }
0x31e: {  	s3 =	rddreg [dreg:$0x2];
	[bflag:$0x3] =	sbarrier.arrive $0xFFFF;
	s2 =	simm.s32 @!p0 $0x1C06  }
0x31f: {  	[timem:s3], [sflag:s2] =	dma.local @!p0 [hbm:s0], s1  }
0x320: {  	s0 =	simm.s32 @!p0 $0x6  }
0x321: {  	_ =	swait.ge @!p0 [sflag:s0], s1  }
0x322: {  	s1 =	ssub.s32 @!p0 $0x0, s1;
	[sflag:s0] =	ssyncset.done @!p0 $0x0  }
0x323: {  	[sflag:s0] =	ssyncadd.s32 @!p0 s1  }
0x324: {  	[bflag:$0x3] =	sbarrier.arrive $0xFFFF  }
0x325: {  	_ =	shalt  }

</sc_bundles>
